<compile_context>
chip_gen: v7x
topology: tpu7x:2x2x1
jax: 0.10.2.dev20260603
libtpu: 0.0.44.dev20260713+nightly
codegen_flags: <defaults>
</compile_context>

<pallas_src>
import functools

import jax
import jax.numpy as jnp
from jax import lax
from jax.experimental import pallas as pl
from jax.experimental.pallas import tpu as pltpu
from jax.experimental.pallas import tpu_sc as plsc

N = 10000
E = 320000
D = 128
NC = 2
NS = 16
NW = NC * NS
EPW = E // NW
K = 80
NCHUNK = EPW // K
EPW2 = E // NS
NCHUNK2 = EPW2 // K
NP = 10240
RPT = NP // NS
ZROWS = 128
BM = 1000

_mesh = plsc.VectorSubcoreMesh(core_axis_name="c", subcore_axis_name="s")



def _ramp_into(ridx_v, off):

    @pl.loop(0, ZROWS // 16)
    def _ramp(jj):
        ridx_v[pl.ds(jj * 16, 16)] = lax.iota(jnp.int32, 16) + (off + jj * 16)


@functools.partial(
    pl.kernel,
    out_type=jax.ShapeDtypeStruct((NC, NP, 16), jnp.float32),
    mesh=_mesh,
    scratch_types=[
        pltpu.VMEM((K, 16), jnp.float32),
        pltpu.VMEM((ZROWS, 16), jnp.float32),
        pltpu.VMEM((ZROWS,), jnp.int32),
        pltpu.VMEM((NCHUNK2, K), jnp.int32),
        pltpu.VMEM_SHARED((NP, 16), jnp.float32),
        pltpu.SemaphoreType.DMA,
    ],
)
def _deg_kernel(dst_hbm, out_hbm, ones_v, buf_v, ridx_v, didx_v, acc_sh, sem):
    c = lax.axis_index("c")
    s = lax.axis_index("s")

    pltpu.sync_copy(dst_hbm.at[s], didx_v)

    @pl.loop(0, K)
    def _fill_ones(j):
        ones_v[j] = jnp.full((16,), 1.0, jnp.float32)

    @pl.loop(0, ZROWS)
    def _fill_zero(j):
        buf_v[j] = jnp.zeros((16,), jnp.float32)

    @pl.loop(0, RPT // ZROWS)
    def _zero_acc(j):
        _ramp_into(ridx_v, s * RPT + j * ZROWS)
        pltpu.sync_copy(buf_v, acc_sh.at[ridx_v])

    plsc.subcore_barrier()

    @pl.loop(0, NCHUNK)
    def _chunk(ci):
        pltpu.sync_copy(ones_v, acc_sh.at[didx_v.at[c * NCHUNK + ci]], add=True)

    plsc.subcore_barrier()

    @pl.loop(0, RPT // ZROWS)
    def _writeout(j):
        _ramp_into(ridx_v, s * RPT + j * ZROWS)
        pltpu.async_copy(acc_sh.at[ridx_v], buf_v, sem).wait()
        pltpu.sync_copy(buf_v, out_hbm.at[c, pl.ds(s * RPT + j * ZROWS, ZROWS)])


DH = D // 2


@functools.partial(
    pl.kernel,
    out_type=jax.ShapeDtypeStruct((NC, NP, DH), jnp.float32),
    mesh=_mesh,
    scratch_types=[
        pltpu.VMEM((NCHUNK2, K), jnp.int32),
        pltpu.VMEM((NCHUNK2, K), jnp.int32),
        pltpu.VMEM((6, K, DH), jnp.float32),
        pltpu.VMEM((ZROWS, DH), jnp.float32),
        pltpu.VMEM((ZROWS,), jnp.int32),
        pltpu.VMEM_SHARED((NP, DH), jnp.float32),
        pltpu.SemaphoreType.DMA,
        pltpu.SemaphoreType.DMA,
        pltpu.SemaphoreType.DMA,
        pltpu.SemaphoreType.DMA,
        pltpu.SemaphoreType.DMA,
        pltpu.SemaphoreType.DMA,
        pltpu.SemaphoreType.DMA,
    ],
    compiler_params=pltpu.CompilerParams(use_tc_tiling_on_sc=False),
)
def _agg_kernel(hlo_hbm, hhi_hbm, src_hbm, dst_hbm, out_hbm,
                sidx_v, didx_v, rows_v, buf_v, ridx_v, acc_sh,
                sem0, sem1, sem2, sem3, sem4, sem5, sem_a):
    sems = (sem0, sem1, sem2, sem3, sem4, sem5)
    """Core 0 accumulates the lo 64 feature columns over ALL edges; core 1
    the hi 64 columns. Each subcore owns a 20000-edge slice (shared by both
    cores), chunked by 80, with the gather of chunk ci+1 overlapping the
    scatter-add of chunk ci."""
    c = lax.axis_index("c")
    s = lax.axis_index("s")

    pltpu.sync_copy(src_hbm.at[s], sidx_v)
    pltpu.sync_copy(dst_hbm.at[s], didx_v)

    @pl.loop(0, ZROWS)
    def _fill_zero(j):
        @pl.loop(0, DH // 16)
        def _fill_row(jj):
            buf_v[j, pl.ds(jj * 16, 16)] = jnp.zeros((16,), jnp.float32)

    @pl.loop(0, RPT // ZROWS)
    def _zero_acc(j):
        _ramp_into(ridx_v, s * RPT + j * ZROWS)
        pltpu.sync_copy(buf_v, acc_sh.at[ridx_v])

    plsc.subcore_barrier()

    def _edge_loop(h_hbm):
        pltpu.async_copy(h_hbm.at[sidx_v.at[0]], rows_v.at[0], sems[0])

        @pl.loop(0, NCHUNK2 // 6)
        def _chunk(ci6):
            for b in range(6):
                ci = ci6 * 6 + b
                pltpu.make_async_copy(
                    h_hbm.at[sidx_v.at[ci]], rows_v.at[b], sems[b]).wait()
                pltpu.async_copy(
                    h_hbm.at[sidx_v.at[ci + 1]], rows_v.at[(b + 1) % 6],
                    sems[(b + 1) % 6])
                pltpu.async_copy(
                    rows_v.at[b], acc_sh.at[didx_v.at[ci]], sem_a,
                    add=True).wait()

        for off in range(4):
            ci = NCHUNK2 - 4 + off
            b = ci % 6
            pltpu.make_async_copy(
                h_hbm.at[sidx_v.at[ci]], rows_v.at[b], sems[b]).wait()
            if ci + 1 < NCHUNK2:
                pltpu.async_copy(
                    h_hbm.at[sidx_v.at[ci + 1]], rows_v.at[(b + 1) % 6],
                    sems[(b + 1) % 6])
            pltpu.async_copy(
                rows_v.at[b], acc_sh.at[didx_v.at[ci]], sem_a,
                add=True).wait()

    @pl.when(c == 0)
    def _lo():
        _edge_loop(hlo_hbm)

    @pl.when(c == 1)
    def _hi():
        _edge_loop(hhi_hbm)

    plsc.subcore_barrier()

    @pl.loop(0, RPT // ZROWS)
    def _writeout(j):
        _ramp_into(ridx_v, s * RPT + j * ZROWS)
        pltpu.async_copy(acc_sh.at[ridx_v], buf_v, sems[0]).wait()
        pltpu.sync_copy(buf_v, out_hbm.at[c, pl.ds(s * RPT + j * ZROWS, ZROWS)])



def _mm1_body(degp_ref, x_ref, w_ref, hp_ref, dis_ref):
    deg = degp_ref[0, :, 0:1] + degp_ref[1, :, 0:1] + 1.0
    dis = lax.rsqrt(deg)
    h = jnp.dot(x_ref[...], w_ref[...], preferred_element_type=jnp.float32)
    hp_ref[...] = h * dis
    dis_ref[...] = dis


_mm1 = pl.pallas_call(
    _mm1_body,
    grid=(N // BM,),
    in_specs=[
        pl.BlockSpec((NC, BM, 16), lambda i: (0, i, 0)),
        pl.BlockSpec((BM, D), lambda i: (i, 0)),
        pl.BlockSpec((D, D), lambda i: (0, 0)),
    ],
    out_specs=[
        pl.BlockSpec((BM, D), lambda i: (i, 0)),
        pl.BlockSpec((BM, 1), lambda i: (i, 0)),
    ],
    out_shape=[
        jax.ShapeDtypeStruct((N, D), jnp.float32),
        jax.ShapeDtypeStruct((N, 1), jnp.float32),
    ],
)


def _comb_body(p_ref, hp_ref, dis_ref, b_ref, out_ref):
    p = jnp.concatenate([p_ref[0], p_ref[1]], axis=1)
    z = (p + hp_ref[...]) * dis_ref[...] + b_ref[...]
    out_ref[...] = jnp.maximum(z, 0.0) * dis_ref[...]


_comb = pl.pallas_call(
    _comb_body,
    grid=(N // BM,),
    in_specs=[
        pl.BlockSpec((NC, BM, DH), lambda i: (0, i, 0)),
        pl.BlockSpec((BM, D), lambda i: (i, 0)),
        pl.BlockSpec((BM, 1), lambda i: (i, 0)),
        pl.BlockSpec((1, D), lambda i: (0, 0)),
    ],
    out_specs=pl.BlockSpec((BM, D), lambda i: (i, 0)),
    out_shape=jax.ShapeDtypeStruct((N, D), jnp.float32),
)


def _fin_body(p_ref, hp_ref, dis_ref, w_ref, b_ref, out_ref):
    p = jnp.concatenate([p_ref[0], p_ref[1]], axis=1)
    g = (p + hp_ref[...]) * dis_ref[...]
    out_ref[...] = (
        jnp.dot(g, w_ref[...], preferred_element_type=jnp.float32) + b_ref[...]
    )


_fin = pl.pallas_call(
    _fin_body,
    grid=(N // BM,),
    in_specs=[
        pl.BlockSpec((NC, BM, DH), lambda i: (0, i, 0)),
        pl.BlockSpec((BM, D), lambda i: (i, 0)),
        pl.BlockSpec((BM, 1), lambda i: (i, 0)),
        pl.BlockSpec((D, D), lambda i: (0, 0)),
        pl.BlockSpec((1, D), lambda i: (0, 0)),
    ],
    out_specs=pl.BlockSpec((BM, D), lambda i: (i, 0)),
    out_shape=jax.ShapeDtypeStruct((N, D), jnp.float32),
)



def kernel(x, W1, b1, Wmu, bmu, Wls, bls, edge_index):
    src2 = edge_index[0].astype(jnp.int32).reshape(NS, NCHUNK2, K)
    dst2 = edge_index[1].astype(jnp.int32).reshape(NS, NCHUNK2, K)

    degp = _deg_kernel(dst2)
    h1p, dis = _mm1(degp, x, W1)
    p1 = _agg_kernel(h1p[:, :DH] + 0.0, h1p[:, DH:] + 0.0, src2, dst2)
    h2p = _comb(p1, h1p, dis, b1.reshape(1, D))
    p2 = _agg_kernel(h2p[:, :DH] + 0.0, h2p[:, DH:] + 0.0, src2, dst2)
    wcat = jnp.concatenate([Wmu, Wls], axis=1)
    bcat = jnp.concatenate([bmu, bls]).reshape(1, D)
    out = _fin(p2, h2p, dis, wcat, bcat)
    return out[:, :64], out[:, 64:]

# --- scband reference (transcript-rebuilt; emitter-appended) ---
"""Pipeline reference for scband-vgaeencoder-10685878632449 (READ-ONLY COPY).

The authoritative reference and input builder live on the scoring server;
editing this copy changes nothing except your own understanding.
"""

import jax, jax.numpy as jnp
import numpy as np

N_NODES = 10000
N_EDGES = 320000
IN_CH = 128
OUT_CH = 64
HID = 2 * OUT_CH


def glorot(key, shape):
    fan_in, fan_out = shape[0], shape[1]
    limit = np.sqrt(6.0 / (fan_in + fan_out))
    return jax.random.uniform(key, shape, dtype=jnp.float32, minval=-limit, maxval=limit)


def setup_inputs(seed: int = 0) -> dict:
    key = jax.random.key(seed)
    ks = jax.random.split(key, 8)
    x = jax.random.normal(ks[0], (N_NODES, IN_CH), dtype=jnp.float32)
    edge_index = jax.random.randint(ks[1], (2, N_EDGES), 0, N_NODES, dtype=jnp.int64)
    W1 = glorot(ks[2], (IN_CH, HID))
    b1 = jnp.zeros((HID,), dtype=jnp.float32)
    Wmu = glorot(ks[3], (HID, OUT_CH))
    bmu = jnp.zeros((OUT_CH,), dtype=jnp.float32)
    Wls = glorot(ks[4], (HID, OUT_CH))
    bls = jnp.zeros((OUT_CH,), dtype=jnp.float32)
    return {"x": x, "W1": W1, "b1": b1, "Wmu": Wmu, "bmu": bmu, "Wls": Wls, "bls": bls, "edge_index": edge_index}


def gcn_conv(x, edge_index, W, b):
    # PyG GCNConv: add self-loops, symmetric normalization, scatter-add aggregation
    n = x.shape[0]
    loop = jnp.arange(n, dtype=edge_index.dtype)
    src = jnp.concatenate([edge_index[0], loop])
    dst = jnp.concatenate([edge_index[1], loop])
    ones = jnp.ones(src.shape[0], dtype=x.dtype)
    deg = jax.ops.segment_sum(ones, dst, num_segments=n)
    deg_inv_sqrt = jnp.where(deg > 0, jax.lax.rsqrt(jnp.maximum(deg, 1e-12)), 0.0)
    norm = deg_inv_sqrt[src] * deg_inv_sqrt[dst]
    h = x @ W
    msgs = h[src] * norm[:, None]
    out = jax.ops.segment_sum(msgs, dst, num_segments=n)
    return out + b


def reference(x, W1, b1, Wmu, bmu, Wls, bls, edge_index):
    h = gcn_conv(x, edge_index, W1, b1)
    h = jax.nn.relu(h)
    mu = gcn_conv(h, edge_index, Wmu, bmu)
    logstd = gcn_conv(h, edge_index, Wls, bls)
    return (mu, logstd)

if __name__ == "__main__":
    import jax
    _d = setup_inputs()
    print(jax.jit(kernel)(*tuple(_d.values())))

</pallas_src>

<mosaic_0001>
#map = affine_map<(d0, d1) -> (0, 0, 0)>
module attributes {stable_mosaic.version = 14 : i64} {
  func.func @_deg_kernel(%arg0: i32, %arg1: i32, %arg2: memref<16x250x80xi32, #tpu.memory_space<hbm>>, %arg3: memref<2x10240x16xf32, #tpu.memory_space<hbm>>, %arg4: memref<80x16xf32, #tpu.memory_space<vmem>>, %arg5: memref<128x16xf32, #tpu.memory_space<vmem>>, %arg6: memref<128xi32, #tpu.memory_space<vmem>>, %arg7: memref<250x80xi32, #tpu.memory_space<vmem>>, %arg8: memref<10240x16xf32, #tpu.memory_space<vmem_shared>>, %arg9: memref<!tpu.dma_semaphore, #tpu.memory_space<semaphore_mem>>) attributes {dimension_semantics = [#tpu.dimension_semantics<core_parallel>, #tpu.dimension_semantics<subcore_parallel>], iteration_bounds = array<i64: 2, 16>, scalar_prefetch = 0 : i64, scratch_operands = 6 : i64, tpu.core_type = #tpu.core_type<sc_vector_subcore>, window_params = [{transform_indices = #map}, {transform_indices = #map}]} {
    "tpu.region"() ({
      %run_scoped3A = tpu.sem_alloc : memref<!tpu.dma_semaphore, #tpu.memory_space<semaphore_mem>>
      %dma_start3A = arith.constant 0 : i32
      %dma_start3A_25 = arith.constant 0 : i32
      %dma_start3A_26 = tpu.memref_slice %arg2[%arg1, %dma_start3A, %dma_start3A_25] : memref<16x250x80xi32, #tpu.memory_space<hbm>> -> memref<1x250x80xi32, #tpu.memory_space<hbm>>
      %dma_start3A_27 = tpu.memref_squeeze %dma_start3A_26 : memref<1x250x80xi32, #tpu.memory_space<hbm>> -> memref<250x80xi32, #tpu.memory_space<hbm>>
      %dma_start3A_28 = arith.constant 0 : i32
      %dma_start3A_29 = arith.constant 0 : i32
      %dma_start3A_30 = tpu.memref_slice %arg2[%arg1, %dma_start3A_28, %dma_start3A_29] : memref<16x250x80xi32, #tpu.memory_space<hbm>> -> memref<1x250x80xi32, #tpu.memory_space<hbm>>
      %dma_start3A_31 = tpu.memref_squeeze %dma_start3A_30 : memref<1x250x80xi32, #tpu.memory_space<hbm>> -> memref<250x80xi32, #tpu.memory_space<hbm>>
      tpu.enqueue_dma source(%dma_start3A_31 : memref<250x80xi32, #tpu.memory_space<hbm>>) target(%arg7 : memref<250x80xi32, #tpu.memory_space<vmem>>) target_semaphore(%run_scoped3A : memref<!tpu.dma_semaphore, #tpu.memory_space<semaphore_mem>>)
      %dma_wait3A = arith.constant 0 : i32
      %dma_wait3A_32 = arith.constant 0 : i32
      %dma_wait3A_33 = tpu.memref_slice %arg2[%arg1, %dma_wait3A, %dma_wait3A_32] : memref<16x250x80xi32, #tpu.memory_space<hbm>> -> memref<1x250x80xi32, #tpu.memory_space<hbm>>
      %dma_wait3A_34 = tpu.memref_squeeze %dma_wait3A_33 : memref<1x250x80xi32, #tpu.memory_space<hbm>> -> memref<250x80xi32, #tpu.memory_space<hbm>>
      %dma_wait3A_35 = arith.constant 0 : i32
      %dma_wait3A_36 = arith.constant 0 : i32
      %dma_wait3A_37 = tpu.memref_slice %arg2[%arg1, %dma_wait3A_35, %dma_wait3A_36] : memref<16x250x80xi32, #tpu.memory_space<hbm>> -> memref<1x250x80xi32, #tpu.memory_space<hbm>>
      %dma_wait3A_38 = tpu.memref_squeeze %dma_wait3A_37 : memref<1x250x80xi32, #tpu.memory_space<hbm>> -> memref<250x80xi32, #tpu.memory_space<hbm>>
      tpu.wait_dma2 semaphore(%run_scoped3A : memref<!tpu.dma_semaphore, #tpu.memory_space<semaphore_mem>>) src(%dma_wait3A_38 : memref<250x80xi32, #tpu.memory_space<hbm>>) dst(%arg7 : memref<250x80xi32, #tpu.memory_space<vmem>>)
      tpu.yield
    }) : () -> ()
    %scan3A = arith.constant 0 : i32
    %scan3A_0 = arith.constant 80 : i32
    %scan3A_1 = arith.addi %scan3A, %scan3A_0 : i32
    %scan3A_2 = arith.constant 1 : i32
    scf.for %scan3A_25 = %scan3A to %scan3A_1 step %scan3A_2  : i32 {
      %mul3A = arith.constant 1 : i32
      %mul3A_26 = arith.muli %scan3A_25, %mul3A : i32
      %add3A = arith.constant 0 : i32
      %add3A_27 = arith.addi %add3A, %mul3A_26 : i32
      %broadcast_in_dim3A = arith.constant 1.000000e+00 : f32
      %broadcast_in_dim3A_28 = vector.broadcast %broadcast_in_dim3A : f32 to vector<16xf32>
      %swap3A = arith.index_cast %add3A_27 : i32 to index
      %swap3A_29 = arith.constant 0 : index
      %swap3A_30 = tpu.vector_load %arg4[%swap3A, %swap3A_29] {strides = array<i32>} : memref<80x16xf32, #tpu.memory_space<vmem>>, vector<1x16xf32>,
      %swap3A_31 = vector.shape_cast %swap3A_30 : vector<1x16xf32> to vector<16xf32>
      %swap3A_32 = vector.shape_cast %broadcast_in_dim3A_28 : vector<16xf32> to vector<1x16xf32>
      tpu.vector_store %arg4[%swap3A, %swap3A_29], %swap3A_32 {strides = array<i32>} : memref<80x16xf32, #tpu.memory_space<vmem>>, vector<1x16xf32>,
    }
    %scan3A_3 = arith.constant 80 : i32
    %scan3A_4 = arith.constant 0 : i32
    %scan3A_5 = arith.constant 128 : i32
    %scan3A_6 = arith.addi %scan3A_4, %scan3A_5 : i32
    %scan3A_7 = arith.constant 1 : i32
    scf.for %scan3A_25 = %scan3A_4 to %scan3A_6 step %scan3A_7  : i32 {
      %mul3A = arith.constant 1 : i32
      %mul3A_26 = arith.muli %scan3A_25, %mul3A : i32
      %add3A = arith.constant 0 : i32
      %add3A_27 = arith.addi %add3A, %mul3A_26 : i32
      %broadcast_in_dim3A = arith.constant 0.000000e+00 : f32
      %broadcast_in_dim3A_28 = vector.broadcast %broadcast_in_dim3A : f32 to vector<16xf32>
      %swap3A = arith.index_cast %add3A_27 : i32 to index
      %swap3A_29 = arith.constant 0 : index
      %swap3A_30 = tpu.vector_load %arg5[%swap3A, %swap3A_29] {strides = array<i32>} : memref<128x16xf32, #tpu.memory_space<vmem>>, vector<1x16xf32>,
      %swap3A_31 = vector.shape_cast %swap3A_30 : vector<1x16xf32> to vector<16xf32>
      %swap3A_32 = vector.shape_cast %broadcast_in_dim3A_28 : vector<16xf32> to vector<1x16xf32>
      tpu.vector_store %arg5[%swap3A, %swap3A_29], %swap3A_32 {strides = array<i32>} : memref<128x16xf32, #tpu.memory_space<vmem>>, vector<1x16xf32>,
    }
    %scan3A_8 = arith.constant 128 : i32
    %scan3A_9 = arith.constant 0 : i32
    %scan3A_10 = arith.constant 5 : i32
    %scan3A_11 = arith.addi %scan3A_9, %scan3A_10 : i32
    %scan3A_12 = arith.constant 1 : i32
    scf.for %scan3A_25 = %scan3A_9 to %scan3A_11 step %scan3A_12  : i32 {
      %mul3A = arith.constant 1 : i32
      %mul3A_26 = arith.muli %scan3A_25, %mul3A : i32
      %add3A = arith.constant 0 : i32
      %add3A_27 = arith.addi %add3A, %mul3A_26 : i32
      %mul3A_28 = arith.constant 640 : i32
      %mul3A_29 = arith.muli %arg1, %mul3A_28 : i32
      %mul3A_30 = arith.constant 128 : i32
      %mul3A_31 = arith.muli %add3A_27, %mul3A_30 : i32
      %add3A_32 = arith.addi %mul3A_29, %mul3A_31 : i32
      %scan3A_33 = arith.constant 0 : i32
      %scan3A_34 = arith.constant 8 : i32
      %scan3A_35 = arith.addi %scan3A_33, %scan3A_34 : i32
      %scan3A_36 = arith.constant 1 : i32
      scf.for %scan3A_38 = %scan3A_33 to %scan3A_35 step %scan3A_36  : i32 {
        %mul3A_39 = arith.constant 1 : i32
        %mul3A_40 = arith.muli %scan3A_38, %mul3A_39 : i32
        %add3A_41 = arith.constant 0 : i32
        %add3A_42 = arith.addi %add3A_41, %mul3A_40 : i32
        %iota3A = tpu.iota {dimensions = array<i32: 0>} : vector<16xi32>
        %mul3A_43 = arith.constant 16 : i32
        %mul3A_44 = arith.muli %add3A_42, %mul3A_43 : i32
        %add3A_45 = arith.addi %add3A_32, %mul3A_44 : i32
        %add3A_46 = vector.broadcast %add3A_45 : i32 to vector<16xi32>
        %add3A_47 = arith.addi %iota3A, %add3A_46 : vector<16xi32>
        %mul3A_48 = arith.constant 16 : i32
        %mul3A_49 = arith.muli %add3A_42, %mul3A_48 : i32
        %swap3A = arith.index_cast %mul3A_49 : i32 to index
        %swap3A_50 = tpu.vector_load %arg6[%swap3A] {strides = array<i32>} : memref<128xi32, #tpu.memory_space<vmem>>, vector<16xi32>,
        %swap3A_51 = vector.shape_cast %swap3A_50 : vector<16xi32> to vector<16xi32>
        %swap3A_52 = vector.shape_cast %add3A_47 : vector<16xi32> to vector<16xi32>
        tpu.vector_store %arg6[%swap3A], %swap3A_52 {strides = array<i32>} : memref<128xi32, #tpu.memory_space<vmem>>, vector<16xi32>,
      }
      %scan3A_37 = arith.constant 8 : i32
      "tpu.region"() ({
        %run_scoped3A = tpu.sem_alloc : memref<!tpu.dma_semaphore, #tpu.memory_space<semaphore_mem>>
        %dma_start3A = arith.constant 0 : i32
        %dma_start3A_38 = arith.constant 0 : i32
        %dma_start3A_39 = tpu.memref_slice %arg8[%dma_start3A, %dma_start3A_38] : memref<10240x16xf32, #tpu.memory_space<vmem_shared>> -> memref<10240x16xf32, #tpu.memory_space<vmem_shared>>
        tpu.enqueue_indirect_dma source(%arg5 : memref<128x16xf32, #tpu.memory_space<vmem>>) target(%dma_start3A_39 : memref<10240x16xf32, #tpu.memory_space<vmem_shared>>) offsets(%arg6 : memref<128xi32, #tpu.memory_space<vmem>>) semaphore(%run_scoped3A : memref<!tpu.dma_semaphore, #tpu.memory_space<semaphore_mem>>)
        %dma_wait3A = arith.constant 0 : i32
        %dma_wait3A_40 = arith.constant 0 : i32
        %dma_wait3A_41 = tpu.memref_slice %arg8[%dma_wait3A, %dma_wait3A_40] : memref<10240x16xf32, #tpu.memory_space<vmem_shared>> -> memref<10240x16xf32, #tpu.memory_space<vmem_shared>>
        tpu.wait_indirect_dma semaphore(%run_scoped3A : memref<!tpu.dma_semaphore, #tpu.memory_space<semaphore_mem>>) src(%arg5 : memref<128x16xf32, #tpu.memory_space<vmem>>) dst(%dma_wait3A_41 : memref<10240x16xf32, #tpu.memory_space<vmem_shared>>)
        tpu.yield
      }) : () -> ()
    }
    %scan3A_13 = arith.constant 5 : i32
    %barrier3A = arith.constant 0 : index
    tpu.barrier barrier_id(%barrier3A)
    %scan3A_14 = arith.constant 0 : i32
    %scan3A_15 = arith.constant 125 : i32
    %scan3A_16 = arith.addi %scan3A_14, %scan3A_15 : i32
    %scan3A_17 = arith.constant 1 : i32
    scf.for %scan3A_25 = %scan3A_14 to %scan3A_16 step %scan3A_17  : i32 {
      %mul3A = arith.constant 1 : i32
      %mul3A_26 = arith.muli %scan3A_25, %mul3A : i32
      %add3A = arith.constant 0 : i32
      %add3A_27 = arith.addi %add3A, %mul3A_26 : i32
      %mul3A_28 = arith.constant 125 : i32
      %mul3A_29 = arith.muli %arg0, %mul3A_28 : i32
      %add3A_30 = arith.addi %mul3A_29, %add3A_27 : i32
      "tpu.region"() ({
        %run_scoped3A = tpu.sem_alloc : memref<!tpu.dma_semaphore, #tpu.memory_space<semaphore_mem>>
        %dma_start3A = arith.constant 0 : i32
        %dma_start3A_31 = tpu.memref_slice %arg7[%add3A_30, %dma_start3A] : memref<250x80xi32, #tpu.memory_space<vmem>> -> memref<1x80xi32, #tpu.memory_space<vmem>>
        %dma_start3A_32 = tpu.memref_squeeze %dma_start3A_31 : memref<1x80xi32, #tpu.memory_space<vmem>> -> memref<80xi32, #tpu.memory_space<vmem>>
        %dma_start3A_33 = arith.constant 0 : i32
        %dma_start3A_34 = arith.constant 0 : i32
        %dma_start3A_35 = tpu.memref_slice %arg8[%dma_start3A_33, %dma_start3A_34] : memref<10240x16xf32, #tpu.memory_space<vmem_shared>> -> memref<10240x16xf32, #tpu.memory_space<vmem_shared>>
        tpu.enqueue_indirect_dma source(%arg4 : memref<80x16xf32, #tpu.memory_space<vmem>>) target(%dma_start3A_35 : memref<10240x16xf32, #tpu.memory_space<vmem_shared>>) offsets(%dma_start3A_32 : memref<80xi32, #tpu.memory_space<vmem>>) semaphore(%run_scoped3A : memref<!tpu.dma_semaphore, #tpu.memory_space<semaphore_mem>>) {add = true}
        %dma_wait3A = arith.constant 0 : i32
        %dma_wait3A_36 = tpu.memref_slice %arg7[%add3A_30, %dma_wait3A] : memref<250x80xi32, #tpu.memory_space<vmem>> -> memref<1x80xi32, #tpu.memory_space<vmem>>
        %dma_wait3A_37 = tpu.memref_squeeze %dma_wait3A_36 : memref<1x80xi32, #tpu.memory_space<vmem>> -> memref<80xi32, #tpu.memory_space<vmem>>
        %dma_wait3A_38 = arith.constant 0 : i32
        %dma_wait3A_39 = arith.constant 0 : i32
        %dma_wait3A_40 = tpu.memref_slice %arg8[%dma_wait3A_38, %dma_wait3A_39] : memref<10240x16xf32, #tpu.memory_space<vmem_shared>> -> memref<10240x16xf32, #tpu.memory_space<vmem_shared>>
        tpu.wait_indirect_dma semaphore(%run_scoped3A : memref<!tpu.dma_semaphore, #tpu.memory_space<semaphore_mem>>) src(%arg4 : memref<80x16xf32, #tpu.memory_space<vmem>>) dst(%dma_wait3A_40 : memref<10240x16xf32, #tpu.memory_space<vmem_shared>>)
        tpu.yield
      }) : () -> ()
    }
    %scan3A_18 = arith.constant 125 : i32
    %barrier3A_19 = arith.constant 0 : index
    tpu.barrier barrier_id(%barrier3A_19)
    %scan3A_20 = arith.constant 0 : i32
    %scan3A_21 = arith.constant 5 : i32
    %scan3A_22 = arith.addi %scan3A_20, %scan3A_21 : i32
    %scan3A_23 = arith.constant 1 : i32
    scf.for %scan3A_25 = %scan3A_20 to %scan3A_22 step %scan3A_23  : i32 {
      %mul3A = arith.constant 1 : i32
      %mul3A_26 = arith.muli %scan3A_25, %mul3A : i32
      %add3A = arith.constant 0 : i32
      %add3A_27 = arith.addi %add3A, %mul3A_26 : i32
      %mul3A_28 = arith.constant 640 : i32
      %mul3A_29 = arith.muli %arg1, %mul3A_28 : i32
      %mul3A_30 = arith.constant 128 : i32
      %mul3A_31 = arith.muli %add3A_27, %mul3A_30 : i32
      %add3A_32 = arith.addi %mul3A_29, %mul3A_31 : i32
      %scan3A_33 = arith.constant 0 : i32
      %scan3A_34 = arith.constant 8 : i32
      %scan3A_35 = arith.addi %scan3A_33, %scan3A_34 : i32
      %scan3A_36 = arith.constant 1 : i32
      scf.for %scan3A_47 = %scan3A_33 to %scan3A_35 step %scan3A_36  : i32 {
        %mul3A_48 = arith.constant 1 : i32
        %mul3A_49 = arith.muli %scan3A_47, %mul3A_48 : i32
        %add3A_50 = arith.constant 0 : i32
        %add3A_51 = arith.addi %add3A_50, %mul3A_49 : i32
        %iota3A = tpu.iota {dimensions = array<i32: 0>} : vector<16xi32>
        %mul3A_52 = arith.constant 16 : i32
        %mul3A_53 = arith.muli %add3A_51, %mul3A_52 : i32
        %add3A_54 = arith.addi %add3A_32, %mul3A_53 : i32
        %add3A_55 = vector.broadcast %add3A_54 : i32 to vector<16xi32>
        %add3A_56 = arith.addi %iota3A, %add3A_55 : vector<16xi32>
        %mul3A_57 = arith.constant 16 : i32
        %mul3A_58 = arith.muli %add3A_51, %mul3A_57 : i32
        %swap3A = arith.index_cast %mul3A_58 : i32 to index
        %swap3A_59 = tpu.vector_load %arg6[%swap3A] {strides = array<i32>} : memref<128xi32, #tpu.memory_space<vmem>>, vector<16xi32>,
        %swap3A_60 = vector.shape_cast %swap3A_59 : vector<16xi32> to vector<16xi32>
        %swap3A_61 = vector.shape_cast %add3A_56 : vector<16xi32> to vector<16xi32>
        tpu.vector_store %arg6[%swap3A], %swap3A_61 {strides = array<i32>} : memref<128xi32, #tpu.memory_space<vmem>>, vector<16xi32>,
      }
      %scan3A_37 = arith.constant 8 : i32
      %dma_start3A = arith.constant 0 : i32
      %dma_start3A_38 = arith.constant 0 : i32
      %dma_start3A_39 = tpu.memref_slice %arg8[%dma_start3A, %dma_start3A_38] : memref<10240x16xf32, #tpu.memory_space<vmem_shared>> -> memref<10240x16xf32, #tpu.memory_space<vmem_shared>>
      tpu.enqueue_indirect_dma source(%dma_start3A_39 : memref<10240x16xf32, #tpu.memory_space<vmem_shared>>) target(%arg5 : memref<128x16xf32, #tpu.memory_space<vmem>>) offsets(%arg6 : memref<128xi32, #tpu.memory_space<vmem>>) semaphore(%arg9 : memref<!tpu.dma_semaphore, #tpu.memory_space<semaphore_mem>>)
      %dma_wait3A = arith.constant 0 : i32
      %dma_wait3A_40 = arith.constant 0 : i32
      %dma_wait3A_41 = tpu.memref_slice %arg8[%dma_wait3A, %dma_wait3A_40] : memref<10240x16xf32, #tpu.memory_space<vmem_shared>> -> memref<10240x16xf32, #tpu.memory_space<vmem_shared>>
      tpu.wait_indirect_dma semaphore(%arg9 : memref<!tpu.dma_semaphore, #tpu.memory_space<semaphore_mem>>) src(%dma_wait3A_41 : memref<10240x16xf32, #tpu.memory_space<vmem_shared>>) dst(%arg5 : memref<128x16xf32, #tpu.memory_space<vmem>>)
      %mul3A_42 = arith.constant 640 : i32
      %mul3A_43 = arith.muli %arg1, %mul3A_42 : i32
      %mul3A_44 = arith.constant 128 : i32
      %mul3A_45 = arith.muli %add3A_27, %mul3A_44 : i32
      %add3A_46 = arith.addi %mul3A_43, %mul3A_45 : i32
      "tpu.region"() ({
        %run_scoped3A = tpu.sem_alloc : memref<!tpu.dma_semaphore, #tpu.memory_space<semaphore_mem>>
        %dma_start3A_47 = arith.constant 0 : i32
        %dma_start3A_48 = tpu.memref_slice %arg3[%arg0, %add3A_46, %dma_start3A_47] : memref<2x10240x16xf32, #tpu.memory_space<hbm>> -> memref<1x128x16xf32, #tpu.memory_space<hbm>>
        %dma_start3A_49 = tpu.memref_squeeze %dma_start3A_48 : memref<1x128x16xf32, #tpu.memory_space<hbm>> -> memref<128x16xf32, #tpu.memory_space<hbm>>
        %dma_start3A_50 = arith.constant 0 : i32
        %dma_start3A_51 = tpu.memref_slice %arg3[%arg0, %add3A_46, %dma_start3A_50] : memref<2x10240x16xf32, #tpu.memory_space<hbm>> -> memref<1x128x16xf32, #tpu.memory_space<hbm>>
        %dma_start3A_52 = tpu.memref_squeeze %dma_start3A_51 : memref<1x128x16xf32, #tpu.memory_space<hbm>> -> memref<128x16xf32, #tpu.memory_space<hbm>>
        tpu.enqueue_dma source(%arg5 : memref<128x16xf32, #tpu.memory_space<vmem>>) target(%dma_start3A_52 : memref<128x16xf32, #tpu.memory_space<hbm>>) target_semaphore(%run_scoped3A : memref<!tpu.dma_semaphore, #tpu.memory_space<semaphore_mem>>)
        %dma_wait3A_53 = arith.constant 0 : i32
        %dma_wait3A_54 = tpu.memref_slice %arg3[%arg0, %add3A_46, %dma_wait3A_53] : memref<2x10240x16xf32, #tpu.memory_space<hbm>> -> memref<1x128x16xf32, #tpu.memory_space<hbm>>
        %dma_wait3A_55 = tpu.memref_squeeze %dma_wait3A_54 : memref<1x128x16xf32, #tpu.memory_space<hbm>> -> memref<128x16xf32, #tpu.memory_space<hbm>>
        %dma_wait3A_56 = arith.constant 0 : i32
        %dma_wait3A_57 = tpu.memref_slice %arg3[%arg0, %add3A_46, %dma_wait3A_56] : memref<2x10240x16xf32, #tpu.memory_space<hbm>> -> memref<1x128x16xf32, #tpu.memory_space<hbm>>
        %dma_wait3A_58 = tpu.memref_squeeze %dma_wait3A_57 : memref<1x128x16xf32, #tpu.memory_space<hbm>> -> memref<128x16xf32, #tpu.memory_space<hbm>>
        tpu.wait_dma2 semaphore(%run_scoped3A : memref<!tpu.dma_semaphore, #tpu.memory_space<semaphore_mem>>) src(%arg5 : memref<128x16xf32, #tpu.memory_space<vmem>>) dst(%dma_wait3A_58 : memref<128x16xf32, #tpu.memory_space<hbm>>)
        tpu.yield
      }) : () -> ()
    }
    %scan3A_24 = arith.constant 5 : i32
    return
  }
}

#map = affine_map<(d0, d1) -> (0, 0)>
#map1 = affine_map<(d0, d1) -> (0, 0, 0)>
module attributes {stable_mosaic.version = 14 : i64} {
  func.func @_agg_kernel(%arg0: i32, %arg1: i32, %arg2: memref<10000x64xf32, #tpu.memory_space<hbm>>, %arg3: memref<10000x64xf32, #tpu.memory_space<hbm>>, %arg4: memref<16x250x80xi32, #tpu.memory_space<hbm>>, %arg5: memref<16x250x80xi32, #tpu.memory_space<hbm>>, %arg6: memref<2x10240x64xf32, #tpu.memory_space<hbm>>, %arg7: memref<250x80xi32, #tpu.memory_space<vmem>>, %arg8: memref<250x80xi32, #tpu.memory_space<vmem>>, %arg9: memref<6x80x64xf32, #tpu.memory_space<vmem>>, %arg10: memref<128x64xf32, #tpu.memory_space<vmem>>, %arg11: memref<128xi32, #tpu.memory_space<vmem>>, %arg12: memref<10240x64xf32, #tpu.memory_space<vmem_shared>>, %arg13: memref<!tpu.dma_semaphore, #tpu.memory_space<semaphore_mem>>, %arg14: memref<!tpu.dma_semaphore, #tpu.memory_space<semaphore_mem>>, %arg15: memref<!tpu.dma_semaphore, #tpu.memory_space<semaphore_mem>>, %arg16: memref<!tpu.dma_semaphore, #tpu.memory_space<semaphore_mem>>, %arg17: memref<!tpu.dma_semaphore, #tpu.memory_space<semaphore_mem>>, %arg18: memref<!tpu.dma_semaphore, #tpu.memory_space<semaphore_mem>>, %arg19: memref<!tpu.dma_semaphore, #tpu.memory_space<semaphore_mem>>) attributes {dimension_semantics = [#tpu.dimension_semantics<core_parallel>, #tpu.dimension_semantics<subcore_parallel>], iteration_bounds = array<i64: 2, 16>, scalar_prefetch = 0 : i64, scratch_operands = 13 : i64, tpu.core_type = #tpu.core_type<sc_vector_subcore>, window_params = [{transform_indices = #map}, {transform_indices = #map}, {transform_indices = #map1}, {transform_indices = #map1}, {transform_indices = #map1}]} {
    "tpu.region"() ({
      %run_scoped3A = tpu.sem_alloc : memref<!tpu.dma_semaphore, #tpu.memory_space<semaphore_mem>>
      %dma_start3A = arith.constant 0 : i32
      %dma_start3A_22 = arith.constant 0 : i32
      %dma_start3A_23 = tpu.memref_slice %arg4[%arg1, %dma_start3A, %dma_start3A_22] : memref<16x250x80xi32, #tpu.memory_space<hbm>> -> memref<1x250x80xi32, #tpu.memory_space<hbm>>
      %dma_start3A_24 = tpu.memref_squeeze %dma_start3A_23 : memref<1x250x80xi32, #tpu.memory_space<hbm>> -> memref<250x80xi32, #tpu.memory_space<hbm>>
      %dma_start3A_25 = arith.constant 0 : i32
      %dma_start3A_26 = arith.constant 0 : i32
      %dma_start3A_27 = tpu.memref_slice %arg4[%arg1, %dma_start3A_25, %dma_start3A_26] : memref<16x250x80xi32, #tpu.memory_space<hbm>> -> memref<1x250x80xi32, #tpu.memory_space<hbm>>
      %dma_start3A_28 = tpu.memref_squeeze %dma_start3A_27 : memref<1x250x80xi32, #tpu.memory_space<hbm>> -> memref<250x80xi32, #tpu.memory_space<hbm>>
      tpu.enqueue_dma source(%dma_start3A_28 : memref<250x80xi32, #tpu.memory_space<hbm>>) target(%arg7 : memref<250x80xi32, #tpu.memory_space<vmem>>) target_semaphore(%run_scoped3A : memref<!tpu.dma_semaphore, #tpu.memory_space<semaphore_mem>>)
      %dma_wait3A = arith.constant 0 : i32
      %dma_wait3A_29 = arith.constant 0 : i32
      %dma_wait3A_30 = tpu.memref_slice %arg4[%arg1, %dma_wait3A, %dma_wait3A_29] : memref<16x250x80xi32, #tpu.memory_space<hbm>> -> memref<1x250x80xi32, #tpu.memory_space<hbm>>
      %dma_wait3A_31 = tpu.memref_squeeze %dma_wait3A_30 : memref<1x250x80xi32, #tpu.memory_space<hbm>> -> memref<250x80xi32, #tpu.memory_space<hbm>>
      %dma_wait3A_32 = arith.constant 0 : i32
      %dma_wait3A_33 = arith.constant 0 : i32
      %dma_wait3A_34 = tpu.memref_slice %arg4[%arg1, %dma_wait3A_32, %dma_wait3A_33] : memref<16x250x80xi32, #tpu.memory_space<hbm>> -> memref<1x250x80xi32, #tpu.memory_space<hbm>>
      %dma_wait3A_35 = tpu.memref_squeeze %dma_wait3A_34 : memref<1x250x80xi32, #tpu.memory_space<hbm>> -> memref<250x80xi32, #tpu.memory_space<hbm>>
      tpu.wait_dma2 semaphore(%run_scoped3A : memref<!tpu.dma_semaphore, #tpu.memory_space<semaphore_mem>>) src(%dma_wait3A_35 : memref<250x80xi32, #tpu.memory_space<hbm>>) dst(%arg7 : memref<250x80xi32, #tpu.memory_space<vmem>>)
      tpu.yield
    }) : () -> ()
    "tpu.region"() ({
      %run_scoped3A = tpu.sem_alloc : memref<!tpu.dma_semaphore, #tpu.memory_space<semaphore_mem>>
      %dma_start3A = arith.constant 0 : i32
      %dma_start3A_22 = arith.constant 0 : i32
      %dma_start3A_23 = tpu.memref_slice %arg5[%arg1, %dma_start3A, %dma_start3A_22] : memref<16x250x80xi32, #tpu.memory_space<hbm>> -> memref<1x250x80xi32, #tpu.memory_space<hbm>>
      %dma_start3A_24 = tpu.memref_squeeze %dma_start3A_23 : memref<1x250x80xi32, #tpu.memory_space<hbm>> -> memref<250x80xi32, #tpu.memory_space<hbm>>
      %dma_start3A_25 = arith.constant 0 : i32
      %dma_start3A_26 = arith.constant 0 : i32
      %dma_start3A_27 = tpu.memref_slice %arg5[%arg1, %dma_start3A_25, %dma_start3A_26] : memref<16x250x80xi32, #tpu.memory_space<hbm>> -> memref<1x250x80xi32, #tpu.memory_space<hbm>>
      %dma_start3A_28 = tpu.memref_squeeze %dma_start3A_27 : memref<1x250x80xi32, #tpu.memory_space<hbm>> -> memref<250x80xi32, #tpu.memory_space<hbm>>
      tpu.enqueue_dma source(%dma_start3A_28 : memref<250x80xi32, #tpu.memory_space<hbm>>) target(%arg8 : memref<250x80xi32, #tpu.memory_space<vmem>>) target_semaphore(%run_scoped3A : memref<!tpu.dma_semaphore, #tpu.memory_space<semaphore_mem>>)
      %dma_wait3A = arith.constant 0 : i32
      %dma_wait3A_29 = arith.constant 0 : i32
      %dma_wait3A_30 = tpu.memref_slice %arg5[%arg1, %dma_wait3A, %dma_wait3A_29] : memref<16x250x80xi32, #tpu.memory_space<hbm>> -> memref<1x250x80xi32, #tpu.memory_space<hbm>>
      %dma_wait3A_31 = tpu.memref_squeeze %dma_wait3A_30 : memref<1x250x80xi32, #tpu.memory_space<hbm>> -> memref<250x80xi32, #tpu.memory_space<hbm>>
      %dma_wait3A_32 = arith.constant 0 : i32
      %dma_wait3A_33 = arith.constant 0 : i32
      %dma_wait3A_34 = tpu.memref_slice %arg5[%arg1, %dma_wait3A_32, %dma_wait3A_33] : memref<16x250x80xi32, #tpu.memory_space<hbm>> -> memref<1x250x80xi32, #tpu.memory_space<hbm>>
      %dma_wait3A_35 = tpu.memref_squeeze %dma_wait3A_34 : memref<1x250x80xi32, #tpu.memory_space<hbm>> -> memref<250x80xi32, #tpu.memory_space<hbm>>
      tpu.wait_dma2 semaphore(%run_scoped3A : memref<!tpu.dma_semaphore, #tpu.memory_space<semaphore_mem>>) src(%dma_wait3A_35 : memref<250x80xi32, #tpu.memory_space<hbm>>) dst(%arg8 : memref<250x80xi32, #tpu.memory_space<vmem>>)
      tpu.yield
    }) : () -> ()
    %scan3A = arith.constant 0 : i32
    %scan3A_0 = arith.constant 128 : i32
    %scan3A_1 = arith.addi %scan3A, %scan3A_0 : i32
    %scan3A_2 = arith.constant 1 : i32
    scf.for %scan3A_22 = %scan3A to %scan3A_1 step %scan3A_2  : i32 {
      %mul3A = arith.constant 1 : i32
      %mul3A_23 = arith.muli %scan3A_22, %mul3A : i32
      %add3A = arith.constant 0 : i32
      %add3A_24 = arith.addi %add3A, %mul3A_23 : i32
      %scan3A_25 = arith.constant 0 : i32
      %scan3A_26 = arith.constant 4 : i32
      %scan3A_27 = arith.addi %scan3A_25, %scan3A_26 : i32
      %scan3A_28 = arith.constant 1 : i32
      scf.for %scan3A_30 = %scan3A_25 to %scan3A_27 step %scan3A_28  : i32 {
        %mul3A_31 = arith.constant 1 : i32
        %mul3A_32 = arith.muli %scan3A_30, %mul3A_31 : i32
        %add3A_33 = arith.constant 0 : i32
        %add3A_34 = arith.addi %add3A_33, %mul3A_32 : i32
        %broadcast_in_dim3A = arith.constant 0.000000e+00 : f32
        %broadcast_in_dim3A_35 = vector.broadcast %broadcast_in_dim3A : f32 to vector<16xf32>
        %mul3A_36 = arith.constant 16 : i32
        %mul3A_37 = arith.muli %add3A_34, %mul3A_36 : i32
        %swap3A = arith.index_cast %add3A_24 : i32 to index
        %swap3A_38 = arith.index_cast %mul3A_37 : i32 to index
        %swap3A_39 = tpu.vector_load %arg10[%swap3A, %swap3A_38] {strides = array<i32>} : memref<128x64xf32, #tpu.memory_space<vmem>>, vector<1x16xf32>,
        %swap3A_40 = vector.shape_cast %swap3A_39 : vector<1x16xf32> to vector<16xf32>
        %swap3A_41 = vector.shape_cast %broadcast_in_dim3A_35 : vector<16xf32> to vector<1x16xf32>
        tpu.vector_store %arg10[%swap3A, %swap3A_38], %swap3A_41 {strides = array<i32>} : memref<128x64xf32, #tpu.memory_space<vmem>>, vector<1x16xf32>,
      }
      %scan3A_29 = arith.constant 4 : i32
    }
    %scan3A_3 = arith.constant 128 : i32
    %scan3A_4 = arith.constant 0 : i32
    %scan3A_5 = arith.constant 5 : i32
    %scan3A_6 = arith.addi %scan3A_4, %scan3A_5 : i32
    %scan3A_7 = arith.constant 1 : i32
    scf.for %scan3A_22 = %scan3A_4 to %scan3A_6 step %scan3A_7  : i32 {
      %mul3A = arith.constant 1 : i32
      %mul3A_23 = arith.muli %scan3A_22, %mul3A : i32
      %add3A = arith.constant 0 : i32
      %add3A_24 = arith.addi %add3A, %mul3A_23 : i32
      %mul3A_25 = arith.constant 640 : i32
      %mul3A_26 = arith.muli %arg1, %mul3A_25 : i32
      %mul3A_27 = arith.constant 128 : i32
      %mul3A_28 = arith.muli %add3A_24, %mul3A_27 : i32
      %add3A_29 = arith.addi %mul3A_26, %mul3A_28 : i32
      %scan3A_30 = arith.constant 0 : i32
      %scan3A_31 = arith.constant 8 : i32
      %scan3A_32 = arith.addi %scan3A_30, %scan3A_31 : i32
      %scan3A_33 = arith.constant 1 : i32
      scf.for %scan3A_35 = %scan3A_30 to %scan3A_32 step %scan3A_33  : i32 {
        %mul3A_36 = arith.constant 1 : i32
        %mul3A_37 = arith.muli %scan3A_35, %mul3A_36 : i32
        %add3A_38 = arith.constant 0 : i32
        %add3A_39 = arith.addi %add3A_38, %mul3A_37 : i32
        %iota3A = tpu.iota {dimensions = array<i32: 0>} : vector<16xi32>
        %mul3A_40 = arith.constant 16 : i32
        %mul3A_41 = arith.muli %add3A_39, %mul3A_40 : i32
        %add3A_42 = arith.addi %add3A_29, %mul3A_41 : i32
        %add3A_43 = vector.broadcast %add3A_42 : i32 to vector<16xi32>
        %add3A_44 = arith.addi %iota3A, %add3A_43 : vector<16xi32>
        %mul3A_45 = arith.constant 16 : i32
        %mul3A_46 = arith.muli %add3A_39, %mul3A_45 : i32
        %swap3A = arith.index_cast %mul3A_46 : i32 to index
        %swap3A_47 = tpu.vector_load %arg11[%swap3A] {strides = array<i32>} : memref<128xi32, #tpu.memory_space<vmem>>, vector<16xi32>,
        %swap3A_48 = vector.shape_cast %swap3A_47 : vector<16xi32> to vector<16xi32>
        %swap3A_49 = vector.shape_cast %add3A_44 : vector<16xi32> to vector<16xi32>
        tpu.vector_store %arg11[%swap3A], %swap3A_49 {strides = array<i32>} : memref<128xi32, #tpu.memory_space<vmem>>, vector<16xi32>,
      }
      %scan3A_34 = arith.constant 8 : i32
      "tpu.region"() ({
        %run_scoped3A = tpu.sem_alloc : memref<!tpu.dma_semaphore, #tpu.memory_space<semaphore_mem>>
        %dma_start3A = arith.constant 0 : i32
        %dma_start3A_35 = arith.constant 0 : i32
        %dma_start3A_36 = tpu.memref_slice %arg12[%dma_start3A, %dma_start3A_35] : memref<10240x64xf32, #tpu.memory_space<vmem_shared>> -> memref<10240x64xf32, #tpu.memory_space<vmem_shared>>
        tpu.enqueue_indirect_dma source(%arg10 : memref<128x64xf32, #tpu.memory_space<vmem>>) target(%dma_start3A_36 : memref<10240x64xf32, #tpu.memory_space<vmem_shared>>) offsets(%arg11 : memref<128xi32, #tpu.memory_space<vmem>>) semaphore(%run_scoped3A : memref<!tpu.dma_semaphore, #tpu.memory_space<semaphore_mem>>)
        %dma_wait3A = arith.constant 0 : i32
        %dma_wait3A_37 = arith.constant 0 : i32
        %dma_wait3A_38 = tpu.memref_slice %arg12[%dma_wait3A, %dma_wait3A_37] : memref<10240x64xf32, #tpu.memory_space<vmem_shared>> -> memref<10240x64xf32, #tpu.memory_space<vmem_shared>>
        tpu.wait_indirect_dma semaphore(%run_scoped3A : memref<!tpu.dma_semaphore, #tpu.memory_space<semaphore_mem>>) src(%arg10 : memref<128x64xf32, #tpu.memory_space<vmem>>) dst(%dma_wait3A_38 : memref<10240x64xf32, #tpu.memory_space<vmem_shared>>)
        tpu.yield
      }) : () -> ()
    }
    %scan3A_8 = arith.constant 5 : i32
    %barrier3A = arith.constant 0 : index
    tpu.barrier barrier_id(%barrier3A)
    %eq3A = arith.constant 0 : i32
    %eq3A_9 = arith.cmpi eq, %arg0, %eq3A : i32
    %convert_element_type3A = arith.extui %eq3A_9 : i1 to i32
    %cond3A = arith.constant 0 : i32
    %cond3A_10 = arith.cmpi ne, %convert_element_type3A, %cond3A : i32
    scf.if %cond3A_10 {
      %dma_start3A = arith.constant 0 : i32
      %dma_start3A_22 = arith.constant 0 : i32
      %dma_start3A_23 = arith.constant 0 : i32
      %dma_start3A_24 = arith.constant 0 : i32
      %dma_start3A_25 = tpu.memref_slice %arg9[%dma_start3A_22, %dma_start3A_23, %dma_start3A_24] : memref<6x80x64xf32, #tpu.memory_space<vmem>> -> memref<1x80x64xf32, #tpu.memory_space<vmem>>
      %dma_start3A_26 = tpu.memref_squeeze %dma_start3A_25 : memref<1x80x64xf32, #tpu.memory_space<vmem>> -> memref<80x64xf32, #tpu.memory_space<vmem>>
      %dma_start3A_27 = arith.constant 0 : i32
      %dma_start3A_28 = tpu.memref_slice %arg7[%dma_start3A, %dma_start3A_27] : memref<250x80xi32, #tpu.memory_space<vmem>> -> memref<1x80xi32, #tpu.memory_space<vmem>>
      %dma_start3A_29 = tpu.memref_squeeze %dma_start3A_28 : memref<1x80xi32, #tpu.memory_space<vmem>> -> memref<80xi32, #tpu.memory_space<vmem>>
      %dma_start3A_30 = arith.constant 0 : i32
      %dma_start3A_31 = arith.constant 0 : i32
      %dma_start3A_32 = tpu.memref_slice %arg2[%dma_start3A_30, %dma_start3A_31] : memref<10000x64xf32, #tpu.memory_space<hbm>> -> memref<10000x64xf32, #tpu.memory_space<hbm>>
      tpu.enqueue_indirect_dma source(%dma_start3A_32 : memref<10000x64xf32, #tpu.memory_space<hbm>>) target(%dma_start3A_26 : memref<80x64xf32, #tpu.memory_space<vmem>>) offsets(%dma_start3A_29 : memref<80xi32, #tpu.memory_space<vmem>>) semaphore(%arg13 : memref<!tpu.dma_semaphore, #tpu.memory_space<semaphore_mem>>)
      %scan3A_33 = arith.constant 0 : i32
      %scan3A_34 = arith.constant 41 : i32
      %scan3A_35 = arith.addi %scan3A_33, %scan3A_34 : i32
      %scan3A_36 = arith.constant 1 : i32
      scf.for %scan3A_217 = %scan3A_33 to %scan3A_35 step %scan3A_36  : i32 {
        %mul3A = arith.constant 1 : i32
        %mul3A_218 = arith.muli %scan3A_217, %mul3A : i32
        %add3A = arith.constant 0 : i32
        %add3A_219 = arith.addi %add3A, %mul3A_218 : i32
        %mul3A_220 = arith.constant 6 : i32
        %mul3A_221 = arith.muli %add3A_219, %mul3A_220 : i32
        %add3A_222 = arith.constant 0 : i32
        %add3A_223 = arith.addi %mul3A_221, %add3A_222 : i32
        %dma_wait3A_224 = arith.constant 0 : i32
        %dma_wait3A_225 = arith.constant 0 : i32
        %dma_wait3A_226 = arith.constant 0 : i32
        %dma_wait3A_227 = tpu.memref_slice %arg9[%dma_wait3A_224, %dma_wait3A_225, %dma_wait3A_226] : memref<6x80x64xf32, #tpu.memory_space<vmem>> -> memref<1x80x64xf32, #tpu.memory_space<vmem>>
        %dma_wait3A_228 = tpu.memref_squeeze %dma_wait3A_227 : memref<1x80x64xf32, #tpu.memory_space<vmem>> -> memref<80x64xf32, #tpu.memory_space<vmem>>
        %dma_wait3A_229 = arith.constant 0 : i32
        %dma_wait3A_230 = tpu.memref_slice %arg7[%add3A_223, %dma_wait3A_229] : memref<250x80xi32, #tpu.memory_space<vmem>> -> memref<1x80xi32, #tpu.memory_space<vmem>>
        %dma_wait3A_231 = tpu.memref_squeeze %dma_wait3A_230 : memref<1x80xi32, #tpu.memory_space<vmem>> -> memref<80xi32, #tpu.memory_space<vmem>>
        %dma_wait3A_232 = arith.constant 0 : i32
        %dma_wait3A_233 = arith.constant 0 : i32
        %dma_wait3A_234 = tpu.memref_slice %arg2[%dma_wait3A_232, %dma_wait3A_233] : memref<10000x64xf32, #tpu.memory_space<hbm>> -> memref<10000x64xf32, #tpu.memory_space<hbm>>
        tpu.wait_indirect_dma semaphore(%arg13 : memref<!tpu.dma_semaphore, #tpu.memory_space<semaphore_mem>>) src(%dma_wait3A_234 : memref<10000x64xf32, #tpu.memory_space<hbm>>) dst(%dma_wait3A_228 : memref<80x64xf32, #tpu.memory_space<vmem>>)
        %add3A_235 = arith.constant 1 : i32
        %add3A_236 = arith.addi %add3A_223, %add3A_235 : i32
        %dma_start3A_237 = arith.constant 1 : i32
        %dma_start3A_238 = arith.constant 0 : i32
        %dma_start3A_239 = arith.constant 0 : i32
        %dma_start3A_240 = tpu.memref_slice %arg9[%dma_start3A_237, %dma_start3A_238, %dma_start3A_239] : memref<6x80x64xf32, #tpu.memory_space<vmem>> -> memref<1x80x64xf32, #tpu.memory_space<vmem>>
        %dma_start3A_241 = tpu.memref_squeeze %dma_start3A_240 : memref<1x80x64xf32, #tpu.memory_space<vmem>> -> memref<80x64xf32, #tpu.memory_space<vmem>>
        %dma_start3A_242 = arith.constant 0 : i32
        %dma_start3A_243 = tpu.memref_slice %arg7[%add3A_236, %dma_start3A_242] : memref<250x80xi32, #tpu.memory_space<vmem>> -> memref<1x80xi32, #tpu.memory_space<vmem>>
        %dma_start3A_244 = tpu.memref_squeeze %dma_start3A_243 : memref<1x80xi32, #tpu.memory_space<vmem>> -> memref<80xi32, #tpu.memory_space<vmem>>
        %dma_start3A_245 = arith.constant 0 : i32
        %dma_start3A_246 = arith.constant 0 : i32
        %dma_start3A_247 = tpu.memref_slice %arg2[%dma_start3A_245, %dma_start3A_246] : memref<10000x64xf32, #tpu.memory_space<hbm>> -> memref<10000x64xf32, #tpu.memory_space<hbm>>
        tpu.enqueue_indirect_dma source(%dma_start3A_247 : memref<10000x64xf32, #tpu.memory_space<hbm>>) target(%dma_start3A_241 : memref<80x64xf32, #tpu.memory_space<vmem>>) offsets(%dma_start3A_244 : memref<80xi32, #tpu.memory_space<vmem>>) semaphore(%arg14 : memref<!tpu.dma_semaphore, #tpu.memory_space<semaphore_mem>>)
        %dma_start3A_248 = arith.constant 0 : i32
        %dma_start3A_249 = arith.constant 0 : i32
        %dma_start3A_250 = arith.constant 0 : i32
        %dma_start3A_251 = tpu.memref_slice %arg9[%dma_start3A_248, %dma_start3A_249, %dma_start3A_250] : memref<6x80x64xf32, #tpu.memory_space<vmem>> -> memref<1x80x64xf32, #tpu.memory_space<vmem>>
        %dma_start3A_252 = tpu.memref_squeeze %dma_start3A_251 : memref<1x80x64xf32, #tpu.memory_space<vmem>> -> memref<80x64xf32, #tpu.memory_space<vmem>>
        %dma_start3A_253 = arith.constant 0 : i32
        %dma_start3A_254 = tpu.memref_slice %arg8[%add3A_223, %dma_start3A_253] : memref<250x80xi32, #tpu.memory_space<vmem>> -> memref<1x80xi32, #tpu.memory_space<vmem>>
        %dma_start3A_255 = tpu.memref_squeeze %dma_start3A_254 : memref<1x80xi32, #tpu.memory_space<vmem>> -> memref<80xi32, #tpu.memory_space<vmem>>
        %dma_start3A_256 = arith.constant 0 : i32
        %dma_start3A_257 = arith.constant 0 : i32
        %dma_start3A_258 = tpu.memref_slice %arg12[%dma_start3A_256, %dma_start3A_257] : memref<10240x64xf32, #tpu.memory_space<vmem_shared>> -> memref<10240x64xf32, #tpu.memory_space<vmem_shared>>
        tpu.enqueue_indirect_dma source(%dma_start3A_252 : memref<80x64xf32, #tpu.memory_space<vmem>>) target(%dma_start3A_258 : memref<10240x64xf32, #tpu.memory_space<vmem_shared>>) offsets(%dma_start3A_255 : memref<80xi32, #tpu.memory_space<vmem>>) semaphore(%arg19 : memref<!tpu.dma_semaphore, #tpu.memory_space<semaphore_mem>>) {add = true}
        %dma_wait3A_259 = arith.constant 0 : i32
        %dma_wait3A_260 = arith.constant 0 : i32
        %dma_wait3A_261 = arith.constant 0 : i32
        %dma_wait3A_262 = tpu.memref_slice %arg9[%dma_wait3A_259, %dma_wait3A_260, %dma_wait3A_261] : memref<6x80x64xf32, #tpu.memory_space<vmem>> -> memref<1x80x64xf32, #tpu.memory_space<vmem>>
        %dma_wait3A_263 = tpu.memref_squeeze %dma_wait3A_262 : memref<1x80x64xf32, #tpu.memory_space<vmem>> -> memref<80x64xf32, #tpu.memory_space<vmem>>
        %dma_wait3A_264 = arith.constant 0 : i32
        %dma_wait3A_265 = tpu.memref_slice %arg8[%add3A_223, %dma_wait3A_264] : memref<250x80xi32, #tpu.memory_space<vmem>> -> memref<1x80xi32, #tpu.memory_space<vmem>>
        %dma_wait3A_266 = tpu.memref_squeeze %dma_wait3A_265 : memref<1x80xi32, #tpu.memory_space<vmem>> -> memref<80xi32, #tpu.memory_space<vmem>>
        %dma_wait3A_267 = arith.constant 0 : i32
        %dma_wait3A_268 = arith.constant 0 : i32
        %dma_wait3A_269 = tpu.memref_slice %arg12[%dma_wait3A_267, %dma_wait3A_268] : memref<10240x64xf32, #tpu.memory_space<vmem_shared>> -> memref<10240x64xf32, #tpu.memory_space<vmem_shared>>
        tpu.wait_indirect_dma semaphore(%arg19 : memref<!tpu.dma_semaphore, #tpu.memory_space<semaphore_mem>>) src(%dma_wait3A_263 : memref<80x64xf32, #tpu.memory_space<vmem>>) dst(%dma_wait3A_269 : memref<10240x64xf32, #tpu.memory_space<vmem_shared>>)
        %mul3A_270 = arith.constant 6 : i32
        %mul3A_271 = arith.muli %add3A_219, %mul3A_270 : i32
        %add3A_272 = arith.constant 1 : i32
        %add3A_273 = arith.addi %mul3A_271, %add3A_272 : i32
        %dma_wait3A_274 = arith.constant 1 : i32
        %dma_wait3A_275 = arith.constant 0 : i32
        %dma_wait3A_276 = arith.constant 0 : i32
        %dma_wait3A_277 = tpu.memref_slice %arg9[%dma_wait3A_274, %dma_wait3A_275, %dma_wait3A_276] : memref<6x80x64xf32, #tpu.memory_space<vmem>> -> memref<1x80x64xf32, #tpu.memory_space<vmem>>
        %dma_wait3A_278 = tpu.memref_squeeze %dma_wait3A_277 : memref<1x80x64xf32, #tpu.memory_space<vmem>> -> memref<80x64xf32, #tpu.memory_space<vmem>>
        %dma_wait3A_279 = arith.constant 0 : i32
        %dma_wait3A_280 = tpu.memref_slice %arg7[%add3A_273, %dma_wait3A_279] : memref<250x80xi32, #tpu.memory_space<vmem>> -> memref<1x80xi32, #tpu.memory_space<vmem>>
        %dma_wait3A_281 = tpu.memref_squeeze %dma_wait3A_280 : memref<1x80xi32, #tpu.memory_space<vmem>> -> memref<80xi32, #tpu.memory_space<vmem>>
        %dma_wait3A_282 = arith.constant 0 : i32
        %dma_wait3A_283 = arith.constant 0 : i32
        %dma_wait3A_284 = tpu.memref_slice %arg2[%dma_wait3A_282, %dma_wait3A_283] : memref<10000x64xf32, #tpu.memory_space<hbm>> -> memref<10000x64xf32, #tpu.memory_space<hbm>>
        tpu.wait_indirect_dma semaphore(%arg14 : memref<!tpu.dma_semaphore, #tpu.memory_space<semaphore_mem>>) src(%dma_wait3A_284 : memref<10000x64xf32, #tpu.memory_space<hbm>>) dst(%dma_wait3A_278 : memref<80x64xf32, #tpu.memory_space<vmem>>)
        %add3A_285 = arith.constant 1 : i32
        %add3A_286 = arith.addi %add3A_273, %add3A_285 : i32
        %dma_start3A_287 = arith.constant 2 : i32
        %dma_start3A_288 = arith.constant 0 : i32
        %dma_start3A_289 = arith.constant 0 : i32
        %dma_start3A_290 = tpu.memref_slice %arg9[%dma_start3A_287, %dma_start3A_288, %dma_start3A_289] : memref<6x80x64xf32, #tpu.memory_space<vmem>> -> memref<1x80x64xf32, #tpu.memory_space<vmem>>
        %dma_start3A_291 = tpu.memref_squeeze %dma_start3A_290 : memref<1x80x64xf32, #tpu.memory_space<vmem>> -> memref<80x64xf32, #tpu.memory_space<vmem>>
        %dma_start3A_292 = arith.constant 0 : i32
        %dma_start3A_293 = tpu.memref_slice %arg7[%add3A_286, %dma_start3A_292] : memref<250x80xi32, #tpu.memory_space<vmem>> -> memref<1x80xi32, #tpu.memory_space<vmem>>
        %dma_start3A_294 = tpu.memref_squeeze %dma_start3A_293 : memref<1x80xi32, #tpu.memory_space<vmem>> -> memref<80xi32, #tpu.memory_space<vmem>>
        %dma_start3A_295 = arith.constant 0 : i32
        %dma_start3A_296 = arith.constant 0 : i32
        %dma_start3A_297 = tpu.memref_slice %arg2[%dma_start3A_295, %dma_start3A_296] : memref<10000x64xf32, #tpu.memory_space<hbm>> -> memref<10000x64xf32, #tpu.memory_space<hbm>>
        tpu.enqueue_indirect_dma source(%dma_start3A_297 : memref<10000x64xf32, #tpu.memory_space<hbm>>) target(%dma_start3A_291 : memref<80x64xf32, #tpu.memory_space<vmem>>) offsets(%dma_start3A_294 : memref<80xi32, #tpu.memory_space<vmem>>) semaphore(%arg15 : memref<!tpu.dma_semaphore, #tpu.memory_space<semaphore_mem>>)
        %dma_start3A_298 = arith.constant 1 : i32
        %dma_start3A_299 = arith.constant 0 : i32
        %dma_start3A_300 = arith.constant 0 : i32
        %dma_start3A_301 = tpu.memref_slice %arg9[%dma_start3A_298, %dma_start3A_299, %dma_start3A_300] : memref<6x80x64xf32, #tpu.memory_space<vmem>> -> memref<1x80x64xf32, #tpu.memory_space<vmem>>
        %dma_start3A_302 = tpu.memref_squeeze %dma_start3A_301 : memref<1x80x64xf32, #tpu.memory_space<vmem>> -> memref<80x64xf32, #tpu.memory_space<vmem>>
        %dma_start3A_303 = arith.constant 0 : i32
        %dma_start3A_304 = tpu.memref_slice %arg8[%add3A_273, %dma_start3A_303] : memref<250x80xi32, #tpu.memory_space<vmem>> -> memref<1x80xi32, #tpu.memory_space<vmem>>
        %dma_start3A_305 = tpu.memref_squeeze %dma_start3A_304 : memref<1x80xi32, #tpu.memory_space<vmem>> -> memref<80xi32, #tpu.memory_space<vmem>>
        %dma_start3A_306 = arith.constant 0 : i32
        %dma_start3A_307 = arith.constant 0 : i32
        %dma_start3A_308 = tpu.memref_slice %arg12[%dma_start3A_306, %dma_start3A_307] : memref<10240x64xf32, #tpu.memory_space<vmem_shared>> -> memref<10240x64xf32, #tpu.memory_space<vmem_shared>>
        tpu.enqueue_indirect_dma source(%dma_start3A_302 : memref<80x64xf32, #tpu.memory_space<vmem>>) target(%dma_start3A_308 : memref<10240x64xf32, #tpu.memory_space<vmem_shared>>) offsets(%dma_start3A_305 : memref<80xi32, #tpu.memory_space<vmem>>) semaphore(%arg19 : memref<!tpu.dma_semaphore, #tpu.memory_space<semaphore_mem>>) {add = true}
        %dma_wait3A_309 = arith.constant 1 : i32
        %dma_wait3A_310 = arith.constant 0 : i32
        %dma_wait3A_311 = arith.constant 0 : i32
        %dma_wait3A_312 = tpu.memref_slice %arg9[%dma_wait3A_309, %dma_wait3A_310, %dma_wait3A_311] : memref<6x80x64xf32, #tpu.memory_space<vmem>> -> memref<1x80x64xf32, #tpu.memory_space<vmem>>
        %dma_wait3A_313 = tpu.memref_squeeze %dma_wait3A_312 : memref<1x80x64xf32, #tpu.memory_space<vmem>> -> memref<80x64xf32, #tpu.memory_space<vmem>>
        %dma_wait3A_314 = arith.constant 0 : i32
        %dma_wait3A_315 = tpu.memref_slice %arg8[%add3A_273, %dma_wait3A_314] : memref<250x80xi32, #tpu.memory_space<vmem>> -> memref<1x80xi32, #tpu.memory_space<vmem>>
        %dma_wait3A_316 = tpu.memref_squeeze %dma_wait3A_315 : memref<1x80xi32, #tpu.memory_space<vmem>> -> memref<80xi32, #tpu.memory_space<vmem>>
        %dma_wait3A_317 = arith.constant 0 : i32
        %dma_wait3A_318 = arith.constant 0 : i32
        %dma_wait3A_319 = tpu.memref_slice %arg12[%dma_wait3A_317, %dma_wait3A_318] : memref<10240x64xf32, #tpu.memory_space<vmem_shared>> -> memref<10240x64xf32, #tpu.memory_space<vmem_shared>>
        tpu.wait_indirect_dma semaphore(%arg19 : memref<!tpu.dma_semaphore, #tpu.memory_space<semaphore_mem>>) src(%dma_wait3A_313 : memref<80x64xf32, #tpu.memory_space<vmem>>) dst(%dma_wait3A_319 : memref<10240x64xf32, #tpu.memory_space<vmem_shared>>)
        %mul3A_320 = arith.constant 6 : i32
        %mul3A_321 = arith.muli %add3A_219, %mul3A_320 : i32
        %add3A_322 = arith.constant 2 : i32
        %add3A_323 = arith.addi %mul3A_321, %add3A_322 : i32
        %dma_wait3A_324 = arith.constant 2 : i32
        %dma_wait3A_325 = arith.constant 0 : i32
        %dma_wait3A_326 = arith.constant 0 : i32
        %dma_wait3A_327 = tpu.memref_slice %arg9[%dma_wait3A_324, %dma_wait3A_325, %dma_wait3A_326] : memref<6x80x64xf32, #tpu.memory_space<vmem>> -> memref<1x80x64xf32, #tpu.memory_space<vmem>>
        %dma_wait3A_328 = tpu.memref_squeeze %dma_wait3A_327 : memref<1x80x64xf32, #tpu.memory_space<vmem>> -> memref<80x64xf32, #tpu.memory_space<vmem>>
        %dma_wait3A_329 = arith.constant 0 : i32
        %dma_wait3A_330 = tpu.memref_slice %arg7[%add3A_323, %dma_wait3A_329] : memref<250x80xi32, #tpu.memory_space<vmem>> -> memref<1x80xi32, #tpu.memory_space<vmem>>
        %dma_wait3A_331 = tpu.memref_squeeze %dma_wait3A_330 : memref<1x80xi32, #tpu.memory_space<vmem>> -> memref<80xi32, #tpu.memory_space<vmem>>
        %dma_wait3A_332 = arith.constant 0 : i32
        %dma_wait3A_333 = arith.constant 0 : i32
        %dma_wait3A_334 = tpu.memref_slice %arg2[%dma_wait3A_332, %dma_wait3A_333] : memref<10000x64xf32, #tpu.memory_space<hbm>> -> memref<10000x64xf32, #tpu.memory_space<hbm>>
        tpu.wait_indirect_dma semaphore(%arg15 : memref<!tpu.dma_semaphore, #tpu.memory_space<semaphore_mem>>) src(%dma_wait3A_334 : memref<10000x64xf32, #tpu.memory_space<hbm>>) dst(%dma_wait3A_328 : memref<80x64xf32, #tpu.memory_space<vmem>>)
        %add3A_335 = arith.constant 1 : i32
        %add3A_336 = arith.addi %add3A_323, %add3A_335 : i32
        %dma_start3A_337 = arith.constant 3 : i32
        %dma_start3A_338 = arith.constant 0 : i32
        %dma_start3A_339 = arith.constant 0 : i32
        %dma_start3A_340 = tpu.memref_slice %arg9[%dma_start3A_337, %dma_start3A_338, %dma_start3A_339] : memref<6x80x64xf32, #tpu.memory_space<vmem>> -> memref<1x80x64xf32, #tpu.memory_space<vmem>>
        %dma_start3A_341 = tpu.memref_squeeze %dma_start3A_340 : memref<1x80x64xf32, #tpu.memory_space<vmem>> -> memref<80x64xf32, #tpu.memory_space<vmem>>
        %dma_start3A_342 = arith.constant 0 : i32
        %dma_start3A_343 = tpu.memref_slice %arg7[%add3A_336, %dma_start3A_342] : memref<250x80xi32, #tpu.memory_space<vmem>> -> memref<1x80xi32, #tpu.memory_space<vmem>>
        %dma_start3A_344 = tpu.memref_squeeze %dma_start3A_343 : memref<1x80xi32, #tpu.memory_space<vmem>> -> memref<80xi32, #tpu.memory_space<vmem>>
        %dma_start3A_345 = arith.constant 0 : i32
        %dma_start3A_346 = arith.constant 0 : i32
        %dma_start3A_347 = tpu.memref_slice %arg2[%dma_start3A_345, %dma_start3A_346] : memref<10000x64xf32, #tpu.memory_space<hbm>> -> memref<10000x64xf32, #tpu.memory_space<hbm>>
        tpu.enqueue_indirect_dma source(%dma_start3A_347 : memref<10000x64xf32, #tpu.memory_space<hbm>>) target(%dma_start3A_341 : memref<80x64xf32, #tpu.memory_space<vmem>>) offsets(%dma_start3A_344 : memref<80xi32, #tpu.memory_space<vmem>>) semaphore(%arg16 : memref<!tpu.dma_semaphore, #tpu.memory_space<semaphore_mem>>)
        %dma_start3A_348 = arith.constant 2 : i32
        %dma_start3A_349 = arith.constant 0 : i32
        %dma_start3A_350 = arith.constant 0 : i32
        %dma_start3A_351 = tpu.memref_slice %arg9[%dma_start3A_348, %dma_start3A_349, %dma_start3A_350] : memref<6x80x64xf32, #tpu.memory_space<vmem>> -> memref<1x80x64xf32, #tpu.memory_space<vmem>>
        %dma_start3A_352 = tpu.memref_squeeze %dma_start3A_351 : memref<1x80x64xf32, #tpu.memory_space<vmem>> -> memref<80x64xf32, #tpu.memory_space<vmem>>
        %dma_start3A_353 = arith.constant 0 : i32
        %dma_start3A_354 = tpu.memref_slice %arg8[%add3A_323, %dma_start3A_353] : memref<250x80xi32, #tpu.memory_space<vmem>> -> memref<1x80xi32, #tpu.memory_space<vmem>>
        %dma_start3A_355 = tpu.memref_squeeze %dma_start3A_354 : memref<1x80xi32, #tpu.memory_space<vmem>> -> memref<80xi32, #tpu.memory_space<vmem>>
        %dma_start3A_356 = arith.constant 0 : i32
        %dma_start3A_357 = arith.constant 0 : i32
        %dma_start3A_358 = tpu.memref_slice %arg12[%dma_start3A_356, %dma_start3A_357] : memref<10240x64xf32, #tpu.memory_space<vmem_shared>> -> memref<10240x64xf32, #tpu.memory_space<vmem_shared>>
        tpu.enqueue_indirect_dma source(%dma_start3A_352 : memref<80x64xf32, #tpu.memory_space<vmem>>) target(%dma_start3A_358 : memref<10240x64xf32, #tpu.memory_space<vmem_shared>>) offsets(%dma_start3A_355 : memref<80xi32, #tpu.memory_space<vmem>>) semaphore(%arg19 : memref<!tpu.dma_semaphore, #tpu.memory_space<semaphore_mem>>) {add = true}
        %dma_wait3A_359 = arith.constant 2 : i32
        %dma_wait3A_360 = arith.constant 0 : i32
        %dma_wait3A_361 = arith.constant 0 : i32
        %dma_wait3A_362 = tpu.memref_slice %arg9[%dma_wait3A_359, %dma_wait3A_360, %dma_wait3A_361] : memref<6x80x64xf32, #tpu.memory_space<vmem>> -> memref<1x80x64xf32, #tpu.memory_space<vmem>>
        %dma_wait3A_363 = tpu.memref_squeeze %dma_wait3A_362 : memref<1x80x64xf32, #tpu.memory_space<vmem>> -> memref<80x64xf32, #tpu.memory_space<vmem>>
        %dma_wait3A_364 = arith.constant 0 : i32
        %dma_wait3A_365 = tpu.memref_slice %arg8[%add3A_323, %dma_wait3A_364] : memref<250x80xi32, #tpu.memory_space<vmem>> -> memref<1x80xi32, #tpu.memory_space<vmem>>
        %dma_wait3A_366 = tpu.memref_squeeze %dma_wait3A_365 : memref<1x80xi32, #tpu.memory_space<vmem>> -> memref<80xi32, #tpu.memory_space<vmem>>
        %dma_wait3A_367 = arith.constant 0 : i32
        %dma_wait3A_368 = arith.constant 0 : i32
        %dma_wait3A_369 = tpu.memref_slice %arg12[%dma_wait3A_367, %dma_wait3A_368] : memref<10240x64xf32, #tpu.memory_space<vmem_shared>> -> memref<10240x64xf32, #tpu.memory_space<vmem_shared>>
        tpu.wait_indirect_dma semaphore(%arg19 : memref<!tpu.dma_semaphore, #tpu.memory_space<semaphore_mem>>) src(%dma_wait3A_363 : memref<80x64xf32, #tpu.memory_space<vmem>>) dst(%dma_wait3A_369 : memref<10240x64xf32, #tpu.memory_space<vmem_shared>>)
        %mul3A_370 = arith.constant 6 : i32
        %mul3A_371 = arith.muli %add3A_219, %mul3A_370 : i32
        %add3A_372 = arith.constant 3 : i32
        %add3A_373 = arith.addi %mul3A_371, %add3A_372 : i32
        %dma_wait3A_374 = arith.constant 3 : i32
        %dma_wait3A_375 = arith.constant 0 : i32
        %dma_wait3A_376 = arith.constant 0 : i32
        %dma_wait3A_377 = tpu.memref_slice %arg9[%dma_wait3A_374, %dma_wait3A_375, %dma_wait3A_376] : memref<6x80x64xf32, #tpu.memory_space<vmem>> -> memref<1x80x64xf32, #tpu.memory_space<vmem>>
        %dma_wait3A_378 = tpu.memref_squeeze %dma_wait3A_377 : memref<1x80x64xf32, #tpu.memory_space<vmem>> -> memref<80x64xf32, #tpu.memory_space<vmem>>
        %dma_wait3A_379 = arith.constant 0 : i32
        %dma_wait3A_380 = tpu.memref_slice %arg7[%add3A_373, %dma_wait3A_379] : memref<250x80xi32, #tpu.memory_space<vmem>> -> memref<1x80xi32, #tpu.memory_space<vmem>>
        %dma_wait3A_381 = tpu.memref_squeeze %dma_wait3A_380 : memref<1x80xi32, #tpu.memory_space<vmem>> -> memref<80xi32, #tpu.memory_space<vmem>>
        %dma_wait3A_382 = arith.constant 0 : i32
        %dma_wait3A_383 = arith.constant 0 : i32
        %dma_wait3A_384 = tpu.memref_slice %arg2[%dma_wait3A_382, %dma_wait3A_383] : memref<10000x64xf32, #tpu.memory_space<hbm>> -> memref<10000x64xf32, #tpu.memory_space<hbm>>
        tpu.wait_indirect_dma semaphore(%arg16 : memref<!tpu.dma_semaphore, #tpu.memory_space<semaphore_mem>>) src(%dma_wait3A_384 : memref<10000x64xf32, #tpu.memory_space<hbm>>) dst(%dma_wait3A_378 : memref<80x64xf32, #tpu.memory_space<vmem>>)
        %add3A_385 = arith.constant 1 : i32
        %add3A_386 = arith.addi %add3A_373, %add3A_385 : i32
        %dma_start3A_387 = arith.constant 4 : i32
        %dma_start3A_388 = arith.constant 0 : i32
        %dma_start3A_389 = arith.constant 0 : i32
        %dma_start3A_390 = tpu.memref_slice %arg9[%dma_start3A_387, %dma_start3A_388, %dma_start3A_389] : memref<6x80x64xf32, #tpu.memory_space<vmem>> -> memref<1x80x64xf32, #tpu.memory_space<vmem>>
        %dma_start3A_391 = tpu.memref_squeeze %dma_start3A_390 : memref<1x80x64xf32, #tpu.memory_space<vmem>> -> memref<80x64xf32, #tpu.memory_space<vmem>>
        %dma_start3A_392 = arith.constant 0 : i32
        %dma_start3A_393 = tpu.memref_slice %arg7[%add3A_386, %dma_start3A_392] : memref<250x80xi32, #tpu.memory_space<vmem>> -> memref<1x80xi32, #tpu.memory_space<vmem>>
        %dma_start3A_394 = tpu.memref_squeeze %dma_start3A_393 : memref<1x80xi32, #tpu.memory_space<vmem>> -> memref<80xi32, #tpu.memory_space<vmem>>
        %dma_start3A_395 = arith.constant 0 : i32
        %dma_start3A_396 = arith.constant 0 : i32
        %dma_start3A_397 = tpu.memref_slice %arg2[%dma_start3A_395, %dma_start3A_396] : memref<10000x64xf32, #tpu.memory_space<hbm>> -> memref<10000x64xf32, #tpu.memory_space<hbm>>
        tpu.enqueue_indirect_dma source(%dma_start3A_397 : memref<10000x64xf32, #tpu.memory_space<hbm>>) target(%dma_start3A_391 : memref<80x64xf32, #tpu.memory_space<vmem>>) offsets(%dma_start3A_394 : memref<80xi32, #tpu.memory_space<vmem>>) semaphore(%arg17 : memref<!tpu.dma_semaphore, #tpu.memory_space<semaphore_mem>>)
        %dma_start3A_398 = arith.constant 3 : i32
        %dma_start3A_399 = arith.constant 0 : i32
        %dma_start3A_400 = arith.constant 0 : i32
        %dma_start3A_401 = tpu.memref_slice %arg9[%dma_start3A_398, %dma_start3A_399, %dma_start3A_400] : memref<6x80x64xf32, #tpu.memory_space<vmem>> -> memref<1x80x64xf32, #tpu.memory_space<vmem>>
        %dma_start3A_402 = tpu.memref_squeeze %dma_start3A_401 : memref<1x80x64xf32, #tpu.memory_space<vmem>> -> memref<80x64xf32, #tpu.memory_space<vmem>>
        %dma_start3A_403 = arith.constant 0 : i32
        %dma_start3A_404 = tpu.memref_slice %arg8[%add3A_373, %dma_start3A_403] : memref<250x80xi32, #tpu.memory_space<vmem>> -> memref<1x80xi32, #tpu.memory_space<vmem>>
        %dma_start3A_405 = tpu.memref_squeeze %dma_start3A_404 : memref<1x80xi32, #tpu.memory_space<vmem>> -> memref<80xi32, #tpu.memory_space<vmem>>
        %dma_start3A_406 = arith.constant 0 : i32
        %dma_start3A_407 = arith.constant 0 : i32
        %dma_start3A_408 = tpu.memref_slice %arg12[%dma_start3A_406, %dma_start3A_407] : memref<10240x64xf32, #tpu.memory_space<vmem_shared>> -> memref<10240x64xf32, #tpu.memory_space<vmem_shared>>
        tpu.enqueue_indirect_dma source(%dma_start3A_402 : memref<80x64xf32, #tpu.memory_space<vmem>>) target(%dma_start3A_408 : memref<10240x64xf32, #tpu.memory_space<vmem_shared>>) offsets(%dma_start3A_405 : memref<80xi32, #tpu.memory_space<vmem>>) semaphore(%arg19 : memref<!tpu.dma_semaphore, #tpu.memory_space<semaphore_mem>>) {add = true}
        %dma_wait3A_409 = arith.constant 3 : i32
        %dma_wait3A_410 = arith.constant 0 : i32
        %dma_wait3A_411 = arith.constant 0 : i32
        %dma_wait3A_412 = tpu.memref_slice %arg9[%dma_wait3A_409, %dma_wait3A_410, %dma_wait3A_411] : memref<6x80x64xf32, #tpu.memory_space<vmem>> -> memref<1x80x64xf32, #tpu.memory_space<vmem>>
        %dma_wait3A_413 = tpu.memref_squeeze %dma_wait3A_412 : memref<1x80x64xf32, #tpu.memory_space<vmem>> -> memref<80x64xf32, #tpu.memory_space<vmem>>
        %dma_wait3A_414 = arith.constant 0 : i32
        %dma_wait3A_415 = tpu.memref_slice %arg8[%add3A_373, %dma_wait3A_414] : memref<250x80xi32, #tpu.memory_space<vmem>> -> memref<1x80xi32, #tpu.memory_space<vmem>>
        %dma_wait3A_416 = tpu.memref_squeeze %dma_wait3A_415 : memref<1x80xi32, #tpu.memory_space<vmem>> -> memref<80xi32, #tpu.memory_space<vmem>>
        %dma_wait3A_417 = arith.constant 0 : i32
        %dma_wait3A_418 = arith.constant 0 : i32
        %dma_wait3A_419 = tpu.memref_slice %arg12[%dma_wait3A_417, %dma_wait3A_418] : memref<10240x64xf32, #tpu.memory_space<vmem_shared>> -> memref<10240x64xf32, #tpu.memory_space<vmem_shared>>
        tpu.wait_indirect_dma semaphore(%arg19 : memref<!tpu.dma_semaphore, #tpu.memory_space<semaphore_mem>>) src(%dma_wait3A_413 : memref<80x64xf32, #tpu.memory_space<vmem>>) dst(%dma_wait3A_419 : memref<10240x64xf32, #tpu.memory_space<vmem_shared>>)
        %mul3A_420 = arith.constant 6 : i32
        %mul3A_421 = arith.muli %add3A_219, %mul3A_420 : i32
        %add3A_422 = arith.constant 4 : i32
        %add3A_423 = arith.addi %mul3A_421, %add3A_422 : i32
        %dma_wait3A_424 = arith.constant 4 : i32
        %dma_wait3A_425 = arith.constant 0 : i32
        %dma_wait3A_426 = arith.constant 0 : i32
        %dma_wait3A_427 = tpu.memref_slice %arg9[%dma_wait3A_424, %dma_wait3A_425, %dma_wait3A_426] : memref<6x80x64xf32, #tpu.memory_space<vmem>> -> memref<1x80x64xf32, #tpu.memory_space<vmem>>
        %dma_wait3A_428 = tpu.memref_squeeze %dma_wait3A_427 : memref<1x80x64xf32, #tpu.memory_space<vmem>> -> memref<80x64xf32, #tpu.memory_space<vmem>>
        %dma_wait3A_429 = arith.constant 0 : i32
        %dma_wait3A_430 = tpu.memref_slice %arg7[%add3A_423, %dma_wait3A_429] : memref<250x80xi32, #tpu.memory_space<vmem>> -> memref<1x80xi32, #tpu.memory_space<vmem>>
        %dma_wait3A_431 = tpu.memref_squeeze %dma_wait3A_430 : memref<1x80xi32, #tpu.memory_space<vmem>> -> memref<80xi32, #tpu.memory_space<vmem>>
        %dma_wait3A_432 = arith.constant 0 : i32
        %dma_wait3A_433 = arith.constant 0 : i32
        %dma_wait3A_434 = tpu.memref_slice %arg2[%dma_wait3A_432, %dma_wait3A_433] : memref<10000x64xf32, #tpu.memory_space<hbm>> -> memref<10000x64xf32, #tpu.memory_space<hbm>>
        tpu.wait_indirect_dma semaphore(%arg17 : memref<!tpu.dma_semaphore, #tpu.memory_space<semaphore_mem>>) src(%dma_wait3A_434 : memref<10000x64xf32, #tpu.memory_space<hbm>>) dst(%dma_wait3A_428 : memref<80x64xf32, #tpu.memory_space<vmem>>)
        %add3A_435 = arith.constant 1 : i32
        %add3A_436 = arith.addi %add3A_423, %add3A_435 : i32
        %dma_start3A_437 = arith.constant 5 : i32
        %dma_start3A_438 = arith.constant 0 : i32
        %dma_start3A_439 = arith.constant 0 : i32
        %dma_start3A_440 = tpu.memref_slice %arg9[%dma_start3A_437, %dma_start3A_438, %dma_start3A_439] : memref<6x80x64xf32, #tpu.memory_space<vmem>> -> memref<1x80x64xf32, #tpu.memory_space<vmem>>
        %dma_start3A_441 = tpu.memref_squeeze %dma_start3A_440 : memref<1x80x64xf32, #tpu.memory_space<vmem>> -> memref<80x64xf32, #tpu.memory_space<vmem>>
        %dma_start3A_442 = arith.constant 0 : i32
        %dma_start3A_443 = tpu.memref_slice %arg7[%add3A_436, %dma_start3A_442] : memref<250x80xi32, #tpu.memory_space<vmem>> -> memref<1x80xi32, #tpu.memory_space<vmem>>
        %dma_start3A_444 = tpu.memref_squeeze %dma_start3A_443 : memref<1x80xi32, #tpu.memory_space<vmem>> -> memref<80xi32, #tpu.memory_space<vmem>>
        %dma_start3A_445 = arith.constant 0 : i32
        %dma_start3A_446 = arith.constant 0 : i32
        %dma_start3A_447 = tpu.memref_slice %arg2[%dma_start3A_445, %dma_start3A_446] : memref<10000x64xf32, #tpu.memory_space<hbm>> -> memref<10000x64xf32, #tpu.memory_space<hbm>>
        tpu.enqueue_indirect_dma source(%dma_start3A_447 : memref<10000x64xf32, #tpu.memory_space<hbm>>) target(%dma_start3A_441 : memref<80x64xf32, #tpu.memory_space<vmem>>) offsets(%dma_start3A_444 : memref<80xi32, #tpu.memory_space<vmem>>) semaphore(%arg18 : memref<!tpu.dma_semaphore, #tpu.memory_space<semaphore_mem>>)
        %dma_start3A_448 = arith.constant 4 : i32
        %dma_start3A_449 = arith.constant 0 : i32
        %dma_start3A_450 = arith.constant 0 : i32
        %dma_start3A_451 = tpu.memref_slice %arg9[%dma_start3A_448, %dma_start3A_449, %dma_start3A_450] : memref<6x80x64xf32, #tpu.memory_space<vmem>> -> memref<1x80x64xf32, #tpu.memory_space<vmem>>
        %dma_start3A_452 = tpu.memref_squeeze %dma_start3A_451 : memref<1x80x64xf32, #tpu.memory_space<vmem>> -> memref<80x64xf32, #tpu.memory_space<vmem>>
        %dma_start3A_453 = arith.constant 0 : i32
        %dma_start3A_454 = tpu.memref_slice %arg8[%add3A_423, %dma_start3A_453] : memref<250x80xi32, #tpu.memory_space<vmem>> -> memref<1x80xi32, #tpu.memory_space<vmem>>
        %dma_start3A_455 = tpu.memref_squeeze %dma_start3A_454 : memref<1x80xi32, #tpu.memory_space<vmem>> -> memref<80xi32, #tpu.memory_space<vmem>>
        %dma_start3A_456 = arith.constant 0 : i32
        %dma_start3A_457 = arith.constant 0 : i32
        %dma_start3A_458 = tpu.memref_slice %arg12[%dma_start3A_456, %dma_start3A_457] : memref<10240x64xf32, #tpu.memory_space<vmem_shared>> -> memref<10240x64xf32, #tpu.memory_space<vmem_shared>>
        tpu.enqueue_indirect_dma source(%dma_start3A_452 : memref<80x64xf32, #tpu.memory_space<vmem>>) target(%dma_start3A_458 : memref<10240x64xf32, #tpu.memory_space<vmem_shared>>) offsets(%dma_start3A_455 : memref<80xi32, #tpu.memory_space<vmem>>) semaphore(%arg19 : memref<!tpu.dma_semaphore, #tpu.memory_space<semaphore_mem>>) {add = true}
        %dma_wait3A_459 = arith.constant 4 : i32
        %dma_wait3A_460 = arith.constant 0 : i32
        %dma_wait3A_461 = arith.constant 0 : i32
        %dma_wait3A_462 = tpu.memref_slice %arg9[%dma_wait3A_459, %dma_wait3A_460, %dma_wait3A_461] : memref<6x80x64xf32, #tpu.memory_space<vmem>> -> memref<1x80x64xf32, #tpu.memory_space<vmem>>
        %dma_wait3A_463 = tpu.memref_squeeze %dma_wait3A_462 : memref<1x80x64xf32, #tpu.memory_space<vmem>> -> memref<80x64xf32, #tpu.memory_space<vmem>>
        %dma_wait3A_464 = arith.constant 0 : i32
        %dma_wait3A_465 = tpu.memref_slice %arg8[%add3A_423, %dma_wait3A_464] : memref<250x80xi32, #tpu.memory_space<vmem>> -> memref<1x80xi32, #tpu.memory_space<vmem>>
        %dma_wait3A_466 = tpu.memref_squeeze %dma_wait3A_465 : memref<1x80xi32, #tpu.memory_space<vmem>> -> memref<80xi32, #tpu.memory_space<vmem>>
        %dma_wait3A_467 = arith.constant 0 : i32
        %dma_wait3A_468 = arith.constant 0 : i32
        %dma_wait3A_469 = tpu.memref_slice %arg12[%dma_wait3A_467, %dma_wait3A_468] : memref<10240x64xf32, #tpu.memory_space<vmem_shared>> -> memref<10240x64xf32, #tpu.memory_space<vmem_shared>>
        tpu.wait_indirect_dma semaphore(%arg19 : memref<!tpu.dma_semaphore, #tpu.memory_space<semaphore_mem>>) src(%dma_wait3A_463 : memref<80x64xf32, #tpu.memory_space<vmem>>) dst(%dma_wait3A_469 : memref<10240x64xf32, #tpu.memory_space<vmem_shared>>)
        %mul3A_470 = arith.constant 6 : i32
        %mul3A_471 = arith.muli %add3A_219, %mul3A_470 : i32
        %add3A_472 = arith.constant 5 : i32
        %add3A_473 = arith.addi %mul3A_471, %add3A_472 : i32
        %dma_wait3A_474 = arith.constant 5 : i32
        %dma_wait3A_475 = arith.constant 0 : i32
        %dma_wait3A_476 = arith.constant 0 : i32
        %dma_wait3A_477 = tpu.memref_slice %arg9[%dma_wait3A_474, %dma_wait3A_475, %dma_wait3A_476] : memref<6x80x64xf32, #tpu.memory_space<vmem>> -> memref<1x80x64xf32, #tpu.memory_space<vmem>>
        %dma_wait3A_478 = tpu.memref_squeeze %dma_wait3A_477 : memref<1x80x64xf32, #tpu.memory_space<vmem>> -> memref<80x64xf32, #tpu.memory_space<vmem>>
        %dma_wait3A_479 = arith.constant 0 : i32
        %dma_wait3A_480 = tpu.memref_slice %arg7[%add3A_473, %dma_wait3A_479] : memref<250x80xi32, #tpu.memory_space<vmem>> -> memref<1x80xi32, #tpu.memory_space<vmem>>
        %dma_wait3A_481 = tpu.memref_squeeze %dma_wait3A_480 : memref<1x80xi32, #tpu.memory_space<vmem>> -> memref<80xi32, #tpu.memory_space<vmem>>
        %dma_wait3A_482 = arith.constant 0 : i32
        %dma_wait3A_483 = arith.constant 0 : i32
        %dma_wait3A_484 = tpu.memref_slice %arg2[%dma_wait3A_482, %dma_wait3A_483] : memref<10000x64xf32, #tpu.memory_space<hbm>> -> memref<10000x64xf32, #tpu.memory_space<hbm>>
        tpu.wait_indirect_dma semaphore(%arg18 : memref<!tpu.dma_semaphore, #tpu.memory_space<semaphore_mem>>) src(%dma_wait3A_484 : memref<10000x64xf32, #tpu.memory_space<hbm>>) dst(%dma_wait3A_478 : memref<80x64xf32, #tpu.memory_space<vmem>>)
        %add3A_485 = arith.constant 1 : i32
        %add3A_486 = arith.addi %add3A_473, %add3A_485 : i32
        %dma_start3A_487 = arith.constant 0 : i32
        %dma_start3A_488 = arith.constant 0 : i32
        %dma_start3A_489 = arith.constant 0 : i32
        %dma_start3A_490 = tpu.memref_slice %arg9[%dma_start3A_487, %dma_start3A_488, %dma_start3A_489] : memref<6x80x64xf32, #tpu.memory_space<vmem>> -> memref<1x80x64xf32, #tpu.memory_space<vmem>>
        %dma_start3A_491 = tpu.memref_squeeze %dma_start3A_490 : memref<1x80x64xf32, #tpu.memory_space<vmem>> -> memref<80x64xf32, #tpu.memory_space<vmem>>
        %dma_start3A_492 = arith.constant 0 : i32
        %dma_start3A_493 = tpu.memref_slice %arg7[%add3A_486, %dma_start3A_492] : memref<250x80xi32, #tpu.memory_space<vmem>> -> memref<1x80xi32, #tpu.memory_space<vmem>>
        %dma_start3A_494 = tpu.memref_squeeze %dma_start3A_493 : memref<1x80xi32, #tpu.memory_space<vmem>> -> memref<80xi32, #tpu.memory_space<vmem>>
        %dma_start3A_495 = arith.constant 0 : i32
        %dma_start3A_496 = arith.constant 0 : i32
        %dma_start3A_497 = tpu.memref_slice %arg2[%dma_start3A_495, %dma_start3A_496] : memref<10000x64xf32, #tpu.memory_space<hbm>> -> memref<10000x64xf32, #tpu.memory_space<hbm>>
        tpu.enqueue_indirect_dma source(%dma_start3A_497 : memref<10000x64xf32, #tpu.memory_space<hbm>>) target(%dma_start3A_491 : memref<80x64xf32, #tpu.memory_space<vmem>>) offsets(%dma_start3A_494 : memref<80xi32, #tpu.memory_space<vmem>>) semaphore(%arg13 : memref<!tpu.dma_semaphore, #tpu.memory_space<semaphore_mem>>)
        %dma_start3A_498 = arith.constant 5 : i32
        %dma_start3A_499 = arith.constant 0 : i32
        %dma_start3A_500 = arith.constant 0 : i32
        %dma_start3A_501 = tpu.memref_slice %arg9[%dma_start3A_498, %dma_start3A_499, %dma_start3A_500] : memref<6x80x64xf32, #tpu.memory_space<vmem>> -> memref<1x80x64xf32, #tpu.memory_space<vmem>>
        %dma_start3A_502 = tpu.memref_squeeze %dma_start3A_501 : memref<1x80x64xf32, #tpu.memory_space<vmem>> -> memref<80x64xf32, #tpu.memory_space<vmem>>
        %dma_start3A_503 = arith.constant 0 : i32
        %dma_start3A_504 = tpu.memref_slice %arg8[%add3A_473, %dma_start3A_503] : memref<250x80xi32, #tpu.memory_space<vmem>> -> memref<1x80xi32, #tpu.memory_space<vmem>>
        %dma_start3A_505 = tpu.memref_squeeze %dma_start3A_504 : memref<1x80xi32, #tpu.memory_space<vmem>> -> memref<80xi32, #tpu.memory_space<vmem>>
        %dma_start3A_506 = arith.constant 0 : i32
        %dma_start3A_507 = arith.constant 0 : i32
        %dma_start3A_508 = tpu.memref_slice %arg12[%dma_start3A_506, %dma_start3A_507] : memref<10240x64xf32, #tpu.memory_space<vmem_shared>> -> memref<10240x64xf32, #tpu.memory_space<vmem_shared>>
        tpu.enqueue_indirect_dma source(%dma_start3A_502 : memref<80x64xf32, #tpu.memory_space<vmem>>) target(%dma_start3A_508 : memref<10240x64xf32, #tpu.memory_space<vmem_shared>>) offsets(%dma_start3A_505 : memref<80xi32, #tpu.memory_space<vmem>>) semaphore(%arg19 : memref<!tpu.dma_semaphore, #tpu.memory_space<semaphore_mem>>) {add = true}
        %dma_wait3A_509 = arith.constant 5 : i32
        %dma_wait3A_510 = arith.constant 0 : i32
        %dma_wait3A_511 = arith.constant 0 : i32
        %dma_wait3A_512 = tpu.memref_slice %arg9[%dma_wait3A_509, %dma_wait3A_510, %dma_wait3A_511] : memref<6x80x64xf32, #tpu.memory_space<vmem>> -> memref<1x80x64xf32, #tpu.memory_space<vmem>>
        %dma_wait3A_513 = tpu.memref_squeeze %dma_wait3A_512 : memref<1x80x64xf32, #tpu.memory_space<vmem>> -> memref<80x64xf32, #tpu.memory_space<vmem>>
        %dma_wait3A_514 = arith.constant 0 : i32
        %dma_wait3A_515 = tpu.memref_slice %arg8[%add3A_473, %dma_wait3A_514] : memref<250x80xi32, #tpu.memory_space<vmem>> -> memref<1x80xi32, #tpu.memory_space<vmem>>
        %dma_wait3A_516 = tpu.memref_squeeze %dma_wait3A_515 : memref<1x80xi32, #tpu.memory_space<vmem>> -> memref<80xi32, #tpu.memory_space<vmem>>
        %dma_wait3A_517 = arith.constant 0 : i32
        %dma_wait3A_518 = arith.constant 0 : i32
        %dma_wait3A_519 = tpu.memref_slice %arg12[%dma_wait3A_517, %dma_wait3A_518] : memref<10240x64xf32, #tpu.memory_space<vmem_shared>> -> memref<10240x64xf32, #tpu.memory_space<vmem_shared>>
        tpu.wait_indirect_dma semaphore(%arg19 : memref<!tpu.dma_semaphore, #tpu.memory_space<semaphore_mem>>) src(%dma_wait3A_513 : memref<80x64xf32, #tpu.memory_space<vmem>>) dst(%dma_wait3A_519 : memref<10240x64xf32, #tpu.memory_space<vmem_shared>>)
      }
      %scan3A_37 = arith.constant 41 : i32
      %dma_wait3A = arith.constant 246 : i32
      %dma_wait3A_38 = arith.constant 0 : i32
      %dma_wait3A_39 = arith.constant 0 : i32
      %dma_wait3A_40 = arith.constant 0 : i32
      %dma_wait3A_41 = tpu.memref_slice %arg9[%dma_wait3A_38, %dma_wait3A_39, %dma_wait3A_40] : memref<6x80x64xf32, #tpu.memory_space<vmem>> -> memref<1x80x64xf32, #tpu.memory_space<vmem>>
      %dma_wait3A_42 = tpu.memref_squeeze %dma_wait3A_41 : memref<1x80x64xf32, #tpu.memory_space<vmem>> -> memref<80x64xf32, #tpu.memory_space<vmem>>
      %dma_wait3A_43 = arith.constant 0 : i32
      %dma_wait3A_44 = tpu.memref_slice %arg7[%dma_wait3A, %dma_wait3A_43] : memref<250x80xi32, #tpu.memory_space<vmem>> -> memref<1x80xi32, #tpu.memory_space<vmem>>
      %dma_wait3A_45 = tpu.memref_squeeze %dma_wait3A_44 : memref<1x80xi32, #tpu.memory_space<vmem>> -> memref<80xi32, #tpu.memory_space<vmem>>
      %dma_wait3A_46 = arith.constant 0 : i32
      %dma_wait3A_47 = arith.constant 0 : i32
      %dma_wait3A_48 = tpu.memref_slice %arg2[%dma_wait3A_46, %dma_wait3A_47] : memref<10000x64xf32, #tpu.memory_space<hbm>> -> memref<10000x64xf32, #tpu.memory_space<hbm>>
      tpu.wait_indirect_dma semaphore(%arg13 : memref<!tpu.dma_semaphore, #tpu.memory_space<semaphore_mem>>) src(%dma_wait3A_48 : memref<10000x64xf32, #tpu.memory_space<hbm>>) dst(%dma_wait3A_42 : memref<80x64xf32, #tpu.memory_space<vmem>>)
      %dma_start3A_49 = arith.constant 247 : i32
      %dma_start3A_50 = arith.constant 1 : i32
      %dma_start3A_51 = arith.constant 0 : i32
      %dma_start3A_52 = arith.constant 0 : i32
      %dma_start3A_53 = tpu.memref_slice %arg9[%dma_start3A_50, %dma_start3A_51, %dma_start3A_52] : memref<6x80x64xf32, #tpu.memory_space<vmem>> -> memref<1x80x64xf32, #tpu.memory_space<vmem>>
      %dma_start3A_54 = tpu.memref_squeeze %dma_start3A_53 : memref<1x80x64xf32, #tpu.memory_space<vmem>> -> memref<80x64xf32, #tpu.memory_space<vmem>>
      %dma_start3A_55 = arith.constant 0 : i32
      %dma_start3A_56 = tpu.memref_slice %arg7[%dma_start3A_49, %dma_start3A_55] : memref<250x80xi32, #tpu.memory_space<vmem>> -> memref<1x80xi32, #tpu.memory_space<vmem>>
      %dma_start3A_57 = tpu.memref_squeeze %dma_start3A_56 : memref<1x80xi32, #tpu.memory_space<vmem>> -> memref<80xi32, #tpu.memory_space<vmem>>
      %dma_start3A_58 = arith.constant 0 : i32
      %dma_start3A_59 = arith.constant 0 : i32
      %dma_start3A_60 = tpu.memref_slice %arg2[%dma_start3A_58, %dma_start3A_59] : memref<10000x64xf32, #tpu.memory_space<hbm>> -> memref<10000x64xf32, #tpu.memory_space<hbm>>
      tpu.enqueue_indirect_dma source(%dma_start3A_60 : memref<10000x64xf32, #tpu.memory_space<hbm>>) target(%dma_start3A_54 : memref<80x64xf32, #tpu.memory_space<vmem>>) offsets(%dma_start3A_57 : memref<80xi32, #tpu.memory_space<vmem>>) semaphore(%arg14 : memref<!tpu.dma_semaphore, #tpu.memory_space<semaphore_mem>>)
      %dma_start3A_61 = arith.constant 0 : i32
      %dma_start3A_62 = arith.constant 246 : i32
      %dma_start3A_63 = arith.constant 0 : i32
      %dma_start3A_64 = arith.constant 0 : i32
      %dma_start3A_65 = tpu.memref_slice %arg9[%dma_start3A_61, %dma_start3A_63, %dma_start3A_64] : memref<6x80x64xf32, #tpu.memory_space<vmem>> -> memref<1x80x64xf32, #tpu.memory_space<vmem>>
      %dma_start3A_66 = tpu.memref_squeeze %dma_start3A_65 : memref<1x80x64xf32, #tpu.memory_space<vmem>> -> memref<80x64xf32, #tpu.memory_space<vmem>>
      %dma_start3A_67 = arith.constant 0 : i32
      %dma_start3A_68 = tpu.memref_slice %arg8[%dma_start3A_62, %dma_start3A_67] : memref<250x80xi32, #tpu.memory_space<vmem>> -> memref<1x80xi32, #tpu.memory_space<vmem>>
      %dma_start3A_69 = tpu.memref_squeeze %dma_start3A_68 : memref<1x80xi32, #tpu.memory_space<vmem>> -> memref<80xi32, #tpu.memory_space<vmem>>
      %dma_start3A_70 = arith.constant 0 : i32
      %dma_start3A_71 = arith.constant 0 : i32
      %dma_start3A_72 = tpu.memref_slice %arg12[%dma_start3A_70, %dma_start3A_71] : memref<10240x64xf32, #tpu.memory_space<vmem_shared>> -> memref<10240x64xf32, #tpu.memory_space<vmem_shared>>
      tpu.enqueue_indirect_dma source(%dma_start3A_66 : memref<80x64xf32, #tpu.memory_space<vmem>>) target(%dma_start3A_72 : memref<10240x64xf32, #tpu.memory_space<vmem_shared>>) offsets(%dma_start3A_69 : memref<80xi32, #tpu.memory_space<vmem>>) semaphore(%arg19 : memref<!tpu.dma_semaphore, #tpu.memory_space<semaphore_mem>>) {add = true}
      %dma_wait3A_73 = arith.constant 0 : i32
      %dma_wait3A_74 = arith.constant 246 : i32
      %dma_wait3A_75 = arith.constant 0 : i32
      %dma_wait3A_76 = arith.constant 0 : i32
      %dma_wait3A_77 = tpu.memref_slice %arg9[%dma_wait3A_73, %dma_wait3A_75, %dma_wait3A_76] : memref<6x80x64xf32, #tpu.memory_space<vmem>> -> memref<1x80x64xf32, #tpu.memory_space<vmem>>
      %dma_wait3A_78 = tpu.memref_squeeze %dma_wait3A_77 : memref<1x80x64xf32, #tpu.memory_space<vmem>> -> memref<80x64xf32, #tpu.memory_space<vmem>>
      %dma_wait3A_79 = arith.constant 0 : i32
      %dma_wait3A_80 = tpu.memref_slice %arg8[%dma_wait3A_74, %dma_wait3A_79] : memref<250x80xi32, #tpu.memory_space<vmem>> -> memref<1x80xi32, #tpu.memory_space<vmem>>
      %dma_wait3A_81 = tpu.memref_squeeze %dma_wait3A_80 : memref<1x80xi32, #tpu.memory_space<vmem>> -> memref<80xi32, #tpu.memory_space<vmem>>
      %dma_wait3A_82 = arith.constant 0 : i32
      %dma_wait3A_83 = arith.constant 0 : i32
      %dma_wait3A_84 = tpu.memref_slice %arg12[%dma_wait3A_82, %dma_wait3A_83] : memref<10240x64xf32, #tpu.memory_space<vmem_shared>> -> memref<10240x64xf32, #tpu.memory_space<vmem_shared>>
      tpu.wait_indirect_dma semaphore(%arg19 : memref<!tpu.dma_semaphore, #tpu.memory_space<semaphore_mem>>) src(%dma_wait3A_78 : memref<80x64xf32, #tpu.memory_space<vmem>>) dst(%dma_wait3A_84 : memref<10240x64xf32, #tpu.memory_space<vmem_shared>>)
      %dma_wait3A_85 = arith.constant 247 : i32
      %dma_wait3A_86 = arith.constant 1 : i32
      %dma_wait3A_87 = arith.constant 0 : i32
      %dma_wait3A_88 = arith.constant 0 : i32
      %dma_wait3A_89 = tpu.memref_slice %arg9[%dma_wait3A_86, %dma_wait3A_87, %dma_wait3A_88] : memref<6x80x64xf32, #tpu.memory_space<vmem>> -> memref<1x80x64xf32, #tpu.memory_space<vmem>>
      %dma_wait3A_90 = tpu.memref_squeeze %dma_wait3A_89 : memref<1x80x64xf32, #tpu.memory_space<vmem>> -> memref<80x64xf32, #tpu.memory_space<vmem>>
      %dma_wait3A_91 = arith.constant 0 : i32
      %dma_wait3A_92 = tpu.memref_slice %arg7[%dma_wait3A_85, %dma_wait3A_91] : memref<250x80xi32, #tpu.memory_space<vmem>> -> memref<1x80xi32, #tpu.memory_space<vmem>>
      %dma_wait3A_93 = tpu.memref_squeeze %dma_wait3A_92 : memref<1x80xi32, #tpu.memory_space<vmem>> -> memref<80xi32, #tpu.memory_space<vmem>>
      %dma_wait3A_94 = arith.constant 0 : i32
      %dma_wait3A_95 = arith.constant 0 : i32
      %dma_wait3A_96 = tpu.memref_slice %arg2[%dma_wait3A_94, %dma_wait3A_95] : memref<10000x64xf32, #tpu.memory_space<hbm>> -> memref<10000x64xf32, #tpu.memory_space<hbm>>
      tpu.wait_indirect_dma semaphore(%arg14 : memref<!tpu.dma_semaphore, #tpu.memory_space<semaphore_mem>>) src(%dma_wait3A_96 : memref<10000x64xf32, #tpu.memory_space<hbm>>) dst(%dma_wait3A_90 : memref<80x64xf32, #tpu.memory_space<vmem>>)
      %dma_start3A_97 = arith.constant 248 : i32
      %dma_start3A_98 = arith.constant 2 : i32
      %dma_start3A_99 = arith.constant 0 : i32
      %dma_start3A_100 = arith.constant 0 : i32
      %dma_start3A_101 = tpu.memref_slice %arg9[%dma_start3A_98, %dma_start3A_99, %dma_start3A_100] : memref<6x80x64xf32, #tpu.memory_space<vmem>> -> memref<1x80x64xf32, #tpu.memory_space<vmem>>
      %dma_start3A_102 = tpu.memref_squeeze %dma_start3A_101 : memref<1x80x64xf32, #tpu.memory_space<vmem>> -> memref<80x64xf32, #tpu.memory_space<vmem>>
      %dma_start3A_103 = arith.constant 0 : i32
      %dma_start3A_104 = tpu.memref_slice %arg7[%dma_start3A_97, %dma_start3A_103] : memref<250x80xi32, #tpu.memory_space<vmem>> -> memref<1x80xi32, #tpu.memory_space<vmem>>
      %dma_start3A_105 = tpu.memref_squeeze %dma_start3A_104 : memref<1x80xi32, #tpu.memory_space<vmem>> -> memref<80xi32, #tpu.memory_space<vmem>>
      %dma_start3A_106 = arith.constant 0 : i32
      %dma_start3A_107 = arith.constant 0 : i32
      %dma_start3A_108 = tpu.memref_slice %arg2[%dma_start3A_106, %dma_start3A_107] : memref<10000x64xf32, #tpu.memory_space<hbm>> -> memref<10000x64xf32, #tpu.memory_space<hbm>>
      tpu.enqueue_indirect_dma source(%dma_start3A_108 : memref<10000x64xf32, #tpu.memory_space<hbm>>) target(%dma_start3A_102 : memref<80x64xf32, #tpu.memory_space<vmem>>) offsets(%dma_start3A_105 : memref<80xi32, #tpu.memory_space<vmem>>) semaphore(%arg15 : memref<!tpu.dma_semaphore, #tpu.memory_space<semaphore_mem>>)
      %dma_start3A_109 = arith.constant 1 : i32
      %dma_start3A_110 = arith.constant 247 : i32
      %dma_start3A_111 = arith.constant 0 : i32
      %dma_start3A_112 = arith.constant 0 : i32
      %dma_start3A_113 = tpu.memref_slice %arg9[%dma_start3A_109, %dma_start3A_111, %dma_start3A_112] : memref<6x80x64xf32, #tpu.memory_space<vmem>> -> memref<1x80x64xf32, #tpu.memory_space<vmem>>
      %dma_start3A_114 = tpu.memref_squeeze %dma_start3A_113 : memref<1x80x64xf32, #tpu.memory_space<vmem>> -> memref<80x64xf32, #tpu.memory_space<vmem>>
      %dma_start3A_115 = arith.constant 0 : i32
      %dma_start3A_116 = tpu.memref_slice %arg8[%dma_start3A_110, %dma_start3A_115] : memref<250x80xi32, #tpu.memory_space<vmem>> -> memref<1x80xi32, #tpu.memory_space<vmem>>
      %dma_start3A_117 = tpu.memref_squeeze %dma_start3A_116 : memref<1x80xi32, #tpu.memory_space<vmem>> -> memref<80xi32, #tpu.memory_space<vmem>>
      %dma_start3A_118 = arith.constant 0 : i32
      %dma_start3A_119 = arith.constant 0 : i32
      %dma_start3A_120 = tpu.memref_slice %arg12[%dma_start3A_118, %dma_start3A_119] : memref<10240x64xf32, #tpu.memory_space<vmem_shared>> -> memref<10240x64xf32, #tpu.memory_space<vmem_shared>>
      tpu.enqueue_indirect_dma source(%dma_start3A_114 : memref<80x64xf32, #tpu.memory_space<vmem>>) target(%dma_start3A_120 : memref<10240x64xf32, #tpu.memory_space<vmem_shared>>) offsets(%dma_start3A_117 : memref<80xi32, #tpu.memory_space<vmem>>) semaphore(%arg19 : memref<!tpu.dma_semaphore, #tpu.memory_space<semaphore_mem>>) {add = true}
      %dma_wait3A_121 = arith.constant 1 : i32
      %dma_wait3A_122 = arith.constant 247 : i32
      %dma_wait3A_123 = arith.constant 0 : i32
      %dma_wait3A_124 = arith.constant 0 : i32
      %dma_wait3A_125 = tpu.memref_slice %arg9[%dma_wait3A_121, %dma_wait3A_123, %dma_wait3A_124] : memref<6x80x64xf32, #tpu.memory_space<vmem>> -> memref<1x80x64xf32, #tpu.memory_space<vmem>>
      %dma_wait3A_126 = tpu.memref_squeeze %dma_wait3A_125 : memref<1x80x64xf32, #tpu.memory_space<vmem>> -> memref<80x64xf32, #tpu.memory_space<vmem>>
      %dma_wait3A_127 = arith.constant 0 : i32
      %dma_wait3A_128 = tpu.memref_slice %arg8[%dma_wait3A_122, %dma_wait3A_127] : memref<250x80xi32, #tpu.memory_space<vmem>> -> memref<1x80xi32, #tpu.memory_space<vmem>>
      %dma_wait3A_129 = tpu.memref_squeeze %dma_wait3A_128 : memref<1x80xi32, #tpu.memory_space<vmem>> -> memref<80xi32, #tpu.memory_space<vmem>>
      %dma_wait3A_130 = arith.constant 0 : i32
      %dma_wait3A_131 = arith.constant 0 : i32
      %dma_wait3A_132 = tpu.memref_slice %arg12[%dma_wait3A_130, %dma_wait3A_131] : memref<10240x64xf32, #tpu.memory_space<vmem_shared>> -> memref<10240x64xf32, #tpu.memory_space<vmem_shared>>
      tpu.wait_indirect_dma semaphore(%arg19 : memref<!tpu.dma_semaphore, #tpu.memory_space<semaphore_mem>>) src(%dma_wait3A_126 : memref<80x64xf32, #tpu.memory_space<vmem>>) dst(%dma_wait3A_132 : memref<10240x64xf32, #tpu.memory_space<vmem_shared>>)
      %dma_wait3A_133 = arith.constant 248 : i32
      %dma_wait3A_134 = arith.constant 2 : i32
      %dma_wait3A_135 = arith.constant 0 : i32
      %dma_wait3A_136 = arith.constant 0 : i32
      %dma_wait3A_137 = tpu.memref_slice %arg9[%dma_wait3A_134, %dma_wait3A_135, %dma_wait3A_136] : memref<6x80x64xf32, #tpu.memory_space<vmem>> -> memref<1x80x64xf32, #tpu.memory_space<vmem>>
      %dma_wait3A_138 = tpu.memref_squeeze %dma_wait3A_137 : memref<1x80x64xf32, #tpu.memory_space<vmem>> -> memref<80x64xf32, #tpu.memory_space<vmem>>
      %dma_wait3A_139 = arith.constant 0 : i32
      %dma_wait3A_140 = tpu.memref_slice %arg7[%dma_wait3A_133, %dma_wait3A_139] : memref<250x80xi32, #tpu.memory_space<vmem>> -> memref<1x80xi32, #tpu.memory_space<vmem>>
      %dma_wait3A_141 = tpu.memref_squeeze %dma_wait3A_140 : memref<1x80xi32, #tpu.memory_space<vmem>> -> memref<80xi32, #tpu.memory_space<vmem>>
      %dma_wait3A_142 = arith.constant 0 : i32
      %dma_wait3A_143 = arith.constant 0 : i32
      %dma_wait3A_144 = tpu.memref_slice %arg2[%dma_wait3A_142, %dma_wait3A_143] : memref<10000x64xf32, #tpu.memory_space<hbm>> -> memref<10000x64xf32, #tpu.memory_space<hbm>>
      tpu.wait_indirect_dma semaphore(%arg15 : memref<!tpu.dma_semaphore, #tpu.memory_space<semaphore_mem>>) src(%dma_wait3A_144 : memref<10000x64xf32, #tpu.memory_space<hbm>>) dst(%dma_wait3A_138 : memref<80x64xf32, #tpu.memory_space<vmem>>)
      %dma_start3A_145 = arith.constant 249 : i32
      %dma_start3A_146 = arith.constant 3 : i32
      %dma_start3A_147 = arith.constant 0 : i32
      %dma_start3A_148 = arith.constant 0 : i32
      %dma_start3A_149 = tpu.memref_slice %arg9[%dma_start3A_146, %dma_start3A_147, %dma_start3A_148] : memref<6x80x64xf32, #tpu.memory_space<vmem>> -> memref<1x80x64xf32, #tpu.memory_space<vmem>>
      %dma_start3A_150 = tpu.memref_squeeze %dma_start3A_149 : memref<1x80x64xf32, #tpu.memory_space<vmem>> -> memref<80x64xf32, #tpu.memory_space<vmem>>
      %dma_start3A_151 = arith.constant 0 : i32
      %dma_start3A_152 = tpu.memref_slice %arg7[%dma_start3A_145, %dma_start3A_151] : memref<250x80xi32, #tpu.memory_space<vmem>> -> memref<1x80xi32, #tpu.memory_space<vmem>>
      %dma_start3A_153 = tpu.memref_squeeze %dma_start3A_152 : memref<1x80xi32, #tpu.memory_space<vmem>> -> memref<80xi32, #tpu.memory_space<vmem>>
      %dma_start3A_154 = arith.constant 0 : i32
      %dma_start3A_155 = arith.constant 0 : i32
      %dma_start3A_156 = tpu.memref_slice %arg2[%dma_start3A_154, %dma_start3A_155] : memref<10000x64xf32, #tpu.memory_space<hbm>> -> memref<10000x64xf32, #tpu.memory_space<hbm>>
      tpu.enqueue_indirect_dma source(%dma_start3A_156 : memref<10000x64xf32, #tpu.memory_space<hbm>>) target(%dma_start3A_150 : memref<80x64xf32, #tpu.memory_space<vmem>>) offsets(%dma_start3A_153 : memref<80xi32, #tpu.memory_space<vmem>>) semaphore(%arg16 : memref<!tpu.dma_semaphore, #tpu.memory_space<semaphore_mem>>)
      %dma_start3A_157 = arith.constant 2 : i32
      %dma_start3A_158 = arith.constant 248 : i32
      %dma_start3A_159 = arith.constant 0 : i32
      %dma_start3A_160 = arith.constant 0 : i32
      %dma_start3A_161 = tpu.memref_slice %arg9[%dma_start3A_157, %dma_start3A_159, %dma_start3A_160] : memref<6x80x64xf32, #tpu.memory_space<vmem>> -> memref<1x80x64xf32, #tpu.memory_space<vmem>>
      %dma_start3A_162 = tpu.memref_squeeze %dma_start3A_161 : memref<1x80x64xf32, #tpu.memory_space<vmem>> -> memref<80x64xf32, #tpu.memory_space<vmem>>
      %dma_start3A_163 = arith.constant 0 : i32
      %dma_start3A_164 = tpu.memref_slice %arg8[%dma_start3A_158, %dma_start3A_163] : memref<250x80xi32, #tpu.memory_space<vmem>> -> memref<1x80xi32, #tpu.memory_space<vmem>>
      %dma_start3A_165 = tpu.memref_squeeze %dma_start3A_164 : memref<1x80xi32, #tpu.memory_space<vmem>> -> memref<80xi32, #tpu.memory_space<vmem>>
      %dma_start3A_166 = arith.constant 0 : i32
      %dma_start3A_167 = arith.constant 0 : i32
      %dma_start3A_168 = tpu.memref_slice %arg12[%dma_start3A_166, %dma_start3A_167] : memref<10240x64xf32, #tpu.memory_space<vmem_shared>> -> memref<10240x64xf32, #tpu.memory_space<vmem_shared>>
      tpu.enqueue_indirect_dma source(%dma_start3A_162 : memref<80x64xf32, #tpu.memory_space<vmem>>) target(%dma_start3A_168 : memref<10240x64xf32, #tpu.memory_space<vmem_shared>>) offsets(%dma_start3A_165 : memref<80xi32, #tpu.memory_space<vmem>>) semaphore(%arg19 : memref<!tpu.dma_semaphore, #tpu.memory_space<semaphore_mem>>) {add = true}
      %dma_wait3A_169 = arith.constant 2 : i32
      %dma_wait3A_170 = arith.constant 248 : i32
      %dma_wait3A_171 = arith.constant 0 : i32
      %dma_wait3A_172 = arith.constant 0 : i32
      %dma_wait3A_173 = tpu.memref_slice %arg9[%dma_wait3A_169, %dma_wait3A_171, %dma_wait3A_172] : memref<6x80x64xf32, #tpu.memory_space<vmem>> -> memref<1x80x64xf32, #tpu.memory_space<vmem>>
      %dma_wait3A_174 = tpu.memref_squeeze %dma_wait3A_173 : memref<1x80x64xf32, #tpu.memory_space<vmem>> -> memref<80x64xf32, #tpu.memory_space<vmem>>
      %dma_wait3A_175 = arith.constant 0 : i32
      %dma_wait3A_176 = tpu.memref_slice %arg8[%dma_wait3A_170, %dma_wait3A_175] : memref<250x80xi32, #tpu.memory_space<vmem>> -> memref<1x80xi32, #tpu.memory_space<vmem>>
      %dma_wait3A_177 = tpu.memref_squeeze %dma_wait3A_176 : memref<1x80xi32, #tpu.memory_space<vmem>> -> memref<80xi32, #tpu.memory_space<vmem>>
      %dma_wait3A_178 = arith.constant 0 : i32
      %dma_wait3A_179 = arith.constant 0 : i32
      %dma_wait3A_180 = tpu.memref_slice %arg12[%dma_wait3A_178, %dma_wait3A_179] : memref<10240x64xf32, #tpu.memory_space<vmem_shared>> -> memref<10240x64xf32, #tpu.memory_space<vmem_shared>>
      tpu.wait_indirect_dma semaphore(%arg19 : memref<!tpu.dma_semaphore, #tpu.memory_space<semaphore_mem>>) src(%dma_wait3A_174 : memref<80x64xf32, #tpu.memory_space<vmem>>) dst(%dma_wait3A_180 : memref<10240x64xf32, #tpu.memory_space<vmem_shared>>)
      %dma_wait3A_181 = arith.constant 249 : i32
      %dma_wait3A_182 = arith.constant 3 : i32
      %dma_wait3A_183 = arith.constant 0 : i32
      %dma_wait3A_184 = arith.constant 0 : i32
      %dma_wait3A_185 = tpu.memref_slice %arg9[%dma_wait3A_182, %dma_wait3A_183, %dma_wait3A_184] : memref<6x80x64xf32, #tpu.memory_space<vmem>> -> memref<1x80x64xf32, #tpu.memory_space<vmem>>
      %dma_wait3A_186 = tpu.memref_squeeze %dma_wait3A_185 : memref<1x80x64xf32, #tpu.memory_space<vmem>> -> memref<80x64xf32, #tpu.memory_space<vmem>>
      %dma_wait3A_187 = arith.constant 0 : i32
      %dma_wait3A_188 = tpu.memref_slice %arg7[%dma_wait3A_181, %dma_wait3A_187] : memref<250x80xi32, #tpu.memory_space<vmem>> -> memref<1x80xi32, #tpu.memory_space<vmem>>
      %dma_wait3A_189 = tpu.memref_squeeze %dma_wait3A_188 : memref<1x80xi32, #tpu.memory_space<vmem>> -> memref<80xi32, #tpu.memory_space<vmem>>
      %dma_wait3A_190 = arith.constant 0 : i32
      %dma_wait3A_191 = arith.constant 0 : i32
      %dma_wait3A_192 = tpu.memref_slice %arg2[%dma_wait3A_190, %dma_wait3A_191] : memref<10000x64xf32, #tpu.memory_space<hbm>> -> memref<10000x64xf32, #tpu.memory_space<hbm>>
      tpu.wait_indirect_dma semaphore(%arg16 : memref<!tpu.dma_semaphore, #tpu.memory_space<semaphore_mem>>) src(%dma_wait3A_192 : memref<10000x64xf32, #tpu.memory_space<hbm>>) dst(%dma_wait3A_186 : memref<80x64xf32, #tpu.memory_space<vmem>>)
      %dma_start3A_193 = arith.constant 3 : i32
      %dma_start3A_194 = arith.constant 249 : i32
      %dma_start3A_195 = arith.constant 0 : i32
      %dma_start3A_196 = arith.constant 0 : i32
      %dma_start3A_197 = tpu.memref_slice %arg9[%dma_start3A_193, %dma_start3A_195, %dma_start3A_196] : memref<6x80x64xf32, #tpu.memory_space<vmem>> -> memref<1x80x64xf32, #tpu.memory_space<vmem>>
      %dma_start3A_198 = tpu.memref_squeeze %dma_start3A_197 : memref<1x80x64xf32, #tpu.memory_space<vmem>> -> memref<80x64xf32, #tpu.memory_space<vmem>>
      %dma_start3A_199 = arith.constant 0 : i32
      %dma_start3A_200 = tpu.memref_slice %arg8[%dma_start3A_194, %dma_start3A_199] : memref<250x80xi32, #tpu.memory_space<vmem>> -> memref<1x80xi32, #tpu.memory_space<vmem>>
      %dma_start3A_201 = tpu.memref_squeeze %dma_start3A_200 : memref<1x80xi32, #tpu.memory_space<vmem>> -> memref<80xi32, #tpu.memory_space<vmem>>
      %dma_start3A_202 = arith.constant 0 : i32
      %dma_start3A_203 = arith.constant 0 : i32
      %dma_start3A_204 = tpu.memref_slice %arg12[%dma_start3A_202, %dma_start3A_203] : memref<10240x64xf32, #tpu.memory_space<vmem_shared>> -> memref<10240x64xf32, #tpu.memory_space<vmem_shared>>
      tpu.enqueue_indirect_dma source(%dma_start3A_198 : memref<80x64xf32, #tpu.memory_space<vmem>>) target(%dma_start3A_204 : memref<10240x64xf32, #tpu.memory_space<vmem_shared>>) offsets(%dma_start3A_201 : memref<80xi32, #tpu.memory_space<vmem>>) semaphore(%arg19 : memref<!tpu.dma_semaphore, #tpu.memory_space<semaphore_mem>>) {add = true}
      %dma_wait3A_205 = arith.constant 3 : i32
      %dma_wait3A_206 = arith.constant 249 : i32
      %dma_wait3A_207 = arith.constant 0 : i32
      %dma_wait3A_208 = arith.constant 0 : i32
      %dma_wait3A_209 = tpu.memref_slice %arg9[%dma_wait3A_205, %dma_wait3A_207, %dma_wait3A_208] : memref<6x80x64xf32, #tpu.memory_space<vmem>> -> memref<1x80x64xf32, #tpu.memory_space<vmem>>
      %dma_wait3A_210 = tpu.memref_squeeze %dma_wait3A_209 : memref<1x80x64xf32, #tpu.memory_space<vmem>> -> memref<80x64xf32, #tpu.memory_space<vmem>>
      %dma_wait3A_211 = arith.constant 0 : i32
      %dma_wait3A_212 = tpu.memref_slice %arg8[%dma_wait3A_206, %dma_wait3A_211] : memref<250x80xi32, #tpu.memory_space<vmem>> -> memref<1x80xi32, #tpu.memory_space<vmem>>
      %dma_wait3A_213 = tpu.memref_squeeze %dma_wait3A_212 : memref<1x80xi32, #tpu.memory_space<vmem>> -> memref<80xi32, #tpu.memory_space<vmem>>
      %dma_wait3A_214 = arith.constant 0 : i32
      %dma_wait3A_215 = arith.constant 0 : i32
      %dma_wait3A_216 = tpu.memref_slice %arg12[%dma_wait3A_214, %dma_wait3A_215] : memref<10240x64xf32, #tpu.memory_space<vmem_shared>> -> memref<10240x64xf32, #tpu.memory_space<vmem_shared>>
      tpu.wait_indirect_dma semaphore(%arg19 : memref<!tpu.dma_semaphore, #tpu.memory_space<semaphore_mem>>) src(%dma_wait3A_210 : memref<80x64xf32, #tpu.memory_space<vmem>>) dst(%dma_wait3A_216 : memref<10240x64xf32, #tpu.memory_space<vmem_shared>>)
    } else {
    }
    %eq3A_11 = arith.constant 1 : i32
    %eq3A_12 = arith.cmpi eq, %arg0, %eq3A_11 : i32
    %convert_element_type3A_13 = arith.extui %eq3A_12 : i1 to i32
    %cond3A_14 = arith.constant 0 : i32
    %cond3A_15 = arith.cmpi ne, %convert_element_type3A_13, %cond3A_14 : i32
    scf.if %cond3A_15 {
      %dma_start3A = arith.constant 0 : i32
      %dma_start3A_22 = arith.constant 0 : i32
      %dma_start3A_23 = arith.constant 0 : i32
      %dma_start3A_24 = arith.constant 0 : i32
      %dma_start3A_25 = tpu.memref_slice %arg9[%dma_start3A_22, %dma_start3A_23, %dma_start3A_24] : memref<6x80x64xf32, #tpu.memory_space<vmem>> -> memref<1x80x64xf32, #tpu.memory_space<vmem>>
      %dma_start3A_26 = tpu.memref_squeeze %dma_start3A_25 : memref<1x80x64xf32, #tpu.memory_space<vmem>> -> memref<80x64xf32, #tpu.memory_space<vmem>>
      %dma_start3A_27 = arith.constant 0 : i32
      %dma_start3A_28 = tpu.memref_slice %arg7[%dma_start3A, %dma_start3A_27] : memref<250x80xi32, #tpu.memory_space<vmem>> -> memref<1x80xi32, #tpu.memory_space<vmem>>
      %dma_start3A_29 = tpu.memref_squeeze %dma_start3A_28 : memref<1x80xi32, #tpu.memory_space<vmem>> -> memref<80xi32, #tpu.memory_space<vmem>>
      %dma_start3A_30 = arith.constant 0 : i32
      %dma_start3A_31 = arith.constant 0 : i32
      %dma_start3A_32 = tpu.memref_slice %arg3[%dma_start3A_30, %dma_start3A_31] : memref<10000x64xf32, #tpu.memory_space<hbm>> -> memref<10000x64xf32, #tpu.memory_space<hbm>>
      tpu.enqueue_indirect_dma source(%dma_start3A_32 : memref<10000x64xf32, #tpu.memory_space<hbm>>) target(%dma_start3A_26 : memref<80x64xf32, #tpu.memory_space<vmem>>) offsets(%dma_start3A_29 : memref<80xi32, #tpu.memory_space<vmem>>) semaphore(%arg13 : memref<!tpu.dma_semaphore, #tpu.memory_space<semaphore_mem>>)
      %scan3A_33 = arith.constant 0 : i32
      %scan3A_34 = arith.constant 41 : i32
      %scan3A_35 = arith.addi %scan3A_33, %scan3A_34 : i32
      %scan3A_36 = arith.constant 1 : i32
      scf.for %scan3A_217 = %scan3A_33 to %scan3A_35 step %scan3A_36  : i32 {
        %mul3A = arith.constant 1 : i32
        %mul3A_218 = arith.muli %scan3A_217, %mul3A : i32
        %add3A = arith.constant 0 : i32
        %add3A_219 = arith.addi %add3A, %mul3A_218 : i32
        %mul3A_220 = arith.constant 6 : i32
        %mul3A_221 = arith.muli %add3A_219, %mul3A_220 : i32
        %add3A_222 = arith.constant 0 : i32
        %add3A_223 = arith.addi %mul3A_221, %add3A_222 : i32
        %dma_wait3A_224 = arith.constant 0 : i32
        %dma_wait3A_225 = arith.constant 0 : i32
        %dma_wait3A_226 = arith.constant 0 : i32
        %dma_wait3A_227 = tpu.memref_slice %arg9[%dma_wait3A_224, %dma_wait3A_225, %dma_wait3A_226] : memref<6x80x64xf32, #tpu.memory_space<vmem>> -> memref<1x80x64xf32, #tpu.memory_space<vmem>>
        %dma_wait3A_228 = tpu.memref_squeeze %dma_wait3A_227 : memref<1x80x64xf32, #tpu.memory_space<vmem>> -> memref<80x64xf32, #tpu.memory_space<vmem>>
        %dma_wait3A_229 = arith.constant 0 : i32
        %dma_wait3A_230 = tpu.memref_slice %arg7[%add3A_223, %dma_wait3A_229] : memref<250x80xi32, #tpu.memory_space<vmem>> -> memref<1x80xi32, #tpu.memory_space<vmem>>
        %dma_wait3A_231 = tpu.memref_squeeze %dma_wait3A_230 : memref<1x80xi32, #tpu.memory_space<vmem>> -> memref<80xi32, #tpu.memory_space<vmem>>
        %dma_wait3A_232 = arith.constant 0 : i32
        %dma_wait3A_233 = arith.constant 0 : i32
        %dma_wait3A_234 = tpu.memref_slice %arg3[%dma_wait3A_232, %dma_wait3A_233] : memref<10000x64xf32, #tpu.memory_space<hbm>> -> memref<10000x64xf32, #tpu.memory_space<hbm>>
        tpu.wait_indirect_dma semaphore(%arg13 : memref<!tpu.dma_semaphore, #tpu.memory_space<semaphore_mem>>) src(%dma_wait3A_234 : memref<10000x64xf32, #tpu.memory_space<hbm>>) dst(%dma_wait3A_228 : memref<80x64xf32, #tpu.memory_space<vmem>>)
        %add3A_235 = arith.constant 1 : i32
        %add3A_236 = arith.addi %add3A_223, %add3A_235 : i32
        %dma_start3A_237 = arith.constant 1 : i32
        %dma_start3A_238 = arith.constant 0 : i32
        %dma_start3A_239 = arith.constant 0 : i32
        %dma_start3A_240 = tpu.memref_slice %arg9[%dma_start3A_237, %dma_start3A_238, %dma_start3A_239] : memref<6x80x64xf32, #tpu.memory_space<vmem>> -> memref<1x80x64xf32, #tpu.memory_space<vmem>>
        %dma_start3A_241 = tpu.memref_squeeze %dma_start3A_240 : memref<1x80x64xf32, #tpu.memory_space<vmem>> -> memref<80x64xf32, #tpu.memory_space<vmem>>
        %dma_start3A_242 = arith.constant 0 : i32
        %dma_start3A_243 = tpu.memref_slice %arg7[%add3A_236, %dma_start3A_242] : memref<250x80xi32, #tpu.memory_space<vmem>> -> memref<1x80xi32, #tpu.memory_space<vmem>>
        %dma_start3A_244 = tpu.memref_squeeze %dma_start3A_243 : memref<1x80xi32, #tpu.memory_space<vmem>> -> memref<80xi32, #tpu.memory_space<vmem>>
        %dma_start3A_245 = arith.constant 0 : i32
        %dma_start3A_246 = arith.constant 0 : i32
        %dma_start3A_247 = tpu.memref_slice %arg3[%dma_start3A_245, %dma_start3A_246] : memref<10000x64xf32, #tpu.memory_space<hbm>> -> memref<10000x64xf32, #tpu.memory_space<hbm>>
        tpu.enqueue_indirect_dma source(%dma_start3A_247 : memref<10000x64xf32, #tpu.memory_space<hbm>>) target(%dma_start3A_241 : memref<80x64xf32, #tpu.memory_space<vmem>>) offsets(%dma_start3A_244 : memref<80xi32, #tpu.memory_space<vmem>>) semaphore(%arg14 : memref<!tpu.dma_semaphore, #tpu.memory_space<semaphore_mem>>)
        %dma_start3A_248 = arith.constant 0 : i32
        %dma_start3A_249 = arith.constant 0 : i32
        %dma_start3A_250 = arith.constant 0 : i32
        %dma_start3A_251 = tpu.memref_slice %arg9[%dma_start3A_248, %dma_start3A_249, %dma_start3A_250] : memref<6x80x64xf32, #tpu.memory_space<vmem>> -> memref<1x80x64xf32, #tpu.memory_space<vmem>>
        %dma_start3A_252 = tpu.memref_squeeze %dma_start3A_251 : memref<1x80x64xf32, #tpu.memory_space<vmem>> -> memref<80x64xf32, #tpu.memory_space<vmem>>
        %dma_start3A_253 = arith.constant 0 : i32
        %dma_start3A_254 = tpu.memref_slice %arg8[%add3A_223, %dma_start3A_253] : memref<250x80xi32, #tpu.memory_space<vmem>> -> memref<1x80xi32, #tpu.memory_space<vmem>>
        %dma_start3A_255 = tpu.memref_squeeze %dma_start3A_254 : memref<1x80xi32, #tpu.memory_space<vmem>> -> memref<80xi32, #tpu.memory_space<vmem>>
        %dma_start3A_256 = arith.constant 0 : i32
        %dma_start3A_257 = arith.constant 0 : i32
        %dma_start3A_258 = tpu.memref_slice %arg12[%dma_start3A_256, %dma_start3A_257] : memref<10240x64xf32, #tpu.memory_space<vmem_shared>> -> memref<10240x64xf32, #tpu.memory_space<vmem_shared>>
        tpu.enqueue_indirect_dma source(%dma_start3A_252 : memref<80x64xf32, #tpu.memory_space<vmem>>) target(%dma_start3A_258 : memref<10240x64xf32, #tpu.memory_space<vmem_shared>>) offsets(%dma_start3A_255 : memref<80xi32, #tpu.memory_space<vmem>>) semaphore(%arg19 : memref<!tpu.dma_semaphore, #tpu.memory_space<semaphore_mem>>) {add = true}
        %dma_wait3A_259 = arith.constant 0 : i32
        %dma_wait3A_260 = arith.constant 0 : i32
        %dma_wait3A_261 = arith.constant 0 : i32
        %dma_wait3A_262 = tpu.memref_slice %arg9[%dma_wait3A_259, %dma_wait3A_260, %dma_wait3A_261] : memref<6x80x64xf32, #tpu.memory_space<vmem>> -> memref<1x80x64xf32, #tpu.memory_space<vmem>>
        %dma_wait3A_263 = tpu.memref_squeeze %dma_wait3A_262 : memref<1x80x64xf32, #tpu.memory_space<vmem>> -> memref<80x64xf32, #tpu.memory_space<vmem>>
        %dma_wait3A_264 = arith.constant 0 : i32
        %dma_wait3A_265 = tpu.memref_slice %arg8[%add3A_223, %dma_wait3A_264] : memref<250x80xi32, #tpu.memory_space<vmem>> -> memref<1x80xi32, #tpu.memory_space<vmem>>
        %dma_wait3A_266 = tpu.memref_squeeze %dma_wait3A_265 : memref<1x80xi32, #tpu.memory_space<vmem>> -> memref<80xi32, #tpu.memory_space<vmem>>
        %dma_wait3A_267 = arith.constant 0 : i32
        %dma_wait3A_268 = arith.constant 0 : i32
        %dma_wait3A_269 = tpu.memref_slice %arg12[%dma_wait3A_267, %dma_wait3A_268] : memref<10240x64xf32, #tpu.memory_space<vmem_shared>> -> memref<10240x64xf32, #tpu.memory_space<vmem_shared>>
        tpu.wait_indirect_dma semaphore(%arg19 : memref<!tpu.dma_semaphore, #tpu.memory_space<semaphore_mem>>) src(%dma_wait3A_263 : memref<80x64xf32, #tpu.memory_space<vmem>>) dst(%dma_wait3A_269 : memref<10240x64xf32, #tpu.memory_space<vmem_shared>>)
        %mul3A_270 = arith.constant 6 : i32
        %mul3A_271 = arith.muli %add3A_219, %mul3A_270 : i32
        %add3A_272 = arith.constant 1 : i32
        %add3A_273 = arith.addi %mul3A_271, %add3A_272 : i32
        %dma_wait3A_274 = arith.constant 1 : i32
        %dma_wait3A_275 = arith.constant 0 : i32
        %dma_wait3A_276 = arith.constant 0 : i32
        %dma_wait3A_277 = tpu.memref_slice %arg9[%dma_wait3A_274, %dma_wait3A_275, %dma_wait3A_276] : memref<6x80x64xf32, #tpu.memory_space<vmem>> -> memref<1x80x64xf32, #tpu.memory_space<vmem>>
        %dma_wait3A_278 = tpu.memref_squeeze %dma_wait3A_277 : memref<1x80x64xf32, #tpu.memory_space<vmem>> -> memref<80x64xf32, #tpu.memory_space<vmem>>
        %dma_wait3A_279 = arith.constant 0 : i32
        %dma_wait3A_280 = tpu.memref_slice %arg7[%add3A_273, %dma_wait3A_279] : memref<250x80xi32, #tpu.memory_space<vmem>> -> memref<1x80xi32, #tpu.memory_space<vmem>>
        %dma_wait3A_281 = tpu.memref_squeeze %dma_wait3A_280 : memref<1x80xi32, #tpu.memory_space<vmem>> -> memref<80xi32, #tpu.memory_space<vmem>>
        %dma_wait3A_282 = arith.constant 0 : i32
        %dma_wait3A_283 = arith.constant 0 : i32
        %dma_wait3A_284 = tpu.memref_slice %arg3[%dma_wait3A_282, %dma_wait3A_283] : memref<10000x64xf32, #tpu.memory_space<hbm>> -> memref<10000x64xf32, #tpu.memory_space<hbm>>
        tpu.wait_indirect_dma semaphore(%arg14 : memref<!tpu.dma_semaphore, #tpu.memory_space<semaphore_mem>>) src(%dma_wait3A_284 : memref<10000x64xf32, #tpu.memory_space<hbm>>) dst(%dma_wait3A_278 : memref<80x64xf32, #tpu.memory_space<vmem>>)
        %add3A_285 = arith.constant 1 : i32
        %add3A_286 = arith.addi %add3A_273, %add3A_285 : i32
        %dma_start3A_287 = arith.constant 2 : i32
        %dma_start3A_288 = arith.constant 0 : i32
        %dma_start3A_289 = arith.constant 0 : i32
        %dma_start3A_290 = tpu.memref_slice %arg9[%dma_start3A_287, %dma_start3A_288, %dma_start3A_289] : memref<6x80x64xf32, #tpu.memory_space<vmem>> -> memref<1x80x64xf32, #tpu.memory_space<vmem>>
        %dma_start3A_291 = tpu.memref_squeeze %dma_start3A_290 : memref<1x80x64xf32, #tpu.memory_space<vmem>> -> memref<80x64xf32, #tpu.memory_space<vmem>>
        %dma_start3A_292 = arith.constant 0 : i32
        %dma_start3A_293 = tpu.memref_slice %arg7[%add3A_286, %dma_start3A_292] : memref<250x80xi32, #tpu.memory_space<vmem>> -> memref<1x80xi32, #tpu.memory_space<vmem>>
        %dma_start3A_294 = tpu.memref_squeeze %dma_start3A_293 : memref<1x80xi32, #tpu.memory_space<vmem>> -> memref<80xi32, #tpu.memory_space<vmem>>
        %dma_start3A_295 = arith.constant 0 : i32
        %dma_start3A_296 = arith.constant 0 : i32
        %dma_start3A_297 = tpu.memref_slice %arg3[%dma_start3A_295, %dma_start3A_296] : memref<10000x64xf32, #tpu.memory_space<hbm>> -> memref<10000x64xf32, #tpu.memory_space<hbm>>
        tpu.enqueue_indirect_dma source(%dma_start3A_297 : memref<10000x64xf32, #tpu.memory_space<hbm>>) target(%dma_start3A_291 : memref<80x64xf32, #tpu.memory_space<vmem>>) offsets(%dma_start3A_294 : memref<80xi32, #tpu.memory_space<vmem>>) semaphore(%arg15 : memref<!tpu.dma_semaphore, #tpu.memory_space<semaphore_mem>>)
        %dma_start3A_298 = arith.constant 1 : i32
        %dma_start3A_299 = arith.constant 0 : i32
        %dma_start3A_300 = arith.constant 0 : i32
        %dma_start3A_301 = tpu.memref_slice %arg9[%dma_start3A_298, %dma_start3A_299, %dma_start3A_300] : memref<6x80x64xf32, #tpu.memory_space<vmem>> -> memref<1x80x64xf32, #tpu.memory_space<vmem>>
        %dma_start3A_302 = tpu.memref_squeeze %dma_start3A_301 : memref<1x80x64xf32, #tpu.memory_space<vmem>> -> memref<80x64xf32, #tpu.memory_space<vmem>>
        %dma_start3A_303 = arith.constant 0 : i32
        %dma_start3A_304 = tpu.memref_slice %arg8[%add3A_273, %dma_start3A_303] : memref<250x80xi32, #tpu.memory_space<vmem>> -> memref<1x80xi32, #tpu.memory_space<vmem>>
        %dma_start3A_305 = tpu.memref_squeeze %dma_start3A_304 : memref<1x80xi32, #tpu.memory_space<vmem>> -> memref<80xi32, #tpu.memory_space<vmem>>
        %dma_start3A_306 = arith.constant 0 : i32
        %dma_start3A_307 = arith.constant 0 : i32
        %dma_start3A_308 = tpu.memref_slice %arg12[%dma_start3A_306, %dma_start3A_307] : memref<10240x64xf32, #tpu.memory_space<vmem_shared>> -> memref<10240x64xf32, #tpu.memory_space<vmem_shared>>
        tpu.enqueue_indirect_dma source(%dma_start3A_302 : memref<80x64xf32, #tpu.memory_space<vmem>>) target(%dma_start3A_308 : memref<10240x64xf32, #tpu.memory_space<vmem_shared>>) offsets(%dma_start3A_305 : memref<80xi32, #tpu.memory_space<vmem>>) semaphore(%arg19 : memref<!tpu.dma_semaphore, #tpu.memory_space<semaphore_mem>>) {add = true}
        %dma_wait3A_309 = arith.constant 1 : i32
        %dma_wait3A_310 = arith.constant 0 : i32
        %dma_wait3A_311 = arith.constant 0 : i32
        %dma_wait3A_312 = tpu.memref_slice %arg9[%dma_wait3A_309, %dma_wait3A_310, %dma_wait3A_311] : memref<6x80x64xf32, #tpu.memory_space<vmem>> -> memref<1x80x64xf32, #tpu.memory_space<vmem>>
        %dma_wait3A_313 = tpu.memref_squeeze %dma_wait3A_312 : memref<1x80x64xf32, #tpu.memory_space<vmem>> -> memref<80x64xf32, #tpu.memory_space<vmem>>
        %dma_wait3A_314 = arith.constant 0 : i32
        %dma_wait3A_315 = tpu.memref_slice %arg8[%add3A_273, %dma_wait3A_314] : memref<250x80xi32, #tpu.memory_space<vmem>> -> memref<1x80xi32, #tpu.memory_space<vmem>>
        %dma_wait3A_316 = tpu.memref_squeeze %dma_wait3A_315 : memref<1x80xi32, #tpu.memory_space<vmem>> -> memref<80xi32, #tpu.memory_space<vmem>>
        %dma_wait3A_317 = arith.constant 0 : i32
        %dma_wait3A_318 = arith.constant 0 : i32
        %dma_wait3A_319 = tpu.memref_slice %arg12[%dma_wait3A_317, %dma_wait3A_318] : memref<10240x64xf32, #tpu.memory_space<vmem_shared>> -> memref<10240x64xf32, #tpu.memory_space<vmem_shared>>
        tpu.wait_indirect_dma semaphore(%arg19 : memref<!tpu.dma_semaphore, #tpu.memory_space<semaphore_mem>>) src(%dma_wait3A_313 : memref<80x64xf32, #tpu.memory_space<vmem>>) dst(%dma_wait3A_319 : memref<10240x64xf32, #tpu.memory_space<vmem_shared>>)
        %mul3A_320 = arith.constant 6 : i32
        %mul3A_321 = arith.muli %add3A_219, %mul3A_320 : i32
        %add3A_322 = arith.constant 2 : i32
        %add3A_323 = arith.addi %mul3A_321, %add3A_322 : i32
        %dma_wait3A_324 = arith.constant 2 : i32
        %dma_wait3A_325 = arith.constant 0 : i32
        %dma_wait3A_326 = arith.constant 0 : i32
        %dma_wait3A_327 = tpu.memref_slice %arg9[%dma_wait3A_324, %dma_wait3A_325, %dma_wait3A_326] : memref<6x80x64xf32, #tpu.memory_space<vmem>> -> memref<1x80x64xf32, #tpu.memory_space<vmem>>
        %dma_wait3A_328 = tpu.memref_squeeze %dma_wait3A_327 : memref<1x80x64xf32, #tpu.memory_space<vmem>> -> memref<80x64xf32, #tpu.memory_space<vmem>>
        %dma_wait3A_329 = arith.constant 0 : i32
        %dma_wait3A_330 = tpu.memref_slice %arg7[%add3A_323, %dma_wait3A_329] : memref<250x80xi32, #tpu.memory_space<vmem>> -> memref<1x80xi32, #tpu.memory_space<vmem>>
        %dma_wait3A_331 = tpu.memref_squeeze %dma_wait3A_330 : memref<1x80xi32, #tpu.memory_space<vmem>> -> memref<80xi32, #tpu.memory_space<vmem>>
        %dma_wait3A_332 = arith.constant 0 : i32
        %dma_wait3A_333 = arith.constant 0 : i32
        %dma_wait3A_334 = tpu.memref_slice %arg3[%dma_wait3A_332, %dma_wait3A_333] : memref<10000x64xf32, #tpu.memory_space<hbm>> -> memref<10000x64xf32, #tpu.memory_space<hbm>>
        tpu.wait_indirect_dma semaphore(%arg15 : memref<!tpu.dma_semaphore, #tpu.memory_space<semaphore_mem>>) src(%dma_wait3A_334 : memref<10000x64xf32, #tpu.memory_space<hbm>>) dst(%dma_wait3A_328 : memref<80x64xf32, #tpu.memory_space<vmem>>)
        %add3A_335 = arith.constant 1 : i32
        %add3A_336 = arith.addi %add3A_323, %add3A_335 : i32
        %dma_start3A_337 = arith.constant 3 : i32
        %dma_start3A_338 = arith.constant 0 : i32
        %dma_start3A_339 = arith.constant 0 : i32
        %dma_start3A_340 = tpu.memref_slice %arg9[%dma_start3A_337, %dma_start3A_338, %dma_start3A_339] : memref<6x80x64xf32, #tpu.memory_space<vmem>> -> memref<1x80x64xf32, #tpu.memory_space<vmem>>
        %dma_start3A_341 = tpu.memref_squeeze %dma_start3A_340 : memref<1x80x64xf32, #tpu.memory_space<vmem>> -> memref<80x64xf32, #tpu.memory_space<vmem>>
        %dma_start3A_342 = arith.constant 0 : i32
        %dma_start3A_343 = tpu.memref_slice %arg7[%add3A_336, %dma_start3A_342] : memref<250x80xi32, #tpu.memory_space<vmem>> -> memref<1x80xi32, #tpu.memory_space<vmem>>
        %dma_start3A_344 = tpu.memref_squeeze %dma_start3A_343 : memref<1x80xi32, #tpu.memory_space<vmem>> -> memref<80xi32, #tpu.memory_space<vmem>>
        %dma_start3A_345 = arith.constant 0 : i32
        %dma_start3A_346 = arith.constant 0 : i32
        %dma_start3A_347 = tpu.memref_slice %arg3[%dma_start3A_345, %dma_start3A_346] : memref<10000x64xf32, #tpu.memory_space<hbm>> -> memref<10000x64xf32, #tpu.memory_space<hbm>>
        tpu.enqueue_indirect_dma source(%dma_start3A_347 : memref<10000x64xf32, #tpu.memory_space<hbm>>) target(%dma_start3A_341 : memref<80x64xf32, #tpu.memory_space<vmem>>) offsets(%dma_start3A_344 : memref<80xi32, #tpu.memory_space<vmem>>) semaphore(%arg16 : memref<!tpu.dma_semaphore, #tpu.memory_space<semaphore_mem>>)
        %dma_start3A_348 = arith.constant 2 : i32
        %dma_start3A_349 = arith.constant 0 : i32
        %dma_start3A_350 = arith.constant 0 : i32
        %dma_start3A_351 = tpu.memref_slice %arg9[%dma_start3A_348, %dma_start3A_349, %dma_start3A_350] : memref<6x80x64xf32, #tpu.memory_space<vmem>> -> memref<1x80x64xf32, #tpu.memory_space<vmem>>
        %dma_start3A_352 = tpu.memref_squeeze %dma_start3A_351 : memref<1x80x64xf32, #tpu.memory_space<vmem>> -> memref<80x64xf32, #tpu.memory_space<vmem>>
        %dma_start3A_353 = arith.constant 0 : i32
        %dma_start3A_354 = tpu.memref_slice %arg8[%add3A_323, %dma_start3A_353] : memref<250x80xi32, #tpu.memory_space<vmem>> -> memref<1x80xi32, #tpu.memory_space<vmem>>
        %dma_start3A_355 = tpu.memref_squeeze %dma_start3A_354 : memref<1x80xi32, #tpu.memory_space<vmem>> -> memref<80xi32, #tpu.memory_space<vmem>>
        %dma_start3A_356 = arith.constant 0 : i32
        %dma_start3A_357 = arith.constant 0 : i32
        %dma_start3A_358 = tpu.memref_slice %arg12[%dma_start3A_356, %dma_start3A_357] : memref<10240x64xf32, #tpu.memory_space<vmem_shared>> -> memref<10240x64xf32, #tpu.memory_space<vmem_shared>>
        tpu.enqueue_indirect_dma source(%dma_start3A_352 : memref<80x64xf32, #tpu.memory_space<vmem>>) target(%dma_start3A_358 : memref<10240x64xf32, #tpu.memory_space<vmem_shared>>) offsets(%dma_start3A_355 : memref<80xi32, #tpu.memory_space<vmem>>) semaphore(%arg19 : memref<!tpu.dma_semaphore, #tpu.memory_space<semaphore_mem>>) {add = true}
        %dma_wait3A_359 = arith.constant 2 : i32
        %dma_wait3A_360 = arith.constant 0 : i32
        %dma_wait3A_361 = arith.constant 0 : i32
        %dma_wait3A_362 = tpu.memref_slice %arg9[%dma_wait3A_359, %dma_wait3A_360, %dma_wait3A_361] : memref<6x80x64xf32, #tpu.memory_space<vmem>> -> memref<1x80x64xf32, #tpu.memory_space<vmem>>
        %dma_wait3A_363 = tpu.memref_squeeze %dma_wait3A_362 : memref<1x80x64xf32, #tpu.memory_space<vmem>> -> memref<80x64xf32, #tpu.memory_space<vmem>>
        %dma_wait3A_364 = arith.constant 0 : i32
        %dma_wait3A_365 = tpu.memref_slice %arg8[%add3A_323, %dma_wait3A_364] : memref<250x80xi32, #tpu.memory_space<vmem>> -> memref<1x80xi32, #tpu.memory_space<vmem>>
        %dma_wait3A_366 = tpu.memref_squeeze %dma_wait3A_365 : memref<1x80xi32, #tpu.memory_space<vmem>> -> memref<80xi32, #tpu.memory_space<vmem>>
        %dma_wait3A_367 = arith.constant 0 : i32
        %dma_wait3A_368 = arith.constant 0 : i32
        %dma_wait3A_369 = tpu.memref_slice %arg12[%dma_wait3A_367, %dma_wait3A_368] : memref<10240x64xf32, #tpu.memory_space<vmem_shared>> -> memref<10240x64xf32, #tpu.memory_space<vmem_shared>>
        tpu.wait_indirect_dma semaphore(%arg19 : memref<!tpu.dma_semaphore, #tpu.memory_space<semaphore_mem>>) src(%dma_wait3A_363 : memref<80x64xf32, #tpu.memory_space<vmem>>) dst(%dma_wait3A_369 : memref<10240x64xf32, #tpu.memory_space<vmem_shared>>)
        %mul3A_370 = arith.constant 6 : i32
        %mul3A_371 = arith.muli %add3A_219, %mul3A_370 : i32
        %add3A_372 = arith.constant 3 : i32
        %add3A_373 = arith.addi %mul3A_371, %add3A_372 : i32
        %dma_wait3A_374 = arith.constant 3 : i32
        %dma_wait3A_375 = arith.constant 0 : i32
        %dma_wait3A_376 = arith.constant 0 : i32
        %dma_wait3A_377 = tpu.memref_slice %arg9[%dma_wait3A_374, %dma_wait3A_375, %dma_wait3A_376] : memref<6x80x64xf32, #tpu.memory_space<vmem>> -> memref<1x80x64xf32, #tpu.memory_space<vmem>>
        %dma_wait3A_378 = tpu.memref_squeeze %dma_wait3A_377 : memref<1x80x64xf32, #tpu.memory_space<vmem>> -> memref<80x64xf32, #tpu.memory_space<vmem>>
        %dma_wait3A_379 = arith.constant 0 : i32
        %dma_wait3A_380 = tpu.memref_slice %arg7[%add3A_373, %dma_wait3A_379] : memref<250x80xi32, #tpu.memory_space<vmem>> -> memref<1x80xi32, #tpu.memory_space<vmem>>
        %dma_wait3A_381 = tpu.memref_squeeze %dma_wait3A_380 : memref<1x80xi32, #tpu.memory_space<vmem>> -> memref<80xi32, #tpu.memory_space<vmem>>
        %dma_wait3A_382 = arith.constant 0 : i32
        %dma_wait3A_383 = arith.constant 0 : i32
        %dma_wait3A_384 = tpu.memref_slice %arg3[%dma_wait3A_382, %dma_wait3A_383] : memref<10000x64xf32, #tpu.memory_space<hbm>> -> memref<10000x64xf32, #tpu.memory_space<hbm>>
        tpu.wait_indirect_dma semaphore(%arg16 : memref<!tpu.dma_semaphore, #tpu.memory_space<semaphore_mem>>) src(%dma_wait3A_384 : memref<10000x64xf32, #tpu.memory_space<hbm>>) dst(%dma_wait3A_378 : memref<80x64xf32, #tpu.memory_space<vmem>>)
        %add3A_385 = arith.constant 1 : i32
        %add3A_386 = arith.addi %add3A_373, %add3A_385 : i32
        %dma_start3A_387 = arith.constant 4 : i32
        %dma_start3A_388 = arith.constant 0 : i32
        %dma_start3A_389 = arith.constant 0 : i32
        %dma_start3A_390 = tpu.memref_slice %arg9[%dma_start3A_387, %dma_start3A_388, %dma_start3A_389] : memref<6x80x64xf32, #tpu.memory_space<vmem>> -> memref<1x80x64xf32, #tpu.memory_space<vmem>>
        %dma_start3A_391 = tpu.memref_squeeze %dma_start3A_390 : memref<1x80x64xf32, #tpu.memory_space<vmem>> -> memref<80x64xf32, #tpu.memory_space<vmem>>
        %dma_start3A_392 = arith.constant 0 : i32
        %dma_start3A_393 = tpu.memref_slice %arg7[%add3A_386, %dma_start3A_392] : memref<250x80xi32, #tpu.memory_space<vmem>> -> memref<1x80xi32, #tpu.memory_space<vmem>>
        %dma_start3A_394 = tpu.memref_squeeze %dma_start3A_393 : memref<1x80xi32, #tpu.memory_space<vmem>> -> memref<80xi32, #tpu.memory_space<vmem>>
        %dma_start3A_395 = arith.constant 0 : i32
        %dma_start3A_396 = arith.constant 0 : i32
        %dma_start3A_397 = tpu.memref_slice %arg3[%dma_start3A_395, %dma_start3A_396] : memref<10000x64xf32, #tpu.memory_space<hbm>> -> memref<10000x64xf32, #tpu.memory_space<hbm>>
        tpu.enqueue_indirect_dma source(%dma_start3A_397 : memref<10000x64xf32, #tpu.memory_space<hbm>>) target(%dma_start3A_391 : memref<80x64xf32, #tpu.memory_space<vmem>>) offsets(%dma_start3A_394 : memref<80xi32, #tpu.memory_space<vmem>>) semaphore(%arg17 : memref<!tpu.dma_semaphore, #tpu.memory_space<semaphore_mem>>)
        %dma_start3A_398 = arith.constant 3 : i32
        %dma_start3A_399 = arith.constant 0 : i32
        %dma_start3A_400 = arith.constant 0 : i32
        %dma_start3A_401 = tpu.memref_slice %arg9[%dma_start3A_398, %dma_start3A_399, %dma_start3A_400] : memref<6x80x64xf32, #tpu.memory_space<vmem>> -> memref<1x80x64xf32, #tpu.memory_space<vmem>>
        %dma_start3A_402 = tpu.memref_squeeze %dma_start3A_401 : memref<1x80x64xf32, #tpu.memory_space<vmem>> -> memref<80x64xf32, #tpu.memory_space<vmem>>
        %dma_start3A_403 = arith.constant 0 : i32
        %dma_start3A_404 = tpu.memref_slice %arg8[%add3A_373, %dma_start3A_403] : memref<250x80xi32, #tpu.memory_space<vmem>> -> memref<1x80xi32, #tpu.memory_space<vmem>>
        %dma_start3A_405 = tpu.memref_squeeze %dma_start3A_404 : memref<1x80xi32, #tpu.memory_space<vmem>> -> memref<80xi32, #tpu.memory_space<vmem>>
        %dma_start3A_406 = arith.constant 0 : i32
        %dma_start3A_407 = arith.constant 0 : i32
        %dma_start3A_408 = tpu.memref_slice %arg12[%dma_start3A_406, %dma_start3A_407] : memref<10240x64xf32, #tpu.memory_space<vmem_shared>> -> memref<10240x64xf32, #tpu.memory_space<vmem_shared>>
        tpu.enqueue_indirect_dma source(%dma_start3A_402 : memref<80x64xf32, #tpu.memory_space<vmem>>) target(%dma_start3A_408 : memref<10240x64xf32, #tpu.memory_space<vmem_shared>>) offsets(%dma_start3A_405 : memref<80xi32, #tpu.memory_space<vmem>>) semaphore(%arg19 : memref<!tpu.dma_semaphore, #tpu.memory_space<semaphore_mem>>) {add = true}
        %dma_wait3A_409 = arith.constant 3 : i32
        %dma_wait3A_410 = arith.constant 0 : i32
        %dma_wait3A_411 = arith.constant 0 : i32
        %dma_wait3A_412 = tpu.memref_slice %arg9[%dma_wait3A_409, %dma_wait3A_410, %dma_wait3A_411] : memref<6x80x64xf32, #tpu.memory_space<vmem>> -> memref<1x80x64xf32, #tpu.memory_space<vmem>>
        %dma_wait3A_413 = tpu.memref_squeeze %dma_wait3A_412 : memref<1x80x64xf32, #tpu.memory_space<vmem>> -> memref<80x64xf32, #tpu.memory_space<vmem>>
        %dma_wait3A_414 = arith.constant 0 : i32
        %dma_wait3A_415 = tpu.memref_slice %arg8[%add3A_373, %dma_wait3A_414] : memref<250x80xi32, #tpu.memory_space<vmem>> -> memref<1x80xi32, #tpu.memory_space<vmem>>
        %dma_wait3A_416 = tpu.memref_squeeze %dma_wait3A_415 : memref<1x80xi32, #tpu.memory_space<vmem>> -> memref<80xi32, #tpu.memory_space<vmem>>
        %dma_wait3A_417 = arith.constant 0 : i32
        %dma_wait3A_418 = arith.constant 0 : i32
        %dma_wait3A_419 = tpu.memref_slice %arg12[%dma_wait3A_417, %dma_wait3A_418] : memref<10240x64xf32, #tpu.memory_space<vmem_shared>> -> memref<10240x64xf32, #tpu.memory_space<vmem_shared>>
        tpu.wait_indirect_dma semaphore(%arg19 : memref<!tpu.dma_semaphore, #tpu.memory_space<semaphore_mem>>) src(%dma_wait3A_413 : memref<80x64xf32, #tpu.memory_space<vmem>>) dst(%dma_wait3A_419 : memref<10240x64xf32, #tpu.memory_space<vmem_shared>>)
        %mul3A_420 = arith.constant 6 : i32
        %mul3A_421 = arith.muli %add3A_219, %mul3A_420 : i32
        %add3A_422 = arith.constant 4 : i32
        %add3A_423 = arith.addi %mul3A_421, %add3A_422 : i32
        %dma_wait3A_424 = arith.constant 4 : i32
        %dma_wait3A_425 = arith.constant 0 : i32
        %dma_wait3A_426 = arith.constant 0 : i32
        %dma_wait3A_427 = tpu.memref_slice %arg9[%dma_wait3A_424, %dma_wait3A_425, %dma_wait3A_426] : memref<6x80x64xf32, #tpu.memory_space<vmem>> -> memref<1x80x64xf32, #tpu.memory_space<vmem>>
        %dma_wait3A_428 = tpu.memref_squeeze %dma_wait3A_427 : memref<1x80x64xf32, #tpu.memory_space<vmem>> -> memref<80x64xf32, #tpu.memory_space<vmem>>
        %dma_wait3A_429 = arith.constant 0 : i32
        %dma_wait3A_430 = tpu.memref_slice %arg7[%add3A_423, %dma_wait3A_429] : memref<250x80xi32, #tpu.memory_space<vmem>> -> memref<1x80xi32, #tpu.memory_space<vmem>>
        %dma_wait3A_431 = tpu.memref_squeeze %dma_wait3A_430 : memref<1x80xi32, #tpu.memory_space<vmem>> -> memref<80xi32, #tpu.memory_space<vmem>>
        %dma_wait3A_432 = arith.constant 0 : i32
        %dma_wait3A_433 = arith.constant 0 : i32
        %dma_wait3A_434 = tpu.memref_slice %arg3[%dma_wait3A_432, %dma_wait3A_433] : memref<10000x64xf32, #tpu.memory_space<hbm>> -> memref<10000x64xf32, #tpu.memory_space<hbm>>
        tpu.wait_indirect_dma semaphore(%arg17 : memref<!tpu.dma_semaphore, #tpu.memory_space<semaphore_mem>>) src(%dma_wait3A_434 : memref<10000x64xf32, #tpu.memory_space<hbm>>) dst(%dma_wait3A_428 : memref<80x64xf32, #tpu.memory_space<vmem>>)
        %add3A_435 = arith.constant 1 : i32
        %add3A_436 = arith.addi %add3A_423, %add3A_435 : i32
        %dma_start3A_437 = arith.constant 5 : i32
        %dma_start3A_438 = arith.constant 0 : i32
        %dma_start3A_439 = arith.constant 0 : i32
        %dma_start3A_440 = tpu.memref_slice %arg9[%dma_start3A_437, %dma_start3A_438, %dma_start3A_439] : memref<6x80x64xf32, #tpu.memory_space<vmem>> -> memref<1x80x64xf32, #tpu.memory_space<vmem>>
        %dma_start3A_441 = tpu.memref_squeeze %dma_start3A_440 : memref<1x80x64xf32, #tpu.memory_space<vmem>> -> memref<80x64xf32, #tpu.memory_space<vmem>>
        %dma_start3A_442 = arith.constant 0 : i32
        %dma_start3A_443 = tpu.memref_slice %arg7[%add3A_436, %dma_start3A_442] : memref<250x80xi32, #tpu.memory_space<vmem>> -> memref<1x80xi32, #tpu.memory_space<vmem>>
        %dma_start3A_444 = tpu.memref_squeeze %dma_start3A_443 : memref<1x80xi32, #tpu.memory_space<vmem>> -> memref<80xi32, #tpu.memory_space<vmem>>
        %dma_start3A_445 = arith.constant 0 : i32
        %dma_start3A_446 = arith.constant 0 : i32
        %dma_start3A_447 = tpu.memref_slice %arg3[%dma_start3A_445, %dma_start3A_446] : memref<10000x64xf32, #tpu.memory_space<hbm>> -> memref<10000x64xf32, #tpu.memory_space<hbm>>
        tpu.enqueue_indirect_dma source(%dma_start3A_447 : memref<10000x64xf32, #tpu.memory_space<hbm>>) target(%dma_start3A_441 : memref<80x64xf32, #tpu.memory_space<vmem>>) offsets(%dma_start3A_444 : memref<80xi32, #tpu.memory_space<vmem>>) semaphore(%arg18 : memref<!tpu.dma_semaphore, #tpu.memory_space<semaphore_mem>>)
        %dma_start3A_448 = arith.constant 4 : i32
        %dma_start3A_449 = arith.constant 0 : i32
        %dma_start3A_450 = arith.constant 0 : i32
        %dma_start3A_451 = tpu.memref_slice %arg9[%dma_start3A_448, %dma_start3A_449, %dma_start3A_450] : memref<6x80x64xf32, #tpu.memory_space<vmem>> -> memref<1x80x64xf32, #tpu.memory_space<vmem>>
        %dma_start3A_452 = tpu.memref_squeeze %dma_start3A_451 : memref<1x80x64xf32, #tpu.memory_space<vmem>> -> memref<80x64xf32, #tpu.memory_space<vmem>>
        %dma_start3A_453 = arith.constant 0 : i32
        %dma_start3A_454 = tpu.memref_slice %arg8[%add3A_423, %dma_start3A_453] : memref<250x80xi32, #tpu.memory_space<vmem>> -> memref<1x80xi32, #tpu.memory_space<vmem>>
        %dma_start3A_455 = tpu.memref_squeeze %dma_start3A_454 : memref<1x80xi32, #tpu.memory_space<vmem>> -> memref<80xi32, #tpu.memory_space<vmem>>
        %dma_start3A_456 = arith.constant 0 : i32
        %dma_start3A_457 = arith.constant 0 : i32
        %dma_start3A_458 = tpu.memref_slice %arg12[%dma_start3A_456, %dma_start3A_457] : memref<10240x64xf32, #tpu.memory_space<vmem_shared>> -> memref<10240x64xf32, #tpu.memory_space<vmem_shared>>
        tpu.enqueue_indirect_dma source(%dma_start3A_452 : memref<80x64xf32, #tpu.memory_space<vmem>>) target(%dma_start3A_458 : memref<10240x64xf32, #tpu.memory_space<vmem_shared>>) offsets(%dma_start3A_455 : memref<80xi32, #tpu.memory_space<vmem>>) semaphore(%arg19 : memref<!tpu.dma_semaphore, #tpu.memory_space<semaphore_mem>>) {add = true}
        %dma_wait3A_459 = arith.constant 4 : i32
        %dma_wait3A_460 = arith.constant 0 : i32
        %dma_wait3A_461 = arith.constant 0 : i32
        %dma_wait3A_462 = tpu.memref_slice %arg9[%dma_wait3A_459, %dma_wait3A_460, %dma_wait3A_461] : memref<6x80x64xf32, #tpu.memory_space<vmem>> -> memref<1x80x64xf32, #tpu.memory_space<vmem>>
        %dma_wait3A_463 = tpu.memref_squeeze %dma_wait3A_462 : memref<1x80x64xf32, #tpu.memory_space<vmem>> -> memref<80x64xf32, #tpu.memory_space<vmem>>
        %dma_wait3A_464 = arith.constant 0 : i32
        %dma_wait3A_465 = tpu.memref_slice %arg8[%add3A_423, %dma_wait3A_464] : memref<250x80xi32, #tpu.memory_space<vmem>> -> memref<1x80xi32, #tpu.memory_space<vmem>>
        %dma_wait3A_466 = tpu.memref_squeeze %dma_wait3A_465 : memref<1x80xi32, #tpu.memory_space<vmem>> -> memref<80xi32, #tpu.memory_space<vmem>>
        %dma_wait3A_467 = arith.constant 0 : i32
        %dma_wait3A_468 = arith.constant 0 : i32
        %dma_wait3A_469 = tpu.memref_slice %arg12[%dma_wait3A_467, %dma_wait3A_468] : memref<10240x64xf32, #tpu.memory_space<vmem_shared>> -> memref<10240x64xf32, #tpu.memory_space<vmem_shared>>
        tpu.wait_indirect_dma semaphore(%arg19 : memref<!tpu.dma_semaphore, #tpu.memory_space<semaphore_mem>>) src(%dma_wait3A_463 : memref<80x64xf32, #tpu.memory_space<vmem>>) dst(%dma_wait3A_469 : memref<10240x64xf32, #tpu.memory_space<vmem_shared>>)
        %mul3A_470 = arith.constant 6 : i32
        %mul3A_471 = arith.muli %add3A_219, %mul3A_470 : i32
        %add3A_472 = arith.constant 5 : i32
        %add3A_473 = arith.addi %mul3A_471, %add3A_472 : i32
        %dma_wait3A_474 = arith.constant 5 : i32
        %dma_wait3A_475 = arith.constant 0 : i32
        %dma_wait3A_476 = arith.constant 0 : i32
        %dma_wait3A_477 = tpu.memref_slice %arg9[%dma_wait3A_474, %dma_wait3A_475, %dma_wait3A_476] : memref<6x80x64xf32, #tpu.memory_space<vmem>> -> memref<1x80x64xf32, #tpu.memory_space<vmem>>
        %dma_wait3A_478 = tpu.memref_squeeze %dma_wait3A_477 : memref<1x80x64xf32, #tpu.memory_space<vmem>> -> memref<80x64xf32, #tpu.memory_space<vmem>>
        %dma_wait3A_479 = arith.constant 0 : i32
        %dma_wait3A_480 = tpu.memref_slice %arg7[%add3A_473, %dma_wait3A_479] : memref<250x80xi32, #tpu.memory_space<vmem>> -> memref<1x80xi32, #tpu.memory_space<vmem>>
        %dma_wait3A_481 = tpu.memref_squeeze %dma_wait3A_480 : memref<1x80xi32, #tpu.memory_space<vmem>> -> memref<80xi32, #tpu.memory_space<vmem>>
        %dma_wait3A_482 = arith.constant 0 : i32
        %dma_wait3A_483 = arith.constant 0 : i32
        %dma_wait3A_484 = tpu.memref_slice %arg3[%dma_wait3A_482, %dma_wait3A_483] : memref<10000x64xf32, #tpu.memory_space<hbm>> -> memref<10000x64xf32, #tpu.memory_space<hbm>>
        tpu.wait_indirect_dma semaphore(%arg18 : memref<!tpu.dma_semaphore, #tpu.memory_space<semaphore_mem>>) src(%dma_wait3A_484 : memref<10000x64xf32, #tpu.memory_space<hbm>>) dst(%dma_wait3A_478 : memref<80x64xf32, #tpu.memory_space<vmem>>)
        %add3A_485 = arith.constant 1 : i32
        %add3A_486 = arith.addi %add3A_473, %add3A_485 : i32
        %dma_start3A_487 = arith.constant 0 : i32
        %dma_start3A_488 = arith.constant 0 : i32
        %dma_start3A_489 = arith.constant 0 : i32
        %dma_start3A_490 = tpu.memref_slice %arg9[%dma_start3A_487, %dma_start3A_488, %dma_start3A_489] : memref<6x80x64xf32, #tpu.memory_space<vmem>> -> memref<1x80x64xf32, #tpu.memory_space<vmem>>
        %dma_start3A_491 = tpu.memref_squeeze %dma_start3A_490 : memref<1x80x64xf32, #tpu.memory_space<vmem>> -> memref<80x64xf32, #tpu.memory_space<vmem>>
        %dma_start3A_492 = arith.constant 0 : i32
        %dma_start3A_493 = tpu.memref_slice %arg7[%add3A_486, %dma_start3A_492] : memref<250x80xi32, #tpu.memory_space<vmem>> -> memref<1x80xi32, #tpu.memory_space<vmem>>
        %dma_start3A_494 = tpu.memref_squeeze %dma_start3A_493 : memref<1x80xi32, #tpu.memory_space<vmem>> -> memref<80xi32, #tpu.memory_space<vmem>>
        %dma_start3A_495 = arith.constant 0 : i32
        %dma_start3A_496 = arith.constant 0 : i32
        %dma_start3A_497 = tpu.memref_slice %arg3[%dma_start3A_495, %dma_start3A_496] : memref<10000x64xf32, #tpu.memory_space<hbm>> -> memref<10000x64xf32, #tpu.memory_space<hbm>>
        tpu.enqueue_indirect_dma source(%dma_start3A_497 : memref<10000x64xf32, #tpu.memory_space<hbm>>) target(%dma_start3A_491 : memref<80x64xf32, #tpu.memory_space<vmem>>) offsets(%dma_start3A_494 : memref<80xi32, #tpu.memory_space<vmem>>) semaphore(%arg13 : memref<!tpu.dma_semaphore, #tpu.memory_space<semaphore_mem>>)
        %dma_start3A_498 = arith.constant 5 : i32
        %dma_start3A_499 = arith.constant 0 : i32
        %dma_start3A_500 = arith.constant 0 : i32
        %dma_start3A_501 = tpu.memref_slice %arg9[%dma_start3A_498, %dma_start3A_499, %dma_start3A_500] : memref<6x80x64xf32, #tpu.memory_space<vmem>> -> memref<1x80x64xf32, #tpu.memory_space<vmem>>
        %dma_start3A_502 = tpu.memref_squeeze %dma_start3A_501 : memref<1x80x64xf32, #tpu.memory_space<vmem>> -> memref<80x64xf32, #tpu.memory_space<vmem>>
        %dma_start3A_503 = arith.constant 0 : i32
        %dma_start3A_504 = tpu.memref_slice %arg8[%add3A_473, %dma_start3A_503] : memref<250x80xi32, #tpu.memory_space<vmem>> -> memref<1x80xi32, #tpu.memory_space<vmem>>
        %dma_start3A_505 = tpu.memref_squeeze %dma_start3A_504 : memref<1x80xi32, #tpu.memory_space<vmem>> -> memref<80xi32, #tpu.memory_space<vmem>>
        %dma_start3A_506 = arith.constant 0 : i32
        %dma_start3A_507 = arith.constant 0 : i32
        %dma_start3A_508 = tpu.memref_slice %arg12[%dma_start3A_506, %dma_start3A_507] : memref<10240x64xf32, #tpu.memory_space<vmem_shared>> -> memref<10240x64xf32, #tpu.memory_space<vmem_shared>>
        tpu.enqueue_indirect_dma source(%dma_start3A_502 : memref<80x64xf32, #tpu.memory_space<vmem>>) target(%dma_start3A_508 : memref<10240x64xf32, #tpu.memory_space<vmem_shared>>) offsets(%dma_start3A_505 : memref<80xi32, #tpu.memory_space<vmem>>) semaphore(%arg19 : memref<!tpu.dma_semaphore, #tpu.memory_space<semaphore_mem>>) {add = true}
        %dma_wait3A_509 = arith.constant 5 : i32
        %dma_wait3A_510 = arith.constant 0 : i32
        %dma_wait3A_511 = arith.constant 0 : i32
        %dma_wait3A_512 = tpu.memref_slice %arg9[%dma_wait3A_509, %dma_wait3A_510, %dma_wait3A_511] : memref<6x80x64xf32, #tpu.memory_space<vmem>> -> memref<1x80x64xf32, #tpu.memory_space<vmem>>
        %dma_wait3A_513 = tpu.memref_squeeze %dma_wait3A_512 : memref<1x80x64xf32, #tpu.memory_space<vmem>> -> memref<80x64xf32, #tpu.memory_space<vmem>>
        %dma_wait3A_514 = arith.constant 0 : i32
        %dma_wait3A_515 = tpu.memref_slice %arg8[%add3A_473, %dma_wait3A_514] : memref<250x80xi32, #tpu.memory_space<vmem>> -> memref<1x80xi32, #tpu.memory_space<vmem>>
        %dma_wait3A_516 = tpu.memref_squeeze %dma_wait3A_515 : memref<1x80xi32, #tpu.memory_space<vmem>> -> memref<80xi32, #tpu.memory_space<vmem>>
        %dma_wait3A_517 = arith.constant 0 : i32
        %dma_wait3A_518 = arith.constant 0 : i32
        %dma_wait3A_519 = tpu.memref_slice %arg12[%dma_wait3A_517, %dma_wait3A_518] : memref<10240x64xf32, #tpu.memory_space<vmem_shared>> -> memref<10240x64xf32, #tpu.memory_space<vmem_shared>>
        tpu.wait_indirect_dma semaphore(%arg19 : memref<!tpu.dma_semaphore, #tpu.memory_space<semaphore_mem>>) src(%dma_wait3A_513 : memref<80x64xf32, #tpu.memory_space<vmem>>) dst(%dma_wait3A_519 : memref<10240x64xf32, #tpu.memory_space<vmem_shared>>)
      }
      %scan3A_37 = arith.constant 41 : i32
      %dma_wait3A = arith.constant 246 : i32
      %dma_wait3A_38 = arith.constant 0 : i32
      %dma_wait3A_39 = arith.constant 0 : i32
      %dma_wait3A_40 = arith.constant 0 : i32
      %dma_wait3A_41 = tpu.memref_slice %arg9[%dma_wait3A_38, %dma_wait3A_39, %dma_wait3A_40] : memref<6x80x64xf32, #tpu.memory_space<vmem>> -> memref<1x80x64xf32, #tpu.memory_space<vmem>>
      %dma_wait3A_42 = tpu.memref_squeeze %dma_wait3A_41 : memref<1x80x64xf32, #tpu.memory_space<vmem>> -> memref<80x64xf32, #tpu.memory_space<vmem>>
      %dma_wait3A_43 = arith.constant 0 : i32
      %dma_wait3A_44 = tpu.memref_slice %arg7[%dma_wait3A, %dma_wait3A_43] : memref<250x80xi32, #tpu.memory_space<vmem>> -> memref<1x80xi32, #tpu.memory_space<vmem>>
      %dma_wait3A_45 = tpu.memref_squeeze %dma_wait3A_44 : memref<1x80xi32, #tpu.memory_space<vmem>> -> memref<80xi32, #tpu.memory_space<vmem>>
      %dma_wait3A_46 = arith.constant 0 : i32
      %dma_wait3A_47 = arith.constant 0 : i32
      %dma_wait3A_48 = tpu.memref_slice %arg3[%dma_wait3A_46, %dma_wait3A_47] : memref<10000x64xf32, #tpu.memory_space<hbm>> -> memref<10000x64xf32, #tpu.memory_space<hbm>>
      tpu.wait_indirect_dma semaphore(%arg13 : memref<!tpu.dma_semaphore, #tpu.memory_space<semaphore_mem>>) src(%dma_wait3A_48 : memref<10000x64xf32, #tpu.memory_space<hbm>>) dst(%dma_wait3A_42 : memref<80x64xf32, #tpu.memory_space<vmem>>)
      %dma_start3A_49 = arith.constant 247 : i32
      %dma_start3A_50 = arith.constant 1 : i32
      %dma_start3A_51 = arith.constant 0 : i32
      %dma_start3A_52 = arith.constant 0 : i32
      %dma_start3A_53 = tpu.memref_slice %arg9[%dma_start3A_50, %dma_start3A_51, %dma_start3A_52] : memref<6x80x64xf32, #tpu.memory_space<vmem>> -> memref<1x80x64xf32, #tpu.memory_space<vmem>>
      %dma_start3A_54 = tpu.memref_squeeze %dma_start3A_53 : memref<1x80x64xf32, #tpu.memory_space<vmem>> -> memref<80x64xf32, #tpu.memory_space<vmem>>
      %dma_start3A_55 = arith.constant 0 : i32
      %dma_start3A_56 = tpu.memref_slice %arg7[%dma_start3A_49, %dma_start3A_55] : memref<250x80xi32, #tpu.memory_space<vmem>> -> memref<1x80xi32, #tpu.memory_space<vmem>>
      %dma_start3A_57 = tpu.memref_squeeze %dma_start3A_56 : memref<1x80xi32, #tpu.memory_space<vmem>> -> memref<80xi32, #tpu.memory_space<vmem>>
      %dma_start3A_58 = arith.constant 0 : i32
      %dma_start3A_59 = arith.constant 0 : i32
      %dma_start3A_60 = tpu.memref_slice %arg3[%dma_start3A_58, %dma_start3A_59] : memref<10000x64xf32, #tpu.memory_space<hbm>> -> memref<10000x64xf32, #tpu.memory_space<hbm>>
      tpu.enqueue_indirect_dma source(%dma_start3A_60 : memref<10000x64xf32, #tpu.memory_space<hbm>>) target(%dma_start3A_54 : memref<80x64xf32, #tpu.memory_space<vmem>>) offsets(%dma_start3A_57 : memref<80xi32, #tpu.memory_space<vmem>>) semaphore(%arg14 : memref<!tpu.dma_semaphore, #tpu.memory_space<semaphore_mem>>)
      %dma_start3A_61 = arith.constant 0 : i32
      %dma_start3A_62 = arith.constant 246 : i32
      %dma_start3A_63 = arith.constant 0 : i32
      %dma_start3A_64 = arith.constant 0 : i32
      %dma_start3A_65 = tpu.memref_slice %arg9[%dma_start3A_61, %dma_start3A_63, %dma_start3A_64] : memref<6x80x64xf32, #tpu.memory_space<vmem>> -> memref<1x80x64xf32, #tpu.memory_space<vmem>>
      %dma_start3A_66 = tpu.memref_squeeze %dma_start3A_65 : memref<1x80x64xf32, #tpu.memory_space<vmem>> -> memref<80x64xf32, #tpu.memory_space<vmem>>
      %dma_start3A_67 = arith.constant 0 : i32
      %dma_start3A_68 = tpu.memref_slice %arg8[%dma_start3A_62, %dma_start3A_67] : memref<250x80xi32, #tpu.memory_space<vmem>> -> memref<1x80xi32, #tpu.memory_space<vmem>>
      %dma_start3A_69 = tpu.memref_squeeze %dma_start3A_68 : memref<1x80xi32, #tpu.memory_space<vmem>> -> memref<80xi32, #tpu.memory_space<vmem>>
      %dma_start3A_70 = arith.constant 0 : i32
      %dma_start3A_71 = arith.constant 0 : i32
      %dma_start3A_72 = tpu.memref_slice %arg12[%dma_start3A_70, %dma_start3A_71] : memref<10240x64xf32, #tpu.memory_space<vmem_shared>> -> memref<10240x64xf32, #tpu.memory_space<vmem_shared>>
      tpu.enqueue_indirect_dma source(%dma_start3A_66 : memref<80x64xf32, #tpu.memory_space<vmem>>) target(%dma_start3A_72 : memref<10240x64xf32, #tpu.memory_space<vmem_shared>>) offsets(%dma_start3A_69 : memref<80xi32, #tpu.memory_space<vmem>>) semaphore(%arg19 : memref<!tpu.dma_semaphore, #tpu.memory_space<semaphore_mem>>) {add = true}
      %dma_wait3A_73 = arith.constant 0 : i32
      %dma_wait3A_74 = arith.constant 246 : i32
      %dma_wait3A_75 = arith.constant 0 : i32
      %dma_wait3A_76 = arith.constant 0 : i32
      %dma_wait3A_77 = tpu.memref_slice %arg9[%dma_wait3A_73, %dma_wait3A_75, %dma_wait3A_76] : memref<6x80x64xf32, #tpu.memory_space<vmem>> -> memref<1x80x64xf32, #tpu.memory_space<vmem>>
      %dma_wait3A_78 = tpu.memref_squeeze %dma_wait3A_77 : memref<1x80x64xf32, #tpu.memory_space<vmem>> -> memref<80x64xf32, #tpu.memory_space<vmem>>
      %dma_wait3A_79 = arith.constant 0 : i32
      %dma_wait3A_80 = tpu.memref_slice %arg8[%dma_wait3A_74, %dma_wait3A_79] : memref<250x80xi32, #tpu.memory_space<vmem>> -> memref<1x80xi32, #tpu.memory_space<vmem>>
      %dma_wait3A_81 = tpu.memref_squeeze %dma_wait3A_80 : memref<1x80xi32, #tpu.memory_space<vmem>> -> memref<80xi32, #tpu.memory_space<vmem>>
      %dma_wait3A_82 = arith.constant 0 : i32
      %dma_wait3A_83 = arith.constant 0 : i32
      %dma_wait3A_84 = tpu.memref_slice %arg12[%dma_wait3A_82, %dma_wait3A_83] : memref<10240x64xf32, #tpu.memory_space<vmem_shared>> -> memref<10240x64xf32, #tpu.memory_space<vmem_shared>>
      tpu.wait_indirect_dma semaphore(%arg19 : memref<!tpu.dma_semaphore, #tpu.memory_space<semaphore_mem>>) src(%dma_wait3A_78 : memref<80x64xf32, #tpu.memory_space<vmem>>) dst(%dma_wait3A_84 : memref<10240x64xf32, #tpu.memory_space<vmem_shared>>)
      %dma_wait3A_85 = arith.constant 247 : i32
      %dma_wait3A_86 = arith.constant 1 : i32
      %dma_wait3A_87 = arith.constant 0 : i32
      %dma_wait3A_88 = arith.constant 0 : i32
      %dma_wait3A_89 = tpu.memref_slice %arg9[%dma_wait3A_86, %dma_wait3A_87, %dma_wait3A_88] : memref<6x80x64xf32, #tpu.memory_space<vmem>> -> memref<1x80x64xf32, #tpu.memory_space<vmem>>
      %dma_wait3A_90 = tpu.memref_squeeze %dma_wait3A_89 : memref<1x80x64xf32, #tpu.memory_space<vmem>> -> memref<80x64xf32, #tpu.memory_space<vmem>>
      %dma_wait3A_91 = arith.constant 0 : i32
      %dma_wait3A_92 = tpu.memref_slice %arg7[%dma_wait3A_85, %dma_wait3A_91] : memref<250x80xi32, #tpu.memory_space<vmem>> -> memref<1x80xi32, #tpu.memory_space<vmem>>
      %dma_wait3A_93 = tpu.memref_squeeze %dma_wait3A_92 : memref<1x80xi32, #tpu.memory_space<vmem>> -> memref<80xi32, #tpu.memory_space<vmem>>
      %dma_wait3A_94 = arith.constant 0 : i32
      %dma_wait3A_95 = arith.constant 0 : i32
      %dma_wait3A_96 = tpu.memref_slice %arg3[%dma_wait3A_94, %dma_wait3A_95] : memref<10000x64xf32, #tpu.memory_space<hbm>> -> memref<10000x64xf32, #tpu.memory_space<hbm>>
      tpu.wait_indirect_dma semaphore(%arg14 : memref<!tpu.dma_semaphore, #tpu.memory_space<semaphore_mem>>) src(%dma_wait3A_96 : memref<10000x64xf32, #tpu.memory_space<hbm>>) dst(%dma_wait3A_90 : memref<80x64xf32, #tpu.memory_space<vmem>>)
      %dma_start3A_97 = arith.constant 248 : i32
      %dma_start3A_98 = arith.constant 2 : i32
      %dma_start3A_99 = arith.constant 0 : i32
      %dma_start3A_100 = arith.constant 0 : i32
      %dma_start3A_101 = tpu.memref_slice %arg9[%dma_start3A_98, %dma_start3A_99, %dma_start3A_100] : memref<6x80x64xf32, #tpu.memory_space<vmem>> -> memref<1x80x64xf32, #tpu.memory_space<vmem>>
      %dma_start3A_102 = tpu.memref_squeeze %dma_start3A_101 : memref<1x80x64xf32, #tpu.memory_space<vmem>> -> memref<80x64xf32, #tpu.memory_space<vmem>>
      %dma_start3A_103 = arith.constant 0 : i32
      %dma_start3A_104 = tpu.memref_slice %arg7[%dma_start3A_97, %dma_start3A_103] : memref<250x80xi32, #tpu.memory_space<vmem>> -> memref<1x80xi32, #tpu.memory_space<vmem>>
      %dma_start3A_105 = tpu.memref_squeeze %dma_start3A_104 : memref<1x80xi32, #tpu.memory_space<vmem>> -> memref<80xi32, #tpu.memory_space<vmem>>
      %dma_start3A_106 = arith.constant 0 : i32
      %dma_start3A_107 = arith.constant 0 : i32
      %dma_start3A_108 = tpu.memref_slice %arg3[%dma_start3A_106, %dma_start3A_107] : memref<10000x64xf32, #tpu.memory_space<hbm>> -> memref<10000x64xf32, #tpu.memory_space<hbm>>
      tpu.enqueue_indirect_dma source(%dma_start3A_108 : memref<10000x64xf32, #tpu.memory_space<hbm>>) target(%dma_start3A_102 : memref<80x64xf32, #tpu.memory_space<vmem>>) offsets(%dma_start3A_105 : memref<80xi32, #tpu.memory_space<vmem>>) semaphore(%arg15 : memref<!tpu.dma_semaphore, #tpu.memory_space<semaphore_mem>>)
      %dma_start3A_109 = arith.constant 1 : i32
      %dma_start3A_110 = arith.constant 247 : i32
      %dma_start3A_111 = arith.constant 0 : i32
      %dma_start3A_112 = arith.constant 0 : i32
      %dma_start3A_113 = tpu.memref_slice %arg9[%dma_start3A_109, %dma_start3A_111, %dma_start3A_112] : memref<6x80x64xf32, #tpu.memory_space<vmem>> -> memref<1x80x64xf32, #tpu.memory_space<vmem>>
      %dma_start3A_114 = tpu.memref_squeeze %dma_start3A_113 : memref<1x80x64xf32, #tpu.memory_space<vmem>> -> memref<80x64xf32, #tpu.memory_space<vmem>>
      %dma_start3A_115 = arith.constant 0 : i32
      %dma_start3A_116 = tpu.memref_slice %arg8[%dma_start3A_110, %dma_start3A_115] : memref<250x80xi32, #tpu.memory_space<vmem>> -> memref<1x80xi32, #tpu.memory_space<vmem>>
      %dma_start3A_117 = tpu.memref_squeeze %dma_start3A_116 : memref<1x80xi32, #tpu.memory_space<vmem>> -> memref<80xi32, #tpu.memory_space<vmem>>
      %dma_start3A_118 = arith.constant 0 : i32
      %dma_start3A_119 = arith.constant 0 : i32
      %dma_start3A_120 = tpu.memref_slice %arg12[%dma_start3A_118, %dma_start3A_119] : memref<10240x64xf32, #tpu.memory_space<vmem_shared>> -> memref<10240x64xf32, #tpu.memory_space<vmem_shared>>
      tpu.enqueue_indirect_dma source(%dma_start3A_114 : memref<80x64xf32, #tpu.memory_space<vmem>>) target(%dma_start3A_120 : memref<10240x64xf32, #tpu.memory_space<vmem_shared>>) offsets(%dma_start3A_117 : memref<80xi32, #tpu.memory_space<vmem>>) semaphore(%arg19 : memref<!tpu.dma_semaphore, #tpu.memory_space<semaphore_mem>>) {add = true}
      %dma_wait3A_121 = arith.constant 1 : i32
      %dma_wait3A_122 = arith.constant 247 : i32
      %dma_wait3A_123 = arith.constant 0 : i32
      %dma_wait3A_124 = arith.constant 0 : i32
      %dma_wait3A_125 = tpu.memref_slice %arg9[%dma_wait3A_121, %dma_wait3A_123, %dma_wait3A_124] : memref<6x80x64xf32, #tpu.memory_space<vmem>> -> memref<1x80x64xf32, #tpu.memory_space<vmem>>
      %dma_wait3A_126 = tpu.memref_squeeze %dma_wait3A_125 : memref<1x80x64xf32, #tpu.memory_space<vmem>> -> memref<80x64xf32, #tpu.memory_space<vmem>>
      %dma_wait3A_127 = arith.constant 0 : i32
      %dma_wait3A_128 = tpu.memref_slice %arg8[%dma_wait3A_122, %dma_wait3A_127] : memref<250x80xi32, #tpu.memory_space<vmem>> -> memref<1x80xi32, #tpu.memory_space<vmem>>
      %dma_wait3A_129 = tpu.memref_squeeze %dma_wait3A_128 : memref<1x80xi32, #tpu.memory_space<vmem>> -> memref<80xi32, #tpu.memory_space<vmem>>
      %dma_wait3A_130 = arith.constant 0 : i32
      %dma_wait3A_131 = arith.constant 0 : i32
      %dma_wait3A_132 = tpu.memref_slice %arg12[%dma_wait3A_130, %dma_wait3A_131] : memref<10240x64xf32, #tpu.memory_space<vmem_shared>> -> memref<10240x64xf32, #tpu.memory_space<vmem_shared>>
      tpu.wait_indirect_dma semaphore(%arg19 : memref<!tpu.dma_semaphore, #tpu.memory_space<semaphore_mem>>) src(%dma_wait3A_126 : memref<80x64xf32, #tpu.memory_space<vmem>>) dst(%dma_wait3A_132 : memref<10240x64xf32, #tpu.memory_space<vmem_shared>>)
      %dma_wait3A_133 = arith.constant 248 : i32
      %dma_wait3A_134 = arith.constant 2 : i32
      %dma_wait3A_135 = arith.constant 0 : i32
      %dma_wait3A_136 = arith.constant 0 : i32
      %dma_wait3A_137 = tpu.memref_slice %arg9[%dma_wait3A_134, %dma_wait3A_135, %dma_wait3A_136] : memref<6x80x64xf32, #tpu.memory_space<vmem>> -> memref<1x80x64xf32, #tpu.memory_space<vmem>>
      %dma_wait3A_138 = tpu.memref_squeeze %dma_wait3A_137 : memref<1x80x64xf32, #tpu.memory_space<vmem>> -> memref<80x64xf32, #tpu.memory_space<vmem>>
      %dma_wait3A_139 = arith.constant 0 : i32
      %dma_wait3A_140 = tpu.memref_slice %arg7[%dma_wait3A_133, %dma_wait3A_139] : memref<250x80xi32, #tpu.memory_space<vmem>> -> memref<1x80xi32, #tpu.memory_space<vmem>>
      %dma_wait3A_141 = tpu.memref_squeeze %dma_wait3A_140 : memref<1x80xi32, #tpu.memory_space<vmem>> -> memref<80xi32, #tpu.memory_space<vmem>>
      %dma_wait3A_142 = arith.constant 0 : i32
      %dma_wait3A_143 = arith.constant 0 : i32
      %dma_wait3A_144 = tpu.memref_slice %arg3[%dma_wait3A_142, %dma_wait3A_143] : memref<10000x64xf32, #tpu.memory_space<hbm>> -> memref<10000x64xf32, #tpu.memory_space<hbm>>
      tpu.wait_indirect_dma semaphore(%arg15 : memref<!tpu.dma_semaphore, #tpu.memory_space<semaphore_mem>>) src(%dma_wait3A_144 : memref<10000x64xf32, #tpu.memory_space<hbm>>) dst(%dma_wait3A_138 : memref<80x64xf32, #tpu.memory_space<vmem>>)
      %dma_start3A_145 = arith.constant 249 : i32
      %dma_start3A_146 = arith.constant 3 : i32
      %dma_start3A_147 = arith.constant 0 : i32
      %dma_start3A_148 = arith.constant 0 : i32
      %dma_start3A_149 = tpu.memref_slice %arg9[%dma_start3A_146, %dma_start3A_147, %dma_start3A_148] : memref<6x80x64xf32, #tpu.memory_space<vmem>> -> memref<1x80x64xf32, #tpu.memory_space<vmem>>
      %dma_start3A_150 = tpu.memref_squeeze %dma_start3A_149 : memref<1x80x64xf32, #tpu.memory_space<vmem>> -> memref<80x64xf32, #tpu.memory_space<vmem>>
      %dma_start3A_151 = arith.constant 0 : i32
      %dma_start3A_152 = tpu.memref_slice %arg7[%dma_start3A_145, %dma_start3A_151] : memref<250x80xi32, #tpu.memory_space<vmem>> -> memref<1x80xi32, #tpu.memory_space<vmem>>
      %dma_start3A_153 = tpu.memref_squeeze %dma_start3A_152 : memref<1x80xi32, #tpu.memory_space<vmem>> -> memref<80xi32, #tpu.memory_space<vmem>>
      %dma_start3A_154 = arith.constant 0 : i32
      %dma_start3A_155 = arith.constant 0 : i32
      %dma_start3A_156 = tpu.memref_slice %arg3[%dma_start3A_154, %dma_start3A_155] : memref<10000x64xf32, #tpu.memory_space<hbm>> -> memref<10000x64xf32, #tpu.memory_space<hbm>>
      tpu.enqueue_indirect_dma source(%dma_start3A_156 : memref<10000x64xf32, #tpu.memory_space<hbm>>) target(%dma_start3A_150 : memref<80x64xf32, #tpu.memory_space<vmem>>) offsets(%dma_start3A_153 : memref<80xi32, #tpu.memory_space<vmem>>) semaphore(%arg16 : memref<!tpu.dma_semaphore, #tpu.memory_space<semaphore_mem>>)
      %dma_start3A_157 = arith.constant 2 : i32
      %dma_start3A_158 = arith.constant 248 : i32
      %dma_start3A_159 = arith.constant 0 : i32
      %dma_start3A_160 = arith.constant 0 : i32
      %dma_start3A_161 = tpu.memref_slice %arg9[%dma_start3A_157, %dma_start3A_159, %dma_start3A_160] : memref<6x80x64xf32, #tpu.memory_space<vmem>> -> memref<1x80x64xf32, #tpu.memory_space<vmem>>
      %dma_start3A_162 = tpu.memref_squeeze %dma_start3A_161 : memref<1x80x64xf32, #tpu.memory_space<vmem>> -> memref<80x64xf32, #tpu.memory_space<vmem>>
      %dma_start3A_163 = arith.constant 0 : i32
      %dma_start3A_164 = tpu.memref_slice %arg8[%dma_start3A_158, %dma_start3A_163] : memref<250x80xi32, #tpu.memory_space<vmem>> -> memref<1x80xi32, #tpu.memory_space<vmem>>
      %dma_start3A_165 = tpu.memref_squeeze %dma_start3A_164 : memref<1x80xi32, #tpu.memory_space<vmem>> -> memref<80xi32, #tpu.memory_space<vmem>>
      %dma_start3A_166 = arith.constant 0 : i32
      %dma_start3A_167 = arith.constant 0 : i32
      %dma_start3A_168 = tpu.memref_slice %arg12[%dma_start3A_166, %dma_start3A_167] : memref<10240x64xf32, #tpu.memory_space<vmem_shared>> -> memref<10240x64xf32, #tpu.memory_space<vmem_shared>>
      tpu.enqueue_indirect_dma source(%dma_start3A_162 : memref<80x64xf32, #tpu.memory_space<vmem>>) target(%dma_start3A_168 : memref<10240x64xf32, #tpu.memory_space<vmem_shared>>) offsets(%dma_start3A_165 : memref<80xi32, #tpu.memory_space<vmem>>) semaphore(%arg19 : memref<!tpu.dma_semaphore, #tpu.memory_space<semaphore_mem>>) {add = true}
      %dma_wait3A_169 = arith.constant 2 : i32
      %dma_wait3A_170 = arith.constant 248 : i32
      %dma_wait3A_171 = arith.constant 0 : i32
      %dma_wait3A_172 = arith.constant 0 : i32
      %dma_wait3A_173 = tpu.memref_slice %arg9[%dma_wait3A_169, %dma_wait3A_171, %dma_wait3A_172] : memref<6x80x64xf32, #tpu.memory_space<vmem>> -> memref<1x80x64xf32, #tpu.memory_space<vmem>>
      %dma_wait3A_174 = tpu.memref_squeeze %dma_wait3A_173 : memref<1x80x64xf32, #tpu.memory_space<vmem>> -> memref<80x64xf32, #tpu.memory_space<vmem>>
      %dma_wait3A_175 = arith.constant 0 : i32
      %dma_wait3A_176 = tpu.memref_slice %arg8[%dma_wait3A_170, %dma_wait3A_175] : memref<250x80xi32, #tpu.memory_space<vmem>> -> memref<1x80xi32, #tpu.memory_space<vmem>>
      %dma_wait3A_177 = tpu.memref_squeeze %dma_wait3A_176 : memref<1x80xi32, #tpu.memory_space<vmem>> -> memref<80xi32, #tpu.memory_space<vmem>>
      %dma_wait3A_178 = arith.constant 0 : i32
      %dma_wait3A_179 = arith.constant 0 : i32
      %dma_wait3A_180 = tpu.memref_slice %arg12[%dma_wait3A_178, %dma_wait3A_179] : memref<10240x64xf32, #tpu.memory_space<vmem_shared>> -> memref<10240x64xf32, #tpu.memory_space<vmem_shared>>
      tpu.wait_indirect_dma semaphore(%arg19 : memref<!tpu.dma_semaphore, #tpu.memory_space<semaphore_mem>>) src(%dma_wait3A_174 : memref<80x64xf32, #tpu.memory_space<vmem>>) dst(%dma_wait3A_180 : memref<10240x64xf32, #tpu.memory_space<vmem_shared>>)
      %dma_wait3A_181 = arith.constant 249 : i32
      %dma_wait3A_182 = arith.constant 3 : i32
      %dma_wait3A_183 = arith.constant 0 : i32
      %dma_wait3A_184 = arith.constant 0 : i32
      %dma_wait3A_185 = tpu.memref_slice %arg9[%dma_wait3A_182, %dma_wait3A_183, %dma_wait3A_184] : memref<6x80x64xf32, #tpu.memory_space<vmem>> -> memref<1x80x64xf32, #tpu.memory_space<vmem>>
      %dma_wait3A_186 = tpu.memref_squeeze %dma_wait3A_185 : memref<1x80x64xf32, #tpu.memory_space<vmem>> -> memref<80x64xf32, #tpu.memory_space<vmem>>
      %dma_wait3A_187 = arith.constant 0 : i32
      %dma_wait3A_188 = tpu.memref_slice %arg7[%dma_wait3A_181, %dma_wait3A_187] : memref<250x80xi32, #tpu.memory_space<vmem>> -> memref<1x80xi32, #tpu.memory_space<vmem>>
      %dma_wait3A_189 = tpu.memref_squeeze %dma_wait3A_188 : memref<1x80xi32, #tpu.memory_space<vmem>> -> memref<80xi32, #tpu.memory_space<vmem>>
      %dma_wait3A_190 = arith.constant 0 : i32
      %dma_wait3A_191 = arith.constant 0 : i32
      %dma_wait3A_192 = tpu.memref_slice %arg3[%dma_wait3A_190, %dma_wait3A_191] : memref<10000x64xf32, #tpu.memory_space<hbm>> -> memref<10000x64xf32, #tpu.memory_space<hbm>>
      tpu.wait_indirect_dma semaphore(%arg16 : memref<!tpu.dma_semaphore, #tpu.memory_space<semaphore_mem>>) src(%dma_wait3A_192 : memref<10000x64xf32, #tpu.memory_space<hbm>>) dst(%dma_wait3A_186 : memref<80x64xf32, #tpu.memory_space<vmem>>)
      %dma_start3A_193 = arith.constant 3 : i32
      %dma_start3A_194 = arith.constant 249 : i32
      %dma_start3A_195 = arith.constant 0 : i32
      %dma_start3A_196 = arith.constant 0 : i32
      %dma_start3A_197 = tpu.memref_slice %arg9[%dma_start3A_193, %dma_start3A_195, %dma_start3A_196] : memref<6x80x64xf32, #tpu.memory_space<vmem>> -> memref<1x80x64xf32, #tpu.memory_space<vmem>>
      %dma_start3A_198 = tpu.memref_squeeze %dma_start3A_197 : memref<1x80x64xf32, #tpu.memory_space<vmem>> -> memref<80x64xf32, #tpu.memory_space<vmem>>
      %dma_start3A_199 = arith.constant 0 : i32
      %dma_start3A_200 = tpu.memref_slice %arg8[%dma_start3A_194, %dma_start3A_199] : memref<250x80xi32, #tpu.memory_space<vmem>> -> memref<1x80xi32, #tpu.memory_space<vmem>>
      %dma_start3A_201 = tpu.memref_squeeze %dma_start3A_200 : memref<1x80xi32, #tpu.memory_space<vmem>> -> memref<80xi32, #tpu.memory_space<vmem>>
      %dma_start3A_202 = arith.constant 0 : i32
      %dma_start3A_203 = arith.constant 0 : i32
      %dma_start3A_204 = tpu.memref_slice %arg12[%dma_start3A_202, %dma_start3A_203] : memref<10240x64xf32, #tpu.memory_space<vmem_shared>> -> memref<10240x64xf32, #tpu.memory_space<vmem_shared>>
      tpu.enqueue_indirect_dma source(%dma_start3A_198 : memref<80x64xf32, #tpu.memory_space<vmem>>) target(%dma_start3A_204 : memref<10240x64xf32, #tpu.memory_space<vmem_shared>>) offsets(%dma_start3A_201 : memref<80xi32, #tpu.memory_space<vmem>>) semaphore(%arg19 : memref<!tpu.dma_semaphore, #tpu.memory_space<semaphore_mem>>) {add = true}
      %dma_wait3A_205 = arith.constant 3 : i32
      %dma_wait3A_206 = arith.constant 249 : i32
      %dma_wait3A_207 = arith.constant 0 : i32
      %dma_wait3A_208 = arith.constant 0 : i32
      %dma_wait3A_209 = tpu.memref_slice %arg9[%dma_wait3A_205, %dma_wait3A_207, %dma_wait3A_208] : memref<6x80x64xf32, #tpu.memory_space<vmem>> -> memref<1x80x64xf32, #tpu.memory_space<vmem>>
      %dma_wait3A_210 = tpu.memref_squeeze %dma_wait3A_209 : memref<1x80x64xf32, #tpu.memory_space<vmem>> -> memref<80x64xf32, #tpu.memory_space<vmem>>
      %dma_wait3A_211 = arith.constant 0 : i32
      %dma_wait3A_212 = tpu.memref_slice %arg8[%dma_wait3A_206, %dma_wait3A_211] : memref<250x80xi32, #tpu.memory_space<vmem>> -> memref<1x80xi32, #tpu.memory_space<vmem>>
      %dma_wait3A_213 = tpu.memref_squeeze %dma_wait3A_212 : memref<1x80xi32, #tpu.memory_space<vmem>> -> memref<80xi32, #tpu.memory_space<vmem>>
      %dma_wait3A_214 = arith.constant 0 : i32
      %dma_wait3A_215 = arith.constant 0 : i32
      %dma_wait3A_216 = tpu.memref_slice %arg12[%dma_wait3A_214, %dma_wait3A_215] : memref<10240x64xf32, #tpu.memory_space<vmem_shared>> -> memref<10240x64xf32, #tpu.memory_space<vmem_shared>>
      tpu.wait_indirect_dma semaphore(%arg19 : memref<!tpu.dma_semaphore, #tpu.memory_space<semaphore_mem>>) src(%dma_wait3A_210 : memref<80x64xf32, #tpu.memory_space<vmem>>) dst(%dma_wait3A_216 : memref<10240x64xf32, #tpu.memory_space<vmem_shared>>)
    } else {
    }
    %barrier3A_16 = arith.constant 0 : index
    tpu.barrier barrier_id(%barrier3A_16)
    %scan3A_17 = arith.constant 0 : i32
    %scan3A_18 = arith.constant 5 : i32
    %scan3A_19 = arith.addi %scan3A_17, %scan3A_18 : i32
    %scan3A_20 = arith.constant 1 : i32
    scf.for %scan3A_22 = %scan3A_17 to %scan3A_19 step %scan3A_20  : i32 {
      %mul3A = arith.constant 1 : i32
      %mul3A_23 = arith.muli %scan3A_22, %mul3A : i32
      %add3A = arith.constant 0 : i32
      %add3A_24 = arith.addi %add3A, %mul3A_23 : i32
      %mul3A_25 = arith.constant 640 : i32
      %mul3A_26 = arith.muli %arg1, %mul3A_25 : i32
      %mul3A_27 = arith.constant 128 : i32
      %mul3A_28 = arith.muli %add3A_24, %mul3A_27 : i32
      %add3A_29 = arith.addi %mul3A_26, %mul3A_28 : i32
      %scan3A_30 = arith.constant 0 : i32
      %scan3A_31 = arith.constant 8 : i32
      %scan3A_32 = arith.addi %scan3A_30, %scan3A_31 : i32
      %scan3A_33 = arith.constant 1 : i32
      scf.for %scan3A_44 = %scan3A_30 to %scan3A_32 step %scan3A_33  : i32 {
        %mul3A_45 = arith.constant 1 : i32
        %mul3A_46 = arith.muli %scan3A_44, %mul3A_45 : i32
        %add3A_47 = arith.constant 0 : i32
        %add3A_48 = arith.addi %add3A_47, %mul3A_46 : i32
        %iota3A = tpu.iota {dimensions = array<i32: 0>} : vector<16xi32>
        %mul3A_49 = arith.constant 16 : i32
        %mul3A_50 = arith.muli %add3A_48, %mul3A_49 : i32
        %add3A_51 = arith.addi %add3A_29, %mul3A_50 : i32
        %add3A_52 = vector.broadcast %add3A_51 : i32 to vector<16xi32>
        %add3A_53 = arith.addi %iota3A, %add3A_52 : vector<16xi32>
        %mul3A_54 = arith.constant 16 : i32
        %mul3A_55 = arith.muli %add3A_48, %mul3A_54 : i32
        %swap3A = arith.index_cast %mul3A_55 : i32 to index
        %swap3A_56 = tpu.vector_load %arg11[%swap3A] {strides = array<i32>} : memref<128xi32, #tpu.memory_space<vmem>>, vector<16xi32>,
        %swap3A_57 = vector.shape_cast %swap3A_56 : vector<16xi32> to vector<16xi32>
        %swap3A_58 = vector.shape_cast %add3A_53 : vector<16xi32> to vector<16xi32>
        tpu.vector_store %arg11[%swap3A], %swap3A_58 {strides = array<i32>} : memref<128xi32, #tpu.memory_space<vmem>>, vector<16xi32>,
      }
      %scan3A_34 = arith.constant 8 : i32
      %dma_start3A = arith.constant 0 : i32
      %dma_start3A_35 = arith.constant 0 : i32
      %dma_start3A_36 = tpu.memref_slice %arg12[%dma_start3A, %dma_start3A_35] : memref<10240x64xf32, #tpu.memory_space<vmem_shared>> -> memref<10240x64xf32, #tpu.memory_space<vmem_shared>>
      tpu.enqueue_indirect_dma source(%dma_start3A_36 : memref<10240x64xf32, #tpu.memory_space<vmem_shared>>) target(%arg10 : memref<128x64xf32, #tpu.memory_space<vmem>>) offsets(%arg11 : memref<128xi32, #tpu.memory_space<vmem>>) semaphore(%arg13 : memref<!tpu.dma_semaphore, #tpu.memory_space<semaphore_mem>>)
      %dma_wait3A = arith.constant 0 : i32
      %dma_wait3A_37 = arith.constant 0 : i32
      %dma_wait3A_38 = tpu.memref_slice %arg12[%dma_wait3A, %dma_wait3A_37] : memref<10240x64xf32, #tpu.memory_space<vmem_shared>> -> memref<10240x64xf32, #tpu.memory_space<vmem_shared>>
      tpu.wait_indirect_dma semaphore(%arg13 : memref<!tpu.dma_semaphore, #tpu.memory_space<semaphore_mem>>) src(%dma_wait3A_38 : memref<10240x64xf32, #tpu.memory_space<vmem_shared>>) dst(%arg10 : memref<128x64xf32, #tpu.memory_space<vmem>>)
      %mul3A_39 = arith.constant 640 : i32
      %mul3A_40 = arith.muli %arg1, %mul3A_39 : i32
      %mul3A_41 = arith.constant 128 : i32
      %mul3A_42 = arith.muli %add3A_24, %mul3A_41 : i32
      %add3A_43 = arith.addi %mul3A_40, %mul3A_42 : i32
      "tpu.region"() ({
        %run_scoped3A = tpu.sem_alloc : memref<!tpu.dma_semaphore, #tpu.memory_space<semaphore_mem>>
        %dma_start3A_44 = arith.constant 0 : i32
        %dma_start3A_45 = tpu.memref_slice %arg6[%arg0, %add3A_43, %dma_start3A_44] : memref<2x10240x64xf32, #tpu.memory_space<hbm>> -> memref<1x128x64xf32, #tpu.memory_space<hbm>>
        %dma_start3A_46 = tpu.memref_squeeze %dma_start3A_45 : memref<1x128x64xf32, #tpu.memory_space<hbm>> -> memref<128x64xf32, #tpu.memory_space<hbm>>
        %dma_start3A_47 = arith.constant 0 : i32
        %dma_start3A_48 = tpu.memref_slice %arg6[%arg0, %add3A_43, %dma_start3A_47] : memref<2x10240x64xf32, #tpu.memory_space<hbm>> -> memref<1x128x64xf32, #tpu.memory_space<hbm>>
        %dma_start3A_49 = tpu.memref_squeeze %dma_start3A_48 : memref<1x128x64xf32, #tpu.memory_space<hbm>> -> memref<128x64xf32, #tpu.memory_space<hbm>>
        tpu.enqueue_dma source(%arg10 : memref<128x64xf32, #tpu.memory_space<vmem>>) target(%dma_start3A_49 : memref<128x64xf32, #tpu.memory_space<hbm>>) target_semaphore(%run_scoped3A : memref<!tpu.dma_semaphore, #tpu.memory_space<semaphore_mem>>)
        %dma_wait3A_50 = arith.constant 0 : i32
        %dma_wait3A_51 = tpu.memref_slice %arg6[%arg0, %add3A_43, %dma_wait3A_50] : memref<2x10240x64xf32, #tpu.memory_space<hbm>> -> memref<1x128x64xf32, #tpu.memory_space<hbm>>
        %dma_wait3A_52 = tpu.memref_squeeze %dma_wait3A_51 : memref<1x128x64xf32, #tpu.memory_space<hbm>> -> memref<128x64xf32, #tpu.memory_space<hbm>>
        %dma_wait3A_53 = arith.constant 0 : i32
        %dma_wait3A_54 = tpu.memref_slice %arg6[%arg0, %add3A_43, %dma_wait3A_53] : memref<2x10240x64xf32, #tpu.memory_space<hbm>> -> memref<1x128x64xf32, #tpu.memory_space<hbm>>
        %dma_wait3A_55 = tpu.memref_squeeze %dma_wait3A_54 : memref<1x128x64xf32, #tpu.memory_space<hbm>> -> memref<128x64xf32, #tpu.memory_space<hbm>>
        tpu.wait_dma2 semaphore(%run_scoped3A : memref<!tpu.dma_semaphore, #tpu.memory_space<semaphore_mem>>) src(%arg10 : memref<128x64xf32, #tpu.memory_space<vmem>>) dst(%dma_wait3A_55 : memref<128x64xf32, #tpu.memory_space<hbm>>)
        tpu.yield
      }) : () -> ()
    }
    %scan3A_21 = arith.constant 5 : i32
    return
  }
}

#map = affine_map<(d0, d1) -> (0, 0)>
#map1 = affine_map<(d0, d1) -> (0, 0, 0)>
module attributes {stable_mosaic.version = 14 : i64} {
  func.func @_agg_kernel(%arg0: i32, %arg1: i32, %arg2: memref<10000x64xf32, #tpu.memory_space<hbm>>, %arg3: memref<10000x64xf32, #tpu.memory_space<hbm>>, %arg4: memref<16x250x80xi32, #tpu.memory_space<hbm>>, %arg5: memref<16x250x80xi32, #tpu.memory_space<hbm>>, %arg6: memref<2x10240x64xf32, #tpu.memory_space<hbm>>, %arg7: memref<250x80xi32, #tpu.memory_space<vmem>>, %arg8: memref<250x80xi32, #tpu.memory_space<vmem>>, %arg9: memref<6x80x64xf32, #tpu.memory_space<vmem>>, %arg10: memref<128x64xf32, #tpu.memory_space<vmem>>, %arg11: memref<128xi32, #tpu.memory_space<vmem>>, %arg12: memref<10240x64xf32, #tpu.memory_space<vmem_shared>>, %arg13: memref<!tpu.dma_semaphore, #tpu.memory_space<semaphore_mem>>, %arg14: memref<!tpu.dma_semaphore, #tpu.memory_space<semaphore_mem>>, %arg15: memref<!tpu.dma_semaphore, #tpu.memory_space<semaphore_mem>>, %arg16: memref<!tpu.dma_semaphore, #tpu.memory_space<semaphore_mem>>, %arg17: memref<!tpu.dma_semaphore, #tpu.memory_space<semaphore_mem>>, %arg18: memref<!tpu.dma_semaphore, #tpu.memory_space<semaphore_mem>>, %arg19: memref<!tpu.dma_semaphore, #tpu.memory_space<semaphore_mem>>) attributes {dimension_semantics = [#tpu.dimension_semantics<core_parallel>, #tpu.dimension_semantics<subcore_parallel>], iteration_bounds = array<i64: 2, 16>, scalar_prefetch = 0 : i64, scratch_operands = 13 : i64, tpu.core_type = #tpu.core_type<sc_vector_subcore>, window_params = [{transform_indices = #map}, {transform_indices = #map}, {transform_indices = #map1}, {transform_indices = #map1}, {transform_indices = #map1}]} {
    "tpu.region"() ({
      %run_scoped3A = tpu.sem_alloc : memref<!tpu.dma_semaphore, #tpu.memory_space<semaphore_mem>>
      %dma_start3A = arith.constant 0 : i32
      %dma_start3A_22 = arith.constant 0 : i32
      %dma_start3A_23 = tpu.memref_slice %arg4[%arg1, %dma_start3A, %dma_start3A_22] : memref<16x250x80xi32, #tpu.memory_space<hbm>> -> memref<1x250x80xi32, #tpu.memory_space<hbm>>
      %dma_start3A_24 = tpu.memref_squeeze %dma_start3A_23 : memref<1x250x80xi32, #tpu.memory_space<hbm>> -> memref<250x80xi32, #tpu.memory_space<hbm>>
      %dma_start3A_25 = arith.constant 0 : i32
      %dma_start3A_26 = arith.constant 0 : i32
      %dma_start3A_27 = tpu.memref_slice %arg4[%arg1, %dma_start3A_25, %dma_start3A_26] : memref<16x250x80xi32, #tpu.memory_space<hbm>> -> memref<1x250x80xi32, #tpu.memory_space<hbm>>
      %dma_start3A_28 = tpu.memref_squeeze %dma_start3A_27 : memref<1x250x80xi32, #tpu.memory_space<hbm>> -> memref<250x80xi32, #tpu.memory_space<hbm>>
      tpu.enqueue_dma source(%dma_start3A_28 : memref<250x80xi32, #tpu.memory_space<hbm>>) target(%arg7 : memref<250x80xi32, #tpu.memory_space<vmem>>) target_semaphore(%run_scoped3A : memref<!tpu.dma_semaphore, #tpu.memory_space<semaphore_mem>>)
      %dma_wait3A = arith.constant 0 : i32
      %dma_wait3A_29 = arith.constant 0 : i32
      %dma_wait3A_30 = tpu.memref_slice %arg4[%arg1, %dma_wait3A, %dma_wait3A_29] : memref<16x250x80xi32, #tpu.memory_space<hbm>> -> memref<1x250x80xi32, #tpu.memory_space<hbm>>
      %dma_wait3A_31 = tpu.memref_squeeze %dma_wait3A_30 : memref<1x250x80xi32, #tpu.memory_space<hbm>> -> memref<250x80xi32, #tpu.memory_space<hbm>>
      %dma_wait3A_32 = arith.constant 0 : i32
      %dma_wait3A_33 = arith.constant 0 : i32
      %dma_wait3A_34 = tpu.memref_slice %arg4[%arg1, %dma_wait3A_32, %dma_wait3A_33] : memref<16x250x80xi32, #tpu.memory_space<hbm>> -> memref<1x250x80xi32, #tpu.memory_space<hbm>>
      %dma_wait3A_35 = tpu.memref_squeeze %dma_wait3A_34 : memref<1x250x80xi32, #tpu.memory_space<hbm>> -> memref<250x80xi32, #tpu.memory_space<hbm>>
      tpu.wait_dma2 semaphore(%run_scoped3A : memref<!tpu.dma_semaphore, #tpu.memory_space<semaphore_mem>>) src(%dma_wait3A_35 : memref<250x80xi32, #tpu.memory_space<hbm>>) dst(%arg7 : memref<250x80xi32, #tpu.memory_space<vmem>>)
      tpu.yield
    }) : () -> ()
    "tpu.region"() ({
      %run_scoped3A = tpu.sem_alloc : memref<!tpu.dma_semaphore, #tpu.memory_space<semaphore_mem>>
      %dma_start3A = arith.constant 0 : i32
      %dma_start3A_22 = arith.constant 0 : i32
      %dma_start3A_23 = tpu.memref_slice %arg5[%arg1, %dma_start3A, %dma_start3A_22] : memref<16x250x80xi32, #tpu.memory_space<hbm>> -> memref<1x250x80xi32, #tpu.memory_space<hbm>>
      %dma_start3A_24 = tpu.memref_squeeze %dma_start3A_23 : memref<1x250x80xi32, #tpu.memory_space<hbm>> -> memref<250x80xi32, #tpu.memory_space<hbm>>
      %dma_start3A_25 = arith.constant 0 : i32
      %dma_start3A_26 = arith.constant 0 : i32
      %dma_start3A_27 = tpu.memref_slice %arg5[%arg1, %dma_start3A_25, %dma_start3A_26] : memref<16x250x80xi32, #tpu.memory_space<hbm>> -> memref<1x250x80xi32, #tpu.memory_space<hbm>>
      %dma_start3A_28 = tpu.memref_squeeze %dma_start3A_27 : memref<1x250x80xi32, #tpu.memory_space<hbm>> -> memref<250x80xi32, #tpu.memory_space<hbm>>
      tpu.enqueue_dma source(%dma_start3A_28 : memref<250x80xi32, #tpu.memory_space<hbm>>) target(%arg8 : memref<250x80xi32, #tpu.memory_space<vmem>>) target_semaphore(%run_scoped3A : memref<!tpu.dma_semaphore, #tpu.memory_space<semaphore_mem>>)
      %dma_wait3A = arith.constant 0 : i32
      %dma_wait3A_29 = arith.constant 0 : i32
      %dma_wait3A_30 = tpu.memref_slice %arg5[%arg1, %dma_wait3A, %dma_wait3A_29] : memref<16x250x80xi32, #tpu.memory_space<hbm>> -> memref<1x250x80xi32, #tpu.memory_space<hbm>>
      %dma_wait3A_31 = tpu.memref_squeeze %dma_wait3A_30 : memref<1x250x80xi32, #tpu.memory_space<hbm>> -> memref<250x80xi32, #tpu.memory_space<hbm>>
      %dma_wait3A_32 = arith.constant 0 : i32
      %dma_wait3A_33 = arith.constant 0 : i32
      %dma_wait3A_34 = tpu.memref_slice %arg5[%arg1, %dma_wait3A_32, %dma_wait3A_33] : memref<16x250x80xi32, #tpu.memory_space<hbm>> -> memref<1x250x80xi32, #tpu.memory_space<hbm>>
      %dma_wait3A_35 = tpu.memref_squeeze %dma_wait3A_34 : memref<1x250x80xi32, #tpu.memory_space<hbm>> -> memref<250x80xi32, #tpu.memory_space<hbm>>
      tpu.wait_dma2 semaphore(%run_scoped3A : memref<!tpu.dma_semaphore, #tpu.memory_space<semaphore_mem>>) src(%dma_wait3A_35 : memref<250x80xi32, #tpu.memory_space<hbm>>) dst(%arg8 : memref<250x80xi32, #tpu.memory_space<vmem>>)
      tpu.yield
    }) : () -> ()
    %scan3A = arith.constant 0 : i32
    %scan3A_0 = arith.constant 128 : i32
    %scan3A_1 = arith.addi %scan3A, %scan3A_0 : i32
    %scan3A_2 = arith.constant 1 : i32
    scf.for %scan3A_22 = %scan3A to %scan3A_1 step %scan3A_2  : i32 {
      %mul3A = arith.constant 1 : i32
      %mul3A_23 = arith.muli %scan3A_22, %mul3A : i32
      %add3A = arith.constant 0 : i32
      %add3A_24 = arith.addi %add3A, %mul3A_23 : i32
      %scan3A_25 = arith.constant 0 : i32
      %scan3A_26 = arith.constant 4 : i32
      %scan3A_27 = arith.addi %scan3A_25, %scan3A_26 : i32
      %scan3A_28 = arith.constant 1 : i32
      scf.for %scan3A_30 = %scan3A_25 to %scan3A_27 step %scan3A_28  : i32 {
        %mul3A_31 = arith.constant 1 : i32
        %mul3A_32 = arith.muli %scan3A_30, %mul3A_31 : i32
        %add3A_33 = arith.constant 0 : i32
        %add3A_34 = arith.addi %add3A_33, %mul3A_32 : i32
        %broadcast_in_dim3A = arith.constant 0.000000e+00 : f32
        %broadcast_in_dim3A_35 = vector.broadcast %broadcast_in_dim3A : f32 to vector<16xf32>
        %mul3A_36 = arith.constant 16 : i32
        %mul3A_37 = arith.muli %add3A_34, %mul3A_36 : i32
        %swap3A = arith.index_cast %add3A_24 : i32 to index
        %swap3A_38 = arith.index_cast %mul3A_37 : i32 to index
        %swap3A_39 = tpu.vector_load %arg10[%swap3A, %swap3A_38] {strides = array<i32>} : memref<128x64xf32, #tpu.memory_space<vmem>>, vector<1x16xf32>,
        %swap3A_40 = vector.shape_cast %swap3A_39 : vector<1x16xf32> to vector<16xf32>
        %swap3A_41 = vector.shape_cast %broadcast_in_dim3A_35 : vector<16xf32> to vector<1x16xf32>
        tpu.vector_store %arg10[%swap3A, %swap3A_38], %swap3A_41 {strides = array<i32>} : memref<128x64xf32, #tpu.memory_space<vmem>>, vector<1x16xf32>,
      }
      %scan3A_29 = arith.constant 4 : i32
    }
    %scan3A_3 = arith.constant 128 : i32
    %scan3A_4 = arith.constant 0 : i32
    %scan3A_5 = arith.constant 5 : i32
    %scan3A_6 = arith.addi %scan3A_4, %scan3A_5 : i32
    %scan3A_7 = arith.constant 1 : i32
    scf.for %scan3A_22 = %scan3A_4 to %scan3A_6 step %scan3A_7  : i32 {
      %mul3A = arith.constant 1 : i32
      %mul3A_23 = arith.muli %scan3A_22, %mul3A : i32
      %add3A = arith.constant 0 : i32
      %add3A_24 = arith.addi %add3A, %mul3A_23 : i32
      %mul3A_25 = arith.constant 640 : i32
      %mul3A_26 = arith.muli %arg1, %mul3A_25 : i32
      %mul3A_27 = arith.constant 128 : i32
      %mul3A_28 = arith.muli %add3A_24, %mul3A_27 : i32
      %add3A_29 = arith.addi %mul3A_26, %mul3A_28 : i32
      %scan3A_30 = arith.constant 0 : i32
      %scan3A_31 = arith.constant 8 : i32
      %scan3A_32 = arith.addi %scan3A_30, %scan3A_31 : i32
      %scan3A_33 = arith.constant 1 : i32
      scf.for %scan3A_35 = %scan3A_30 to %scan3A_32 step %scan3A_33  : i32 {
        %mul3A_36 = arith.constant 1 : i32
        %mul3A_37 = arith.muli %scan3A_35, %mul3A_36 : i32
        %add3A_38 = arith.constant 0 : i32
        %add3A_39 = arith.addi %add3A_38, %mul3A_37 : i32
        %iota3A = tpu.iota {dimensions = array<i32: 0>} : vector<16xi32>
        %mul3A_40 = arith.constant 16 : i32
        %mul3A_41 = arith.muli %add3A_39, %mul3A_40 : i32
        %add3A_42 = arith.addi %add3A_29, %mul3A_41 : i32
        %add3A_43 = vector.broadcast %add3A_42 : i32 to vector<16xi32>
        %add3A_44 = arith.addi %iota3A, %add3A_43 : vector<16xi32>
        %mul3A_45 = arith.constant 16 : i32
        %mul3A_46 = arith.muli %add3A_39, %mul3A_45 : i32
        %swap3A = arith.index_cast %mul3A_46 : i32 to index
        %swap3A_47 = tpu.vector_load %arg11[%swap3A] {strides = array<i32>} : memref<128xi32, #tpu.memory_space<vmem>>, vector<16xi32>,
        %swap3A_48 = vector.shape_cast %swap3A_47 : vector<16xi32> to vector<16xi32>
        %swap3A_49 = vector.shape_cast %add3A_44 : vector<16xi32> to vector<16xi32>
        tpu.vector_store %arg11[%swap3A], %swap3A_49 {strides = array<i32>} : memref<128xi32, #tpu.memory_space<vmem>>, vector<16xi32>,
      }
      %scan3A_34 = arith.constant 8 : i32
      "tpu.region"() ({
        %run_scoped3A = tpu.sem_alloc : memref<!tpu.dma_semaphore, #tpu.memory_space<semaphore_mem>>
        %dma_start3A = arith.constant 0 : i32
        %dma_start3A_35 = arith.constant 0 : i32
        %dma_start3A_36 = tpu.memref_slice %arg12[%dma_start3A, %dma_start3A_35] : memref<10240x64xf32, #tpu.memory_space<vmem_shared>> -> memref<10240x64xf32, #tpu.memory_space<vmem_shared>>
        tpu.enqueue_indirect_dma source(%arg10 : memref<128x64xf32, #tpu.memory_space<vmem>>) target(%dma_start3A_36 : memref<10240x64xf32, #tpu.memory_space<vmem_shared>>) offsets(%arg11 : memref<128xi32, #tpu.memory_space<vmem>>) semaphore(%run_scoped3A : memref<!tpu.dma_semaphore, #tpu.memory_space<semaphore_mem>>)
        %dma_wait3A = arith.constant 0 : i32
        %dma_wait3A_37 = arith.constant 0 : i32
        %dma_wait3A_38 = tpu.memref_slice %arg12[%dma_wait3A, %dma_wait3A_37] : memref<10240x64xf32, #tpu.memory_space<vmem_shared>> -> memref<10240x64xf32, #tpu.memory_space<vmem_shared>>
        tpu.wait_indirect_dma semaphore(%run_scoped3A : memref<!tpu.dma_semaphore, #tpu.memory_space<semaphore_mem>>) src(%arg10 : memref<128x64xf32, #tpu.memory_space<vmem>>) dst(%dma_wait3A_38 : memref<10240x64xf32, #tpu.memory_space<vmem_shared>>)
        tpu.yield
      }) : () -> ()
    }
    %scan3A_8 = arith.constant 5 : i32
    %barrier3A = arith.constant 0 : index
    tpu.barrier barrier_id(%barrier3A)
    %eq3A = arith.constant 0 : i32
    %eq3A_9 = arith.cmpi eq, %arg0, %eq3A : i32
    %convert_element_type3A = arith.extui %eq3A_9 : i1 to i32
    %cond3A = arith.constant 0 : i32
    %cond3A_10 = arith.cmpi ne, %convert_element_type3A, %cond3A : i32
    scf.if %cond3A_10 {
      %dma_start3A = arith.constant 0 : i32
      %dma_start3A_22 = arith.constant 0 : i32
      %dma_start3A_23 = arith.constant 0 : i32
      %dma_start3A_24 = arith.constant 0 : i32
      %dma_start3A_25 = tpu.memref_slice %arg9[%dma_start3A_22, %dma_start3A_23, %dma_start3A_24] : memref<6x80x64xf32, #tpu.memory_space<vmem>> -> memref<1x80x64xf32, #tpu.memory_space<vmem>>
      %dma_start3A_26 = tpu.memref_squeeze %dma_start3A_25 : memref<1x80x64xf32, #tpu.memory_space<vmem>> -> memref<80x64xf32, #tpu.memory_space<vmem>>
      %dma_start3A_27 = arith.constant 0 : i32
      %dma_start3A_28 = tpu.memref_slice %arg7[%dma_start3A, %dma_start3A_27] : memref<250x80xi32, #tpu.memory_space<vmem>> -> memref<1x80xi32, #tpu.memory_space<vmem>>
      %dma_start3A_29 = tpu.memref_squeeze %dma_start3A_28 : memref<1x80xi32, #tpu.memory_space<vmem>> -> memref<80xi32, #tpu.memory_space<vmem>>
      %dma_start3A_30 = arith.constant 0 : i32
      %dma_start3A_31 = arith.constant 0 : i32
      %dma_start3A_32 = tpu.memref_slice %arg2[%dma_start3A_30, %dma_start3A_31] : memref<10000x64xf32, #tpu.memory_space<hbm>> -> memref<10000x64xf32, #tpu.memory_space<hbm>>
      tpu.enqueue_indirect_dma source(%dma_start3A_32 : memref<10000x64xf32, #tpu.memory_space<hbm>>) target(%dma_start3A_26 : memref<80x64xf32, #tpu.memory_space<vmem>>) offsets(%dma_start3A_29 : memref<80xi32, #tpu.memory_space<vmem>>) semaphore(%arg13 : memref<!tpu.dma_semaphore, #tpu.memory_space<semaphore_mem>>)
      %scan3A_33 = arith.constant 0 : i32
      %scan3A_34 = arith.constant 41 : i32
      %scan3A_35 = arith.addi %scan3A_33, %scan3A_34 : i32
      %scan3A_36 = arith.constant 1 : i32
      scf.for %scan3A_217 = %scan3A_33 to %scan3A_35 step %scan3A_36  : i32 {
        %mul3A = arith.constant 1 : i32
        %mul3A_218 = arith.muli %scan3A_217, %mul3A : i32
        %add3A = arith.constant 0 : i32
        %add3A_219 = arith.addi %add3A, %mul3A_218 : i32
        %mul3A_220 = arith.constant 6 : i32
        %mul3A_221 = arith.muli %add3A_219, %mul3A_220 : i32
        %add3A_222 = arith.constant 0 : i32
        %add3A_223 = arith.addi %mul3A_221, %add3A_222 : i32
        %dma_wait3A_224 = arith.constant 0 : i32
        %dma_wait3A_225 = arith.constant 0 : i32
        %dma_wait3A_226 = arith.constant 0 : i32
        %dma_wait3A_227 = tpu.memref_slice %arg9[%dma_wait3A_224, %dma_wait3A_225, %dma_wait3A_226] : memref<6x80x64xf32, #tpu.memory_space<vmem>> -> memref<1x80x64xf32, #tpu.memory_space<vmem>>
        %dma_wait3A_228 = tpu.memref_squeeze %dma_wait3A_227 : memref<1x80x64xf32, #tpu.memory_space<vmem>> -> memref<80x64xf32, #tpu.memory_space<vmem>>
        %dma_wait3A_229 = arith.constant 0 : i32
        %dma_wait3A_230 = tpu.memref_slice %arg7[%add3A_223, %dma_wait3A_229] : memref<250x80xi32, #tpu.memory_space<vmem>> -> memref<1x80xi32, #tpu.memory_space<vmem>>
        %dma_wait3A_231 = tpu.memref_squeeze %dma_wait3A_230 : memref<1x80xi32, #tpu.memory_space<vmem>> -> memref<80xi32, #tpu.memory_space<vmem>>
        %dma_wait3A_232 = arith.constant 0 : i32
        %dma_wait3A_233 = arith.constant 0 : i32
        %dma_wait3A_234 = tpu.memref_slice %arg2[%dma_wait3A_232, %dma_wait3A_233] : memref<10000x64xf32, #tpu.memory_space<hbm>> -> memref<10000x64xf32, #tpu.memory_space<hbm>>
        tpu.wait_indirect_dma semaphore(%arg13 : memref<!tpu.dma_semaphore, #tpu.memory_space<semaphore_mem>>) src(%dma_wait3A_234 : memref<10000x64xf32, #tpu.memory_space<hbm>>) dst(%dma_wait3A_228 : memref<80x64xf32, #tpu.memory_space<vmem>>)
        %add3A_235 = arith.constant 1 : i32
        %add3A_236 = arith.addi %add3A_223, %add3A_235 : i32
        %dma_start3A_237 = arith.constant 1 : i32
        %dma_start3A_238 = arith.constant 0 : i32
        %dma_start3A_239 = arith.constant 0 : i32
        %dma_start3A_240 = tpu.memref_slice %arg9[%dma_start3A_237, %dma_start3A_238, %dma_start3A_239] : memref<6x80x64xf32, #tpu.memory_space<vmem>> -> memref<1x80x64xf32, #tpu.memory_space<vmem>>
        %dma_start3A_241 = tpu.memref_squeeze %dma_start3A_240 : memref<1x80x64xf32, #tpu.memory_space<vmem>> -> memref<80x64xf32, #tpu.memory_space<vmem>>
        %dma_start3A_242 = arith.constant 0 : i32
        %dma_start3A_243 = tpu.memref_slice %arg7[%add3A_236, %dma_start3A_242] : memref<250x80xi32, #tpu.memory_space<vmem>> -> memref<1x80xi32, #tpu.memory_space<vmem>>
        %dma_start3A_244 = tpu.memref_squeeze %dma_start3A_243 : memref<1x80xi32, #tpu.memory_space<vmem>> -> memref<80xi32, #tpu.memory_space<vmem>>
        %dma_start3A_245 = arith.constant 0 : i32
        %dma_start3A_246 = arith.constant 0 : i32
        %dma_start3A_247 = tpu.memref_slice %arg2[%dma_start3A_245, %dma_start3A_246] : memref<10000x64xf32, #tpu.memory_space<hbm>> -> memref<10000x64xf32, #tpu.memory_space<hbm>>
        tpu.enqueue_indirect_dma source(%dma_start3A_247 : memref<10000x64xf32, #tpu.memory_space<hbm>>) target(%dma_start3A_241 : memref<80x64xf32, #tpu.memory_space<vmem>>) offsets(%dma_start3A_244 : memref<80xi32, #tpu.memory_space<vmem>>) semaphore(%arg14 : memref<!tpu.dma_semaphore, #tpu.memory_space<semaphore_mem>>)
        %dma_start3A_248 = arith.constant 0 : i32
        %dma_start3A_249 = arith.constant 0 : i32
        %dma_start3A_250 = arith.constant 0 : i32
        %dma_start3A_251 = tpu.memref_slice %arg9[%dma_start3A_248, %dma_start3A_249, %dma_start3A_250] : memref<6x80x64xf32, #tpu.memory_space<vmem>> -> memref<1x80x64xf32, #tpu.memory_space<vmem>>
        %dma_start3A_252 = tpu.memref_squeeze %dma_start3A_251 : memref<1x80x64xf32, #tpu.memory_space<vmem>> -> memref<80x64xf32, #tpu.memory_space<vmem>>
        %dma_start3A_253 = arith.constant 0 : i32
        %dma_start3A_254 = tpu.memref_slice %arg8[%add3A_223, %dma_start3A_253] : memref<250x80xi32, #tpu.memory_space<vmem>> -> memref<1x80xi32, #tpu.memory_space<vmem>>
        %dma_start3A_255 = tpu.memref_squeeze %dma_start3A_254 : memref<1x80xi32, #tpu.memory_space<vmem>> -> memref<80xi32, #tpu.memory_space<vmem>>
        %dma_start3A_256 = arith.constant 0 : i32
        %dma_start3A_257 = arith.constant 0 : i32
        %dma_start3A_258 = tpu.memref_slice %arg12[%dma_start3A_256, %dma_start3A_257] : memref<10240x64xf32, #tpu.memory_space<vmem_shared>> -> memref<10240x64xf32, #tpu.memory_space<vmem_shared>>
        tpu.enqueue_indirect_dma source(%dma_start3A_252 : memref<80x64xf32, #tpu.memory_space<vmem>>) target(%dma_start3A_258 : memref<10240x64xf32, #tpu.memory_space<vmem_shared>>) offsets(%dma_start3A_255 : memref<80xi32, #tpu.memory_space<vmem>>) semaphore(%arg19 : memref<!tpu.dma_semaphore, #tpu.memory_space<semaphore_mem>>) {add = true}
        %dma_wait3A_259 = arith.constant 0 : i32
        %dma_wait3A_260 = arith.constant 0 : i32
        %dma_wait3A_261 = arith.constant 0 : i32
        %dma_wait3A_262 = tpu.memref_slice %arg9[%dma_wait3A_259, %dma_wait3A_260, %dma_wait3A_261] : memref<6x80x64xf32, #tpu.memory_space<vmem>> -> memref<1x80x64xf32, #tpu.memory_space<vmem>>
        %dma_wait3A_263 = tpu.memref_squeeze %dma_wait3A_262 : memref<1x80x64xf32, #tpu.memory_space<vmem>> -> memref<80x64xf32, #tpu.memory_space<vmem>>
        %dma_wait3A_264 = arith.constant 0 : i32
        %dma_wait3A_265 = tpu.memref_slice %arg8[%add3A_223, %dma_wait3A_264] : memref<250x80xi32, #tpu.memory_space<vmem>> -> memref<1x80xi32, #tpu.memory_space<vmem>>
        %dma_wait3A_266 = tpu.memref_squeeze %dma_wait3A_265 : memref<1x80xi32, #tpu.memory_space<vmem>> -> memref<80xi32, #tpu.memory_space<vmem>>
        %dma_wait3A_267 = arith.constant 0 : i32
        %dma_wait3A_268 = arith.constant 0 : i32
        %dma_wait3A_269 = tpu.memref_slice %arg12[%dma_wait3A_267, %dma_wait3A_268] : memref<10240x64xf32, #tpu.memory_space<vmem_shared>> -> memref<10240x64xf32, #tpu.memory_space<vmem_shared>>
        tpu.wait_indirect_dma semaphore(%arg19 : memref<!tpu.dma_semaphore, #tpu.memory_space<semaphore_mem>>) src(%dma_wait3A_263 : memref<80x64xf32, #tpu.memory_space<vmem>>) dst(%dma_wait3A_269 : memref<10240x64xf32, #tpu.memory_space<vmem_shared>>)
        %mul3A_270 = arith.constant 6 : i32
        %mul3A_271 = arith.muli %add3A_219, %mul3A_270 : i32
        %add3A_272 = arith.constant 1 : i32
        %add3A_273 = arith.addi %mul3A_271, %add3A_272 : i32
        %dma_wait3A_274 = arith.constant 1 : i32
        %dma_wait3A_275 = arith.constant 0 : i32
        %dma_wait3A_276 = arith.constant 0 : i32
        %dma_wait3A_277 = tpu.memref_slice %arg9[%dma_wait3A_274, %dma_wait3A_275, %dma_wait3A_276] : memref<6x80x64xf32, #tpu.memory_space<vmem>> -> memref<1x80x64xf32, #tpu.memory_space<vmem>>
        %dma_wait3A_278 = tpu.memref_squeeze %dma_wait3A_277 : memref<1x80x64xf32, #tpu.memory_space<vmem>> -> memref<80x64xf32, #tpu.memory_space<vmem>>
        %dma_wait3A_279 = arith.constant 0 : i32
        %dma_wait3A_280 = tpu.memref_slice %arg7[%add3A_273, %dma_wait3A_279] : memref<250x80xi32, #tpu.memory_space<vmem>> -> memref<1x80xi32, #tpu.memory_space<vmem>>
        %dma_wait3A_281 = tpu.memref_squeeze %dma_wait3A_280 : memref<1x80xi32, #tpu.memory_space<vmem>> -> memref<80xi32, #tpu.memory_space<vmem>>
        %dma_wait3A_282 = arith.constant 0 : i32
        %dma_wait3A_283 = arith.constant 0 : i32
        %dma_wait3A_284 = tpu.memref_slice %arg2[%dma_wait3A_282, %dma_wait3A_283] : memref<10000x64xf32, #tpu.memory_space<hbm>> -> memref<10000x64xf32, #tpu.memory_space<hbm>>
        tpu.wait_indirect_dma semaphore(%arg14 : memref<!tpu.dma_semaphore, #tpu.memory_space<semaphore_mem>>) src(%dma_wait3A_284 : memref<10000x64xf32, #tpu.memory_space<hbm>>) dst(%dma_wait3A_278 : memref<80x64xf32, #tpu.memory_space<vmem>>)
        %add3A_285 = arith.constant 1 : i32
        %add3A_286 = arith.addi %add3A_273, %add3A_285 : i32
        %dma_start3A_287 = arith.constant 2 : i32
        %dma_start3A_288 = arith.constant 0 : i32
        %dma_start3A_289 = arith.constant 0 : i32
        %dma_start3A_290 = tpu.memref_slice %arg9[%dma_start3A_287, %dma_start3A_288, %dma_start3A_289] : memref<6x80x64xf32, #tpu.memory_space<vmem>> -> memref<1x80x64xf32, #tpu.memory_space<vmem>>
        %dma_start3A_291 = tpu.memref_squeeze %dma_start3A_290 : memref<1x80x64xf32, #tpu.memory_space<vmem>> -> memref<80x64xf32, #tpu.memory_space<vmem>>
        %dma_start3A_292 = arith.constant 0 : i32
        %dma_start3A_293 = tpu.memref_slice %arg7[%add3A_286, %dma_start3A_292] : memref<250x80xi32, #tpu.memory_space<vmem>> -> memref<1x80xi32, #tpu.memory_space<vmem>>
        %dma_start3A_294 = tpu.memref_squeeze %dma_start3A_293 : memref<1x80xi32, #tpu.memory_space<vmem>> -> memref<80xi32, #tpu.memory_space<vmem>>
        %dma_start3A_295 = arith.constant 0 : i32
        %dma_start3A_296 = arith.constant 0 : i32
        %dma_start3A_297 = tpu.memref_slice %arg2[%dma_start3A_295, %dma_start3A_296] : memref<10000x64xf32, #tpu.memory_space<hbm>> -> memref<10000x64xf32, #tpu.memory_space<hbm>>
        tpu.enqueue_indirect_dma source(%dma_start3A_297 : memref<10000x64xf32, #tpu.memory_space<hbm>>) target(%dma_start3A_291 : memref<80x64xf32, #tpu.memory_space<vmem>>) offsets(%dma_start3A_294 : memref<80xi32, #tpu.memory_space<vmem>>) semaphore(%arg15 : memref<!tpu.dma_semaphore, #tpu.memory_space<semaphore_mem>>)
        %dma_start3A_298 = arith.constant 1 : i32
        %dma_start3A_299 = arith.constant 0 : i32
        %dma_start3A_300 = arith.constant 0 : i32
        %dma_start3A_301 = tpu.memref_slice %arg9[%dma_start3A_298, %dma_start3A_299, %dma_start3A_300] : memref<6x80x64xf32, #tpu.memory_space<vmem>> -> memref<1x80x64xf32, #tpu.memory_space<vmem>>
        %dma_start3A_302 = tpu.memref_squeeze %dma_start3A_301 : memref<1x80x64xf32, #tpu.memory_space<vmem>> -> memref<80x64xf32, #tpu.memory_space<vmem>>
        %dma_start3A_303 = arith.constant 0 : i32
        %dma_start3A_304 = tpu.memref_slice %arg8[%add3A_273, %dma_start3A_303] : memref<250x80xi32, #tpu.memory_space<vmem>> -> memref<1x80xi32, #tpu.memory_space<vmem>>
        %dma_start3A_305 = tpu.memref_squeeze %dma_start3A_304 : memref<1x80xi32, #tpu.memory_space<vmem>> -> memref<80xi32, #tpu.memory_space<vmem>>
        %dma_start3A_306 = arith.constant 0 : i32
        %dma_start3A_307 = arith.constant 0 : i32
        %dma_start3A_308 = tpu.memref_slice %arg12[%dma_start3A_306, %dma_start3A_307] : memref<10240x64xf32, #tpu.memory_space<vmem_shared>> -> memref<10240x64xf32, #tpu.memory_space<vmem_shared>>
        tpu.enqueue_indirect_dma source(%dma_start3A_302 : memref<80x64xf32, #tpu.memory_space<vmem>>) target(%dma_start3A_308 : memref<10240x64xf32, #tpu.memory_space<vmem_shared>>) offsets(%dma_start3A_305 : memref<80xi32, #tpu.memory_space<vmem>>) semaphore(%arg19 : memref<!tpu.dma_semaphore, #tpu.memory_space<semaphore_mem>>) {add = true}
        %dma_wait3A_309 = arith.constant 1 : i32
        %dma_wait3A_310 = arith.constant 0 : i32
        %dma_wait3A_311 = arith.constant 0 : i32
        %dma_wait3A_312 = tpu.memref_slice %arg9[%dma_wait3A_309, %dma_wait3A_310, %dma_wait3A_311] : memref<6x80x64xf32, #tpu.memory_space<vmem>> -> memref<1x80x64xf32, #tpu.memory_space<vmem>>
        %dma_wait3A_313 = tpu.memref_squeeze %dma_wait3A_312 : memref<1x80x64xf32, #tpu.memory_space<vmem>> -> memref<80x64xf32, #tpu.memory_space<vmem>>
        %dma_wait3A_314 = arith.constant 0 : i32
        %dma_wait3A_315 = tpu.memref_slice %arg8[%add3A_273, %dma_wait3A_314] : memref<250x80xi32, #tpu.memory_space<vmem>> -> memref<1x80xi32, #tpu.memory_space<vmem>>
        %dma_wait3A_316 = tpu.memref_squeeze %dma_wait3A_315 : memref<1x80xi32, #tpu.memory_space<vmem>> -> memref<80xi32, #tpu.memory_space<vmem>>
        %dma_wait3A_317 = arith.constant 0 : i32
        %dma_wait3A_318 = arith.constant 0 : i32
        %dma_wait3A_319 = tpu.memref_slice %arg12[%dma_wait3A_317, %dma_wait3A_318] : memref<10240x64xf32, #tpu.memory_space<vmem_shared>> -> memref<10240x64xf32, #tpu.memory_space<vmem_shared>>
        tpu.wait_indirect_dma semaphore(%arg19 : memref<!tpu.dma_semaphore, #tpu.memory_space<semaphore_mem>>) src(%dma_wait3A_313 : memref<80x64xf32, #tpu.memory_space<vmem>>) dst(%dma_wait3A_319 : memref<10240x64xf32, #tpu.memory_space<vmem_shared>>)
        %mul3A_320 = arith.constant 6 : i32
        %mul3A_321 = arith.muli %add3A_219, %mul3A_320 : i32
        %add3A_322 = arith.constant 2 : i32
        %add3A_323 = arith.addi %mul3A_321, %add3A_322 : i32
        %dma_wait3A_324 = arith.constant 2 : i32
        %dma_wait3A_325 = arith.constant 0 : i32
        %dma_wait3A_326 = arith.constant 0 : i32
        %dma_wait3A_327 = tpu.memref_slice %arg9[%dma_wait3A_324, %dma_wait3A_325, %dma_wait3A_326] : memref<6x80x64xf32, #tpu.memory_space<vmem>> -> memref<1x80x64xf32, #tpu.memory_space<vmem>>
        %dma_wait3A_328 = tpu.memref_squeeze %dma_wait3A_327 : memref<1x80x64xf32, #tpu.memory_space<vmem>> -> memref<80x64xf32, #tpu.memory_space<vmem>>
        %dma_wait3A_329 = arith.constant 0 : i32
        %dma_wait3A_330 = tpu.memref_slice %arg7[%add3A_323, %dma_wait3A_329] : memref<250x80xi32, #tpu.memory_space<vmem>> -> memref<1x80xi32, #tpu.memory_space<vmem>>
        %dma_wait3A_331 = tpu.memref_squeeze %dma_wait3A_330 : memref<1x80xi32, #tpu.memory_space<vmem>> -> memref<80xi32, #tpu.memory_space<vmem>>
        %dma_wait3A_332 = arith.constant 0 : i32
        %dma_wait3A_333 = arith.constant 0 : i32
        %dma_wait3A_334 = tpu.memref_slice %arg2[%dma_wait3A_332, %dma_wait3A_333] : memref<10000x64xf32, #tpu.memory_space<hbm>> -> memref<10000x64xf32, #tpu.memory_space<hbm>>
        tpu.wait_indirect_dma semaphore(%arg15 : memref<!tpu.dma_semaphore, #tpu.memory_space<semaphore_mem>>) src(%dma_wait3A_334 : memref<10000x64xf32, #tpu.memory_space<hbm>>) dst(%dma_wait3A_328 : memref<80x64xf32, #tpu.memory_space<vmem>>)
        %add3A_335 = arith.constant 1 : i32
        %add3A_336 = arith.addi %add3A_323, %add3A_335 : i32
        %dma_start3A_337 = arith.constant 3 : i32
        %dma_start3A_338 = arith.constant 0 : i32
        %dma_start3A_339 = arith.constant 0 : i32
        %dma_start3A_340 = tpu.memref_slice %arg9[%dma_start3A_337, %dma_start3A_338, %dma_start3A_339] : memref<6x80x64xf32, #tpu.memory_space<vmem>> -> memref<1x80x64xf32, #tpu.memory_space<vmem>>
        %dma_start3A_341 = tpu.memref_squeeze %dma_start3A_340 : memref<1x80x64xf32, #tpu.memory_space<vmem>> -> memref<80x64xf32, #tpu.memory_space<vmem>>
        %dma_start3A_342 = arith.constant 0 : i32
        %dma_start3A_343 = tpu.memref_slice %arg7[%add3A_336, %dma_start3A_342] : memref<250x80xi32, #tpu.memory_space<vmem>> -> memref<1x80xi32, #tpu.memory_space<vmem>>
        %dma_start3A_344 = tpu.memref_squeeze %dma_start3A_343 : memref<1x80xi32, #tpu.memory_space<vmem>> -> memref<80xi32, #tpu.memory_space<vmem>>
        %dma_start3A_345 = arith.constant 0 : i32
        %dma_start3A_346 = arith.constant 0 : i32
        %dma_start3A_347 = tpu.memref_slice %arg2[%dma_start3A_345, %dma_start3A_346] : memref<10000x64xf32, #tpu.memory_space<hbm>> -> memref<10000x64xf32, #tpu.memory_space<hbm>>
        tpu.enqueue_indirect_dma source(%dma_start3A_347 : memref<10000x64xf32, #tpu.memory_space<hbm>>) target(%dma_start3A_341 : memref<80x64xf32, #tpu.memory_space<vmem>>) offsets(%dma_start3A_344 : memref<80xi32, #tpu.memory_space<vmem>>) semaphore(%arg16 : memref<!tpu.dma_semaphore, #tpu.memory_space<semaphore_mem>>)
        %dma_start3A_348 = arith.constant 2 : i32
        %dma_start3A_349 = arith.constant 0 : i32
        %dma_start3A_350 = arith.constant 0 : i32
        %dma_start3A_351 = tpu.memref_slice %arg9[%dma_start3A_348, %dma_start3A_349, %dma_start3A_350] : memref<6x80x64xf32, #tpu.memory_space<vmem>> -> memref<1x80x64xf32, #tpu.memory_space<vmem>>
        %dma_start3A_352 = tpu.memref_squeeze %dma_start3A_351 : memref<1x80x64xf32, #tpu.memory_space<vmem>> -> memref<80x64xf32, #tpu.memory_space<vmem>>
        %dma_start3A_353 = arith.constant 0 : i32
        %dma_start3A_354 = tpu.memref_slice %arg8[%add3A_323, %dma_start3A_353] : memref<250x80xi32, #tpu.memory_space<vmem>> -> memref<1x80xi32, #tpu.memory_space<vmem>>
        %dma_start3A_355 = tpu.memref_squeeze %dma_start3A_354 : memref<1x80xi32, #tpu.memory_space<vmem>> -> memref<80xi32, #tpu.memory_space<vmem>>
        %dma_start3A_356 = arith.constant 0 : i32
        %dma_start3A_357 = arith.constant 0 : i32
        %dma_start3A_358 = tpu.memref_slice %arg12[%dma_start3A_356, %dma_start3A_357] : memref<10240x64xf32, #tpu.memory_space<vmem_shared>> -> memref<10240x64xf32, #tpu.memory_space<vmem_shared>>
        tpu.enqueue_indirect_dma source(%dma_start3A_352 : memref<80x64xf32, #tpu.memory_space<vmem>>) target(%dma_start3A_358 : memref<10240x64xf32, #tpu.memory_space<vmem_shared>>) offsets(%dma_start3A_355 : memref<80xi32, #tpu.memory_space<vmem>>) semaphore(%arg19 : memref<!tpu.dma_semaphore, #tpu.memory_space<semaphore_mem>>) {add = true}
        %dma_wait3A_359 = arith.constant 2 : i32
        %dma_wait3A_360 = arith.constant 0 : i32
        %dma_wait3A_361 = arith.constant 0 : i32
        %dma_wait3A_362 = tpu.memref_slice %arg9[%dma_wait3A_359, %dma_wait3A_360, %dma_wait3A_361] : memref<6x80x64xf32, #tpu.memory_space<vmem>> -> memref<1x80x64xf32, #tpu.memory_space<vmem>>
        %dma_wait3A_363 = tpu.memref_squeeze %dma_wait3A_362 : memref<1x80x64xf32, #tpu.memory_space<vmem>> -> memref<80x64xf32, #tpu.memory_space<vmem>>
        %dma_wait3A_364 = arith.constant 0 : i32
        %dma_wait3A_365 = tpu.memref_slice %arg8[%add3A_323, %dma_wait3A_364] : memref<250x80xi32, #tpu.memory_space<vmem>> -> memref<1x80xi32, #tpu.memory_space<vmem>>
        %dma_wait3A_366 = tpu.memref_squeeze %dma_wait3A_365 : memref<1x80xi32, #tpu.memory_space<vmem>> -> memref<80xi32, #tpu.memory_space<vmem>>
        %dma_wait3A_367 = arith.constant 0 : i32
        %dma_wait3A_368 = arith.constant 0 : i32
        %dma_wait3A_369 = tpu.memref_slice %arg12[%dma_wait3A_367, %dma_wait3A_368] : memref<10240x64xf32, #tpu.memory_space<vmem_shared>> -> memref<10240x64xf32, #tpu.memory_space<vmem_shared>>
        tpu.wait_indirect_dma semaphore(%arg19 : memref<!tpu.dma_semaphore, #tpu.memory_space<semaphore_mem>>) src(%dma_wait3A_363 : memref<80x64xf32, #tpu.memory_space<vmem>>) dst(%dma_wait3A_369 : memref<10240x64xf32, #tpu.memory_space<vmem_shared>>)
        %mul3A_370 = arith.constant 6 : i32
        %mul3A_371 = arith.muli %add3A_219, %mul3A_370 : i32
        %add3A_372 = arith.constant 3 : i32
        %add3A_373 = arith.addi %mul3A_371, %add3A_372 : i32
        %dma_wait3A_374 = arith.constant 3 : i32
        %dma_wait3A_375 = arith.constant 0 : i32
        %dma_wait3A_376 = arith.constant 0 : i32
        %dma_wait3A_377 = tpu.memref_slice %arg9[%dma_wait3A_374, %dma_wait3A_375, %dma_wait3A_376] : memref<6x80x64xf32, #tpu.memory_space<vmem>> -> memref<1x80x64xf32, #tpu.memory_space<vmem>>
        %dma_wait3A_378 = tpu.memref_squeeze %dma_wait3A_377 : memref<1x80x64xf32, #tpu.memory_space<vmem>> -> memref<80x64xf32, #tpu.memory_space<vmem>>
        %dma_wait3A_379 = arith.constant 0 : i32
        %dma_wait3A_380 = tpu.memref_slice %arg7[%add3A_373, %dma_wait3A_379] : memref<250x80xi32, #tpu.memory_space<vmem>> -> memref<1x80xi32, #tpu.memory_space<vmem>>
        %dma_wait3A_381 = tpu.memref_squeeze %dma_wait3A_380 : memref<1x80xi32, #tpu.memory_space<vmem>> -> memref<80xi32, #tpu.memory_space<vmem>>
        %dma_wait3A_382 = arith.constant 0 : i32
        %dma_wait3A_383 = arith.constant 0 : i32
        %dma_wait3A_384 = tpu.memref_slice %arg2[%dma_wait3A_382, %dma_wait3A_383] : memref<10000x64xf32, #tpu.memory_space<hbm>> -> memref<10000x64xf32, #tpu.memory_space<hbm>>
        tpu.wait_indirect_dma semaphore(%arg16 : memref<!tpu.dma_semaphore, #tpu.memory_space<semaphore_mem>>) src(%dma_wait3A_384 : memref<10000x64xf32, #tpu.memory_space<hbm>>) dst(%dma_wait3A_378 : memref<80x64xf32, #tpu.memory_space<vmem>>)
        %add3A_385 = arith.constant 1 : i32
        %add3A_386 = arith.addi %add3A_373, %add3A_385 : i32
        %dma_start3A_387 = arith.constant 4 : i32
        %dma_start3A_388 = arith.constant 0 : i32
        %dma_start3A_389 = arith.constant 0 : i32
        %dma_start3A_390 = tpu.memref_slice %arg9[%dma_start3A_387, %dma_start3A_388, %dma_start3A_389] : memref<6x80x64xf32, #tpu.memory_space<vmem>> -> memref<1x80x64xf32, #tpu.memory_space<vmem>>
        %dma_start3A_391 = tpu.memref_squeeze %dma_start3A_390 : memref<1x80x64xf32, #tpu.memory_space<vmem>> -> memref<80x64xf32, #tpu.memory_space<vmem>>
        %dma_start3A_392 = arith.constant 0 : i32
        %dma_start3A_393 = tpu.memref_slice %arg7[%add3A_386, %dma_start3A_392] : memref<250x80xi32, #tpu.memory_space<vmem>> -> memref<1x80xi32, #tpu.memory_space<vmem>>
        %dma_start3A_394 = tpu.memref_squeeze %dma_start3A_393 : memref<1x80xi32, #tpu.memory_space<vmem>> -> memref<80xi32, #tpu.memory_space<vmem>>
        %dma_start3A_395 = arith.constant 0 : i32
        %dma_start3A_396 = arith.constant 0 : i32
        %dma_start3A_397 = tpu.memref_slice %arg2[%dma_start3A_395, %dma_start3A_396] : memref<10000x64xf32, #tpu.memory_space<hbm>> -> memref<10000x64xf32, #tpu.memory_space<hbm>>
        tpu.enqueue_indirect_dma source(%dma_start3A_397 : memref<10000x64xf32, #tpu.memory_space<hbm>>) target(%dma_start3A_391 : memref<80x64xf32, #tpu.memory_space<vmem>>) offsets(%dma_start3A_394 : memref<80xi32, #tpu.memory_space<vmem>>) semaphore(%arg17 : memref<!tpu.dma_semaphore, #tpu.memory_space<semaphore_mem>>)
        %dma_start3A_398 = arith.constant 3 : i32
        %dma_start3A_399 = arith.constant 0 : i32
        %dma_start3A_400 = arith.constant 0 : i32
        %dma_start3A_401 = tpu.memref_slice %arg9[%dma_start3A_398, %dma_start3A_399, %dma_start3A_400] : memref<6x80x64xf32, #tpu.memory_space<vmem>> -> memref<1x80x64xf32, #tpu.memory_space<vmem>>
        %dma_start3A_402 = tpu.memref_squeeze %dma_start3A_401 : memref<1x80x64xf32, #tpu.memory_space<vmem>> -> memref<80x64xf32, #tpu.memory_space<vmem>>
        %dma_start3A_403 = arith.constant 0 : i32
        %dma_start3A_404 = tpu.memref_slice %arg8[%add3A_373, %dma_start3A_403] : memref<250x80xi32, #tpu.memory_space<vmem>> -> memref<1x80xi32, #tpu.memory_space<vmem>>
        %dma_start3A_405 = tpu.memref_squeeze %dma_start3A_404 : memref<1x80xi32, #tpu.memory_space<vmem>> -> memref<80xi32, #tpu.memory_space<vmem>>
        %dma_start3A_406 = arith.constant 0 : i32
        %dma_start3A_407 = arith.constant 0 : i32
        %dma_start3A_408 = tpu.memref_slice %arg12[%dma_start3A_406, %dma_start3A_407] : memref<10240x64xf32, #tpu.memory_space<vmem_shared>> -> memref<10240x64xf32, #tpu.memory_space<vmem_shared>>
        tpu.enqueue_indirect_dma source(%dma_start3A_402 : memref<80x64xf32, #tpu.memory_space<vmem>>) target(%dma_start3A_408 : memref<10240x64xf32, #tpu.memory_space<vmem_shared>>) offsets(%dma_start3A_405 : memref<80xi32, #tpu.memory_space<vmem>>) semaphore(%arg19 : memref<!tpu.dma_semaphore, #tpu.memory_space<semaphore_mem>>) {add = true}
        %dma_wait3A_409 = arith.constant 3 : i32
        %dma_wait3A_410 = arith.constant 0 : i32
        %dma_wait3A_411 = arith.constant 0 : i32
        %dma_wait3A_412 = tpu.memref_slice %arg9[%dma_wait3A_409, %dma_wait3A_410, %dma_wait3A_411] : memref<6x80x64xf32, #tpu.memory_space<vmem>> -> memref<1x80x64xf32, #tpu.memory_space<vmem>>
        %dma_wait3A_413 = tpu.memref_squeeze %dma_wait3A_412 : memref<1x80x64xf32, #tpu.memory_space<vmem>> -> memref<80x64xf32, #tpu.memory_space<vmem>>
        %dma_wait3A_414 = arith.constant 0 : i32
        %dma_wait3A_415 = tpu.memref_slice %arg8[%add3A_373, %dma_wait3A_414] : memref<250x80xi32, #tpu.memory_space<vmem>> -> memref<1x80xi32, #tpu.memory_space<vmem>>
        %dma_wait3A_416 = tpu.memref_squeeze %dma_wait3A_415 : memref<1x80xi32, #tpu.memory_space<vmem>> -> memref<80xi32, #tpu.memory_space<vmem>>
        %dma_wait3A_417 = arith.constant 0 : i32
        %dma_wait3A_418 = arith.constant 0 : i32
        %dma_wait3A_419 = tpu.memref_slice %arg12[%dma_wait3A_417, %dma_wait3A_418] : memref<10240x64xf32, #tpu.memory_space<vmem_shared>> -> memref<10240x64xf32, #tpu.memory_space<vmem_shared>>
        tpu.wait_indirect_dma semaphore(%arg19 : memref<!tpu.dma_semaphore, #tpu.memory_space<semaphore_mem>>) src(%dma_wait3A_413 : memref<80x64xf32, #tpu.memory_space<vmem>>) dst(%dma_wait3A_419 : memref<10240x64xf32, #tpu.memory_space<vmem_shared>>)
        %mul3A_420 = arith.constant 6 : i32
        %mul3A_421 = arith.muli %add3A_219, %mul3A_420 : i32
        %add3A_422 = arith.constant 4 : i32
        %add3A_423 = arith.addi %mul3A_421, %add3A_422 : i32
        %dma_wait3A_424 = arith.constant 4 : i32
        %dma_wait3A_425 = arith.constant 0 : i32
        %dma_wait3A_426 = arith.constant 0 : i32
        %dma_wait3A_427 = tpu.memref_slice %arg9[%dma_wait3A_424, %dma_wait3A_425, %dma_wait3A_426] : memref<6x80x64xf32, #tpu.memory_space<vmem>> -> memref<1x80x64xf32, #tpu.memory_space<vmem>>
        %dma_wait3A_428 = tpu.memref_squeeze %dma_wait3A_427 : memref<1x80x64xf32, #tpu.memory_space<vmem>> -> memref<80x64xf32, #tpu.memory_space<vmem>>
        %dma_wait3A_429 = arith.constant 0 : i32
        %dma_wait3A_430 = tpu.memref_slice %arg7[%add3A_423, %dma_wait3A_429] : memref<250x80xi32, #tpu.memory_space<vmem>> -> memref<1x80xi32, #tpu.memory_space<vmem>>
        %dma_wait3A_431 = tpu.memref_squeeze %dma_wait3A_430 : memref<1x80xi32, #tpu.memory_space<vmem>> -> memref<80xi32, #tpu.memory_space<vmem>>
        %dma_wait3A_432 = arith.constant 0 : i32
        %dma_wait3A_433 = arith.constant 0 : i32
        %dma_wait3A_434 = tpu.memref_slice %arg2[%dma_wait3A_432, %dma_wait3A_433] : memref<10000x64xf32, #tpu.memory_space<hbm>> -> memref<10000x64xf32, #tpu.memory_space<hbm>>
        tpu.wait_indirect_dma semaphore(%arg17 : memref<!tpu.dma_semaphore, #tpu.memory_space<semaphore_mem>>) src(%dma_wait3A_434 : memref<10000x64xf32, #tpu.memory_space<hbm>>) dst(%dma_wait3A_428 : memref<80x64xf32, #tpu.memory_space<vmem>>)
        %add3A_435 = arith.constant 1 : i32
        %add3A_436 = arith.addi %add3A_423, %add3A_435 : i32
        %dma_start3A_437 = arith.constant 5 : i32
        %dma_start3A_438 = arith.constant 0 : i32
        %dma_start3A_439 = arith.constant 0 : i32
        %dma_start3A_440 = tpu.memref_slice %arg9[%dma_start3A_437, %dma_start3A_438, %dma_start3A_439] : memref<6x80x64xf32, #tpu.memory_space<vmem>> -> memref<1x80x64xf32, #tpu.memory_space<vmem>>
        %dma_start3A_441 = tpu.memref_squeeze %dma_start3A_440 : memref<1x80x64xf32, #tpu.memory_space<vmem>> -> memref<80x64xf32, #tpu.memory_space<vmem>>
        %dma_start3A_442 = arith.constant 0 : i32
        %dma_start3A_443 = tpu.memref_slice %arg7[%add3A_436, %dma_start3A_442] : memref<250x80xi32, #tpu.memory_space<vmem>> -> memref<1x80xi32, #tpu.memory_space<vmem>>
        %dma_start3A_444 = tpu.memref_squeeze %dma_start3A_443 : memref<1x80xi32, #tpu.memory_space<vmem>> -> memref<80xi32, #tpu.memory_space<vmem>>
        %dma_start3A_445 = arith.constant 0 : i32
        %dma_start3A_446 = arith.constant 0 : i32
        %dma_start3A_447 = tpu.memref_slice %arg2[%dma_start3A_445, %dma_start3A_446] : memref<10000x64xf32, #tpu.memory_space<hbm>> -> memref<10000x64xf32, #tpu.memory_space<hbm>>
        tpu.enqueue_indirect_dma source(%dma_start3A_447 : memref<10000x64xf32, #tpu.memory_space<hbm>>) target(%dma_start3A_441 : memref<80x64xf32, #tpu.memory_space<vmem>>) offsets(%dma_start3A_444 : memref<80xi32, #tpu.memory_space<vmem>>) semaphore(%arg18 : memref<!tpu.dma_semaphore, #tpu.memory_space<semaphore_mem>>)
        %dma_start3A_448 = arith.constant 4 : i32
        %dma_start3A_449 = arith.constant 0 : i32
        %dma_start3A_450 = arith.constant 0 : i32
        %dma_start3A_451 = tpu.memref_slice %arg9[%dma_start3A_448, %dma_start3A_449, %dma_start3A_450] : memref<6x80x64xf32, #tpu.memory_space<vmem>> -> memref<1x80x64xf32, #tpu.memory_space<vmem>>
        %dma_start3A_452 = tpu.memref_squeeze %dma_start3A_451 : memref<1x80x64xf32, #tpu.memory_space<vmem>> -> memref<80x64xf32, #tpu.memory_space<vmem>>
        %dma_start3A_453 = arith.constant 0 : i32
        %dma_start3A_454 = tpu.memref_slice %arg8[%add3A_423, %dma_start3A_453] : memref<250x80xi32, #tpu.memory_space<vmem>> -> memref<1x80xi32, #tpu.memory_space<vmem>>
        %dma_start3A_455 = tpu.memref_squeeze %dma_start3A_454 : memref<1x80xi32, #tpu.memory_space<vmem>> -> memref<80xi32, #tpu.memory_space<vmem>>
        %dma_start3A_456 = arith.constant 0 : i32
        %dma_start3A_457 = arith.constant 0 : i32
        %dma_start3A_458 = tpu.memref_slice %arg12[%dma_start3A_456, %dma_start3A_457] : memref<10240x64xf32, #tpu.memory_space<vmem_shared>> -> memref<10240x64xf32, #tpu.memory_space<vmem_shared>>
        tpu.enqueue_indirect_dma source(%dma_start3A_452 : memref<80x64xf32, #tpu.memory_space<vmem>>) target(%dma_start3A_458 : memref<10240x64xf32, #tpu.memory_space<vmem_shared>>) offsets(%dma_start3A_455 : memref<80xi32, #tpu.memory_space<vmem>>) semaphore(%arg19 : memref<!tpu.dma_semaphore, #tpu.memory_space<semaphore_mem>>) {add = true}
        %dma_wait3A_459 = arith.constant 4 : i32
        %dma_wait3A_460 = arith.constant 0 : i32
        %dma_wait3A_461 = arith.constant 0 : i32
        %dma_wait3A_462 = tpu.memref_slice %arg9[%dma_wait3A_459, %dma_wait3A_460, %dma_wait3A_461] : memref<6x80x64xf32, #tpu.memory_space<vmem>> -> memref<1x80x64xf32, #tpu.memory_space<vmem>>
        %dma_wait3A_463 = tpu.memref_squeeze %dma_wait3A_462 : memref<1x80x64xf32, #tpu.memory_space<vmem>> -> memref<80x64xf32, #tpu.memory_space<vmem>>
        %dma_wait3A_464 = arith.constant 0 : i32
        %dma_wait3A_465 = tpu.memref_slice %arg8[%add3A_423, %dma_wait3A_464] : memref<250x80xi32, #tpu.memory_space<vmem>> -> memref<1x80xi32, #tpu.memory_space<vmem>>
        %dma_wait3A_466 = tpu.memref_squeeze %dma_wait3A_465 : memref<1x80xi32, #tpu.memory_space<vmem>> -> memref<80xi32, #tpu.memory_space<vmem>>
        %dma_wait3A_467 = arith.constant 0 : i32
        %dma_wait3A_468 = arith.constant 0 : i32
        %dma_wait3A_469 = tpu.memref_slice %arg12[%dma_wait3A_467, %dma_wait3A_468] : memref<10240x64xf32, #tpu.memory_space<vmem_shared>> -> memref<10240x64xf32, #tpu.memory_space<vmem_shared>>
        tpu.wait_indirect_dma semaphore(%arg19 : memref<!tpu.dma_semaphore, #tpu.memory_space<semaphore_mem>>) src(%dma_wait3A_463 : memref<80x64xf32, #tpu.memory_space<vmem>>) dst(%dma_wait3A_469 : memref<10240x64xf32, #tpu.memory_space<vmem_shared>>)
        %mul3A_470 = arith.constant 6 : i32
        %mul3A_471 = arith.muli %add3A_219, %mul3A_470 : i32
        %add3A_472 = arith.constant 5 : i32
        %add3A_473 = arith.addi %mul3A_471, %add3A_472 : i32
        %dma_wait3A_474 = arith.constant 5 : i32
        %dma_wait3A_475 = arith.constant 0 : i32
        %dma_wait3A_476 = arith.constant 0 : i32
        %dma_wait3A_477 = tpu.memref_slice %arg9[%dma_wait3A_474, %dma_wait3A_475, %dma_wait3A_476] : memref<6x80x64xf32, #tpu.memory_space<vmem>> -> memref<1x80x64xf32, #tpu.memory_space<vmem>>
        %dma_wait3A_478 = tpu.memref_squeeze %dma_wait3A_477 : memref<1x80x64xf32, #tpu.memory_space<vmem>> -> memref<80x64xf32, #tpu.memory_space<vmem>>
        %dma_wait3A_479 = arith.constant 0 : i32
        %dma_wait3A_480 = tpu.memref_slice %arg7[%add3A_473, %dma_wait3A_479] : memref<250x80xi32, #tpu.memory_space<vmem>> -> memref<1x80xi32, #tpu.memory_space<vmem>>
        %dma_wait3A_481 = tpu.memref_squeeze %dma_wait3A_480 : memref<1x80xi32, #tpu.memory_space<vmem>> -> memref<80xi32, #tpu.memory_space<vmem>>
        %dma_wait3A_482 = arith.constant 0 : i32
        %dma_wait3A_483 = arith.constant 0 : i32
        %dma_wait3A_484 = tpu.memref_slice %arg2[%dma_wait3A_482, %dma_wait3A_483] : memref<10000x64xf32, #tpu.memory_space<hbm>> -> memref<10000x64xf32, #tpu.memory_space<hbm>>
        tpu.wait_indirect_dma semaphore(%arg18 : memref<!tpu.dma_semaphore, #tpu.memory_space<semaphore_mem>>) src(%dma_wait3A_484 : memref<10000x64xf32, #tpu.memory_space<hbm>>) dst(%dma_wait3A_478 : memref<80x64xf32, #tpu.memory_space<vmem>>)
        %add3A_485 = arith.constant 1 : i32
        %add3A_486 = arith.addi %add3A_473, %add3A_485 : i32
        %dma_start3A_487 = arith.constant 0 : i32
        %dma_start3A_488 = arith.constant 0 : i32
        %dma_start3A_489 = arith.constant 0 : i32
        %dma_start3A_490 = tpu.memref_slice %arg9[%dma_start3A_487, %dma_start3A_488, %dma_start3A_489] : memref<6x80x64xf32, #tpu.memory_space<vmem>> -> memref<1x80x64xf32, #tpu.memory_space<vmem>>
        %dma_start3A_491 = tpu.memref_squeeze %dma_start3A_490 : memref<1x80x64xf32, #tpu.memory_space<vmem>> -> memref<80x64xf32, #tpu.memory_space<vmem>>
        %dma_start3A_492 = arith.constant 0 : i32
        %dma_start3A_493 = tpu.memref_slice %arg7[%add3A_486, %dma_start3A_492] : memref<250x80xi32, #tpu.memory_space<vmem>> -> memref<1x80xi32, #tpu.memory_space<vmem>>
        %dma_start3A_494 = tpu.memref_squeeze %dma_start3A_493 : memref<1x80xi32, #tpu.memory_space<vmem>> -> memref<80xi32, #tpu.memory_space<vmem>>
        %dma_start3A_495 = arith.constant 0 : i32
        %dma_start3A_496 = arith.constant 0 : i32
        %dma_start3A_497 = tpu.memref_slice %arg2[%dma_start3A_495, %dma_start3A_496] : memref<10000x64xf32, #tpu.memory_space<hbm>> -> memref<10000x64xf32, #tpu.memory_space<hbm>>
        tpu.enqueue_indirect_dma source(%dma_start3A_497 : memref<10000x64xf32, #tpu.memory_space<hbm>>) target(%dma_start3A_491 : memref<80x64xf32, #tpu.memory_space<vmem>>) offsets(%dma_start3A_494 : memref<80xi32, #tpu.memory_space<vmem>>) semaphore(%arg13 : memref<!tpu.dma_semaphore, #tpu.memory_space<semaphore_mem>>)
        %dma_start3A_498 = arith.constant 5 : i32
        %dma_start3A_499 = arith.constant 0 : i32
        %dma_start3A_500 = arith.constant 0 : i32
        %dma_start3A_501 = tpu.memref_slice %arg9[%dma_start3A_498, %dma_start3A_499, %dma_start3A_500] : memref<6x80x64xf32, #tpu.memory_space<vmem>> -> memref<1x80x64xf32, #tpu.memory_space<vmem>>
        %dma_start3A_502 = tpu.memref_squeeze %dma_start3A_501 : memref<1x80x64xf32, #tpu.memory_space<vmem>> -> memref<80x64xf32, #tpu.memory_space<vmem>>
        %dma_start3A_503 = arith.constant 0 : i32
        %dma_start3A_504 = tpu.memref_slice %arg8[%add3A_473, %dma_start3A_503] : memref<250x80xi32, #tpu.memory_space<vmem>> -> memref<1x80xi32, #tpu.memory_space<vmem>>
        %dma_start3A_505 = tpu.memref_squeeze %dma_start3A_504 : memref<1x80xi32, #tpu.memory_space<vmem>> -> memref<80xi32, #tpu.memory_space<vmem>>
        %dma_start3A_506 = arith.constant 0 : i32
        %dma_start3A_507 = arith.constant 0 : i32
        %dma_start3A_508 = tpu.memref_slice %arg12[%dma_start3A_506, %dma_start3A_507] : memref<10240x64xf32, #tpu.memory_space<vmem_shared>> -> memref<10240x64xf32, #tpu.memory_space<vmem_shared>>
        tpu.enqueue_indirect_dma source(%dma_start3A_502 : memref<80x64xf32, #tpu.memory_space<vmem>>) target(%dma_start3A_508 : memref<10240x64xf32, #tpu.memory_space<vmem_shared>>) offsets(%dma_start3A_505 : memref<80xi32, #tpu.memory_space<vmem>>) semaphore(%arg19 : memref<!tpu.dma_semaphore, #tpu.memory_space<semaphore_mem>>) {add = true}
        %dma_wait3A_509 = arith.constant 5 : i32
        %dma_wait3A_510 = arith.constant 0 : i32
        %dma_wait3A_511 = arith.constant 0 : i32
        %dma_wait3A_512 = tpu.memref_slice %arg9[%dma_wait3A_509, %dma_wait3A_510, %dma_wait3A_511] : memref<6x80x64xf32, #tpu.memory_space<vmem>> -> memref<1x80x64xf32, #tpu.memory_space<vmem>>
        %dma_wait3A_513 = tpu.memref_squeeze %dma_wait3A_512 : memref<1x80x64xf32, #tpu.memory_space<vmem>> -> memref<80x64xf32, #tpu.memory_space<vmem>>
        %dma_wait3A_514 = arith.constant 0 : i32
        %dma_wait3A_515 = tpu.memref_slice %arg8[%add3A_473, %dma_wait3A_514] : memref<250x80xi32, #tpu.memory_space<vmem>> -> memref<1x80xi32, #tpu.memory_space<vmem>>
        %dma_wait3A_516 = tpu.memref_squeeze %dma_wait3A_515 : memref<1x80xi32, #tpu.memory_space<vmem>> -> memref<80xi32, #tpu.memory_space<vmem>>
        %dma_wait3A_517 = arith.constant 0 : i32
        %dma_wait3A_518 = arith.constant 0 : i32
        %dma_wait3A_519 = tpu.memref_slice %arg12[%dma_wait3A_517, %dma_wait3A_518] : memref<10240x64xf32, #tpu.memory_space<vmem_shared>> -> memref<10240x64xf32, #tpu.memory_space<vmem_shared>>
        tpu.wait_indirect_dma semaphore(%arg19 : memref<!tpu.dma_semaphore, #tpu.memory_space<semaphore_mem>>) src(%dma_wait3A_513 : memref<80x64xf32, #tpu.memory_space<vmem>>) dst(%dma_wait3A_519 : memref<10240x64xf32, #tpu.memory_space<vmem_shared>>)
      }
      %scan3A_37 = arith.constant 41 : i32
      %dma_wait3A = arith.constant 246 : i32
      %dma_wait3A_38 = arith.constant 0 : i32
      %dma_wait3A_39 = arith.constant 0 : i32
      %dma_wait3A_40 = arith.constant 0 : i32
      %dma_wait3A_41 = tpu.memref_slice %arg9[%dma_wait3A_38, %dma_wait3A_39, %dma_wait3A_40] : memref<6x80x64xf32, #tpu.memory_space<vmem>> -> memref<1x80x64xf32, #tpu.memory_space<vmem>>
      %dma_wait3A_42 = tpu.memref_squeeze %dma_wait3A_41 : memref<1x80x64xf32, #tpu.memory_space<vmem>> -> memref<80x64xf32, #tpu.memory_space<vmem>>
      %dma_wait3A_43 = arith.constant 0 : i32
      %dma_wait3A_44 = tpu.memref_slice %arg7[%dma_wait3A, %dma_wait3A_43] : memref<250x80xi32, #tpu.memory_space<vmem>> -> memref<1x80xi32, #tpu.memory_space<vmem>>
      %dma_wait3A_45 = tpu.memref_squeeze %dma_wait3A_44 : memref<1x80xi32, #tpu.memory_space<vmem>> -> memref<80xi32, #tpu.memory_space<vmem>>
      %dma_wait3A_46 = arith.constant 0 : i32
      %dma_wait3A_47 = arith.constant 0 : i32
      %dma_wait3A_48 = tpu.memref_slice %arg2[%dma_wait3A_46, %dma_wait3A_47] : memref<10000x64xf32, #tpu.memory_space<hbm>> -> memref<10000x64xf32, #tpu.memory_space<hbm>>
      tpu.wait_indirect_dma semaphore(%arg13 : memref<!tpu.dma_semaphore, #tpu.memory_space<semaphore_mem>>) src(%dma_wait3A_48 : memref<10000x64xf32, #tpu.memory_space<hbm>>) dst(%dma_wait3A_42 : memref<80x64xf32, #tpu.memory_space<vmem>>)
      %dma_start3A_49 = arith.constant 247 : i32
      %dma_start3A_50 = arith.constant 1 : i32
      %dma_start3A_51 = arith.constant 0 : i32
      %dma_start3A_52 = arith.constant 0 : i32
      %dma_start3A_53 = tpu.memref_slice %arg9[%dma_start3A_50, %dma_start3A_51, %dma_start3A_52] : memref<6x80x64xf32, #tpu.memory_space<vmem>> -> memref<1x80x64xf32, #tpu.memory_space<vmem>>
      %dma_start3A_54 = tpu.memref_squeeze %dma_start3A_53 : memref<1x80x64xf32, #tpu.memory_space<vmem>> -> memref<80x64xf32, #tpu.memory_space<vmem>>
      %dma_start3A_55 = arith.constant 0 : i32
      %dma_start3A_56 = tpu.memref_slice %arg7[%dma_start3A_49, %dma_start3A_55] : memref<250x80xi32, #tpu.memory_space<vmem>> -> memref<1x80xi32, #tpu.memory_space<vmem>>
      %dma_start3A_57 = tpu.memref_squeeze %dma_start3A_56 : memref<1x80xi32, #tpu.memory_space<vmem>> -> memref<80xi32, #tpu.memory_space<vmem>>
      %dma_start3A_58 = arith.constant 0 : i32
      %dma_start3A_59 = arith.constant 0 : i32
      %dma_start3A_60 = tpu.memref_slice %arg2[%dma_start3A_58, %dma_start3A_59] : memref<10000x64xf32, #tpu.memory_space<hbm>> -> memref<10000x64xf32, #tpu.memory_space<hbm>>
      tpu.enqueue_indirect_dma source(%dma_start3A_60 : memref<10000x64xf32, #tpu.memory_space<hbm>>) target(%dma_start3A_54 : memref<80x64xf32, #tpu.memory_space<vmem>>) offsets(%dma_start3A_57 : memref<80xi32, #tpu.memory_space<vmem>>) semaphore(%arg14 : memref<!tpu.dma_semaphore, #tpu.memory_space<semaphore_mem>>)
      %dma_start3A_61 = arith.constant 0 : i32
      %dma_start3A_62 = arith.constant 246 : i32
      %dma_start3A_63 = arith.constant 0 : i32
      %dma_start3A_64 = arith.constant 0 : i32
      %dma_start3A_65 = tpu.memref_slice %arg9[%dma_start3A_61, %dma_start3A_63, %dma_start3A_64] : memref<6x80x64xf32, #tpu.memory_space<vmem>> -> memref<1x80x64xf32, #tpu.memory_space<vmem>>
      %dma_start3A_66 = tpu.memref_squeeze %dma_start3A_65 : memref<1x80x64xf32, #tpu.memory_space<vmem>> -> memref<80x64xf32, #tpu.memory_space<vmem>>
      %dma_start3A_67 = arith.constant 0 : i32
      %dma_start3A_68 = tpu.memref_slice %arg8[%dma_start3A_62, %dma_start3A_67] : memref<250x80xi32, #tpu.memory_space<vmem>> -> memref<1x80xi32, #tpu.memory_space<vmem>>
      %dma_start3A_69 = tpu.memref_squeeze %dma_start3A_68 : memref<1x80xi32, #tpu.memory_space<vmem>> -> memref<80xi32, #tpu.memory_space<vmem>>
      %dma_start3A_70 = arith.constant 0 : i32
      %dma_start3A_71 = arith.constant 0 : i32
      %dma_start3A_72 = tpu.memref_slice %arg12[%dma_start3A_70, %dma_start3A_71] : memref<10240x64xf32, #tpu.memory_space<vmem_shared>> -> memref<10240x64xf32, #tpu.memory_space<vmem_shared>>
      tpu.enqueue_indirect_dma source(%dma_start3A_66 : memref<80x64xf32, #tpu.memory_space<vmem>>) target(%dma_start3A_72 : memref<10240x64xf32, #tpu.memory_space<vmem_shared>>) offsets(%dma_start3A_69 : memref<80xi32, #tpu.memory_space<vmem>>) semaphore(%arg19 : memref<!tpu.dma_semaphore, #tpu.memory_space<semaphore_mem>>) {add = true}
      %dma_wait3A_73 = arith.constant 0 : i32
      %dma_wait3A_74 = arith.constant 246 : i32
      %dma_wait3A_75 = arith.constant 0 : i32
      %dma_wait3A_76 = arith.constant 0 : i32
      %dma_wait3A_77 = tpu.memref_slice %arg9[%dma_wait3A_73, %dma_wait3A_75, %dma_wait3A_76] : memref<6x80x64xf32, #tpu.memory_space<vmem>> -> memref<1x80x64xf32, #tpu.memory_space<vmem>>
      %dma_wait3A_78 = tpu.memref_squeeze %dma_wait3A_77 : memref<1x80x64xf32, #tpu.memory_space<vmem>> -> memref<80x64xf32, #tpu.memory_space<vmem>>
      %dma_wait3A_79 = arith.constant 0 : i32
      %dma_wait3A_80 = tpu.memref_slice %arg8[%dma_wait3A_74, %dma_wait3A_79] : memref<250x80xi32, #tpu.memory_space<vmem>> -> memref<1x80xi32, #tpu.memory_space<vmem>>
      %dma_wait3A_81 = tpu.memref_squeeze %dma_wait3A_80 : memref<1x80xi32, #tpu.memory_space<vmem>> -> memref<80xi32, #tpu.memory_space<vmem>>
      %dma_wait3A_82 = arith.constant 0 : i32
      %dma_wait3A_83 = arith.constant 0 : i32
      %dma_wait3A_84 = tpu.memref_slice %arg12[%dma_wait3A_82, %dma_wait3A_83] : memref<10240x64xf32, #tpu.memory_space<vmem_shared>> -> memref<10240x64xf32, #tpu.memory_space<vmem_shared>>
      tpu.wait_indirect_dma semaphore(%arg19 : memref<!tpu.dma_semaphore, #tpu.memory_space<semaphore_mem>>) src(%dma_wait3A_78 : memref<80x64xf32, #tpu.memory_space<vmem>>) dst(%dma_wait3A_84 : memref<10240x64xf32, #tpu.memory_space<vmem_shared>>)
      %dma_wait3A_85 = arith.constant 247 : i32
      %dma_wait3A_86 = arith.constant 1 : i32
      %dma_wait3A_87 = arith.constant 0 : i32
      %dma_wait3A_88 = arith.constant 0 : i32
      %dma_wait3A_89 = tpu.memref_slice %arg9[%dma_wait3A_86, %dma_wait3A_87, %dma_wait3A_88] : memref<6x80x64xf32, #tpu.memory_space<vmem>> -> memref<1x80x64xf32, #tpu.memory_space<vmem>>
      %dma_wait3A_90 = tpu.memref_squeeze %dma_wait3A_89 : memref<1x80x64xf32, #tpu.memory_space<vmem>> -> memref<80x64xf32, #tpu.memory_space<vmem>>
      %dma_wait3A_91 = arith.constant 0 : i32
      %dma_wait3A_92 = tpu.memref_slice %arg7[%dma_wait3A_85, %dma_wait3A_91] : memref<250x80xi32, #tpu.memory_space<vmem>> -> memref<1x80xi32, #tpu.memory_space<vmem>>
      %dma_wait3A_93 = tpu.memref_squeeze %dma_wait3A_92 : memref<1x80xi32, #tpu.memory_space<vmem>> -> memref<80xi32, #tpu.memory_space<vmem>>
      %dma_wait3A_94 = arith.constant 0 : i32
      %dma_wait3A_95 = arith.constant 0 : i32
      %dma_wait3A_96 = tpu.memref_slice %arg2[%dma_wait3A_94, %dma_wait3A_95] : memref<10000x64xf32, #tpu.memory_space<hbm>> -> memref<10000x64xf32, #tpu.memory_space<hbm>>
      tpu.wait_indirect_dma semaphore(%arg14 : memref<!tpu.dma_semaphore, #tpu.memory_space<semaphore_mem>>) src(%dma_wait3A_96 : memref<10000x64xf32, #tpu.memory_space<hbm>>) dst(%dma_wait3A_90 : memref<80x64xf32, #tpu.memory_space<vmem>>)
      %dma_start3A_97 = arith.constant 248 : i32
      %dma_start3A_98 = arith.constant 2 : i32
      %dma_start3A_99 = arith.constant 0 : i32
      %dma_start3A_100 = arith.constant 0 : i32
      %dma_start3A_101 = tpu.memref_slice %arg9[%dma_start3A_98, %dma_start3A_99, %dma_start3A_100] : memref<6x80x64xf32, #tpu.memory_space<vmem>> -> memref<1x80x64xf32, #tpu.memory_space<vmem>>
      %dma_start3A_102 = tpu.memref_squeeze %dma_start3A_101 : memref<1x80x64xf32, #tpu.memory_space<vmem>> -> memref<80x64xf32, #tpu.memory_space<vmem>>
      %dma_start3A_103 = arith.constant 0 : i32
      %dma_start3A_104 = tpu.memref_slice %arg7[%dma_start3A_97, %dma_start3A_103] : memref<250x80xi32, #tpu.memory_space<vmem>> -> memref<1x80xi32, #tpu.memory_space<vmem>>
      %dma_start3A_105 = tpu.memref_squeeze %dma_start3A_104 : memref<1x80xi32, #tpu.memory_space<vmem>> -> memref<80xi32, #tpu.memory_space<vmem>>
      %dma_start3A_106 = arith.constant 0 : i32
      %dma_start3A_107 = arith.constant 0 : i32
      %dma_start3A_108 = tpu.memref_slice %arg2[%dma_start3A_106, %dma_start3A_107] : memref<10000x64xf32, #tpu.memory_space<hbm>> -> memref<10000x64xf32, #tpu.memory_space<hbm>>
      tpu.enqueue_indirect_dma source(%dma_start3A_108 : memref<10000x64xf32, #tpu.memory_space<hbm>>) target(%dma_start3A_102 : memref<80x64xf32, #tpu.memory_space<vmem>>) offsets(%dma_start3A_105 : memref<80xi32, #tpu.memory_space<vmem>>) semaphore(%arg15 : memref<!tpu.dma_semaphore, #tpu.memory_space<semaphore_mem>>)
      %dma_start3A_109 = arith.constant 1 : i32
      %dma_start3A_110 = arith.constant 247 : i32
      %dma_start3A_111 = arith.constant 0 : i32
      %dma_start3A_112 = arith.constant 0 : i32
      %dma_start3A_113 = tpu.memref_slice %arg9[%dma_start3A_109, %dma_start3A_111, %dma_start3A_112] : memref<6x80x64xf32, #tpu.memory_space<vmem>> -> memref<1x80x64xf32, #tpu.memory_space<vmem>>
      %dma_start3A_114 = tpu.memref_squeeze %dma_start3A_113 : memref<1x80x64xf32, #tpu.memory_space<vmem>> -> memref<80x64xf32, #tpu.memory_space<vmem>>
      %dma_start3A_115 = arith.constant 0 : i32
      %dma_start3A_116 = tpu.memref_slice %arg8[%dma_start3A_110, %dma_start3A_115] : memref<250x80xi32, #tpu.memory_space<vmem>> -> memref<1x80xi32, #tpu.memory_space<vmem>>
      %dma_start3A_117 = tpu.memref_squeeze %dma_start3A_116 : memref<1x80xi32, #tpu.memory_space<vmem>> -> memref<80xi32, #tpu.memory_space<vmem>>
      %dma_start3A_118 = arith.constant 0 : i32
      %dma_start3A_119 = arith.constant 0 : i32
      %dma_start3A_120 = tpu.memref_slice %arg12[%dma_start3A_118, %dma_start3A_119] : memref<10240x64xf32, #tpu.memory_space<vmem_shared>> -> memref<10240x64xf32, #tpu.memory_space<vmem_shared>>
      tpu.enqueue_indirect_dma source(%dma_start3A_114 : memref<80x64xf32, #tpu.memory_space<vmem>>) target(%dma_start3A_120 : memref<10240x64xf32, #tpu.memory_space<vmem_shared>>) offsets(%dma_start3A_117 : memref<80xi32, #tpu.memory_space<vmem>>) semaphore(%arg19 : memref<!tpu.dma_semaphore, #tpu.memory_space<semaphore_mem>>) {add = true}
      %dma_wait3A_121 = arith.constant 1 : i32
      %dma_wait3A_122 = arith.constant 247 : i32
      %dma_wait3A_123 = arith.constant 0 : i32
      %dma_wait3A_124 = arith.constant 0 : i32
      %dma_wait3A_125 = tpu.memref_slice %arg9[%dma_wait3A_121, %dma_wait3A_123, %dma_wait3A_124] : memref<6x80x64xf32, #tpu.memory_space<vmem>> -> memref<1x80x64xf32, #tpu.memory_space<vmem>>
      %dma_wait3A_126 = tpu.memref_squeeze %dma_wait3A_125 : memref<1x80x64xf32, #tpu.memory_space<vmem>> -> memref<80x64xf32, #tpu.memory_space<vmem>>
      %dma_wait3A_127 = arith.constant 0 : i32
      %dma_wait3A_128 = tpu.memref_slice %arg8[%dma_wait3A_122, %dma_wait3A_127] : memref<250x80xi32, #tpu.memory_space<vmem>> -> memref<1x80xi32, #tpu.memory_space<vmem>>
      %dma_wait3A_129 = tpu.memref_squeeze %dma_wait3A_128 : memref<1x80xi32, #tpu.memory_space<vmem>> -> memref<80xi32, #tpu.memory_space<vmem>>
      %dma_wait3A_130 = arith.constant 0 : i32
      %dma_wait3A_131 = arith.constant 0 : i32
      %dma_wait3A_132 = tpu.memref_slice %arg12[%dma_wait3A_130, %dma_wait3A_131] : memref<10240x64xf32, #tpu.memory_space<vmem_shared>> -> memref<10240x64xf32, #tpu.memory_space<vmem_shared>>
      tpu.wait_indirect_dma semaphore(%arg19 : memref<!tpu.dma_semaphore, #tpu.memory_space<semaphore_mem>>) src(%dma_wait3A_126 : memref<80x64xf32, #tpu.memory_space<vmem>>) dst(%dma_wait3A_132 : memref<10240x64xf32, #tpu.memory_space<vmem_shared>>)
      %dma_wait3A_133 = arith.constant 248 : i32
      %dma_wait3A_134 = arith.constant 2 : i32
      %dma_wait3A_135 = arith.constant 0 : i32
      %dma_wait3A_136 = arith.constant 0 : i32
      %dma_wait3A_137 = tpu.memref_slice %arg9[%dma_wait3A_134, %dma_wait3A_135, %dma_wait3A_136] : memref<6x80x64xf32, #tpu.memory_space<vmem>> -> memref<1x80x64xf32, #tpu.memory_space<vmem>>
      %dma_wait3A_138 = tpu.memref_squeeze %dma_wait3A_137 : memref<1x80x64xf32, #tpu.memory_space<vmem>> -> memref<80x64xf32, #tpu.memory_space<vmem>>
      %dma_wait3A_139 = arith.constant 0 : i32
      %dma_wait3A_140 = tpu.memref_slice %arg7[%dma_wait3A_133, %dma_wait3A_139] : memref<250x80xi32, #tpu.memory_space<vmem>> -> memref<1x80xi32, #tpu.memory_space<vmem>>
      %dma_wait3A_141 = tpu.memref_squeeze %dma_wait3A_140 : memref<1x80xi32, #tpu.memory_space<vmem>> -> memref<80xi32, #tpu.memory_space<vmem>>
      %dma_wait3A_142 = arith.constant 0 : i32
      %dma_wait3A_143 = arith.constant 0 : i32
      %dma_wait3A_144 = tpu.memref_slice %arg2[%dma_wait3A_142, %dma_wait3A_143] : memref<10000x64xf32, #tpu.memory_space<hbm>> -> memref<10000x64xf32, #tpu.memory_space<hbm>>
      tpu.wait_indirect_dma semaphore(%arg15 : memref<!tpu.dma_semaphore, #tpu.memory_space<semaphore_mem>>) src(%dma_wait3A_144 : memref<10000x64xf32, #tpu.memory_space<hbm>>) dst(%dma_wait3A_138 : memref<80x64xf32, #tpu.memory_space<vmem>>)
      %dma_start3A_145 = arith.constant 249 : i32
      %dma_start3A_146 = arith.constant 3 : i32
      %dma_start3A_147 = arith.constant 0 : i32
      %dma_start3A_148 = arith.constant 0 : i32
      %dma_start3A_149 = tpu.memref_slice %arg9[%dma_start3A_146, %dma_start3A_147, %dma_start3A_148] : memref<6x80x64xf32, #tpu.memory_space<vmem>> -> memref<1x80x64xf32, #tpu.memory_space<vmem>>
      %dma_start3A_150 = tpu.memref_squeeze %dma_start3A_149 : memref<1x80x64xf32, #tpu.memory_space<vmem>> -> memref<80x64xf32, #tpu.memory_space<vmem>>
      %dma_start3A_151 = arith.constant 0 : i32
      %dma_start3A_152 = tpu.memref_slice %arg7[%dma_start3A_145, %dma_start3A_151] : memref<250x80xi32, #tpu.memory_space<vmem>> -> memref<1x80xi32, #tpu.memory_space<vmem>>
      %dma_start3A_153 = tpu.memref_squeeze %dma_start3A_152 : memref<1x80xi32, #tpu.memory_space<vmem>> -> memref<80xi32, #tpu.memory_space<vmem>>
      %dma_start3A_154 = arith.constant 0 : i32
      %dma_start3A_155 = arith.constant 0 : i32
      %dma_start3A_156 = tpu.memref_slice %arg2[%dma_start3A_154, %dma_start3A_155] : memref<10000x64xf32, #tpu.memory_space<hbm>> -> memref<10000x64xf32, #tpu.memory_space<hbm>>
      tpu.enqueue_indirect_dma source(%dma_start3A_156 : memref<10000x64xf32, #tpu.memory_space<hbm>>) target(%dma_start3A_150 : memref<80x64xf32, #tpu.memory_space<vmem>>) offsets(%dma_start3A_153 : memref<80xi32, #tpu.memory_space<vmem>>) semaphore(%arg16 : memref<!tpu.dma_semaphore, #tpu.memory_space<semaphore_mem>>)
      %dma_start3A_157 = arith.constant 2 : i32
      %dma_start3A_158 = arith.constant 248 : i32
      %dma_start3A_159 = arith.constant 0 : i32
      %dma_start3A_160 = arith.constant 0 : i32
      %dma_start3A_161 = tpu.memref_slice %arg9[%dma_start3A_157, %dma_start3A_159, %dma_start3A_160] : memref<6x80x64xf32, #tpu.memory_space<vmem>> -> memref<1x80x64xf32, #tpu.memory_space<vmem>>
      %dma_start3A_162 = tpu.memref_squeeze %dma_start3A_161 : memref<1x80x64xf32, #tpu.memory_space<vmem>> -> memref<80x64xf32, #tpu.memory_space<vmem>>
      %dma_start3A_163 = arith.constant 0 : i32
      %dma_start3A_164 = tpu.memref_slice %arg8[%dma_start3A_158, %dma_start3A_163] : memref<250x80xi32, #tpu.memory_space<vmem>> -> memref<1x80xi32, #tpu.memory_space<vmem>>
      %dma_start3A_165 = tpu.memref_squeeze %dma_start3A_164 : memref<1x80xi32, #tpu.memory_space<vmem>> -> memref<80xi32, #tpu.memory_space<vmem>>
      %dma_start3A_166 = arith.constant 0 : i32
      %dma_start3A_167 = arith.constant 0 : i32
      %dma_start3A_168 = tpu.memref_slice %arg12[%dma_start3A_166, %dma_start3A_167] : memref<10240x64xf32, #tpu.memory_space<vmem_shared>> -> memref<10240x64xf32, #tpu.memory_space<vmem_shared>>
      tpu.enqueue_indirect_dma source(%dma_start3A_162 : memref<80x64xf32, #tpu.memory_space<vmem>>) target(%dma_start3A_168 : memref<10240x64xf32, #tpu.memory_space<vmem_shared>>) offsets(%dma_start3A_165 : memref<80xi32, #tpu.memory_space<vmem>>) semaphore(%arg19 : memref<!tpu.dma_semaphore, #tpu.memory_space<semaphore_mem>>) {add = true}
      %dma_wait3A_169 = arith.constant 2 : i32
      %dma_wait3A_170 = arith.constant 248 : i32
      %dma_wait3A_171 = arith.constant 0 : i32
      %dma_wait3A_172 = arith.constant 0 : i32
      %dma_wait3A_173 = tpu.memref_slice %arg9[%dma_wait3A_169, %dma_wait3A_171, %dma_wait3A_172] : memref<6x80x64xf32, #tpu.memory_space<vmem>> -> memref<1x80x64xf32, #tpu.memory_space<vmem>>
      %dma_wait3A_174 = tpu.memref_squeeze %dma_wait3A_173 : memref<1x80x64xf32, #tpu.memory_space<vmem>> -> memref<80x64xf32, #tpu.memory_space<vmem>>
      %dma_wait3A_175 = arith.constant 0 : i32
      %dma_wait3A_176 = tpu.memref_slice %arg8[%dma_wait3A_170, %dma_wait3A_175] : memref<250x80xi32, #tpu.memory_space<vmem>> -> memref<1x80xi32, #tpu.memory_space<vmem>>
      %dma_wait3A_177 = tpu.memref_squeeze %dma_wait3A_176 : memref<1x80xi32, #tpu.memory_space<vmem>> -> memref<80xi32, #tpu.memory_space<vmem>>
      %dma_wait3A_178 = arith.constant 0 : i32
      %dma_wait3A_179 = arith.constant 0 : i32
      %dma_wait3A_180 = tpu.memref_slice %arg12[%dma_wait3A_178, %dma_wait3A_179] : memref<10240x64xf32, #tpu.memory_space<vmem_shared>> -> memref<10240x64xf32, #tpu.memory_space<vmem_shared>>
      tpu.wait_indirect_dma semaphore(%arg19 : memref<!tpu.dma_semaphore, #tpu.memory_space<semaphore_mem>>) src(%dma_wait3A_174 : memref<80x64xf32, #tpu.memory_space<vmem>>) dst(%dma_wait3A_180 : memref<10240x64xf32, #tpu.memory_space<vmem_shared>>)
      %dma_wait3A_181 = arith.constant 249 : i32
      %dma_wait3A_182 = arith.constant 3 : i32
      %dma_wait3A_183 = arith.constant 0 : i32
      %dma_wait3A_184 = arith.constant 0 : i32
      %dma_wait3A_185 = tpu.memref_slice %arg9[%dma_wait3A_182, %dma_wait3A_183, %dma_wait3A_184] : memref<6x80x64xf32, #tpu.memory_space<vmem>> -> memref<1x80x64xf32, #tpu.memory_space<vmem>>
      %dma_wait3A_186 = tpu.memref_squeeze %dma_wait3A_185 : memref<1x80x64xf32, #tpu.memory_space<vmem>> -> memref<80x64xf32, #tpu.memory_space<vmem>>
      %dma_wait3A_187 = arith.constant 0 : i32
      %dma_wait3A_188 = tpu.memref_slice %arg7[%dma_wait3A_181, %dma_wait3A_187] : memref<250x80xi32, #tpu.memory_space<vmem>> -> memref<1x80xi32, #tpu.memory_space<vmem>>
      %dma_wait3A_189 = tpu.memref_squeeze %dma_wait3A_188 : memref<1x80xi32, #tpu.memory_space<vmem>> -> memref<80xi32, #tpu.memory_space<vmem>>
      %dma_wait3A_190 = arith.constant 0 : i32
      %dma_wait3A_191 = arith.constant 0 : i32
      %dma_wait3A_192 = tpu.memref_slice %arg2[%dma_wait3A_190, %dma_wait3A_191] : memref<10000x64xf32, #tpu.memory_space<hbm>> -> memref<10000x64xf32, #tpu.memory_space<hbm>>
      tpu.wait_indirect_dma semaphore(%arg16 : memref<!tpu.dma_semaphore, #tpu.memory_space<semaphore_mem>>) src(%dma_wait3A_192 : memref<10000x64xf32, #tpu.memory_space<hbm>>) dst(%dma_wait3A_186 : memref<80x64xf32, #tpu.memory_space<vmem>>)
      %dma_start3A_193 = arith.constant 3 : i32
      %dma_start3A_194 = arith.constant 249 : i32
      %dma_start3A_195 = arith.constant 0 : i32
      %dma_start3A_196 = arith.constant 0 : i32
      %dma_start3A_197 = tpu.memref_slice %arg9[%dma_start3A_193, %dma_start3A_195, %dma_start3A_196] : memref<6x80x64xf32, #tpu.memory_space<vmem>> -> memref<1x80x64xf32, #tpu.memory_space<vmem>>
      %dma_start3A_198 = tpu.memref_squeeze %dma_start3A_197 : memref<1x80x64xf32, #tpu.memory_space<vmem>> -> memref<80x64xf32, #tpu.memory_space<vmem>>
      %dma_start3A_199 = arith.constant 0 : i32
      %dma_start3A_200 = tpu.memref_slice %arg8[%dma_start3A_194, %dma_start3A_199] : memref<250x80xi32, #tpu.memory_space<vmem>> -> memref<1x80xi32, #tpu.memory_space<vmem>>
      %dma_start3A_201 = tpu.memref_squeeze %dma_start3A_200 : memref<1x80xi32, #tpu.memory_space<vmem>> -> memref<80xi32, #tpu.memory_space<vmem>>
      %dma_start3A_202 = arith.constant 0 : i32
      %dma_start3A_203 = arith.constant 0 : i32
      %dma_start3A_204 = tpu.memref_slice %arg12[%dma_start3A_202, %dma_start3A_203] : memref<10240x64xf32, #tpu.memory_space<vmem_shared>> -> memref<10240x64xf32, #tpu.memory_space<vmem_shared>>
      tpu.enqueue_indirect_dma source(%dma_start3A_198 : memref<80x64xf32, #tpu.memory_space<vmem>>) target(%dma_start3A_204 : memref<10240x64xf32, #tpu.memory_space<vmem_shared>>) offsets(%dma_start3A_201 : memref<80xi32, #tpu.memory_space<vmem>>) semaphore(%arg19 : memref<!tpu.dma_semaphore, #tpu.memory_space<semaphore_mem>>) {add = true}
      %dma_wait3A_205 = arith.constant 3 : i32
      %dma_wait3A_206 = arith.constant 249 : i32
      %dma_wait3A_207 = arith.constant 0 : i32
      %dma_wait3A_208 = arith.constant 0 : i32
      %dma_wait3A_209 = tpu.memref_slice %arg9[%dma_wait3A_205, %dma_wait3A_207, %dma_wait3A_208] : memref<6x80x64xf32, #tpu.memory_space<vmem>> -> memref<1x80x64xf32, #tpu.memory_space<vmem>>
      %dma_wait3A_210 = tpu.memref_squeeze %dma_wait3A_209 : memref<1x80x64xf32, #tpu.memory_space<vmem>> -> memref<80x64xf32, #tpu.memory_space<vmem>>
      %dma_wait3A_211 = arith.constant 0 : i32
      %dma_wait3A_212 = tpu.memref_slice %arg8[%dma_wait3A_206, %dma_wait3A_211] : memref<250x80xi32, #tpu.memory_space<vmem>> -> memref<1x80xi32, #tpu.memory_space<vmem>>
      %dma_wait3A_213 = tpu.memref_squeeze %dma_wait3A_212 : memref<1x80xi32, #tpu.memory_space<vmem>> -> memref<80xi32, #tpu.memory_space<vmem>>
      %dma_wait3A_214 = arith.constant 0 : i32
      %dma_wait3A_215 = arith.constant 0 : i32
      %dma_wait3A_216 = tpu.memref_slice %arg12[%dma_wait3A_214, %dma_wait3A_215] : memref<10240x64xf32, #tpu.memory_space<vmem_shared>> -> memref<10240x64xf32, #tpu.memory_space<vmem_shared>>
      tpu.wait_indirect_dma semaphore(%arg19 : memref<!tpu.dma_semaphore, #tpu.memory_space<semaphore_mem>>) src(%dma_wait3A_210 : memref<80x64xf32, #tpu.memory_space<vmem>>) dst(%dma_wait3A_216 : memref<10240x64xf32, #tpu.memory_space<vmem_shared>>)
    } else {
    }
    %eq3A_11 = arith.constant 1 : i32
    %eq3A_12 = arith.cmpi eq, %arg0, %eq3A_11 : i32
    %convert_element_type3A_13 = arith.extui %eq3A_12 : i1 to i32
    %cond3A_14 = arith.constant 0 : i32
    %cond3A_15 = arith.cmpi ne, %convert_element_type3A_13, %cond3A_14 : i32
    scf.if %cond3A_15 {
      %dma_start3A = arith.constant 0 : i32
      %dma_start3A_22 = arith.constant 0 : i32
      %dma_start3A_23 = arith.constant 0 : i32
      %dma_start3A_24 = arith.constant 0 : i32
      %dma_start3A_25 = tpu.memref_slice %arg9[%dma_start3A_22, %dma_start3A_23, %dma_start3A_24] : memref<6x80x64xf32, #tpu.memory_space<vmem>> -> memref<1x80x64xf32, #tpu.memory_space<vmem>>
      %dma_start3A_26 = tpu.memref_squeeze %dma_start3A_25 : memref<1x80x64xf32, #tpu.memory_space<vmem>> -> memref<80x64xf32, #tpu.memory_space<vmem>>
      %dma_start3A_27 = arith.constant 0 : i32
      %dma_start3A_28 = tpu.memref_slice %arg7[%dma_start3A, %dma_start3A_27] : memref<250x80xi32, #tpu.memory_space<vmem>> -> memref<1x80xi32, #tpu.memory_space<vmem>>
      %dma_start3A_29 = tpu.memref_squeeze %dma_start3A_28 : memref<1x80xi32, #tpu.memory_space<vmem>> -> memref<80xi32, #tpu.memory_space<vmem>>
      %dma_start3A_30 = arith.constant 0 : i32
      %dma_start3A_31 = arith.constant 0 : i32
      %dma_start3A_32 = tpu.memref_slice %arg3[%dma_start3A_30, %dma_start3A_31] : memref<10000x64xf32, #tpu.memory_space<hbm>> -> memref<10000x64xf32, #tpu.memory_space<hbm>>
      tpu.enqueue_indirect_dma source(%dma_start3A_32 : memref<10000x64xf32, #tpu.memory_space<hbm>>) target(%dma_start3A_26 : memref<80x64xf32, #tpu.memory_space<vmem>>) offsets(%dma_start3A_29 : memref<80xi32, #tpu.memory_space<vmem>>) semaphore(%arg13 : memref<!tpu.dma_semaphore, #tpu.memory_space<semaphore_mem>>)
      %scan3A_33 = arith.constant 0 : i32
      %scan3A_34 = arith.constant 41 : i32
      %scan3A_35 = arith.addi %scan3A_33, %scan3A_34 : i32
      %scan3A_36 = arith.constant 1 : i32
      scf.for %scan3A_217 = %scan3A_33 to %scan3A_35 step %scan3A_36  : i32 {
        %mul3A = arith.constant 1 : i32
        %mul3A_218 = arith.muli %scan3A_217, %mul3A : i32
        %add3A = arith.constant 0 : i32
        %add3A_219 = arith.addi %add3A, %mul3A_218 : i32
        %mul3A_220 = arith.constant 6 : i32
        %mul3A_221 = arith.muli %add3A_219, %mul3A_220 : i32
        %add3A_222 = arith.constant 0 : i32
        %add3A_223 = arith.addi %mul3A_221, %add3A_222 : i32
        %dma_wait3A_224 = arith.constant 0 : i32
        %dma_wait3A_225 = arith.constant 0 : i32
        %dma_wait3A_226 = arith.constant 0 : i32
        %dma_wait3A_227 = tpu.memref_slice %arg9[%dma_wait3A_224, %dma_wait3A_225, %dma_wait3A_226] : memref<6x80x64xf32, #tpu.memory_space<vmem>> -> memref<1x80x64xf32, #tpu.memory_space<vmem>>
        %dma_wait3A_228 = tpu.memref_squeeze %dma_wait3A_227 : memref<1x80x64xf32, #tpu.memory_space<vmem>> -> memref<80x64xf32, #tpu.memory_space<vmem>>
        %dma_wait3A_229 = arith.constant 0 : i32
        %dma_wait3A_230 = tpu.memref_slice %arg7[%add3A_223, %dma_wait3A_229] : memref<250x80xi32, #tpu.memory_space<vmem>> -> memref<1x80xi32, #tpu.memory_space<vmem>>
        %dma_wait3A_231 = tpu.memref_squeeze %dma_wait3A_230 : memref<1x80xi32, #tpu.memory_space<vmem>> -> memref<80xi32, #tpu.memory_space<vmem>>
        %dma_wait3A_232 = arith.constant 0 : i32
        %dma_wait3A_233 = arith.constant 0 : i32
        %dma_wait3A_234 = tpu.memref_slice %arg3[%dma_wait3A_232, %dma_wait3A_233] : memref<10000x64xf32, #tpu.memory_space<hbm>> -> memref<10000x64xf32, #tpu.memory_space<hbm>>
        tpu.wait_indirect_dma semaphore(%arg13 : memref<!tpu.dma_semaphore, #tpu.memory_space<semaphore_mem>>) src(%dma_wait3A_234 : memref<10000x64xf32, #tpu.memory_space<hbm>>) dst(%dma_wait3A_228 : memref<80x64xf32, #tpu.memory_space<vmem>>)
        %add3A_235 = arith.constant 1 : i32
        %add3A_236 = arith.addi %add3A_223, %add3A_235 : i32
        %dma_start3A_237 = arith.constant 1 : i32
        %dma_start3A_238 = arith.constant 0 : i32
        %dma_start3A_239 = arith.constant 0 : i32
        %dma_start3A_240 = tpu.memref_slice %arg9[%dma_start3A_237, %dma_start3A_238, %dma_start3A_239] : memref<6x80x64xf32, #tpu.memory_space<vmem>> -> memref<1x80x64xf32, #tpu.memory_space<vmem>>
        %dma_start3A_241 = tpu.memref_squeeze %dma_start3A_240 : memref<1x80x64xf32, #tpu.memory_space<vmem>> -> memref<80x64xf32, #tpu.memory_space<vmem>>
        %dma_start3A_242 = arith.constant 0 : i32
        %dma_start3A_243 = tpu.memref_slice %arg7[%add3A_236, %dma_start3A_242] : memref<250x80xi32, #tpu.memory_space<vmem>> -> memref<1x80xi32, #tpu.memory_space<vmem>>
        %dma_start3A_244 = tpu.memref_squeeze %dma_start3A_243 : memref<1x80xi32, #tpu.memory_space<vmem>> -> memref<80xi32, #tpu.memory_space<vmem>>
        %dma_start3A_245 = arith.constant 0 : i32
        %dma_start3A_246 = arith.constant 0 : i32
        %dma_start3A_247 = tpu.memref_slice %arg3[%dma_start3A_245, %dma_start3A_246] : memref<10000x64xf32, #tpu.memory_space<hbm>> -> memref<10000x64xf32, #tpu.memory_space<hbm>>
        tpu.enqueue_indirect_dma source(%dma_start3A_247 : memref<10000x64xf32, #tpu.memory_space<hbm>>) target(%dma_start3A_241 : memref<80x64xf32, #tpu.memory_space<vmem>>) offsets(%dma_start3A_244 : memref<80xi32, #tpu.memory_space<vmem>>) semaphore(%arg14 : memref<!tpu.dma_semaphore, #tpu.memory_space<semaphore_mem>>)
        %dma_start3A_248 = arith.constant 0 : i32
        %dma_start3A_249 = arith.constant 0 : i32
        %dma_start3A_250 = arith.constant 0 : i32
        %dma_start3A_251 = tpu.memref_slice %arg9[%dma_start3A_248, %dma_start3A_249, %dma_start3A_250] : memref<6x80x64xf32, #tpu.memory_space<vmem>> -> memref<1x80x64xf32, #tpu.memory_space<vmem>>
        %dma_start3A_252 = tpu.memref_squeeze %dma_start3A_251 : memref<1x80x64xf32, #tpu.memory_space<vmem>> -> memref<80x64xf32, #tpu.memory_space<vmem>>
        %dma_start3A_253 = arith.constant 0 : i32
        %dma_start3A_254 = tpu.memref_slice %arg8[%add3A_223, %dma_start3A_253] : memref<250x80xi32, #tpu.memory_space<vmem>> -> memref<1x80xi32, #tpu.memory_space<vmem>>
        %dma_start3A_255 = tpu.memref_squeeze %dma_start3A_254 : memref<1x80xi32, #tpu.memory_space<vmem>> -> memref<80xi32, #tpu.memory_space<vmem>>
        %dma_start3A_256 = arith.constant 0 : i32
        %dma_start3A_257 = arith.constant 0 : i32
        %dma_start3A_258 = tpu.memref_slice %arg12[%dma_start3A_256, %dma_start3A_257] : memref<10240x64xf32, #tpu.memory_space<vmem_shared>> -> memref<10240x64xf32, #tpu.memory_space<vmem_shared>>
        tpu.enqueue_indirect_dma source(%dma_start3A_252 : memref<80x64xf32, #tpu.memory_space<vmem>>) target(%dma_start3A_258 : memref<10240x64xf32, #tpu.memory_space<vmem_shared>>) offsets(%dma_start3A_255 : memref<80xi32, #tpu.memory_space<vmem>>) semaphore(%arg19 : memref<!tpu.dma_semaphore, #tpu.memory_space<semaphore_mem>>) {add = true}
        %dma_wait3A_259 = arith.constant 0 : i32
        %dma_wait3A_260 = arith.constant 0 : i32
        %dma_wait3A_261 = arith.constant 0 : i32
        %dma_wait3A_262 = tpu.memref_slice %arg9[%dma_wait3A_259, %dma_wait3A_260, %dma_wait3A_261] : memref<6x80x64xf32, #tpu.memory_space<vmem>> -> memref<1x80x64xf32, #tpu.memory_space<vmem>>
        %dma_wait3A_263 = tpu.memref_squeeze %dma_wait3A_262 : memref<1x80x64xf32, #tpu.memory_space<vmem>> -> memref<80x64xf32, #tpu.memory_space<vmem>>
        %dma_wait3A_264 = arith.constant 0 : i32
        %dma_wait3A_265 = tpu.memref_slice %arg8[%add3A_223, %dma_wait3A_264] : memref<250x80xi32, #tpu.memory_space<vmem>> -> memref<1x80xi32, #tpu.memory_space<vmem>>
        %dma_wait3A_266 = tpu.memref_squeeze %dma_wait3A_265 : memref<1x80xi32, #tpu.memory_space<vmem>> -> memref<80xi32, #tpu.memory_space<vmem>>
        %dma_wait3A_267 = arith.constant 0 : i32
        %dma_wait3A_268 = arith.constant 0 : i32
        %dma_wait3A_269 = tpu.memref_slice %arg12[%dma_wait3A_267, %dma_wait3A_268] : memref<10240x64xf32, #tpu.memory_space<vmem_shared>> -> memref<10240x64xf32, #tpu.memory_space<vmem_shared>>
        tpu.wait_indirect_dma semaphore(%arg19 : memref<!tpu.dma_semaphore, #tpu.memory_space<semaphore_mem>>) src(%dma_wait3A_263 : memref<80x64xf32, #tpu.memory_space<vmem>>) dst(%dma_wait3A_269 : memref<10240x64xf32, #tpu.memory_space<vmem_shared>>)
        %mul3A_270 = arith.constant 6 : i32
        %mul3A_271 = arith.muli %add3A_219, %mul3A_270 : i32
        %add3A_272 = arith.constant 1 : i32
        %add3A_273 = arith.addi %mul3A_271, %add3A_272 : i32
        %dma_wait3A_274 = arith.constant 1 : i32
        %dma_wait3A_275 = arith.constant 0 : i32
        %dma_wait3A_276 = arith.constant 0 : i32
        %dma_wait3A_277 = tpu.memref_slice %arg9[%dma_wait3A_274, %dma_wait3A_275, %dma_wait3A_276] : memref<6x80x64xf32, #tpu.memory_space<vmem>> -> memref<1x80x64xf32, #tpu.memory_space<vmem>>
        %dma_wait3A_278 = tpu.memref_squeeze %dma_wait3A_277 : memref<1x80x64xf32, #tpu.memory_space<vmem>> -> memref<80x64xf32, #tpu.memory_space<vmem>>
        %dma_wait3A_279 = arith.constant 0 : i32
        %dma_wait3A_280 = tpu.memref_slice %arg7[%add3A_273, %dma_wait3A_279] : memref<250x80xi32, #tpu.memory_space<vmem>> -> memref<1x80xi32, #tpu.memory_space<vmem>>
        %dma_wait3A_281 = tpu.memref_squeeze %dma_wait3A_280 : memref<1x80xi32, #tpu.memory_space<vmem>> -> memref<80xi32, #tpu.memory_space<vmem>>
        %dma_wait3A_282 = arith.constant 0 : i32
        %dma_wait3A_283 = arith.constant 0 : i32
        %dma_wait3A_284 = tpu.memref_slice %arg3[%dma_wait3A_282, %dma_wait3A_283] : memref<10000x64xf32, #tpu.memory_space<hbm>> -> memref<10000x64xf32, #tpu.memory_space<hbm>>
        tpu.wait_indirect_dma semaphore(%arg14 : memref<!tpu.dma_semaphore, #tpu.memory_space<semaphore_mem>>) src(%dma_wait3A_284 : memref<10000x64xf32, #tpu.memory_space<hbm>>) dst(%dma_wait3A_278 : memref<80x64xf32, #tpu.memory_space<vmem>>)
        %add3A_285 = arith.constant 1 : i32
        %add3A_286 = arith.addi %add3A_273, %add3A_285 : i32
        %dma_start3A_287 = arith.constant 2 : i32
        %dma_start3A_288 = arith.constant 0 : i32
        %dma_start3A_289 = arith.constant 0 : i32
        %dma_start3A_290 = tpu.memref_slice %arg9[%dma_start3A_287, %dma_start3A_288, %dma_start3A_289] : memref<6x80x64xf32, #tpu.memory_space<vmem>> -> memref<1x80x64xf32, #tpu.memory_space<vmem>>
        %dma_start3A_291 = tpu.memref_squeeze %dma_start3A_290 : memref<1x80x64xf32, #tpu.memory_space<vmem>> -> memref<80x64xf32, #tpu.memory_space<vmem>>
        %dma_start3A_292 = arith.constant 0 : i32
        %dma_start3A_293 = tpu.memref_slice %arg7[%add3A_286, %dma_start3A_292] : memref<250x80xi32, #tpu.memory_space<vmem>> -> memref<1x80xi32, #tpu.memory_space<vmem>>
        %dma_start3A_294 = tpu.memref_squeeze %dma_start3A_293 : memref<1x80xi32, #tpu.memory_space<vmem>> -> memref<80xi32, #tpu.memory_space<vmem>>
        %dma_start3A_295 = arith.constant 0 : i32
        %dma_start3A_296 = arith.constant 0 : i32
        %dma_start3A_297 = tpu.memref_slice %arg3[%dma_start3A_295, %dma_start3A_296] : memref<10000x64xf32, #tpu.memory_space<hbm>> -> memref<10000x64xf32, #tpu.memory_space<hbm>>
        tpu.enqueue_indirect_dma source(%dma_start3A_297 : memref<10000x64xf32, #tpu.memory_space<hbm>>) target(%dma_start3A_291 : memref<80x64xf32, #tpu.memory_space<vmem>>) offsets(%dma_start3A_294 : memref<80xi32, #tpu.memory_space<vmem>>) semaphore(%arg15 : memref<!tpu.dma_semaphore, #tpu.memory_space<semaphore_mem>>)
        %dma_start3A_298 = arith.constant 1 : i32
        %dma_start3A_299 = arith.constant 0 : i32
        %dma_start3A_300 = arith.constant 0 : i32
        %dma_start3A_301 = tpu.memref_slice %arg9[%dma_start3A_298, %dma_start3A_299, %dma_start3A_300] : memref<6x80x64xf32, #tpu.memory_space<vmem>> -> memref<1x80x64xf32, #tpu.memory_space<vmem>>
        %dma_start3A_302 = tpu.memref_squeeze %dma_start3A_301 : memref<1x80x64xf32, #tpu.memory_space<vmem>> -> memref<80x64xf32, #tpu.memory_space<vmem>>
        %dma_start3A_303 = arith.constant 0 : i32
        %dma_start3A_304 = tpu.memref_slice %arg8[%add3A_273, %dma_start3A_303] : memref<250x80xi32, #tpu.memory_space<vmem>> -> memref<1x80xi32, #tpu.memory_space<vmem>>
        %dma_start3A_305 = tpu.memref_squeeze %dma_start3A_304 : memref<1x80xi32, #tpu.memory_space<vmem>> -> memref<80xi32, #tpu.memory_space<vmem>>
        %dma_start3A_306 = arith.constant 0 : i32
        %dma_start3A_307 = arith.constant 0 : i32
        %dma_start3A_308 = tpu.memref_slice %arg12[%dma_start3A_306, %dma_start3A_307] : memref<10240x64xf32, #tpu.memory_space<vmem_shared>> -> memref<10240x64xf32, #tpu.memory_space<vmem_shared>>
        tpu.enqueue_indirect_dma source(%dma_start3A_302 : memref<80x64xf32, #tpu.memory_space<vmem>>) target(%dma_start3A_308 : memref<10240x64xf32, #tpu.memory_space<vmem_shared>>) offsets(%dma_start3A_305 : memref<80xi32, #tpu.memory_space<vmem>>) semaphore(%arg19 : memref<!tpu.dma_semaphore, #tpu.memory_space<semaphore_mem>>) {add = true}
        %dma_wait3A_309 = arith.constant 1 : i32
        %dma_wait3A_310 = arith.constant 0 : i32
        %dma_wait3A_311 = arith.constant 0 : i32
        %dma_wait3A_312 = tpu.memref_slice %arg9[%dma_wait3A_309, %dma_wait3A_310, %dma_wait3A_311] : memref<6x80x64xf32, #tpu.memory_space<vmem>> -> memref<1x80x64xf32, #tpu.memory_space<vmem>>
        %dma_wait3A_313 = tpu.memref_squeeze %dma_wait3A_312 : memref<1x80x64xf32, #tpu.memory_space<vmem>> -> memref<80x64xf32, #tpu.memory_space<vmem>>
        %dma_wait3A_314 = arith.constant 0 : i32
        %dma_wait3A_315 = tpu.memref_slice %arg8[%add3A_273, %dma_wait3A_314] : memref<250x80xi32, #tpu.memory_space<vmem>> -> memref<1x80xi32, #tpu.memory_space<vmem>>
        %dma_wait3A_316 = tpu.memref_squeeze %dma_wait3A_315 : memref<1x80xi32, #tpu.memory_space<vmem>> -> memref<80xi32, #tpu.memory_space<vmem>>
        %dma_wait3A_317 = arith.constant 0 : i32
        %dma_wait3A_318 = arith.constant 0 : i32
        %dma_wait3A_319 = tpu.memref_slice %arg12[%dma_wait3A_317, %dma_wait3A_318] : memref<10240x64xf32, #tpu.memory_space<vmem_shared>> -> memref<10240x64xf32, #tpu.memory_space<vmem_shared>>
        tpu.wait_indirect_dma semaphore(%arg19 : memref<!tpu.dma_semaphore, #tpu.memory_space<semaphore_mem>>) src(%dma_wait3A_313 : memref<80x64xf32, #tpu.memory_space<vmem>>) dst(%dma_wait3A_319 : memref<10240x64xf32, #tpu.memory_space<vmem_shared>>)
        %mul3A_320 = arith.constant 6 : i32
        %mul3A_321 = arith.muli %add3A_219, %mul3A_320 : i32
        %add3A_322 = arith.constant 2 : i32
        %add3A_323 = arith.addi %mul3A_321, %add3A_322 : i32
        %dma_wait3A_324 = arith.constant 2 : i32
        %dma_wait3A_325 = arith.constant 0 : i32
        %dma_wait3A_326 = arith.constant 0 : i32
        %dma_wait3A_327 = tpu.memref_slice %arg9[%dma_wait3A_324, %dma_wait3A_325, %dma_wait3A_326] : memref<6x80x64xf32, #tpu.memory_space<vmem>> -> memref<1x80x64xf32, #tpu.memory_space<vmem>>
        %dma_wait3A_328 = tpu.memref_squeeze %dma_wait3A_327 : memref<1x80x64xf32, #tpu.memory_space<vmem>> -> memref<80x64xf32, #tpu.memory_space<vmem>>
        %dma_wait3A_329 = arith.constant 0 : i32
        %dma_wait3A_330 = tpu.memref_slice %arg7[%add3A_323, %dma_wait3A_329] : memref<250x80xi32, #tpu.memory_space<vmem>> -> memref<1x80xi32, #tpu.memory_space<vmem>>
        %dma_wait3A_331 = tpu.memref_squeeze %dma_wait3A_330 : memref<1x80xi32, #tpu.memory_space<vmem>> -> memref<80xi32, #tpu.memory_space<vmem>>
        %dma_wait3A_332 = arith.constant 0 : i32
        %dma_wait3A_333 = arith.constant 0 : i32
        %dma_wait3A_334 = tpu.memref_slice %arg3[%dma_wait3A_332, %dma_wait3A_333] : memref<10000x64xf32, #tpu.memory_space<hbm>> -> memref<10000x64xf32, #tpu.memory_space<hbm>>
        tpu.wait_indirect_dma semaphore(%arg15 : memref<!tpu.dma_semaphore, #tpu.memory_space<semaphore_mem>>) src(%dma_wait3A_334 : memref<10000x64xf32, #tpu.memory_space<hbm>>) dst(%dma_wait3A_328 : memref<80x64xf32, #tpu.memory_space<vmem>>)
        %add3A_335 = arith.constant 1 : i32
        %add3A_336 = arith.addi %add3A_323, %add3A_335 : i32
        %dma_start3A_337 = arith.constant 3 : i32
        %dma_start3A_338 = arith.constant 0 : i32
        %dma_start3A_339 = arith.constant 0 : i32
        %dma_start3A_340 = tpu.memref_slice %arg9[%dma_start3A_337, %dma_start3A_338, %dma_start3A_339] : memref<6x80x64xf32, #tpu.memory_space<vmem>> -> memref<1x80x64xf32, #tpu.memory_space<vmem>>
        %dma_start3A_341 = tpu.memref_squeeze %dma_start3A_340 : memref<1x80x64xf32, #tpu.memory_space<vmem>> -> memref<80x64xf32, #tpu.memory_space<vmem>>
        %dma_start3A_342 = arith.constant 0 : i32
        %dma_start3A_343 = tpu.memref_slice %arg7[%add3A_336, %dma_start3A_342] : memref<250x80xi32, #tpu.memory_space<vmem>> -> memref<1x80xi32, #tpu.memory_space<vmem>>
        %dma_start3A_344 = tpu.memref_squeeze %dma_start3A_343 : memref<1x80xi32, #tpu.memory_space<vmem>> -> memref<80xi32, #tpu.memory_space<vmem>>
        %dma_start3A_345 = arith.constant 0 : i32
        %dma_start3A_346 = arith.constant 0 : i32
        %dma_start3A_347 = tpu.memref_slice %arg3[%dma_start3A_345, %dma_start3A_346] : memref<10000x64xf32, #tpu.memory_space<hbm>> -> memref<10000x64xf32, #tpu.memory_space<hbm>>
        tpu.enqueue_indirect_dma source(%dma_start3A_347 : memref<10000x64xf32, #tpu.memory_space<hbm>>) target(%dma_start3A_341 : memref<80x64xf32, #tpu.memory_space<vmem>>) offsets(%dma_start3A_344 : memref<80xi32, #tpu.memory_space<vmem>>) semaphore(%arg16 : memref<!tpu.dma_semaphore, #tpu.memory_space<semaphore_mem>>)
        %dma_start3A_348 = arith.constant 2 : i32
        %dma_start3A_349 = arith.constant 0 : i32
        %dma_start3A_350 = arith.constant 0 : i32
        %dma_start3A_351 = tpu.memref_slice %arg9[%dma_start3A_348, %dma_start3A_349, %dma_start3A_350] : memref<6x80x64xf32, #tpu.memory_space<vmem>> -> memref<1x80x64xf32, #tpu.memory_space<vmem>>
        %dma_start3A_352 = tpu.memref_squeeze %dma_start3A_351 : memref<1x80x64xf32, #tpu.memory_space<vmem>> -> memref<80x64xf32, #tpu.memory_space<vmem>>
        %dma_start3A_353 = arith.constant 0 : i32
        %dma_start3A_354 = tpu.memref_slice %arg8[%add3A_323, %dma_start3A_353] : memref<250x80xi32, #tpu.memory_space<vmem>> -> memref<1x80xi32, #tpu.memory_space<vmem>>
        %dma_start3A_355 = tpu.memref_squeeze %dma_start3A_354 : memref<1x80xi32, #tpu.memory_space<vmem>> -> memref<80xi32, #tpu.memory_space<vmem>>
        %dma_start3A_356 = arith.constant 0 : i32
        %dma_start3A_357 = arith.constant 0 : i32
        %dma_start3A_358 = tpu.memref_slice %arg12[%dma_start3A_356, %dma_start3A_357] : memref<10240x64xf32, #tpu.memory_space<vmem_shared>> -> memref<10240x64xf32, #tpu.memory_space<vmem_shared>>
        tpu.enqueue_indirect_dma source(%dma_start3A_352 : memref<80x64xf32, #tpu.memory_space<vmem>>) target(%dma_start3A_358 : memref<10240x64xf32, #tpu.memory_space<vmem_shared>>) offsets(%dma_start3A_355 : memref<80xi32, #tpu.memory_space<vmem>>) semaphore(%arg19 : memref<!tpu.dma_semaphore, #tpu.memory_space<semaphore_mem>>) {add = true}
        %dma_wait3A_359 = arith.constant 2 : i32
        %dma_wait3A_360 = arith.constant 0 : i32
        %dma_wait3A_361 = arith.constant 0 : i32
        %dma_wait3A_362 = tpu.memref_slice %arg9[%dma_wait3A_359, %dma_wait3A_360, %dma_wait3A_361] : memref<6x80x64xf32, #tpu.memory_space<vmem>> -> memref<1x80x64xf32, #tpu.memory_space<vmem>>
        %dma_wait3A_363 = tpu.memref_squeeze %dma_wait3A_362 : memref<1x80x64xf32, #tpu.memory_space<vmem>> -> memref<80x64xf32, #tpu.memory_space<vmem>>
        %dma_wait3A_364 = arith.constant 0 : i32
        %dma_wait3A_365 = tpu.memref_slice %arg8[%add3A_323, %dma_wait3A_364] : memref<250x80xi32, #tpu.memory_space<vmem>> -> memref<1x80xi32, #tpu.memory_space<vmem>>
        %dma_wait3A_366 = tpu.memref_squeeze %dma_wait3A_365 : memref<1x80xi32, #tpu.memory_space<vmem>> -> memref<80xi32, #tpu.memory_space<vmem>>
        %dma_wait3A_367 = arith.constant 0 : i32
        %dma_wait3A_368 = arith.constant 0 : i32
        %dma_wait3A_369 = tpu.memref_slice %arg12[%dma_wait3A_367, %dma_wait3A_368] : memref<10240x64xf32, #tpu.memory_space<vmem_shared>> -> memref<10240x64xf32, #tpu.memory_space<vmem_shared>>
        tpu.wait_indirect_dma semaphore(%arg19 : memref<!tpu.dma_semaphore, #tpu.memory_space<semaphore_mem>>) src(%dma_wait3A_363 : memref<80x64xf32, #tpu.memory_space<vmem>>) dst(%dma_wait3A_369 : memref<10240x64xf32, #tpu.memory_space<vmem_shared>>)
        %mul3A_370 = arith.constant 6 : i32
        %mul3A_371 = arith.muli %add3A_219, %mul3A_370 : i32
        %add3A_372 = arith.constant 3 : i32
        %add3A_373 = arith.addi %mul3A_371, %add3A_372 : i32
        %dma_wait3A_374 = arith.constant 3 : i32
        %dma_wait3A_375 = arith.constant 0 : i32
        %dma_wait3A_376 = arith.constant 0 : i32
        %dma_wait3A_377 = tpu.memref_slice %arg9[%dma_wait3A_374, %dma_wait3A_375, %dma_wait3A_376] : memref<6x80x64xf32, #tpu.memory_space<vmem>> -> memref<1x80x64xf32, #tpu.memory_space<vmem>>
        %dma_wait3A_378 = tpu.memref_squeeze %dma_wait3A_377 : memref<1x80x64xf32, #tpu.memory_space<vmem>> -> memref<80x64xf32, #tpu.memory_space<vmem>>
        %dma_wait3A_379 = arith.constant 0 : i32
        %dma_wait3A_380 = tpu.memref_slice %arg7[%add3A_373, %dma_wait3A_379] : memref<250x80xi32, #tpu.memory_space<vmem>> -> memref<1x80xi32, #tpu.memory_space<vmem>>
        %dma_wait3A_381 = tpu.memref_squeeze %dma_wait3A_380 : memref<1x80xi32, #tpu.memory_space<vmem>> -> memref<80xi32, #tpu.memory_space<vmem>>
        %dma_wait3A_382 = arith.constant 0 : i32
        %dma_wait3A_383 = arith.constant 0 : i32
        %dma_wait3A_384 = tpu.memref_slice %arg3[%dma_wait3A_382, %dma_wait3A_383] : memref<10000x64xf32, #tpu.memory_space<hbm>> -> memref<10000x64xf32, #tpu.memory_space<hbm>>
        tpu.wait_indirect_dma semaphore(%arg16 : memref<!tpu.dma_semaphore, #tpu.memory_space<semaphore_mem>>) src(%dma_wait3A_384 : memref<10000x64xf32, #tpu.memory_space<hbm>>) dst(%dma_wait3A_378 : memref<80x64xf32, #tpu.memory_space<vmem>>)
        %add3A_385 = arith.constant 1 : i32
        %add3A_386 = arith.addi %add3A_373, %add3A_385 : i32
        %dma_start3A_387 = arith.constant 4 : i32
        %dma_start3A_388 = arith.constant 0 : i32
        %dma_start3A_389 = arith.constant 0 : i32
        %dma_start3A_390 = tpu.memref_slice %arg9[%dma_start3A_387, %dma_start3A_388, %dma_start3A_389] : memref<6x80x64xf32, #tpu.memory_space<vmem>> -> memref<1x80x64xf32, #tpu.memory_space<vmem>>
        %dma_start3A_391 = tpu.memref_squeeze %dma_start3A_390 : memref<1x80x64xf32, #tpu.memory_space<vmem>> -> memref<80x64xf32, #tpu.memory_space<vmem>>
        %dma_start3A_392 = arith.constant 0 : i32
        %dma_start3A_393 = tpu.memref_slice %arg7[%add3A_386, %dma_start3A_392] : memref<250x80xi32, #tpu.memory_space<vmem>> -> memref<1x80xi32, #tpu.memory_space<vmem>>
        %dma_start3A_394 = tpu.memref_squeeze %dma_start3A_393 : memref<1x80xi32, #tpu.memory_space<vmem>> -> memref<80xi32, #tpu.memory_space<vmem>>
        %dma_start3A_395 = arith.constant 0 : i32
        %dma_start3A_396 = arith.constant 0 : i32
        %dma_start3A_397 = tpu.memref_slice %arg3[%dma_start3A_395, %dma_start3A_396] : memref<10000x64xf32, #tpu.memory_space<hbm>> -> memref<10000x64xf32, #tpu.memory_space<hbm>>
        tpu.enqueue_indirect_dma source(%dma_start3A_397 : memref<10000x64xf32, #tpu.memory_space<hbm>>) target(%dma_start3A_391 : memref<80x64xf32, #tpu.memory_space<vmem>>) offsets(%dma_start3A_394 : memref<80xi32, #tpu.memory_space<vmem>>) semaphore(%arg17 : memref<!tpu.dma_semaphore, #tpu.memory_space<semaphore_mem>>)
        %dma_start3A_398 = arith.constant 3 : i32
        %dma_start3A_399 = arith.constant 0 : i32
        %dma_start3A_400 = arith.constant 0 : i32
        %dma_start3A_401 = tpu.memref_slice %arg9[%dma_start3A_398, %dma_start3A_399, %dma_start3A_400] : memref<6x80x64xf32, #tpu.memory_space<vmem>> -> memref<1x80x64xf32, #tpu.memory_space<vmem>>
        %dma_start3A_402 = tpu.memref_squeeze %dma_start3A_401 : memref<1x80x64xf32, #tpu.memory_space<vmem>> -> memref<80x64xf32, #tpu.memory_space<vmem>>
        %dma_start3A_403 = arith.constant 0 : i32
        %dma_start3A_404 = tpu.memref_slice %arg8[%add3A_373, %dma_start3A_403] : memref<250x80xi32, #tpu.memory_space<vmem>> -> memref<1x80xi32, #tpu.memory_space<vmem>>
        %dma_start3A_405 = tpu.memref_squeeze %dma_start3A_404 : memref<1x80xi32, #tpu.memory_space<vmem>> -> memref<80xi32, #tpu.memory_space<vmem>>
        %dma_start3A_406 = arith.constant 0 : i32
        %dma_start3A_407 = arith.constant 0 : i32
        %dma_start3A_408 = tpu.memref_slice %arg12[%dma_start3A_406, %dma_start3A_407] : memref<10240x64xf32, #tpu.memory_space<vmem_shared>> -> memref<10240x64xf32, #tpu.memory_space<vmem_shared>>
        tpu.enqueue_indirect_dma source(%dma_start3A_402 : memref<80x64xf32, #tpu.memory_space<vmem>>) target(%dma_start3A_408 : memref<10240x64xf32, #tpu.memory_space<vmem_shared>>) offsets(%dma_start3A_405 : memref<80xi32, #tpu.memory_space<vmem>>) semaphore(%arg19 : memref<!tpu.dma_semaphore, #tpu.memory_space<semaphore_mem>>) {add = true}
        %dma_wait3A_409 = arith.constant 3 : i32
        %dma_wait3A_410 = arith.constant 0 : i32
        %dma_wait3A_411 = arith.constant 0 : i32
        %dma_wait3A_412 = tpu.memref_slice %arg9[%dma_wait3A_409, %dma_wait3A_410, %dma_wait3A_411] : memref<6x80x64xf32, #tpu.memory_space<vmem>> -> memref<1x80x64xf32, #tpu.memory_space<vmem>>
        %dma_wait3A_413 = tpu.memref_squeeze %dma_wait3A_412 : memref<1x80x64xf32, #tpu.memory_space<vmem>> -> memref<80x64xf32, #tpu.memory_space<vmem>>
        %dma_wait3A_414 = arith.constant 0 : i32
        %dma_wait3A_415 = tpu.memref_slice %arg8[%add3A_373, %dma_wait3A_414] : memref<250x80xi32, #tpu.memory_space<vmem>> -> memref<1x80xi32, #tpu.memory_space<vmem>>
        %dma_wait3A_416 = tpu.memref_squeeze %dma_wait3A_415 : memref<1x80xi32, #tpu.memory_space<vmem>> -> memref<80xi32, #tpu.memory_space<vmem>>
        %dma_wait3A_417 = arith.constant 0 : i32
        %dma_wait3A_418 = arith.constant 0 : i32
        %dma_wait3A_419 = tpu.memref_slice %arg12[%dma_wait3A_417, %dma_wait3A_418] : memref<10240x64xf32, #tpu.memory_space<vmem_shared>> -> memref<10240x64xf32, #tpu.memory_space<vmem_shared>>
        tpu.wait_indirect_dma semaphore(%arg19 : memref<!tpu.dma_semaphore, #tpu.memory_space<semaphore_mem>>) src(%dma_wait3A_413 : memref<80x64xf32, #tpu.memory_space<vmem>>) dst(%dma_wait3A_419 : memref<10240x64xf32, #tpu.memory_space<vmem_shared>>)
        %mul3A_420 = arith.constant 6 : i32
        %mul3A_421 = arith.muli %add3A_219, %mul3A_420 : i32
        %add3A_422 = arith.constant 4 : i32
        %add3A_423 = arith.addi %mul3A_421, %add3A_422 : i32
        %dma_wait3A_424 = arith.constant 4 : i32
        %dma_wait3A_425 = arith.constant 0 : i32
        %dma_wait3A_426 = arith.constant 0 : i32
        %dma_wait3A_427 = tpu.memref_slice %arg9[%dma_wait3A_424, %dma_wait3A_425, %dma_wait3A_426] : memref<6x80x64xf32, #tpu.memory_space<vmem>> -> memref<1x80x64xf32, #tpu.memory_space<vmem>>
        %dma_wait3A_428 = tpu.memref_squeeze %dma_wait3A_427 : memref<1x80x64xf32, #tpu.memory_space<vmem>> -> memref<80x64xf32, #tpu.memory_space<vmem>>
        %dma_wait3A_429 = arith.constant 0 : i32
        %dma_wait3A_430 = tpu.memref_slice %arg7[%add3A_423, %dma_wait3A_429] : memref<250x80xi32, #tpu.memory_space<vmem>> -> memref<1x80xi32, #tpu.memory_space<vmem>>
        %dma_wait3A_431 = tpu.memref_squeeze %dma_wait3A_430 : memref<1x80xi32, #tpu.memory_space<vmem>> -> memref<80xi32, #tpu.memory_space<vmem>>
        %dma_wait3A_432 = arith.constant 0 : i32
        %dma_wait3A_433 = arith.constant 0 : i32
        %dma_wait3A_434 = tpu.memref_slice %arg3[%dma_wait3A_432, %dma_wait3A_433] : memref<10000x64xf32, #tpu.memory_space<hbm>> -> memref<10000x64xf32, #tpu.memory_space<hbm>>
        tpu.wait_indirect_dma semaphore(%arg17 : memref<!tpu.dma_semaphore, #tpu.memory_space<semaphore_mem>>) src(%dma_wait3A_434 : memref<10000x64xf32, #tpu.memory_space<hbm>>) dst(%dma_wait3A_428 : memref<80x64xf32, #tpu.memory_space<vmem>>)
        %add3A_435 = arith.constant 1 : i32
        %add3A_436 = arith.addi %add3A_423, %add3A_435 : i32
        %dma_start3A_437 = arith.constant 5 : i32
        %dma_start3A_438 = arith.constant 0 : i32
        %dma_start3A_439 = arith.constant 0 : i32
        %dma_start3A_440 = tpu.memref_slice %arg9[%dma_start3A_437, %dma_start3A_438, %dma_start3A_439] : memref<6x80x64xf32, #tpu.memory_space<vmem>> -> memref<1x80x64xf32, #tpu.memory_space<vmem>>
        %dma_start3A_441 = tpu.memref_squeeze %dma_start3A_440 : memref<1x80x64xf32, #tpu.memory_space<vmem>> -> memref<80x64xf32, #tpu.memory_space<vmem>>
        %dma_start3A_442 = arith.constant 0 : i32
        %dma_start3A_443 = tpu.memref_slice %arg7[%add3A_436, %dma_start3A_442] : memref<250x80xi32, #tpu.memory_space<vmem>> -> memref<1x80xi32, #tpu.memory_space<vmem>>
        %dma_start3A_444 = tpu.memref_squeeze %dma_start3A_443 : memref<1x80xi32, #tpu.memory_space<vmem>> -> memref<80xi32, #tpu.memory_space<vmem>>
        %dma_start3A_445 = arith.constant 0 : i32
        %dma_start3A_446 = arith.constant 0 : i32
        %dma_start3A_447 = tpu.memref_slice %arg3[%dma_start3A_445, %dma_start3A_446] : memref<10000x64xf32, #tpu.memory_space<hbm>> -> memref<10000x64xf32, #tpu.memory_space<hbm>>
        tpu.enqueue_indirect_dma source(%dma_start3A_447 : memref<10000x64xf32, #tpu.memory_space<hbm>>) target(%dma_start3A_441 : memref<80x64xf32, #tpu.memory_space<vmem>>) offsets(%dma_start3A_444 : memref<80xi32, #tpu.memory_space<vmem>>) semaphore(%arg18 : memref<!tpu.dma_semaphore, #tpu.memory_space<semaphore_mem>>)
        %dma_start3A_448 = arith.constant 4 : i32
        %dma_start3A_449 = arith.constant 0 : i32
        %dma_start3A_450 = arith.constant 0 : i32
        %dma_start3A_451 = tpu.memref_slice %arg9[%dma_start3A_448, %dma_start3A_449, %dma_start3A_450] : memref<6x80x64xf32, #tpu.memory_space<vmem>> -> memref<1x80x64xf32, #tpu.memory_space<vmem>>
        %dma_start3A_452 = tpu.memref_squeeze %dma_start3A_451 : memref<1x80x64xf32, #tpu.memory_space<vmem>> -> memref<80x64xf32, #tpu.memory_space<vmem>>
        %dma_start3A_453 = arith.constant 0 : i32
        %dma_start3A_454 = tpu.memref_slice %arg8[%add3A_423, %dma_start3A_453] : memref<250x80xi32, #tpu.memory_space<vmem>> -> memref<1x80xi32, #tpu.memory_space<vmem>>
        %dma_start3A_455 = tpu.memref_squeeze %dma_start3A_454 : memref<1x80xi32, #tpu.memory_space<vmem>> -> memref<80xi32, #tpu.memory_space<vmem>>
        %dma_start3A_456 = arith.constant 0 : i32
        %dma_start3A_457 = arith.constant 0 : i32
        %dma_start3A_458 = tpu.memref_slice %arg12[%dma_start3A_456, %dma_start3A_457] : memref<10240x64xf32, #tpu.memory_space<vmem_shared>> -> memref<10240x64xf32, #tpu.memory_space<vmem_shared>>
        tpu.enqueue_indirect_dma source(%dma_start3A_452 : memref<80x64xf32, #tpu.memory_space<vmem>>) target(%dma_start3A_458 : memref<10240x64xf32, #tpu.memory_space<vmem_shared>>) offsets(%dma_start3A_455 : memref<80xi32, #tpu.memory_space<vmem>>) semaphore(%arg19 : memref<!tpu.dma_semaphore, #tpu.memory_space<semaphore_mem>>) {add = true}
        %dma_wait3A_459 = arith.constant 4 : i32
        %dma_wait3A_460 = arith.constant 0 : i32
        %dma_wait3A_461 = arith.constant 0 : i32
        %dma_wait3A_462 = tpu.memref_slice %arg9[%dma_wait3A_459, %dma_wait3A_460, %dma_wait3A_461] : memref<6x80x64xf32, #tpu.memory_space<vmem>> -> memref<1x80x64xf32, #tpu.memory_space<vmem>>
        %dma_wait3A_463 = tpu.memref_squeeze %dma_wait3A_462 : memref<1x80x64xf32, #tpu.memory_space<vmem>> -> memref<80x64xf32, #tpu.memory_space<vmem>>
        %dma_wait3A_464 = arith.constant 0 : i32
        %dma_wait3A_465 = tpu.memref_slice %arg8[%add3A_423, %dma_wait3A_464] : memref<250x80xi32, #tpu.memory_space<vmem>> -> memref<1x80xi32, #tpu.memory_space<vmem>>
        %dma_wait3A_466 = tpu.memref_squeeze %dma_wait3A_465 : memref<1x80xi32, #tpu.memory_space<vmem>> -> memref<80xi32, #tpu.memory_space<vmem>>
        %dma_wait3A_467 = arith.constant 0 : i32
        %dma_wait3A_468 = arith.constant 0 : i32
        %dma_wait3A_469 = tpu.memref_slice %arg12[%dma_wait3A_467, %dma_wait3A_468] : memref<10240x64xf32, #tpu.memory_space<vmem_shared>> -> memref<10240x64xf32, #tpu.memory_space<vmem_shared>>
        tpu.wait_indirect_dma semaphore(%arg19 : memref<!tpu.dma_semaphore, #tpu.memory_space<semaphore_mem>>) src(%dma_wait3A_463 : memref<80x64xf32, #tpu.memory_space<vmem>>) dst(%dma_wait3A_469 : memref<10240x64xf32, #tpu.memory_space<vmem_shared>>)
        %mul3A_470 = arith.constant 6 : i32
        %mul3A_471 = arith.muli %add3A_219, %mul3A_470 : i32
        %add3A_472 = arith.constant 5 : i32
        %add3A_473 = arith.addi %mul3A_471, %add3A_472 : i32
        %dma_wait3A_474 = arith.constant 5 : i32
        %dma_wait3A_475 = arith.constant 0 : i32
        %dma_wait3A_476 = arith.constant 0 : i32
        %dma_wait3A_477 = tpu.memref_slice %arg9[%dma_wait3A_474, %dma_wait3A_475, %dma_wait3A_476] : memref<6x80x64xf32, #tpu.memory_space<vmem>> -> memref<1x80x64xf32, #tpu.memory_space<vmem>>
        %dma_wait3A_478 = tpu.memref_squeeze %dma_wait3A_477 : memref<1x80x64xf32, #tpu.memory_space<vmem>> -> memref<80x64xf32, #tpu.memory_space<vmem>>
        %dma_wait3A_479 = arith.constant 0 : i32
        %dma_wait3A_480 = tpu.memref_slice %arg7[%add3A_473, %dma_wait3A_479] : memref<250x80xi32, #tpu.memory_space<vmem>> -> memref<1x80xi32, #tpu.memory_space<vmem>>
        %dma_wait3A_481 = tpu.memref_squeeze %dma_wait3A_480 : memref<1x80xi32, #tpu.memory_space<vmem>> -> memref<80xi32, #tpu.memory_space<vmem>>
        %dma_wait3A_482 = arith.constant 0 : i32
        %dma_wait3A_483 = arith.constant 0 : i32
        %dma_wait3A_484 = tpu.memref_slice %arg3[%dma_wait3A_482, %dma_wait3A_483] : memref<10000x64xf32, #tpu.memory_space<hbm>> -> memref<10000x64xf32, #tpu.memory_space<hbm>>
        tpu.wait_indirect_dma semaphore(%arg18 : memref<!tpu.dma_semaphore, #tpu.memory_space<semaphore_mem>>) src(%dma_wait3A_484 : memref<10000x64xf32, #tpu.memory_space<hbm>>) dst(%dma_wait3A_478 : memref<80x64xf32, #tpu.memory_space<vmem>>)
        %add3A_485 = arith.constant 1 : i32
        %add3A_486 = arith.addi %add3A_473, %add3A_485 : i32
        %dma_start3A_487 = arith.constant 0 : i32
        %dma_start3A_488 = arith.constant 0 : i32
        %dma_start3A_489 = arith.constant 0 : i32
        %dma_start3A_490 = tpu.memref_slice %arg9[%dma_start3A_487, %dma_start3A_488, %dma_start3A_489] : memref<6x80x64xf32, #tpu.memory_space<vmem>> -> memref<1x80x64xf32, #tpu.memory_space<vmem>>
        %dma_start3A_491 = tpu.memref_squeeze %dma_start3A_490 : memref<1x80x64xf32, #tpu.memory_space<vmem>> -> memref<80x64xf32, #tpu.memory_space<vmem>>
        %dma_start3A_492 = arith.constant 0 : i32
        %dma_start3A_493 = tpu.memref_slice %arg7[%add3A_486, %dma_start3A_492] : memref<250x80xi32, #tpu.memory_space<vmem>> -> memref<1x80xi32, #tpu.memory_space<vmem>>
        %dma_start3A_494 = tpu.memref_squeeze %dma_start3A_493 : memref<1x80xi32, #tpu.memory_space<vmem>> -> memref<80xi32, #tpu.memory_space<vmem>>
        %dma_start3A_495 = arith.constant 0 : i32
        %dma_start3A_496 = arith.constant 0 : i32
        %dma_start3A_497 = tpu.memref_slice %arg3[%dma_start3A_495, %dma_start3A_496] : memref<10000x64xf32, #tpu.memory_space<hbm>> -> memref<10000x64xf32, #tpu.memory_space<hbm>>
        tpu.enqueue_indirect_dma source(%dma_start3A_497 : memref<10000x64xf32, #tpu.memory_space<hbm>>) target(%dma_start3A_491 : memref<80x64xf32, #tpu.memory_space<vmem>>) offsets(%dma_start3A_494 : memref<80xi32, #tpu.memory_space<vmem>>) semaphore(%arg13 : memref<!tpu.dma_semaphore, #tpu.memory_space<semaphore_mem>>)
        %dma_start3A_498 = arith.constant 5 : i32
        %dma_start3A_499 = arith.constant 0 : i32
        %dma_start3A_500 = arith.constant 0 : i32
        %dma_start3A_501 = tpu.memref_slice %arg9[%dma_start3A_498, %dma_start3A_499, %dma_start3A_500] : memref<6x80x64xf32, #tpu.memory_space<vmem>> -> memref<1x80x64xf32, #tpu.memory_space<vmem>>
        %dma_start3A_502 = tpu.memref_squeeze %dma_start3A_501 : memref<1x80x64xf32, #tpu.memory_space<vmem>> -> memref<80x64xf32, #tpu.memory_space<vmem>>
        %dma_start3A_503 = arith.constant 0 : i32
        %dma_start3A_504 = tpu.memref_slice %arg8[%add3A_473, %dma_start3A_503] : memref<250x80xi32, #tpu.memory_space<vmem>> -> memref<1x80xi32, #tpu.memory_space<vmem>>
        %dma_start3A_505 = tpu.memref_squeeze %dma_start3A_504 : memref<1x80xi32, #tpu.memory_space<vmem>> -> memref<80xi32, #tpu.memory_space<vmem>>
        %dma_start3A_506 = arith.constant 0 : i32
        %dma_start3A_507 = arith.constant 0 : i32
        %dma_start3A_508 = tpu.memref_slice %arg12[%dma_start3A_506, %dma_start3A_507] : memref<10240x64xf32, #tpu.memory_space<vmem_shared>> -> memref<10240x64xf32, #tpu.memory_space<vmem_shared>>
        tpu.enqueue_indirect_dma source(%dma_start3A_502 : memref<80x64xf32, #tpu.memory_space<vmem>>) target(%dma_start3A_508 : memref<10240x64xf32, #tpu.memory_space<vmem_shared>>) offsets(%dma_start3A_505 : memref<80xi32, #tpu.memory_space<vmem>>) semaphore(%arg19 : memref<!tpu.dma_semaphore, #tpu.memory_space<semaphore_mem>>) {add = true}
        %dma_wait3A_509 = arith.constant 5 : i32
        %dma_wait3A_510 = arith.constant 0 : i32
        %dma_wait3A_511 = arith.constant 0 : i32
        %dma_wait3A_512 = tpu.memref_slice %arg9[%dma_wait3A_509, %dma_wait3A_510, %dma_wait3A_511] : memref<6x80x64xf32, #tpu.memory_space<vmem>> -> memref<1x80x64xf32, #tpu.memory_space<vmem>>
        %dma_wait3A_513 = tpu.memref_squeeze %dma_wait3A_512 : memref<1x80x64xf32, #tpu.memory_space<vmem>> -> memref<80x64xf32, #tpu.memory_space<vmem>>
        %dma_wait3A_514 = arith.constant 0 : i32
        %dma_wait3A_515 = tpu.memref_slice %arg8[%add3A_473, %dma_wait3A_514] : memref<250x80xi32, #tpu.memory_space<vmem>> -> memref<1x80xi32, #tpu.memory_space<vmem>>
        %dma_wait3A_516 = tpu.memref_squeeze %dma_wait3A_515 : memref<1x80xi32, #tpu.memory_space<vmem>> -> memref<80xi32, #tpu.memory_space<vmem>>
        %dma_wait3A_517 = arith.constant 0 : i32
        %dma_wait3A_518 = arith.constant 0 : i32
        %dma_wait3A_519 = tpu.memref_slice %arg12[%dma_wait3A_517, %dma_wait3A_518] : memref<10240x64xf32, #tpu.memory_space<vmem_shared>> -> memref<10240x64xf32, #tpu.memory_space<vmem_shared>>
        tpu.wait_indirect_dma semaphore(%arg19 : memref<!tpu.dma_semaphore, #tpu.memory_space<semaphore_mem>>) src(%dma_wait3A_513 : memref<80x64xf32, #tpu.memory_space<vmem>>) dst(%dma_wait3A_519 : memref<10240x64xf32, #tpu.memory_space<vmem_shared>>)
      }
      %scan3A_37 = arith.constant 41 : i32
      %dma_wait3A = arith.constant 246 : i32
      %dma_wait3A_38 = arith.constant 0 : i32
      %dma_wait3A_39 = arith.constant 0 : i32
      %dma_wait3A_40 = arith.constant 0 : i32
      %dma_wait3A_41 = tpu.memref_slice %arg9[%dma_wait3A_38, %dma_wait3A_39, %dma_wait3A_40] : memref<6x80x64xf32, #tpu.memory_space<vmem>> -> memref<1x80x64xf32, #tpu.memory_space<vmem>>
      %dma_wait3A_42 = tpu.memref_squeeze %dma_wait3A_41 : memref<1x80x64xf32, #tpu.memory_space<vmem>> -> memref<80x64xf32, #tpu.memory_space<vmem>>
      %dma_wait3A_43 = arith.constant 0 : i32
      %dma_wait3A_44 = tpu.memref_slice %arg7[%dma_wait3A, %dma_wait3A_43] : memref<250x80xi32, #tpu.memory_space<vmem>> -> memref<1x80xi32, #tpu.memory_space<vmem>>
      %dma_wait3A_45 = tpu.memref_squeeze %dma_wait3A_44 : memref<1x80xi32, #tpu.memory_space<vmem>> -> memref<80xi32, #tpu.memory_space<vmem>>
      %dma_wait3A_46 = arith.constant 0 : i32
      %dma_wait3A_47 = arith.constant 0 : i32
      %dma_wait3A_48 = tpu.memref_slice %arg3[%dma_wait3A_46, %dma_wait3A_47] : memref<10000x64xf32, #tpu.memory_space<hbm>> -> memref<10000x64xf32, #tpu.memory_space<hbm>>
      tpu.wait_indirect_dma semaphore(%arg13 : memref<!tpu.dma_semaphore, #tpu.memory_space<semaphore_mem>>) src(%dma_wait3A_48 : memref<10000x64xf32, #tpu.memory_space<hbm>>) dst(%dma_wait3A_42 : memref<80x64xf32, #tpu.memory_space<vmem>>)
      %dma_start3A_49 = arith.constant 247 : i32
      %dma_start3A_50 = arith.constant 1 : i32
      %dma_start3A_51 = arith.constant 0 : i32
      %dma_start3A_52 = arith.constant 0 : i32
      %dma_start3A_53 = tpu.memref_slice %arg9[%dma_start3A_50, %dma_start3A_51, %dma_start3A_52] : memref<6x80x64xf32, #tpu.memory_space<vmem>> -> memref<1x80x64xf32, #tpu.memory_space<vmem>>
      %dma_start3A_54 = tpu.memref_squeeze %dma_start3A_53 : memref<1x80x64xf32, #tpu.memory_space<vmem>> -> memref<80x64xf32, #tpu.memory_space<vmem>>
      %dma_start3A_55 = arith.constant 0 : i32
      %dma_start3A_56 = tpu.memref_slice %arg7[%dma_start3A_49, %dma_start3A_55] : memref<250x80xi32, #tpu.memory_space<vmem>> -> memref<1x80xi32, #tpu.memory_space<vmem>>
      %dma_start3A_57 = tpu.memref_squeeze %dma_start3A_56 : memref<1x80xi32, #tpu.memory_space<vmem>> -> memref<80xi32, #tpu.memory_space<vmem>>
      %dma_start3A_58 = arith.constant 0 : i32
      %dma_start3A_59 = arith.constant 0 : i32
      %dma_start3A_60 = tpu.memref_slice %arg3[%dma_start3A_58, %dma_start3A_59] : memref<10000x64xf32, #tpu.memory_space<hbm>> -> memref<10000x64xf32, #tpu.memory_space<hbm>>
      tpu.enqueue_indirect_dma source(%dma_start3A_60 : memref<10000x64xf32, #tpu.memory_space<hbm>>) target(%dma_start3A_54 : memref<80x64xf32, #tpu.memory_space<vmem>>) offsets(%dma_start3A_57 : memref<80xi32, #tpu.memory_space<vmem>>) semaphore(%arg14 : memref<!tpu.dma_semaphore, #tpu.memory_space<semaphore_mem>>)
      %dma_start3A_61 = arith.constant 0 : i32
      %dma_start3A_62 = arith.constant 246 : i32
      %dma_start3A_63 = arith.constant 0 : i32
      %dma_start3A_64 = arith.constant 0 : i32
      %dma_start3A_65 = tpu.memref_slice %arg9[%dma_start3A_61, %dma_start3A_63, %dma_start3A_64] : memref<6x80x64xf32, #tpu.memory_space<vmem>> -> memref<1x80x64xf32, #tpu.memory_space<vmem>>
      %dma_start3A_66 = tpu.memref_squeeze %dma_start3A_65 : memref<1x80x64xf32, #tpu.memory_space<vmem>> -> memref<80x64xf32, #tpu.memory_space<vmem>>
      %dma_start3A_67 = arith.constant 0 : i32
      %dma_start3A_68 = tpu.memref_slice %arg8[%dma_start3A_62, %dma_start3A_67] : memref<250x80xi32, #tpu.memory_space<vmem>> -> memref<1x80xi32, #tpu.memory_space<vmem>>
      %dma_start3A_69 = tpu.memref_squeeze %dma_start3A_68 : memref<1x80xi32, #tpu.memory_space<vmem>> -> memref<80xi32, #tpu.memory_space<vmem>>
      %dma_start3A_70 = arith.constant 0 : i32
      %dma_start3A_71 = arith.constant 0 : i32
      %dma_start3A_72 = tpu.memref_slice %arg12[%dma_start3A_70, %dma_start3A_71] : memref<10240x64xf32, #tpu.memory_space<vmem_shared>> -> memref<10240x64xf32, #tpu.memory_space<vmem_shared>>
      tpu.enqueue_indirect_dma source(%dma_start3A_66 : memref<80x64xf32, #tpu.memory_space<vmem>>) target(%dma_start3A_72 : memref<10240x64xf32, #tpu.memory_space<vmem_shared>>) offsets(%dma_start3A_69 : memref<80xi32, #tpu.memory_space<vmem>>) semaphore(%arg19 : memref<!tpu.dma_semaphore, #tpu.memory_space<semaphore_mem>>) {add = true}
      %dma_wait3A_73 = arith.constant 0 : i32
      %dma_wait3A_74 = arith.constant 246 : i32
      %dma_wait3A_75 = arith.constant 0 : i32
      %dma_wait3A_76 = arith.constant 0 : i32
      %dma_wait3A_77 = tpu.memref_slice %arg9[%dma_wait3A_73, %dma_wait3A_75, %dma_wait3A_76] : memref<6x80x64xf32, #tpu.memory_space<vmem>> -> memref<1x80x64xf32, #tpu.memory_space<vmem>>
      %dma_wait3A_78 = tpu.memref_squeeze %dma_wait3A_77 : memref<1x80x64xf32, #tpu.memory_space<vmem>> -> memref<80x64xf32, #tpu.memory_space<vmem>>
      %dma_wait3A_79 = arith.constant 0 : i32
      %dma_wait3A_80 = tpu.memref_slice %arg8[%dma_wait3A_74, %dma_wait3A_79] : memref<250x80xi32, #tpu.memory_space<vmem>> -> memref<1x80xi32, #tpu.memory_space<vmem>>
      %dma_wait3A_81 = tpu.memref_squeeze %dma_wait3A_80 : memref<1x80xi32, #tpu.memory_space<vmem>> -> memref<80xi32, #tpu.memory_space<vmem>>
      %dma_wait3A_82 = arith.constant 0 : i32
      %dma_wait3A_83 = arith.constant 0 : i32
      %dma_wait3A_84 = tpu.memref_slice %arg12[%dma_wait3A_82, %dma_wait3A_83] : memref<10240x64xf32, #tpu.memory_space<vmem_shared>> -> memref<10240x64xf32, #tpu.memory_space<vmem_shared>>
      tpu.wait_indirect_dma semaphore(%arg19 : memref<!tpu.dma_semaphore, #tpu.memory_space<semaphore_mem>>) src(%dma_wait3A_78 : memref<80x64xf32, #tpu.memory_space<vmem>>) dst(%dma_wait3A_84 : memref<10240x64xf32, #tpu.memory_space<vmem_shared>>)
      %dma_wait3A_85 = arith.constant 247 : i32
      %dma_wait3A_86 = arith.constant 1 : i32
      %dma_wait3A_87 = arith.constant 0 : i32
      %dma_wait3A_88 = arith.constant 0 : i32
      %dma_wait3A_89 = tpu.memref_slice %arg9[%dma_wait3A_86, %dma_wait3A_87, %dma_wait3A_88] : memref<6x80x64xf32, #tpu.memory_space<vmem>> -> memref<1x80x64xf32, #tpu.memory_space<vmem>>
      %dma_wait3A_90 = tpu.memref_squeeze %dma_wait3A_89 : memref<1x80x64xf32, #tpu.memory_space<vmem>> -> memref<80x64xf32, #tpu.memory_space<vmem>>
      %dma_wait3A_91 = arith.constant 0 : i32
      %dma_wait3A_92 = tpu.memref_slice %arg7[%dma_wait3A_85, %dma_wait3A_91] : memref<250x80xi32, #tpu.memory_space<vmem>> -> memref<1x80xi32, #tpu.memory_space<vmem>>
      %dma_wait3A_93 = tpu.memref_squeeze %dma_wait3A_92 : memref<1x80xi32, #tpu.memory_space<vmem>> -> memref<80xi32, #tpu.memory_space<vmem>>
      %dma_wait3A_94 = arith.constant 0 : i32
      %dma_wait3A_95 = arith.constant 0 : i32
      %dma_wait3A_96 = tpu.memref_slice %arg3[%dma_wait3A_94, %dma_wait3A_95] : memref<10000x64xf32, #tpu.memory_space<hbm>> -> memref<10000x64xf32, #tpu.memory_space<hbm>>
      tpu.wait_indirect_dma semaphore(%arg14 : memref<!tpu.dma_semaphore, #tpu.memory_space<semaphore_mem>>) src(%dma_wait3A_96 : memref<10000x64xf32, #tpu.memory_space<hbm>>) dst(%dma_wait3A_90 : memref<80x64xf32, #tpu.memory_space<vmem>>)
      %dma_start3A_97 = arith.constant 248 : i32
      %dma_start3A_98 = arith.constant 2 : i32
      %dma_start3A_99 = arith.constant 0 : i32
      %dma_start3A_100 = arith.constant 0 : i32
      %dma_start3A_101 = tpu.memref_slice %arg9[%dma_start3A_98, %dma_start3A_99, %dma_start3A_100] : memref<6x80x64xf32, #tpu.memory_space<vmem>> -> memref<1x80x64xf32, #tpu.memory_space<vmem>>
      %dma_start3A_102 = tpu.memref_squeeze %dma_start3A_101 : memref<1x80x64xf32, #tpu.memory_space<vmem>> -> memref<80x64xf32, #tpu.memory_space<vmem>>
      %dma_start3A_103 = arith.constant 0 : i32
      %dma_start3A_104 = tpu.memref_slice %arg7[%dma_start3A_97, %dma_start3A_103] : memref<250x80xi32, #tpu.memory_space<vmem>> -> memref<1x80xi32, #tpu.memory_space<vmem>>
      %dma_start3A_105 = tpu.memref_squeeze %dma_start3A_104 : memref<1x80xi32, #tpu.memory_space<vmem>> -> memref<80xi32, #tpu.memory_space<vmem>>
      %dma_start3A_106 = arith.constant 0 : i32
      %dma_start3A_107 = arith.constant 0 : i32
      %dma_start3A_108 = tpu.memref_slice %arg3[%dma_start3A_106, %dma_start3A_107] : memref<10000x64xf32, #tpu.memory_space<hbm>> -> memref<10000x64xf32, #tpu.memory_space<hbm>>
      tpu.enqueue_indirect_dma source(%dma_start3A_108 : memref<10000x64xf32, #tpu.memory_space<hbm>>) target(%dma_start3A_102 : memref<80x64xf32, #tpu.memory_space<vmem>>) offsets(%dma_start3A_105 : memref<80xi32, #tpu.memory_space<vmem>>) semaphore(%arg15 : memref<!tpu.dma_semaphore, #tpu.memory_space<semaphore_mem>>)
      %dma_start3A_109 = arith.constant 1 : i32
      %dma_start3A_110 = arith.constant 247 : i32
      %dma_start3A_111 = arith.constant 0 : i32
      %dma_start3A_112 = arith.constant 0 : i32
      %dma_start3A_113 = tpu.memref_slice %arg9[%dma_start3A_109, %dma_start3A_111, %dma_start3A_112] : memref<6x80x64xf32, #tpu.memory_space<vmem>> -> memref<1x80x64xf32, #tpu.memory_space<vmem>>
      %dma_start3A_114 = tpu.memref_squeeze %dma_start3A_113 : memref<1x80x64xf32, #tpu.memory_space<vmem>> -> memref<80x64xf32, #tpu.memory_space<vmem>>
      %dma_start3A_115 = arith.constant 0 : i32
      %dma_start3A_116 = tpu.memref_slice %arg8[%dma_start3A_110, %dma_start3A_115] : memref<250x80xi32, #tpu.memory_space<vmem>> -> memref<1x80xi32, #tpu.memory_space<vmem>>
      %dma_start3A_117 = tpu.memref_squeeze %dma_start3A_116 : memref<1x80xi32, #tpu.memory_space<vmem>> -> memref<80xi32, #tpu.memory_space<vmem>>
      %dma_start3A_118 = arith.constant 0 : i32
      %dma_start3A_119 = arith.constant 0 : i32
      %dma_start3A_120 = tpu.memref_slice %arg12[%dma_start3A_118, %dma_start3A_119] : memref<10240x64xf32, #tpu.memory_space<vmem_shared>> -> memref<10240x64xf32, #tpu.memory_space<vmem_shared>>
      tpu.enqueue_indirect_dma source(%dma_start3A_114 : memref<80x64xf32, #tpu.memory_space<vmem>>) target(%dma_start3A_120 : memref<10240x64xf32, #tpu.memory_space<vmem_shared>>) offsets(%dma_start3A_117 : memref<80xi32, #tpu.memory_space<vmem>>) semaphore(%arg19 : memref<!tpu.dma_semaphore, #tpu.memory_space<semaphore_mem>>) {add = true}
      %dma_wait3A_121 = arith.constant 1 : i32
      %dma_wait3A_122 = arith.constant 247 : i32
      %dma_wait3A_123 = arith.constant 0 : i32
      %dma_wait3A_124 = arith.constant 0 : i32
      %dma_wait3A_125 = tpu.memref_slice %arg9[%dma_wait3A_121, %dma_wait3A_123, %dma_wait3A_124] : memref<6x80x64xf32, #tpu.memory_space<vmem>> -> memref<1x80x64xf32, #tpu.memory_space<vmem>>
      %dma_wait3A_126 = tpu.memref_squeeze %dma_wait3A_125 : memref<1x80x64xf32, #tpu.memory_space<vmem>> -> memref<80x64xf32, #tpu.memory_space<vmem>>
      %dma_wait3A_127 = arith.constant 0 : i32
      %dma_wait3A_128 = tpu.memref_slice %arg8[%dma_wait3A_122, %dma_wait3A_127] : memref<250x80xi32, #tpu.memory_space<vmem>> -> memref<1x80xi32, #tpu.memory_space<vmem>>
      %dma_wait3A_129 = tpu.memref_squeeze %dma_wait3A_128 : memref<1x80xi32, #tpu.memory_space<vmem>> -> memref<80xi32, #tpu.memory_space<vmem>>
      %dma_wait3A_130 = arith.constant 0 : i32
      %dma_wait3A_131 = arith.constant 0 : i32
      %dma_wait3A_132 = tpu.memref_slice %arg12[%dma_wait3A_130, %dma_wait3A_131] : memref<10240x64xf32, #tpu.memory_space<vmem_shared>> -> memref<10240x64xf32, #tpu.memory_space<vmem_shared>>
      tpu.wait_indirect_dma semaphore(%arg19 : memref<!tpu.dma_semaphore, #tpu.memory_space<semaphore_mem>>) src(%dma_wait3A_126 : memref<80x64xf32, #tpu.memory_space<vmem>>) dst(%dma_wait3A_132 : memref<10240x64xf32, #tpu.memory_space<vmem_shared>>)
      %dma_wait3A_133 = arith.constant 248 : i32
      %dma_wait3A_134 = arith.constant 2 : i32
      %dma_wait3A_135 = arith.constant 0 : i32
      %dma_wait3A_136 = arith.constant 0 : i32
      %dma_wait3A_137 = tpu.memref_slice %arg9[%dma_wait3A_134, %dma_wait3A_135, %dma_wait3A_136] : memref<6x80x64xf32, #tpu.memory_space<vmem>> -> memref<1x80x64xf32, #tpu.memory_space<vmem>>
      %dma_wait3A_138 = tpu.memref_squeeze %dma_wait3A_137 : memref<1x80x64xf32, #tpu.memory_space<vmem>> -> memref<80x64xf32, #tpu.memory_space<vmem>>
      %dma_wait3A_139 = arith.constant 0 : i32
      %dma_wait3A_140 = tpu.memref_slice %arg7[%dma_wait3A_133, %dma_wait3A_139] : memref<250x80xi32, #tpu.memory_space<vmem>> -> memref<1x80xi32, #tpu.memory_space<vmem>>
      %dma_wait3A_141 = tpu.memref_squeeze %dma_wait3A_140 : memref<1x80xi32, #tpu.memory_space<vmem>> -> memref<80xi32, #tpu.memory_space<vmem>>
      %dma_wait3A_142 = arith.constant 0 : i32
      %dma_wait3A_143 = arith.constant 0 : i32
      %dma_wait3A_144 = tpu.memref_slice %arg3[%dma_wait3A_142, %dma_wait3A_143] : memref<10000x64xf32, #tpu.memory_space<hbm>> -> memref<10000x64xf32, #tpu.memory_space<hbm>>
      tpu.wait_indirect_dma semaphore(%arg15 : memref<!tpu.dma_semaphore, #tpu.memory_space<semaphore_mem>>) src(%dma_wait3A_144 : memref<10000x64xf32, #tpu.memory_space<hbm>>) dst(%dma_wait3A_138 : memref<80x64xf32, #tpu.memory_space<vmem>>)
      %dma_start3A_145 = arith.constant 249 : i32
      %dma_start3A_146 = arith.constant 3 : i32
      %dma_start3A_147 = arith.constant 0 : i32
      %dma_start3A_148 = arith.constant 0 : i32
      %dma_start3A_149 = tpu.memref_slice %arg9[%dma_start3A_146, %dma_start3A_147, %dma_start3A_148] : memref<6x80x64xf32, #tpu.memory_space<vmem>> -> memref<1x80x64xf32, #tpu.memory_space<vmem>>
      %dma_start3A_150 = tpu.memref_squeeze %dma_start3A_149 : memref<1x80x64xf32, #tpu.memory_space<vmem>> -> memref<80x64xf32, #tpu.memory_space<vmem>>
      %dma_start3A_151 = arith.constant 0 : i32
      %dma_start3A_152 = tpu.memref_slice %arg7[%dma_start3A_145, %dma_start3A_151] : memref<250x80xi32, #tpu.memory_space<vmem>> -> memref<1x80xi32, #tpu.memory_space<vmem>>
      %dma_start3A_153 = tpu.memref_squeeze %dma_start3A_152 : memref<1x80xi32, #tpu.memory_space<vmem>> -> memref<80xi32, #tpu.memory_space<vmem>>
      %dma_start3A_154 = arith.constant 0 : i32
      %dma_start3A_155 = arith.constant 0 : i32
      %dma_start3A_156 = tpu.memref_slice %arg3[%dma_start3A_154, %dma_start3A_155] : memref<10000x64xf32, #tpu.memory_space<hbm>> -> memref<10000x64xf32, #tpu.memory_space<hbm>>
      tpu.enqueue_indirect_dma source(%dma_start3A_156 : memref<10000x64xf32, #tpu.memory_space<hbm>>) target(%dma_start3A_150 : memref<80x64xf32, #tpu.memory_space<vmem>>) offsets(%dma_start3A_153 : memref<80xi32, #tpu.memory_space<vmem>>) semaphore(%arg16 : memref<!tpu.dma_semaphore, #tpu.memory_space<semaphore_mem>>)
      %dma_start3A_157 = arith.constant 2 : i32
      %dma_start3A_158 = arith.constant 248 : i32
      %dma_start3A_159 = arith.constant 0 : i32
      %dma_start3A_160 = arith.constant 0 : i32
      %dma_start3A_161 = tpu.memref_slice %arg9[%dma_start3A_157, %dma_start3A_159, %dma_start3A_160] : memref<6x80x64xf32, #tpu.memory_space<vmem>> -> memref<1x80x64xf32, #tpu.memory_space<vmem>>
      %dma_start3A_162 = tpu.memref_squeeze %dma_start3A_161 : memref<1x80x64xf32, #tpu.memory_space<vmem>> -> memref<80x64xf32, #tpu.memory_space<vmem>>
      %dma_start3A_163 = arith.constant 0 : i32
      %dma_start3A_164 = tpu.memref_slice %arg8[%dma_start3A_158, %dma_start3A_163] : memref<250x80xi32, #tpu.memory_space<vmem>> -> memref<1x80xi32, #tpu.memory_space<vmem>>
      %dma_start3A_165 = tpu.memref_squeeze %dma_start3A_164 : memref<1x80xi32, #tpu.memory_space<vmem>> -> memref<80xi32, #tpu.memory_space<vmem>>
      %dma_start3A_166 = arith.constant 0 : i32
      %dma_start3A_167 = arith.constant 0 : i32
      %dma_start3A_168 = tpu.memref_slice %arg12[%dma_start3A_166, %dma_start3A_167] : memref<10240x64xf32, #tpu.memory_space<vmem_shared>> -> memref<10240x64xf32, #tpu.memory_space<vmem_shared>>
      tpu.enqueue_indirect_dma source(%dma_start3A_162 : memref<80x64xf32, #tpu.memory_space<vmem>>) target(%dma_start3A_168 : memref<10240x64xf32, #tpu.memory_space<vmem_shared>>) offsets(%dma_start3A_165 : memref<80xi32, #tpu.memory_space<vmem>>) semaphore(%arg19 : memref<!tpu.dma_semaphore, #tpu.memory_space<semaphore_mem>>) {add = true}
      %dma_wait3A_169 = arith.constant 2 : i32
      %dma_wait3A_170 = arith.constant 248 : i32
      %dma_wait3A_171 = arith.constant 0 : i32
      %dma_wait3A_172 = arith.constant 0 : i32
      %dma_wait3A_173 = tpu.memref_slice %arg9[%dma_wait3A_169, %dma_wait3A_171, %dma_wait3A_172] : memref<6x80x64xf32, #tpu.memory_space<vmem>> -> memref<1x80x64xf32, #tpu.memory_space<vmem>>
      %dma_wait3A_174 = tpu.memref_squeeze %dma_wait3A_173 : memref<1x80x64xf32, #tpu.memory_space<vmem>> -> memref<80x64xf32, #tpu.memory_space<vmem>>
      %dma_wait3A_175 = arith.constant 0 : i32
      %dma_wait3A_176 = tpu.memref_slice %arg8[%dma_wait3A_170, %dma_wait3A_175] : memref<250x80xi32, #tpu.memory_space<vmem>> -> memref<1x80xi32, #tpu.memory_space<vmem>>
      %dma_wait3A_177 = tpu.memref_squeeze %dma_wait3A_176 : memref<1x80xi32, #tpu.memory_space<vmem>> -> memref<80xi32, #tpu.memory_space<vmem>>
      %dma_wait3A_178 = arith.constant 0 : i32
      %dma_wait3A_179 = arith.constant 0 : i32
      %dma_wait3A_180 = tpu.memref_slice %arg12[%dma_wait3A_178, %dma_wait3A_179] : memref<10240x64xf32, #tpu.memory_space<vmem_shared>> -> memref<10240x64xf32, #tpu.memory_space<vmem_shared>>
      tpu.wait_indirect_dma semaphore(%arg19 : memref<!tpu.dma_semaphore, #tpu.memory_space<semaphore_mem>>) src(%dma_wait3A_174 : memref<80x64xf32, #tpu.memory_space<vmem>>) dst(%dma_wait3A_180 : memref<10240x64xf32, #tpu.memory_space<vmem_shared>>)
      %dma_wait3A_181 = arith.constant 249 : i32
      %dma_wait3A_182 = arith.constant 3 : i32
      %dma_wait3A_183 = arith.constant 0 : i32
      %dma_wait3A_184 = arith.constant 0 : i32
      %dma_wait3A_185 = tpu.memref_slice %arg9[%dma_wait3A_182, %dma_wait3A_183, %dma_wait3A_184] : memref<6x80x64xf32, #tpu.memory_space<vmem>> -> memref<1x80x64xf32, #tpu.memory_space<vmem>>
      %dma_wait3A_186 = tpu.memref_squeeze %dma_wait3A_185 : memref<1x80x64xf32, #tpu.memory_space<vmem>> -> memref<80x64xf32, #tpu.memory_space<vmem>>
      %dma_wait3A_187 = arith.constant 0 : i32
      %dma_wait3A_188 = tpu.memref_slice %arg7[%dma_wait3A_181, %dma_wait3A_187] : memref<250x80xi32, #tpu.memory_space<vmem>> -> memref<1x80xi32, #tpu.memory_space<vmem>>
      %dma_wait3A_189 = tpu.memref_squeeze %dma_wait3A_188 : memref<1x80xi32, #tpu.memory_space<vmem>> -> memref<80xi32, #tpu.memory_space<vmem>>
      %dma_wait3A_190 = arith.constant 0 : i32
      %dma_wait3A_191 = arith.constant 0 : i32
      %dma_wait3A_192 = tpu.memref_slice %arg3[%dma_wait3A_190, %dma_wait3A_191] : memref<10000x64xf32, #tpu.memory_space<hbm>> -> memref<10000x64xf32, #tpu.memory_space<hbm>>
      tpu.wait_indirect_dma semaphore(%arg16 : memref<!tpu.dma_semaphore, #tpu.memory_space<semaphore_mem>>) src(%dma_wait3A_192 : memref<10000x64xf32, #tpu.memory_space<hbm>>) dst(%dma_wait3A_186 : memref<80x64xf32, #tpu.memory_space<vmem>>)
      %dma_start3A_193 = arith.constant 3 : i32
      %dma_start3A_194 = arith.constant 249 : i32
      %dma_start3A_195 = arith.constant 0 : i32
      %dma_start3A_196 = arith.constant 0 : i32
      %dma_start3A_197 = tpu.memref_slice %arg9[%dma_start3A_193, %dma_start3A_195, %dma_start3A_196] : memref<6x80x64xf32, #tpu.memory_space<vmem>> -> memref<1x80x64xf32, #tpu.memory_space<vmem>>
      %dma_start3A_198 = tpu.memref_squeeze %dma_start3A_197 : memref<1x80x64xf32, #tpu.memory_space<vmem>> -> memref<80x64xf32, #tpu.memory_space<vmem>>
      %dma_start3A_199 = arith.constant 0 : i32
      %dma_start3A_200 = tpu.memref_slice %arg8[%dma_start3A_194, %dma_start3A_199] : memref<250x80xi32, #tpu.memory_space<vmem>> -> memref<1x80xi32, #tpu.memory_space<vmem>>
      %dma_start3A_201 = tpu.memref_squeeze %dma_start3A_200 : memref<1x80xi32, #tpu.memory_space<vmem>> -> memref<80xi32, #tpu.memory_space<vmem>>
      %dma_start3A_202 = arith.constant 0 : i32
      %dma_start3A_203 = arith.constant 0 : i32
      %dma_start3A_204 = tpu.memref_slice %arg12[%dma_start3A_202, %dma_start3A_203] : memref<10240x64xf32, #tpu.memory_space<vmem_shared>> -> memref<10240x64xf32, #tpu.memory_space<vmem_shared>>
      tpu.enqueue_indirect_dma source(%dma_start3A_198 : memref<80x64xf32, #tpu.memory_space<vmem>>) target(%dma_start3A_204 : memref<10240x64xf32, #tpu.memory_space<vmem_shared>>) offsets(%dma_start3A_201 : memref<80xi32, #tpu.memory_space<vmem>>) semaphore(%arg19 : memref<!tpu.dma_semaphore, #tpu.memory_space<semaphore_mem>>) {add = true}
      %dma_wait3A_205 = arith.constant 3 : i32
      %dma_wait3A_206 = arith.constant 249 : i32
      %dma_wait3A_207 = arith.constant 0 : i32
      %dma_wait3A_208 = arith.constant 0 : i32
      %dma_wait3A_209 = tpu.memref_slice %arg9[%dma_wait3A_205, %dma_wait3A_207, %dma_wait3A_208] : memref<6x80x64xf32, #tpu.memory_space<vmem>> -> memref<1x80x64xf32, #tpu.memory_space<vmem>>
      %dma_wait3A_210 = tpu.memref_squeeze %dma_wait3A_209 : memref<1x80x64xf32, #tpu.memory_space<vmem>> -> memref<80x64xf32, #tpu.memory_space<vmem>>
      %dma_wait3A_211 = arith.constant 0 : i32
      %dma_wait3A_212 = tpu.memref_slice %arg8[%dma_wait3A_206, %dma_wait3A_211] : memref<250x80xi32, #tpu.memory_space<vmem>> -> memref<1x80xi32, #tpu.memory_space<vmem>>
      %dma_wait3A_213 = tpu.memref_squeeze %dma_wait3A_212 : memref<1x80xi32, #tpu.memory_space<vmem>> -> memref<80xi32, #tpu.memory_space<vmem>>
      %dma_wait3A_214 = arith.constant 0 : i32
      %dma_wait3A_215 = arith.constant 0 : i32
      %dma_wait3A_216 = tpu.memref_slice %arg12[%dma_wait3A_214, %dma_wait3A_215] : memref<10240x64xf32, #tpu.memory_space<vmem_shared>> -> memref<10240x64xf32, #tpu.memory_space<vmem_shared>>
      tpu.wait_indirect_dma semaphore(%arg19 : memref<!tpu.dma_semaphore, #tpu.memory_space<semaphore_mem>>) src(%dma_wait3A_210 : memref<80x64xf32, #tpu.memory_space<vmem>>) dst(%dma_wait3A_216 : memref<10240x64xf32, #tpu.memory_space<vmem_shared>>)
    } else {
    }
    %barrier3A_16 = arith.constant 0 : index
    tpu.barrier barrier_id(%barrier3A_16)
    %scan3A_17 = arith.constant 0 : i32
    %scan3A_18 = arith.constant 5 : i32
    %scan3A_19 = arith.addi %scan3A_17, %scan3A_18 : i32
    %scan3A_20 = arith.constant 1 : i32
    scf.for %scan3A_22 = %scan3A_17 to %scan3A_19 step %scan3A_20  : i32 {
      %mul3A = arith.constant 1 : i32
      %mul3A_23 = arith.muli %scan3A_22, %mul3A : i32
      %add3A = arith.constant 0 : i32
      %add3A_24 = arith.addi %add3A, %mul3A_23 : i32
      %mul3A_25 = arith.constant 640 : i32
      %mul3A_26 = arith.muli %arg1, %mul3A_25 : i32
      %mul3A_27 = arith.constant 128 : i32
      %mul3A_28 = arith.muli %add3A_24, %mul3A_27 : i32
      %add3A_29 = arith.addi %mul3A_26, %mul3A_28 : i32
      %scan3A_30 = arith.constant 0 : i32
      %scan3A_31 = arith.constant 8 : i32
      %scan3A_32 = arith.addi %scan3A_30, %scan3A_31 : i32
      %scan3A_33 = arith.constant 1 : i32
      scf.for %scan3A_44 = %scan3A_30 to %scan3A_32 step %scan3A_33  : i32 {
        %mul3A_45 = arith.constant 1 : i32
        %mul3A_46 = arith.muli %scan3A_44, %mul3A_45 : i32
        %add3A_47 = arith.constant 0 : i32
        %add3A_48 = arith.addi %add3A_47, %mul3A_46 : i32
        %iota3A = tpu.iota {dimensions = array<i32: 0>} : vector<16xi32>
        %mul3A_49 = arith.constant 16 : i32
        %mul3A_50 = arith.muli %add3A_48, %mul3A_49 : i32
        %add3A_51 = arith.addi %add3A_29, %mul3A_50 : i32
        %add3A_52 = vector.broadcast %add3A_51 : i32 to vector<16xi32>
        %add3A_53 = arith.addi %iota3A, %add3A_52 : vector<16xi32>
        %mul3A_54 = arith.constant 16 : i32
        %mul3A_55 = arith.muli %add3A_48, %mul3A_54 : i32
        %swap3A = arith.index_cast %mul3A_55 : i32 to index
        %swap3A_56 = tpu.vector_load %arg11[%swap3A] {strides = array<i32>} : memref<128xi32, #tpu.memory_space<vmem>>, vector<16xi32>,
        %swap3A_57 = vector.shape_cast %swap3A_56 : vector<16xi32> to vector<16xi32>
        %swap3A_58 = vector.shape_cast %add3A_53 : vector<16xi32> to vector<16xi32>
        tpu.vector_store %arg11[%swap3A], %swap3A_58 {strides = array<i32>} : memref<128xi32, #tpu.memory_space<vmem>>, vector<16xi32>,
      }
      %scan3A_34 = arith.constant 8 : i32
      %dma_start3A = arith.constant 0 : i32
      %dma_start3A_35 = arith.constant 0 : i32
      %dma_start3A_36 = tpu.memref_slice %arg12[%dma_start3A, %dma_start3A_35] : memref<10240x64xf32, #tpu.memory_space<vmem_shared>> -> memref<10240x64xf32, #tpu.memory_space<vmem_shared>>
      tpu.enqueue_indirect_dma source(%dma_start3A_36 : memref<10240x64xf32, #tpu.memory_space<vmem_shared>>) target(%arg10 : memref<128x64xf32, #tpu.memory_space<vmem>>) offsets(%arg11 : memref<128xi32, #tpu.memory_space<vmem>>) semaphore(%arg13 : memref<!tpu.dma_semaphore, #tpu.memory_space<semaphore_mem>>)
      %dma_wait3A = arith.constant 0 : i32
      %dma_wait3A_37 = arith.constant 0 : i32
      %dma_wait3A_38 = tpu.memref_slice %arg12[%dma_wait3A, %dma_wait3A_37] : memref<10240x64xf32, #tpu.memory_space<vmem_shared>> -> memref<10240x64xf32, #tpu.memory_space<vmem_shared>>
      tpu.wait_indirect_dma semaphore(%arg13 : memref<!tpu.dma_semaphore, #tpu.memory_space<semaphore_mem>>) src(%dma_wait3A_38 : memref<10240x64xf32, #tpu.memory_space<vmem_shared>>) dst(%arg10 : memref<128x64xf32, #tpu.memory_space<vmem>>)
      %mul3A_39 = arith.constant 640 : i32
      %mul3A_40 = arith.muli %arg1, %mul3A_39 : i32
      %mul3A_41 = arith.constant 128 : i32
      %mul3A_42 = arith.muli %add3A_24, %mul3A_41 : i32
      %add3A_43 = arith.addi %mul3A_40, %mul3A_42 : i32
      "tpu.region"() ({
        %run_scoped3A = tpu.sem_alloc : memref<!tpu.dma_semaphore, #tpu.memory_space<semaphore_mem>>
        %dma_start3A_44 = arith.constant 0 : i32
        %dma_start3A_45 = tpu.memref_slice %arg6[%arg0, %add3A_43, %dma_start3A_44] : memref<2x10240x64xf32, #tpu.memory_space<hbm>> -> memref<1x128x64xf32, #tpu.memory_space<hbm>>
        %dma_start3A_46 = tpu.memref_squeeze %dma_start3A_45 : memref<1x128x64xf32, #tpu.memory_space<hbm>> -> memref<128x64xf32, #tpu.memory_space<hbm>>
        %dma_start3A_47 = arith.constant 0 : i32
        %dma_start3A_48 = tpu.memref_slice %arg6[%arg0, %add3A_43, %dma_start3A_47] : memref<2x10240x64xf32, #tpu.memory_space<hbm>> -> memref<1x128x64xf32, #tpu.memory_space<hbm>>
        %dma_start3A_49 = tpu.memref_squeeze %dma_start3A_48 : memref<1x128x64xf32, #tpu.memory_space<hbm>> -> memref<128x64xf32, #tpu.memory_space<hbm>>
        tpu.enqueue_dma source(%arg10 : memref<128x64xf32, #tpu.memory_space<vmem>>) target(%dma_start3A_49 : memref<128x64xf32, #tpu.memory_space<hbm>>) target_semaphore(%run_scoped3A : memref<!tpu.dma_semaphore, #tpu.memory_space<semaphore_mem>>)
        %dma_wait3A_50 = arith.constant 0 : i32
        %dma_wait3A_51 = tpu.memref_slice %arg6[%arg0, %add3A_43, %dma_wait3A_50] : memref<2x10240x64xf32, #tpu.memory_space<hbm>> -> memref<1x128x64xf32, #tpu.memory_space<hbm>>
        %dma_wait3A_52 = tpu.memref_squeeze %dma_wait3A_51 : memref<1x128x64xf32, #tpu.memory_space<hbm>> -> memref<128x64xf32, #tpu.memory_space<hbm>>
        %dma_wait3A_53 = arith.constant 0 : i32
        %dma_wait3A_54 = tpu.memref_slice %arg6[%arg0, %add3A_43, %dma_wait3A_53] : memref<2x10240x64xf32, #tpu.memory_space<hbm>> -> memref<1x128x64xf32, #tpu.memory_space<hbm>>
        %dma_wait3A_55 = tpu.memref_squeeze %dma_wait3A_54 : memref<1x128x64xf32, #tpu.memory_space<hbm>> -> memref<128x64xf32, #tpu.memory_space<hbm>>
        tpu.wait_dma2 semaphore(%run_scoped3A : memref<!tpu.dma_semaphore, #tpu.memory_space<semaphore_mem>>) src(%arg10 : memref<128x64xf32, #tpu.memory_space<vmem>>) dst(%dma_wait3A_55 : memref<128x64xf32, #tpu.memory_space<hbm>>)
        tpu.yield
      }) : () -> ()
    }
    %scan3A_21 = arith.constant 5 : i32
    return
  }
}

module attributes {stable_mosaic.version = 14 : i64} {
  func.func @_mm1_body(%arg0: i32, %arg1: memref<2x1000x16xf32, #tpu.memory_space<vmem>>, %arg2: memref<1000x128xf32, #tpu.memory_space<vmem>>, %arg3: memref<128x128xf32, #tpu.memory_space<vmem>>, %arg4: memref<1000x128xf32, #tpu.memory_space<vmem>>, %arg5: memref<1000x1xf32, #tpu.memory_space<vmem>>) attributes {dimension_semantics = [#tpu.dimension_semantics<arbitrary>], iteration_bounds = array<i64: 10>, scalar_prefetch = 0 : i64, scratch_operands = 0 : i64, tpu.core_type = #tpu.core_type<tc>, window_params = [{transform_indices = @transform_0, window_bounds = array<i64: 2, 1000, 16>}, {transform_indices = @transform_1, window_bounds = array<i64: 1000, 128>}, {pipeline_mode = #tpu.pipeline_mode<synchronous>, transform_indices = @transform_2, window_bounds = array<i64: 128, 128>}, {transform_indices = @transform_3, window_bounds = array<i64: 1000, 128>}, {transform_indices = @transform_4, window_bounds = array<i64: 1000, 1>}]} {
    %get3A = arith.constant 0 : index
    %get3A_0 = arith.constant 0 : index
    %get3A_1 = arith.constant 0 : index
    %get3A_2 = vector.load %arg1[%get3A, %get3A_0, %get3A_1] : memref<2x1000x16xf32, #tpu.memory_space<vmem>>, vector<1x1000x1xf32>
    %get3A_3 = vector.shape_cast %get3A_2 : vector<1x1000x1xf32> to vector<1000x1xf32>
    %get3A_4 = arith.constant 1 : index
    %get3A_5 = arith.constant 0 : index
    %get3A_6 = arith.constant 0 : index
    %get3A_7 = vector.load %arg1[%get3A_4, %get3A_5, %get3A_6] : memref<2x1000x16xf32, #tpu.memory_space<vmem>>, vector<1x1000x1xf32>
    %get3A_8 = vector.shape_cast %get3A_7 : vector<1x1000x1xf32> to vector<1000x1xf32>
    %add3A = arith.addf %get3A_3, %get3A_8 : vector<1000x1xf32>
    %add3A_9 = arith.constant 1.000000e+00 : f32
    %add3A_10 = vector.broadcast %add3A_9 : f32 to vector<1000x1xf32>
    %add3A_11 = arith.addf %add3A, %add3A_10 : vector<1000x1xf32>
    %rsqrt3A = math.rsqrt %add3A_11 : vector<1000x1xf32>
    %get3A_12 = arith.constant 0 : index
    %get3A_13 = arith.constant 0 : index
    %get3A_14 = vector.load %arg2[%get3A_12, %get3A_13] : memref<1000x128xf32, #tpu.memory_space<vmem>>, vector<1000x128xf32>
    %get3A_15 = arith.constant 0 : index
    %get3A_16 = arith.constant 0 : index
    %get3A_17 = vector.load %arg3[%get3A_15, %get3A_16] : memref<128x128xf32, #tpu.memory_space<vmem>>, vector<128x128xf32>
    %dot_general3A = arith.constant dense<0.000000e+00> : vector<1000x128xf32>
    %dot_general3A_18 = tpu.matmul %get3A_14, %get3A_17, %dot_general3A {dimension_numbers = #tpu.dot_dimension_numbers<[1], [0], [0], [1], [0, 0, 1, 1], [], []>, transpose_lhs_hint = false} : vector<1000x128xf32>, vector<128x128xf32>, vector<1000x128xf32> -> vector<1000x128xf32>
    %mul3A = vector.broadcast %rsqrt3A : vector<1000x1xf32> to vector<1000x128xf32>
    %mul3A_19 = arith.mulf %dot_general3A_18, %mul3A : vector<1000x128xf32>
    %swap3A = arith.constant 0 : index
    %swap3A_20 = arith.constant 0 : index
    %swap3A_21 = vector.load %arg4[%swap3A, %swap3A_20] : memref<1000x128xf32, #tpu.memory_space<vmem>>, vector<1000x128xf32>
    tpu.vector_store %arg4[%swap3A, %swap3A_20], %mul3A_19 {strides = array<i32>} : memref<1000x128xf32, #tpu.memory_space<vmem>>, vector<1000x128xf32>,
    %swap3A_22 = arith.constant 0 : index
    %swap3A_23 = arith.constant 0 : index
    %swap3A_24 = vector.load %arg5[%swap3A_22, %swap3A_23] : memref<1000x1xf32, #tpu.memory_space<vmem>>, vector<1000x1xf32>
    tpu.vector_store %arg5[%swap3A_22, %swap3A_23], %rsqrt3A {strides = array<i32>} : memref<1000x1xf32, #tpu.memory_space<vmem>>, vector<1000x1xf32>,
    return
  }
  func.func @transform_0(%arg0: i32) -> (i32, i32, i32) {
    %c0_i32 = arith.constant 0 : i32
    %c0_i32_0 = arith.constant 0 : i32
    %c0_i32_1 = arith.constant 0 : i32
    return %c0_i32, %arg0, %c0_i32_0 : i32, i32, i32
  }
  func.func @transform_1(%arg0: i32) -> (i32, i32) {
    %c0_i32 = arith.constant 0 : i32
    %c0_i32_0 = arith.constant 0 : i32
    return %arg0, %c0_i32 : i32, i32
  }
  func.func @transform_2(%arg0: i32) -> (i32, i32) {
    %c0_i32 = arith.constant 0 : i32
    %c0_i32_0 = arith.constant 0 : i32
    %c0_i32_1 = arith.constant 0 : i32
    return %c0_i32, %c0_i32_0 : i32, i32
  }
  func.func @transform_3(%arg0: i32) -> (i32, i32) {
    %c0_i32 = arith.constant 0 : i32
    %c0_i32_0 = arith.constant 0 : i32
    return %arg0, %c0_i32 : i32, i32
  }
  func.func @transform_4(%arg0: i32) -> (i32, i32) {
    %c0_i32 = arith.constant 0 : i32
    %c0_i32_0 = arith.constant 0 : i32
    return %arg0, %c0_i32 : i32, i32
  }
}

module attributes {stable_mosaic.version = 14 : i64} {
  func.func @_comb_body(%arg0: i32, %arg1: memref<2x1000x64xf32, #tpu.memory_space<vmem>>, %arg2: memref<1000x128xf32, #tpu.memory_space<vmem>>, %arg3: memref<1000x1xf32, #tpu.memory_space<vmem>>, %arg4: memref<1x128xf32, #tpu.memory_space<vmem>>, %arg5: memref<1000x128xf32, #tpu.memory_space<vmem>>) attributes {dimension_semantics = [#tpu.dimension_semantics<arbitrary>], iteration_bounds = array<i64: 10>, scalar_prefetch = 0 : i64, scratch_operands = 0 : i64, tpu.core_type = #tpu.core_type<tc>, window_params = [{transform_indices = @transform_0, window_bounds = array<i64: 2, 1000, 64>}, {transform_indices = @transform_1, window_bounds = array<i64: 1000, 128>}, {transform_indices = @transform_2, window_bounds = array<i64: 1000, 1>}, {pipeline_mode = #tpu.pipeline_mode<synchronous>, transform_indices = @transform_3, window_bounds = array<i64: 1, 128>}, {transform_indices = @transform_4, window_bounds = array<i64: 1000, 128>}]} {
    %get3A = arith.constant 0 : index
    %get3A_0 = arith.constant 0 : index
    %get3A_1 = arith.constant 0 : index
    %get3A_2 = vector.load %arg1[%get3A, %get3A_0, %get3A_1] : memref<2x1000x64xf32, #tpu.memory_space<vmem>>, vector<1x1000x64xf32>
    %get3A_3 = vector.shape_cast %get3A_2 : vector<1x1000x64xf32> to vector<1000x64xf32>
    %get3A_4 = arith.constant 1 : index
    %get3A_5 = arith.constant 0 : index
    %get3A_6 = arith.constant 0 : index
    %get3A_7 = vector.load %arg1[%get3A_4, %get3A_5, %get3A_6] : memref<2x1000x64xf32, #tpu.memory_space<vmem>>, vector<1x1000x64xf32>
    %get3A_8 = vector.shape_cast %get3A_7 : vector<1x1000x64xf32> to vector<1000x64xf32>
    %concatenate3A = tpu.concatenate %get3A_3, %get3A_8 in 1 : vector<1000x64xf32>, vector<1000x64xf32> -> vector<1000x128xf32>
    %get3A_9 = arith.constant 0 : index
    %get3A_10 = arith.constant 0 : index
    %get3A_11 = vector.load %arg2[%get3A_9, %get3A_10] : memref<1000x128xf32, #tpu.memory_space<vmem>>, vector<1000x128xf32>
    %add3A = arith.addf %concatenate3A, %get3A_11 : vector<1000x128xf32>
    %get3A_12 = arith.constant 0 : index
    %get3A_13 = arith.constant 0 : index
    %get3A_14 = vector.load %arg3[%get3A_12, %get3A_13] : memref<1000x1xf32, #tpu.memory_space<vmem>>, vector<1000x1xf32>
    %mul3A = vector.broadcast %get3A_14 : vector<1000x1xf32> to vector<1000x128xf32>
    %mul3A_15 = arith.mulf %add3A, %mul3A : vector<1000x128xf32>
    %get3A_16 = arith.constant 0 : index
    %get3A_17 = arith.constant 0 : index
    %get3A_18 = vector.load %arg4[%get3A_16, %get3A_17] : memref<1x128xf32, #tpu.memory_space<vmem>>, vector<1x128xf32>
    %add3A_19 = vector.broadcast %get3A_18 : vector<1x128xf32> to vector<1000x128xf32>
    %add3A_20 = arith.addf %mul3A_15, %add3A_19 : vector<1000x128xf32>
    %max3A = arith.constant 0.000000e+00 : f32
    %max3A_21 = vector.broadcast %max3A : f32 to vector<1000x128xf32>
    %max3A_22 = arith.maximumf %add3A_20, %max3A_21 : vector<1000x128xf32>
    %get3A_23 = arith.constant 0 : index
    %get3A_24 = arith.constant 0 : index
    %get3A_25 = vector.load %arg3[%get3A_23, %get3A_24] : memref<1000x1xf32, #tpu.memory_space<vmem>>, vector<1000x1xf32>
    %mul3A_26 = vector.broadcast %get3A_25 : vector<1000x1xf32> to vector<1000x128xf32>
    %mul3A_27 = arith.mulf %max3A_22, %mul3A_26 : vector<1000x128xf32>
    %swap3A = arith.constant 0 : index
    %swap3A_28 = arith.constant 0 : index
    %swap3A_29 = vector.load %arg5[%swap3A, %swap3A_28] : memref<1000x128xf32, #tpu.memory_space<vmem>>, vector<1000x128xf32>
    tpu.vector_store %arg5[%swap3A, %swap3A_28], %mul3A_27 {strides = array<i32>} : memref<1000x128xf32, #tpu.memory_space<vmem>>, vector<1000x128xf32>,
    return
  }
  func.func @transform_0(%arg0: i32) -> (i32, i32, i32) {
    %c0_i32 = arith.constant 0 : i32
    %c0_i32_0 = arith.constant 0 : i32
    %c0_i32_1 = arith.constant 0 : i32
    return %c0_i32, %arg0, %c0_i32_0 : i32, i32, i32
  }
  func.func @transform_1(%arg0: i32) -> (i32, i32) {
    %c0_i32 = arith.constant 0 : i32
    %c0_i32_0 = arith.constant 0 : i32
    return %arg0, %c0_i32 : i32, i32
  }
  func.func @transform_2(%arg0: i32) -> (i32, i32) {
    %c0_i32 = arith.constant 0 : i32
    %c0_i32_0 = arith.constant 0 : i32
    return %arg0, %c0_i32 : i32, i32
  }
  func.func @transform_3(%arg0: i32) -> (i32, i32) {
    %c0_i32 = arith.constant 0 : i32
    %c0_i32_0 = arith.constant 0 : i32
    %c0_i32_1 = arith.constant 0 : i32
    return %c0_i32, %c0_i32_0 : i32, i32
  }
  func.func @transform_4(%arg0: i32) -> (i32, i32) {
    %c0_i32 = arith.constant 0 : i32
    %c0_i32_0 = arith.constant 0 : i32
    return %arg0, %c0_i32 : i32, i32
  }
}

module attributes {stable_mosaic.version = 14 : i64} {
  func.func @_fin_body(%arg0: i32, %arg1: memref<2x1000x64xf32, #tpu.memory_space<vmem>>, %arg2: memref<1000x128xf32, #tpu.memory_space<vmem>>, %arg3: memref<1000x1xf32, #tpu.memory_space<vmem>>, %arg4: memref<128x128xf32, #tpu.memory_space<vmem>>, %arg5: memref<1x128xf32, #tpu.memory_space<vmem>>, %arg6: memref<1000x128xf32, #tpu.memory_space<vmem>>) attributes {dimension_semantics = [#tpu.dimension_semantics<arbitrary>], iteration_bounds = array<i64: 10>, scalar_prefetch = 0 : i64, scratch_operands = 0 : i64, tpu.core_type = #tpu.core_type<tc>, window_params = [{transform_indices = @transform_0, window_bounds = array<i64: 2, 1000, 64>}, {transform_indices = @transform_1, window_bounds = array<i64: 1000, 128>}, {transform_indices = @transform_2, window_bounds = array<i64: 1000, 1>}, {pipeline_mode = #tpu.pipeline_mode<synchronous>, transform_indices = @transform_3, window_bounds = array<i64: 128, 128>}, {pipeline_mode = #tpu.pipeline_mode<synchronous>, transform_indices = @transform_4, window_bounds = array<i64: 1, 128>}, {transform_indices = @transform_5, window_bounds = array<i64: 1000, 128>}]} {
    %get3A = arith.constant 0 : index
    %get3A_0 = arith.constant 0 : index
    %get3A_1 = arith.constant 0 : index
    %get3A_2 = vector.load %arg1[%get3A, %get3A_0, %get3A_1] : memref<2x1000x64xf32, #tpu.memory_space<vmem>>, vector<1x1000x64xf32>
    %get3A_3 = vector.shape_cast %get3A_2 : vector<1x1000x64xf32> to vector<1000x64xf32>
    %get3A_4 = arith.constant 1 : index
    %get3A_5 = arith.constant 0 : index
    %get3A_6 = arith.constant 0 : index
    %get3A_7 = vector.load %arg1[%get3A_4, %get3A_5, %get3A_6] : memref<2x1000x64xf32, #tpu.memory_space<vmem>>, vector<1x1000x64xf32>
    %get3A_8 = vector.shape_cast %get3A_7 : vector<1x1000x64xf32> to vector<1000x64xf32>
    %concatenate3A = tpu.concatenate %get3A_3, %get3A_8 in 1 : vector<1000x64xf32>, vector<1000x64xf32> -> vector<1000x128xf32>
    %get3A_9 = arith.constant 0 : index
    %get3A_10 = arith.constant 0 : index
    %get3A_11 = vector.load %arg2[%get3A_9, %get3A_10] : memref<1000x128xf32, #tpu.memory_space<vmem>>, vector<1000x128xf32>
    %add3A = arith.addf %concatenate3A, %get3A_11 : vector<1000x128xf32>
    %get3A_12 = arith.constant 0 : index
    %get3A_13 = arith.constant 0 : index
    %get3A_14 = vector.load %arg3[%get3A_12, %get3A_13] : memref<1000x1xf32, #tpu.memory_space<vmem>>, vector<1000x1xf32>
    %mul3A = vector.broadcast %get3A_14 : vector<1000x1xf32> to vector<1000x128xf32>
    %mul3A_15 = arith.mulf %add3A, %mul3A : vector<1000x128xf32>
    %get3A_16 = arith.constant 0 : index
    %get3A_17 = arith.constant 0 : index
    %get3A_18 = vector.load %arg4[%get3A_16, %get3A_17] : memref<128x128xf32, #tpu.memory_space<vmem>>, vector<128x128xf32>
    %dot_general3A = arith.constant dense<0.000000e+00> : vector<1000x128xf32>
    %dot_general3A_19 = tpu.matmul %mul3A_15, %get3A_18, %dot_general3A {dimension_numbers = #tpu.dot_dimension_numbers<[1], [0], [0], [1], [0, 0, 1, 1], [], []>, transpose_lhs_hint = false} : vector<1000x128xf32>, vector<128x128xf32>, vector<1000x128xf32> -> vector<1000x128xf32>
    %get3A_20 = arith.constant 0 : index
    %get3A_21 = arith.constant 0 : index
    %get3A_22 = vector.load %arg5[%get3A_20, %get3A_21] : memref<1x128xf32, #tpu.memory_space<vmem>>, vector<1x128xf32>
    %add3A_23 = vector.broadcast %get3A_22 : vector<1x128xf32> to vector<1000x128xf32>
    %add3A_24 = arith.addf %dot_general3A_19, %add3A_23 : vector<1000x128xf32>
    %swap3A = arith.constant 0 : index
    %swap3A_25 = arith.constant 0 : index
    %swap3A_26 = vector.load %arg6[%swap3A, %swap3A_25] : memref<1000x128xf32, #tpu.memory_space<vmem>>, vector<1000x128xf32>
    tpu.vector_store %arg6[%swap3A, %swap3A_25], %add3A_24 {strides = array<i32>} : memref<1000x128xf32, #tpu.memory_space<vmem>>, vector<1000x128xf32>,
    return
  }
  func.func @transform_0(%arg0: i32) -> (i32, i32, i32) {
    %c0_i32 = arith.constant 0 : i32
    %c0_i32_0 = arith.constant 0 : i32
    %c0_i32_1 = arith.constant 0 : i32
    return %c0_i32, %arg0, %c0_i32_0 : i32, i32, i32
  }
  func.func @transform_1(%arg0: i32) -> (i32, i32) {
    %c0_i32 = arith.constant 0 : i32
    %c0_i32_0 = arith.constant 0 : i32
    return %arg0, %c0_i32 : i32, i32
  }
  func.func @transform_2(%arg0: i32) -> (i32, i32) {
    %c0_i32 = arith.constant 0 : i32
    %c0_i32_0 = arith.constant 0 : i32
    return %arg0, %c0_i32 : i32, i32
  }
  func.func @transform_3(%arg0: i32) -> (i32, i32) {
    %c0_i32 = arith.constant 0 : i32
    %c0_i32_0 = arith.constant 0 : i32
    %c0_i32_1 = arith.constant 0 : i32
    return %c0_i32, %c0_i32_0 : i32, i32
  }
  func.func @transform_4(%arg0: i32) -> (i32, i32) {
    %c0_i32 = arith.constant 0 : i32
    %c0_i32_0 = arith.constant 0 : i32
    %c0_i32_1 = arith.constant 0 : i32
    return %c0_i32, %c0_i32_0 : i32, i32
  }
  func.func @transform_5(%arg0: i32) -> (i32, i32) {
    %c0_i32 = arith.constant 0 : i32
    %c0_i32_0 = arith.constant 0 : i32
    return %arg0, %c0_i32 : i32, i32
  }
}

</mosaic_0001>

<sc_bundles>
// kernel: kernel.11.cloned.1.call-start
scs
__scs_entry_jumppad:
0x0: {  	(pc) =	sbr.rel $0x88, $3  }
0x1: {  	(tag) =	ssettag $0x0;
	lr =	simm.s32 $0x1  }
0x2: {  	[smem:$0x3F99] =	sst lr;
	_ =	strace $0xD0000000  }
0x3: {  	_ = 	snop  }
0x4: {  	_ = 	snop  }
0x5: {  	_ = 	snop  }
0x6: {  	_ = 	snop  }
0x7: {  	_ = 	snop  }
__scs_overlays_trampoline_lowered:
0x8: {  	[smem:$0x3FA8] =	sst s0  }
0x9: {  	[smem:$0x3FA9] =	sst s1  }
0xa: {  	[smem:$0x3FAA] =	sst s2  }
0xb: {  	[smem:$0x3FAB] =	sst s3  }
0xc: {  	[smem:$0x3FAC] =	sst s4  }
0xd: {  	[smem:$0x3FAD] =	sst s5  }
0xe: {  	[smem:$0x3FAE] =	sst s6  }
0xf: {  	[smem:$0x3FAF] =	sst s7  }
0x10: {  	[smem:$0x3FB0] =	sst s8  }
0x11: {  	[smem:$0x3FB1] =	sst s9;
	s0 =	simm.s32 @!p0 $0x0  }
0x12: {  	s1 =	sld [smem:$0x3F97];
	s0 =	simm.s32 @p0 $0x1  }
0x13: {  	[smem:$0x3FB2] =	sst s0;
	s0 =	simm.s32 @!p1 $0x0  }
0x14: {  	s2 =	sld [smem:$0x3F96];
	s0 =	simm.s32 @p1 $0x1  }
0x15: {  	[smem:$0x3FB3] =	sst s0;
	s0 =	simm.s32 @!p2 $0x0  }
0x16: {  	s3 =	sld [smem:$0x3FDB];
	s0 =	simm.s32 @p2 $0x1  }
0x17: {  	s4 =	simm.s32 $0x1BF5;
	[smem:$0x3FB5] =	sst s0  }
0x18: {  	s0 =	sld [smem:$0x3F98];
	_ =	swait.ge [sflag:s4], $0x0  }
0x19: {  	s7 =	sld [smem:$0x3F99]  }
0x1a: {  	s8 =	sadd.s32 $0xFFFFE003, lr  }
0x1b: {  	s9 =	sadd.s32 $0xFFFFFEF7, lr;
	s5 =	simm.s32 $0xFFFFFFFF;
	p2 =	slt.u32 s8, $0xFFFFF086  }
0x1c: {  	p1 =	slt.u32 s9, $0xF7A;
	s5 =	simm.s32 @!p2 $0x0  }
0x1d: {  	s5 =	simm.s32 @p1 $0x1;
	p0 =	seq.s32 s7, s2  }
0x1e: {  	s7 =	smul.u32 @!p0 $0xF7A, s2;
	p2 =	seq.s32 @!p0 s5, $0x0  }
0x1f: {  	s9 =	smul.u32 $0xF7A, s1;
	s8 =	simm.s32 @!p0 $0x1BF5;
	p2 =	por !p2, p0  }
0x20: {  	[sflag:s8] =	ssyncset.s32 @!p0 $0xFFFFF086;
	s6 =	sadd.s32 @!p0 s3, s7;
	s7 =	simm.s32 @!p0 $0x108  }
0x21: {  	s3 =	sadd.s32 s3, s9;
	s6 =	sadd.s32 @!p0 $0x88, s6;
	s7 =	simm.s32 @p2 $0x1082  }
0x22: {  	[simem:s7], [sflag:s8] =	dma.local @!p0 [hbm:s6], $0xF7A  }
0x23: {  	s9 =	sor.u32 $0xD0000000, s2;
	s6 =	simm.s32 $0x108;
	_ =	swait.ge @!p0 [sflag:s8], $0x0  }
0x24: {  	s3 =	sadd.s32 $0x88, s3;
	s6 =	simm.s32 @!p1 $0x1082;
	[sflag:s4] =	ssyncset.s32 $0xFFFFF086  }
0x25: {  	[simem:s6], [sflag:s4] =	dma.local [hbm:s3], $0xF7A  }
0x26: {  	[smem:$0x3F99] =	sst s1;
	(tag) =	ssettag s2;
	_ =	strace s9  }
0x27: {  	s1 =	sld [smem:$0x3FA9]  }
0x28: {  	s2 =	sld [smem:$0x3FAA]  }
0x29: {  	s4 =	sld [smem:$0x3FAC]  }
0x2a: {  	p0 =	seq.s32 s5, $0x0;
	s5 =	sld [smem:$0x3FAD]  }
0x2b: {  	s6 =	sld [smem:$0x3FAE]  }
0x2c: {  	s7 =	sld [smem:$0x3FAF]  }
0x2d: {  	s3 =	simm.s32 $0x108;
	s8 =	sld [smem:$0x3FB0]  }
0x2e: {  	s3 =	simm.s32 @!p0 $0x1082;
	s9 =	sld [smem:$0x3FB1]  }
0x2f: {  	lr =	sadd.s32 s0, s3;
	s0 =	sld [smem:$0x3FA8]  }
0x30: {  	s3 =	sld [smem:$0x3FAB]  }
0x31: {  	[smem:$0x3FB4] =	sst s10  }
0x32: {  	s10 =	sld [smem:$0x3FB2];
	_ =	sdelay $0x3  }
0x33: {  	p0 =	seq.s32 s10, $0x1;
	s10 =	sld [smem:$0x3FB4];
	_ =	sdelay $0x3  }
0x34: {  	[smem:$0x3FB4] =	sst s10  }
0x35: {  	s10 =	sld [smem:$0x3FB3];
	_ =	sdelay $0x3  }
0x36: {  	p1 =	seq.s32 s10, $0x1;
	s10 =	sld [smem:$0x3FB4];
	_ =	sdelay $0x3  }
0x37: {  	[smem:$0x3FB4] =	sst s10  }
0x38: {  	s10 =	sld [smem:$0x3FB5]  }
0x39: {  	_ = 	snop;
	(pc) =	sbr.ind lr, $3  }
0x3a: {  	_ = 	snop  }
0x3b: {  	_ = 	snop  }
0x3c: {  	p2 =	seq.s32 s10, $0x1;
	s10 =	sld [smem:$0x3FB4]  }
0x3d: {  	_ =	shalt  }
0x3e: {  	_ =	shalt  }
0x3f: {  	_ =	shalt  }
0x40: {  	_ =	shalt  }
0x41: {  	_ =	shalt  }
0x42: {  	_ =	shalt  }
0x43: {  	_ =	shalt  }
0x44: {  	_ =	shalt  }
0x45: {  	_ =	shalt  }
0x46: {  	_ =	shalt  }
0x47: {  	_ =	shalt  }
0x48: {  	_ =	shalt  }
0x49: {  	_ =	shalt  }
0x4a: {  	_ =	shalt  }
0x4b: {  	_ =	shalt  }
0x4c: {  	_ =	shalt  }
0x4d: {  	_ =	shalt  }
0x4e: {  	_ =	shalt  }
0x4f: {  	_ =	shalt  }
0x50: {  	_ =	shalt  }
0x51: {  	_ =	shalt  }
0x52: {  	_ =	shalt  }
0x53: {  	_ =	shalt  }
0x54: {  	_ =	shalt  }
0x55: {  	_ =	shalt  }
0x56: {  	_ =	shalt  }
0x57: {  	_ =	shalt  }
0x58: {  	_ =	shalt  }
0x59: {  	_ =	shalt  }
0x5a: {  	_ =	shalt  }
0x5b: {  	_ =	shalt  }
0x5c: {  	_ =	shalt  }
0x5d: {  	_ =	shalt  }
0x5e: {  	_ =	shalt  }
0x5f: {  	_ =	shalt  }
0x60: {  	_ =	shalt  }
0x61: {  	_ =	shalt  }
0x62: {  	_ =	shalt  }
0x63: {  	_ =	shalt  }
0x64: {  	_ =	shalt  }
0x65: {  	_ =	shalt  }
0x66: {  	_ =	shalt  }
0x67: {  	_ =	shalt  }
0x68: {  	_ =	shalt  }
0x69: {  	_ =	shalt  }
0x6a: {  	_ =	shalt  }
0x6b: {  	_ =	shalt  }
0x6c: {  	_ =	shalt  }
0x6d: {  	_ =	shalt  }
0x6e: {  	_ =	shalt  }
0x6f: {  	_ =	shalt  }
0x70: {  	_ =	shalt  }
0x71: {  	_ =	shalt  }
0x72: {  	_ =	shalt  }
0x73: {  	_ =	shalt  }
0x74: {  	_ =	shalt  }
0x75: {  	_ =	shalt  }
0x76: {  	_ =	shalt  }
0x77: {  	_ =	shalt  }
0x78: {  	_ =	shalt  }
0x79: {  	_ =	shalt  }
0x7a: {  	_ =	shalt  }
0x7b: {  	_ =	shalt  }
0x7c: {  	_ =	shalt  }
0x7d: {  	_ =	shalt  }
0x7e: {  	_ =	shalt  }
0x7f: {  	_ =	shalt  }
0x80: {  	_ =	shalt  }
0x81: {  	_ =	shalt  }
0x82: {  	_ =	shalt  }
0x83: {  	_ =	shalt  }
0x84: {  	_ =	shalt  }
0x85: {  	_ =	shalt  }
0x86: {  	_ =	shalt  }
0x87: {  	_ =	shalt  }
.Lfunc_end0:
.L_simem_size_0:
called_computation.1_lowered:
.L_overlay_start_0:
0x88: {  	s2 =	sld [smem:$0x3FD9]  }
0x89: {  	s3 =	sld [smem:$0x3FFE];
	_ =	sdelay $0x1  }
0x8a: {  	s1 =	srdreg.scid  }
0x8b: {  	s0 =	sand.u32 $0x1, s1  }
0x8c: {  	s14 =	sshll.u32 s0, $0xA;
	s2 =	sadd.s32 s3, s2  }
0x8d: {  	s2 =	sadd.s32 s2, s14  }
0x8e: {  	[smem:$0x3FC0] =	sst s2  }
0x8f: {  	_ = 	snop  }
0x90: {  	s2 =	sld [smem:$0x3FD0];
	_ =	sdelay $0x2  }
0x91: {  	s15 =	simm.s32 $0xA;
	s4 =	simm.s32 $0x10  }
0x92: {  	[smem:s4], [sflag:s15] =	dma.local [hbm:s2], $0x1  }
0x93: {  	_ =	swait.eq [sflag:s15], $0x1  }
0x94: {  	[sflag:s15] =	ssyncset.done $0x0  }
0x95: {  	s16 =	sld [smem:$0x10];
	[sflag:s15] =	ssyncadd.s32 $0xFFFFFFFF  }
0x96: {  	s17 =	sld [smem:$0x11];
	(tm) =	ssettm $0x1  }
0x97: {  	s18 =	sld [smem:$0x3FFB];
	_ =	sdelay $0x3  }
0x98: {  	_ =	strace s18  }
0x99: {  	s4 =	sld [smem:$0x3FFC];
	_ =	sdelay $0x3  }
0x9a: {  	_ =	strace s4  }
0x9b: {  	s4 =	sld [smem:$0x3FFD];
	_ =	sdelay $0x3  }
0x9c: {  	_ =	strace s4  }
0x9d: {  	_ =	strace $0x8FFFFFFF  }
0x9e: {  	s19 =	sld [smem:$0x3FDB];
	_ =	sdelay $0x1  }
0x9f: {  	s5 =	simm.s32 $_scs_section_size  }
0xa0: {  	s6 =	simm.s32 $_size__tile_overlayer_lowered;
	s7 =	simm.s32 $_tile_overlayer_lowered  }
0xa1: {  	s22 =	simm.s32 $0x1BFF;
	s21 =	sshll.u32 s7, $0x1;
	s4 =	sadd.s32 s5, s19  }
0xa2: {  	s8 =	simm.s32 $0x0;
	s20 =	sshll.u32 s6, $0x1;
	s6 =	sadd.s32 s21, s4  }
0xa3: {  	[timem:s8], [sflag:s22] =	dma.local [hbm:s6], s20  }
0xa4: {  	_ =	swait.ge [sflag:s22], s20  }
0xa5: {  	s5 =	ssub.s32 $0x0, s20;
	[sflag:s22] =	ssyncset.done $0x0  }
0xa6: {  	[sflag:s22] =	ssyncadd.s32 s5;
	_ =	sdelay $0x1  }
0xa7: {  	s23 =	simm.s32 $0x1B8B  }
0xa8: {  	_ =	swait.ge [sflag:s23], $0x1  }
0xa9: {  	[sflag:s23] =	ssyncset.done $0x0  }
0xaa: {  	s25 =	simm.s32 $0x1B8E;
	s24 =	sld [smem:$0x3FFE];
	[sflag:s23] =	ssyncadd.s32 $0xFFFFFFFF  }
0xab: {  	s26 =	simm.s32 $execute0_lowered;
	[smem:$0x3FD2] =	sst s25  }
0xac: {  	s6 =	sshll.u32 s26, $0x1;
	_ =	strace $0x80000049;
	[dreg:$0x1] =	wrdreg $0xFFFFFFFF  }
0xad: {  	s28 =	simm.s32 $_size_execute0_lowered;
	s4 =	sadd.s32 s4, s6;
	[dreg:$0x0] =	wrdreg $0x0  }
0xae: {  	s6 =	sshll.u32 s28, $0x1;
	[dreg:$0x2] =	wrdreg s4  }
0xaf: {  	[dreg:$0x3] =	wrdreg s6  }
0xb0: {  	[dreg:$0x4] =	wrdreg $0xC0  }
0xb1: {  	_ =	task [dreg:s8], $0x5FFFF  }
0xb2: {  	[dreg:$0x1] =	wrdreg $0xFFFFFFFF  }
0xb3: {  	[dreg:$0x0] =	wrdreg $0x60  }
0xb4: {  	[dreg:$0x2] =	wrdreg s17  }
0xb5: {  	[dreg:$0x3] =	wrdreg s16  }
0xb6: {  	[dreg:$0x4] =	wrdreg s24  }
0xb7: {  	[dreg:$0x5] =	wrdreg $0x134C00  }
0xb8: {  	[dreg:$0x6] =	wrdreg $0x9  }
0xb9: {  	_ =	task.clear_ibuf [dreg:s8], $0x7FFFF;
	_ =	strace $0x90000049  }
0xba: {  	s29 =	simm.s32 $0x9;
	_ =	strace $0x8000004B  }
0xbb: {  	_ =	swait.ge [sflag:s29], $0x1  }
0xbc: {  	[sflag:s29] =	ssyncadd.s32 $0xFFFFFFFF  }
0xbd: {  	_ =	strace $0x9000004B  }
0xbe: {  	_ =	sfence  }
0xbf: {  	s30 =	sld [smem:$0x0];
	_ =	sdelay $0x2  }
0xc0: {  	s31 =	sshll.u32 s1, $0xD;
	s1 =	sshrl.u32 s1, $0x2  }
0xc1: {  	s3 =	sand.u32 $0x4000, s31;
	s1 =	sadd.s32 s1, s30  }
0xc2: {  	s0 =	sor.u32 s3, s0;
	s1 =	sshll.u32 s1, $0x11  }
0xc3: {  	s0 =	sor.u32 s1, s0  }
0xc4: {  	s0 =	sadd.s32 $0x8F2B, s0  }
0xc5: {  	[sflag:s0] =	ssyncadd.remote.s32 $0x1  }
0xc6: {  	_ =	sfence.sel $0xFFFF  }
0xc7: {  	[dreg:$0x0] =	wrdreg $0xFFFFFFFF;
	(pc) =	sbr.abs _section_cstart, $3  }
0xc8: {  	[dreg:$0x1] =	wrdreg $0xFFFFFFFF  }
0xc9: {  	_ =	task.clear_ibuf [dreg:s8], $0x2FFFF;
	_ =	strace $0x9FFFFFFF  }
0xca: {  	(tm) =	ssettm $0x7FFFFFFF  }
0xcb: {  	_ =	shalt  }
tec
execute0_lowered:
.L_overlay_start_1:
0x0: {  	(tag) =	ssettag $0x1  }
0x1: {  	s0 =	rddreg [dreg:$0x0]  }
0x2: {  	s1 =	rddreg [dreg:$0x1]  }
0x3: {  	s2 =	rddreg [dreg:$0x2];
	s3 =	srdreg.scid  }
0x4: {  	s4 =	rddreg [dreg:$0x3];
	s10 =	stileid.u32;
	s5 =	simm.s32 $0x0  }
0x5: {  	s11 =	simm.s32 $0x8;
	s13 =	simm.s32 $0x80;
	s14 =	simm.s32 $0x13440  }
0x6: {  	s15 =	simm.s32 $0x11440;
	s16 =	simm.s32 $0x50;
	s17 =	simm.s32 $0x9C40  }
0x7: {  	s18 =	simm.s32 $0x1;
	s19 =	simm.s32 $0xB040;
	s20 =	simm.s32 $0x7  }
0x8: {  	s21 =	simm.s32 $0x2;
	s22 =	simm.s32 $0xC440;
	s23 =	simm.s32 $0x3  }
0x9: {  	s28 =	simm.s32 $0x5;
	s29 =	simm.s32 $0x10040;
	s7 =	smul.u32 $0xA000, s10  }
0xa: {  	s30 =	simm.s32 $0x6;
	s3 =	sand.u32 $0x1, s3;
	s8 =	smul.u32 $0x9C4, s10  }
0xb: {  	[smem:$0x7FF] =	sst s5;
	s6 =	smul.u32 $0xA0000, s3;
	s24 =	ssub.s32 $0x2, s3  }
0xc: {  	_ =	strace $0x8000004A;
	p0 =	seq.s32 s3, $0x1;
	s3 =	simm.s32 $0x0  }
0xd: {  	s9 =	sshrl.u32 s24, $0x1;
	s8 =	sadd.s32 s8, s2;
	s6 =	sadd.s32 s7, s6  }
0xe: {  	s9 =	ssub.s32 s24, s9;
	s25 =	sadd.s32 $0x2200, s8;
	s26 =	sadd.s32 $0xC000, s8  }
0xf: {  	s8 =	smul.u32 $0x280, s10;
	s6 =	sshrl.u32 s6, $0x3;
	[dreg:$0x5] =	wrdreg s25  }
0x10: {  	[dreg:$0x6] =	wrdreg s26;
	s31 =	smax.u32 s9, $0x1;
	s2 =	sadd.s32 s6, s2  }
0x11: {  	s24 =	simm.s32 $0xD840;
	[dreg:$0x7] =	wrdreg s31;
	s2 =	sadd.s32 $0x15E00, s2  }
0x12: {  	v0 =	vimm.f32 $0.0e+00;
	v1 =	vlaneseq.u32;
	s25 =	simm.s32 $0x4;
	s26 =	simm.s32 $0xEC40;
	[dreg:$0x8] =	wrdreg s2  }
.LBB2_1:
0x13: {  	[dreg:$0x9] =	wrdreg s3  }
0x14: {  	s2 =	rddreg [dreg:$0x5]  }
0x15: {  	[tilespmem:s5], [sflag:$0x8] =	stream.linear.gather [hbm4b:s2+s5], $0x4E20, $0x38;
	[tilespmem:$0x1D4C0] =	vst v63  }
0x16: {  	_ =	swait.ge [sflag:s11], $0x4E20  }
0x17: {  	[sflag:s11] =	ssyncset.done $0x0  }
0x18: {  	s31 =	simm.s32 $0x4E20;
	s12 =	rddreg [dreg:$0x6];
	[sflag:s11] =	ssyncadd.s32 $0xFFFFB1E0  }
0x19: {  	[tilespmem:s31], [sflag:$0x8] =	stream.linear.gather [hbm4b:s12+s5], $0x4E20, $0x38;
	[tilespmem:$0x1D4C0] =	vst v63  }
0x1a: {  	_ =	swait.ge [sflag:s11], $0x4E20  }
0x1b: {  	[sflag:s11] =	ssyncset.done $0x0  }
0x1c: {  	s2 =	simm.s32 $0x0;
	[sflag:s11] =	ssyncadd.s32 $0xFFFFB1E0  }
.LBB2_2:
0x1d: {  	p1 =	sne.s32 s2, $0x7F00  }
.Ltmp0:
0x1e: {  	s10 =	sshra.s32 s2, $0x2;
	(pc) =	sbr.rel @p1 .LBB2_2-.Ltmp0, $4  }
0x1f: {  	[tilespmem:s10+$0x11440] =	vst v0  }
0x20: {  	[tilespmem:s10+$0x11450] =	vst v0  }
0x21: {  	[tilespmem:s10+$0x11460] =	vst v0  }
0x22: {  	s2 =	sadd.s32 $0x100, s2;
	[tilespmem:s10+$0x11470] =	vst v0  }
0x23: {  	s2 =	sadd.s32 $0x0, s8  }
0x24: {  	v2 =	vor.u32 s2, v1;
	s10 =	sadd.s32 $0x70, s2  }
0x25: {  	s31 =	sadd.s32 $0x60, s2;
	[tilespmem:$0x13440] =	vst v2;
	v2 =	vor.u32 s10, v1  }
0x26: {  	s9 =	sadd.s32 $0x30, s2;
	v3 =	vor.u32 s31, v1;
	[tilespmem:$0x134B0] =	vst v2  }
0x27: {  	s6 =	sadd.s32 $0x50, s2;
	v4 =	vor.u32 s9, v1;
	[tilespmem:$0x134A0] =	vst v3  }
0x28: {  	s7 =	sadd.s32 $0x40, s2;
	v2 =	vor.u32 s6, v1;
	[tilespmem:$0x13470] =	vst v4  }
0x29: {  	s12 =	sadd.s32 $0x20, s2;
	v3 =	vor.u32 s7, v1;
	[tilespmem:$0x13490] =	vst v2  }
0x2a: {  	s10 =	sadd.s32 $0x10, s2;
	s2 =	simm.s32 $0x80;
	[tilespmem:$0x13480] =	vst v3;
	v2 =	vor.u32 s12, v1  }
.LBB2_4:
0x2b: {  	p1 =	sne.s32 s2, $0x200;
	v3 =	vor.u32 s10, v1;
	[tilespmem:$0x13460] =	vst v2  }
0x2c: {  	[tilespmem:$0x13450] =	vst v3;
	[spmem:s4] =	stream.indirect.scatter [tilespmem:s15], [sflag:$0x8], $0x40, s14, s13, $0xb8  }
0x2d: {  	_ =	swait.ge [sflag:s11], $0x2000  }
0x2e: {  	s10 =	sadd.s32 s2, s8;
	[sflag:s11] =	ssyncset.done $0x0  }
0x2f: {  	v2 =	vor.u32 s10, v1;
	s31 =	sadd.s32 $0x70, s10;
	[sflag:s11] =	ssyncadd.s32 $0xFFFFE000  }
0x30: {  	s6 =	sadd.s32 $0x60, s10;
	[tilespmem:$0x13440] =	vst v2;
	v2 =	vor.u32 s31, v1  }
.Ltmp1:
0x31: {  	v3 =	vor.u32 s6, v1;
	s31 =	sadd.s32 $0x50, s10;
	[tilespmem:$0x134B0] =	vst v2;
	(pc) =	sbr.rel @p1 .LBB2_4-.Ltmp1, $4  }
0x32: {  	s6 =	sadd.s32 $0x40, s10;
	v2 =	vor.u32 s31, v1;
	[tilespmem:$0x134A0] =	vst v3  }
0x33: {  	s31 =	sadd.s32 $0x30, s10;
	v3 =	vor.u32 s6, v1;
	[tilespmem:$0x13490] =	vst v2  }
0x34: {  	s6 =	sadd.s32 $0x20, s10;
	v4 =	vor.u32 s31, v1;
	[tilespmem:$0x13480] =	vst v3  }
0x35: {  	s2 =	sadd.s32 $0x80, s2;
	s10 =	sadd.s32 $0x10, s10;
	v2 =	vor.u32 s6, v1;
	[tilespmem:$0x13470] =	vst v4  }
0x36: {  	v3 =	vor.u32 s10, v1;
	[tilespmem:$0x13460] =	vst v2  }
0x37: {  	[tilespmem:$0x13450] =	vst v3  }
0x38: {  	[spmem:s4] =	stream.indirect.scatter [tilespmem:s15], [sflag:$0x8], $0x40, s14, s13, $0xb8;
	[tilespmem:$0x1D4C0] =	vst v63  }
.Ltmp2:
0x39: {  	_ =	swait.ge [sflag:s11], $0x2000;
	(pc) =	sbr.rel @!p0 .LBB2_6-.Ltmp2, $4  }
0x3a: {  	[sflag:s11] =	ssyncset.done $0x0  }
0x3b: {  	[sflag:s11] =	ssyncadd.s32 $0xFFFFE000  }
0x3c: {  	[bflag:$0x0] =	sbarrier.arrive $0xFFFF  }
0x3d: {  	s2 =	simm.s32 $0x0  }
0x3e: {  	[tilespmem:s17], [sflag:$0x1] =	stream.indirect.gather [hbm4b:s1+s16], $0x40, s2, s16, $0xb8;
	[tilespmem:$0x1D4C0] =	vst v63  }
0x3f: {  	_ =	swait.ge [sflag:s18], $0x1400  }
0x40: {  	[sflag:s18] =	ssyncset.done $0x0  }
0x41: {  	s3 =	simm.s32 $0x50;
	[sflag:s18] =	ssyncadd.s32 $0xFFFFEC00  }
0x42: {  	[tilespmem:s19], [sflag:$0x2] =	stream.indirect.gather [hbm4b:s1+s16], $0x40, s3, s16, $0xb8;
	[tilespmem:$0x1D4C0] =	vst v63  }
0x43: {  	s6 =	simm.s32 $0x4E20  }
0x44: {  	[spmem:s4] =	stream.indirect.scatter.add.f32 [tilespmem:s17], [sflag:$0x7], $0x40, s6, s16, $0xb8;
	[tilespmem:$0x1D4C0] =	vst v63  }
0x45: {  	_ =	swait.ge [sflag:s20], $0x1400  }
0x46: {  	[sflag:s20] =	ssyncset.done $0x0  }
0x47: {  	[sflag:s20] =	ssyncadd.s32 $0xFFFFEC00  }
0x48: {  	_ =	swait.ge [sflag:s21], $0x1400  }
0x49: {  	[sflag:s21] =	ssyncset.done $0x0  }
0x4a: {  	s7 =	simm.s32 $0xA0;
	[sflag:s21] =	ssyncadd.s32 $0xFFFFEC00  }
0x4b: {  	[tilespmem:s22], [sflag:$0x3] =	stream.indirect.gather [hbm4b:s1+s16], $0x40, s7, s16, $0xb8;
	[tilespmem:$0x1D4C0] =	vst v63  }
0x4c: {  	s9 =	simm.s32 $0x4E70  }
0x4d: {  	[spmem:s4] =	stream.indirect.scatter.add.f32 [tilespmem:s19], [sflag:$0x7], $0x40, s9, s16, $0xb8;
	[tilespmem:$0x1D4C0] =	vst v63  }
0x4e: {  	_ =	swait.ge [sflag:s20], $0x1400  }
0x4f: {  	[sflag:s20] =	ssyncset.done $0x0  }
0x50: {  	[sflag:s20] =	ssyncadd.s32 $0xFFFFEC00  }
0x51: {  	_ =	swait.ge [sflag:s23], $0x1400  }
0x52: {  	[sflag:s23] =	ssyncset.done $0x0  }
0x53: {  	s10 =	simm.s32 $0xF0;
	[sflag:s23] =	ssyncadd.s32 $0xFFFFEC00  }
0x54: {  	[tilespmem:s24], [sflag:$0x4] =	stream.indirect.gather [hbm4b:s1+s16], $0x40, s10, s16, $0xb8;
	[tilespmem:$0x1D4C0] =	vst v63  }
0x55: {  	s12 =	simm.s32 $0x4EC0  }
0x56: {  	[spmem:s4] =	stream.indirect.scatter.add.f32 [tilespmem:s22], [sflag:$0x7], $0x40, s12, s16, $0xb8;
	[tilespmem:$0x1D4C0] =	vst v63  }
0x57: {  	_ =	swait.ge [sflag:s20], $0x1400  }
0x58: {  	[sflag:s20] =	ssyncset.done $0x0  }
0x59: {  	[sflag:s20] =	ssyncadd.s32 $0xFFFFEC00  }
0x5a: {  	_ =	swait.ge [sflag:s25], $0x1400  }
0x5b: {  	[sflag:s25] =	ssyncset.done $0x0  }
0x5c: {  	s3 =	simm.s32 $0x140;
	[sflag:s25] =	ssyncadd.s32 $0xFFFFEC00  }
0x5d: {  	[tilespmem:s26], [sflag:$0x5] =	stream.indirect.gather [hbm4b:s1+s16], $0x40, s3, s16, $0xb8;
	[tilespmem:$0x1D4C0] =	vst v63  }
0x5e: {  	s6 =	simm.s32 $0x4F10  }
0x5f: {  	[spmem:s4] =	stream.indirect.scatter.add.f32 [tilespmem:s24], [sflag:$0x7], $0x40, s6, s16, $0xb8;
	[tilespmem:$0x1D4C0] =	vst v63  }
0x60: {  	_ =	swait.ge [sflag:s20], $0x1400  }
0x61: {  	[sflag:s20] =	ssyncset.done $0x0  }
0x62: {  	[sflag:s20] =	ssyncadd.s32 $0xFFFFEC00  }
0x63: {  	_ =	swait.ge [sflag:s28], $0x1400  }
0x64: {  	[sflag:s28] =	ssyncset.done $0x0  }
0x65: {  	s7 =	simm.s32 $0x190;
	[sflag:s28] =	ssyncadd.s32 $0xFFFFEC00  }
0x66: {  	[tilespmem:s29], [sflag:$0x6] =	stream.indirect.gather [hbm4b:s1+s16], $0x40, s7, s16, $0xb8;
	[tilespmem:$0x1D4C0] =	vst v63  }
0x67: {  	s9 =	simm.s32 $0x4F60  }
0x68: {  	[spmem:s4] =	stream.indirect.scatter.add.f32 [tilespmem:s26], [sflag:$0x7], $0x40, s9, s16, $0xb8;
	[tilespmem:$0x1D4C0] =	vst v63  }
0x69: {  	_ =	swait.ge [sflag:s20], $0x1400  }
0x6a: {  	[sflag:s20] =	ssyncset.done $0x0  }
0x6b: {  	[sflag:s20] =	ssyncadd.s32 $0xFFFFEC00  }
0x6c: {  	_ =	swait.ge [sflag:s30], $0x1400  }
0x6d: {  	[sflag:s30] =	ssyncset.done $0x0  }
0x6e: {  	s10 =	simm.s32 $0x1E0;
	[sflag:s30] =	ssyncadd.s32 $0xFFFFEC00  }
0x6f: {  	[tilespmem:s17], [sflag:$0x1] =	stream.indirect.gather [hbm4b:s1+s16], $0x40, s10, s16, $0xb8;
	[tilespmem:$0x1D4C0] =	vst v63  }
0x70: {  	s12 =	simm.s32 $0x4FB0  }
0x71: {  	[spmem:s4] =	stream.indirect.scatter.add.f32 [tilespmem:s29], [sflag:$0x7], $0x40, s12, s16, $0xb8;
	[tilespmem:$0x1D4C0] =	vst v63  }
0x72: {  	_ =	swait.ge [sflag:s20], $0x1400  }
0x73: {  	s31 =	simm.s32 $0x780;
	[sflag:s20] =	ssyncset.done $0x0  }
.LBB2_10:
0x74: {  	p1 =	sne.s32 s31, $0x12C00  }
0x75: {  	[sflag:s20] =	ssyncadd.s32 $0xFFFFEC00;
	s2 =	smov.u32 s31;
	s31 =	sadd.s32 $0x780, s31  }
0x76: {  	_ = 	snop  }
0x77: {  	_ =	swait.ge [sflag:s18], $0x1400  }
0x78: {  	s2 =	sshra.s32 s2, $0x2;
	[sflag:s18] =	ssyncset.done $0x0  }
0x79: {  	s6 =	sadd.s32 $0x50, s2;
	[sflag:s18] =	ssyncadd.s32 $0xFFFFEC00  }
0x7a: {  	[tilespmem:s19], [sflag:$0x2] =	stream.indirect.gather [hbm4b:s1+s16], $0x40, s6, s16, $0xb8;
	[tilespmem:$0x1D4C0] =	vst v63  }
0x7b: {  	s6 =	sadd.s32 $0x4E20, s2  }
0x7c: {  	[spmem:s4] =	stream.indirect.scatter.add.f32 [tilespmem:s17], [sflag:$0x7], $0x40, s6, s16, $0xb8;
	[tilespmem:$0x1D4C0] =	vst v63  }
0x7d: {  	_ =	swait.ge [sflag:s20], $0x1400  }
0x7e: {  	[sflag:s20] =	ssyncset.done $0x0  }
0x7f: {  	[sflag:s20] =	ssyncadd.s32 $0xFFFFEC00  }
0x80: {  	_ =	swait.ge [sflag:s21], $0x1400  }
0x81: {  	[sflag:s21] =	ssyncset.done $0x0  }
0x82: {  	s6 =	sadd.s32 $0xA0, s2;
	[sflag:s21] =	ssyncadd.s32 $0xFFFFEC00  }
0x83: {  	[tilespmem:s22], [sflag:$0x3] =	stream.indirect.gather [hbm4b:s1+s16], $0x40, s6, s16, $0xb8;
	[tilespmem:$0x1D4C0] =	vst v63  }
0x84: {  	s6 =	sadd.s32 $0x4E70, s2  }
0x85: {  	[spmem:s4] =	stream.indirect.scatter.add.f32 [tilespmem:s19], [sflag:$0x7], $0x40, s6, s16, $0xb8;
	[tilespmem:$0x1D4C0] =	vst v63  }
0x86: {  	_ =	swait.ge [sflag:s20], $0x1400  }
0x87: {  	[sflag:s20] =	ssyncset.done $0x0  }
0x88: {  	[sflag:s20] =	ssyncadd.s32 $0xFFFFEC00  }
0x89: {  	_ =	swait.ge [sflag:s23], $0x1400  }
0x8a: {  	[sflag:s23] =	ssyncset.done $0x0  }
0x8b: {  	s6 =	sadd.s32 $0xF0, s2;
	[sflag:s23] =	ssyncadd.s32 $0xFFFFEC00  }
0x8c: {  	[tilespmem:s24], [sflag:$0x4] =	stream.indirect.gather [hbm4b:s1+s16], $0x40, s6, s16, $0xb8;
	[tilespmem:$0x1D4C0] =	vst v63  }
0x8d: {  	s6 =	sadd.s32 $0x4EC0, s2  }
0x8e: {  	[spmem:s4] =	stream.indirect.scatter.add.f32 [tilespmem:s22], [sflag:$0x7], $0x40, s6, s16, $0xb8;
	[tilespmem:$0x1D4C0] =	vst v63  }
0x8f: {  	_ =	swait.ge [sflag:s20], $0x1400  }
0x90: {  	[sflag:s20] =	ssyncset.done $0x0  }
0x91: {  	[sflag:s20] =	ssyncadd.s32 $0xFFFFEC00  }
0x92: {  	_ =	swait.ge [sflag:s25], $0x1400  }
0x93: {  	[sflag:s25] =	ssyncset.done $0x0  }
0x94: {  	s6 =	sadd.s32 $0x140, s2;
	[sflag:s25] =	ssyncadd.s32 $0xFFFFEC00  }
0x95: {  	[tilespmem:s26], [sflag:$0x5] =	stream.indirect.gather [hbm4b:s1+s16], $0x40, s6, s16, $0xb8;
	[tilespmem:$0x1D4C0] =	vst v63  }
0x96: {  	s6 =	sadd.s32 $0x4F10, s2  }
0x97: {  	[spmem:s4] =	stream.indirect.scatter.add.f32 [tilespmem:s24], [sflag:$0x7], $0x40, s6, s16, $0xb8;
	[tilespmem:$0x1D4C0] =	vst v63  }
0x98: {  	_ =	swait.ge [sflag:s20], $0x1400  }
0x99: {  	[sflag:s20] =	ssyncset.done $0x0  }
0x9a: {  	[sflag:s20] =	ssyncadd.s32 $0xFFFFEC00  }
0x9b: {  	_ =	swait.ge [sflag:s28], $0x1400  }
0x9c: {  	[sflag:s28] =	ssyncset.done $0x0  }
0x9d: {  	s6 =	sadd.s32 $0x190, s2;
	[sflag:s28] =	ssyncadd.s32 $0xFFFFEC00  }
0x9e: {  	[tilespmem:s29], [sflag:$0x6] =	stream.indirect.gather [hbm4b:s1+s16], $0x40, s6, s16, $0xb8;
	[tilespmem:$0x1D4C0] =	vst v63  }
0x9f: {  	s6 =	sadd.s32 $0x4F60, s2  }
0xa0: {  	[spmem:s4] =	stream.indirect.scatter.add.f32 [tilespmem:s26], [sflag:$0x7], $0x40, s6, s16, $0xb8;
	[tilespmem:$0x1D4C0] =	vst v63  }
0xa1: {  	_ =	swait.ge [sflag:s20], $0x1400  }
0xa2: {  	[sflag:s20] =	ssyncset.done $0x0  }
0xa3: {  	[sflag:s20] =	ssyncadd.s32 $0xFFFFEC00  }
0xa4: {  	_ =	swait.ge [sflag:s30], $0x1400  }
0xa5: {  	[sflag:s30] =	ssyncset.done $0x0  }
0xa6: {  	s6 =	sadd.s32 $0x1E0, s2;
	[sflag:s30] =	ssyncadd.s32 $0xFFFFEC00  }
0xa7: {  	[tilespmem:s17], [sflag:$0x1] =	stream.indirect.gather [hbm4b:s1+s16], $0x40, s6, s16, $0xb8;
	[tilespmem:$0x1D4C0] =	vst v63  }
.Ltmp3:
0xa8: {  	_ = 	snop;
	(pc) =	sbr.rel @p1 .LBB2_10-.Ltmp3, $4  }
0xa9: {  	s2 =	sadd.s32 $0x4FB0, s2  }
0xaa: {  	[spmem:s4] =	stream.indirect.scatter.add.f32 [tilespmem:s29], [sflag:$0x7], $0x40, s2, s16, $0xb8;
	[tilespmem:$0x1D4C0] =	vst v63  }
0xab: {  	_ =	swait.ge [sflag:s20], $0x1400  }
0xac: {  	[sflag:s20] =	ssyncset.done $0x0  }
.Ltmp4:
0xad: {  	(pc) =	sbr.rel .LBB2_12-.Ltmp4, $2  }
0xae: {  	_ =	sdelay $0x2  }
0xaf: {  	[sflag:s20] =	ssyncadd.s32 $0xFFFFEC00;
	s2 =	smov.u32 s1  }
.LBB2_6:
0xb0: {  	[tilespmem:s17], [sflag:$0x1] =	stream.indirect.gather [hbm4b:s0+s16], $0x40, s2, s16, $0xb8;
	[tilespmem:$0x1D4C0] =	vst v63  }
0xb1: {  	_ =	swait.ge [sflag:s18], $0x1400  }
0xb2: {  	[sflag:s18] =	ssyncset.done $0x0  }
0xb3: {  	s3 =	simm.s32 $0x50;
	[sflag:s18] =	ssyncadd.s32 $0xFFFFEC00  }
0xb4: {  	[tilespmem:s19], [sflag:$0x2] =	stream.indirect.gather [hbm4b:s0+s16], $0x40, s3, s16, $0xb8;
	[tilespmem:$0x1D4C0] =	vst v63  }
0xb5: {  	s6 =	simm.s32 $0x4E20  }
0xb6: {  	[spmem:s4] =	stream.indirect.scatter.add.f32 [tilespmem:s17], [sflag:$0x7], $0x40, s6, s16, $0xb8;
	[tilespmem:$0x1D4C0] =	vst v63  }
0xb7: {  	_ =	swait.ge [sflag:s20], $0x1400  }
0xb8: {  	[sflag:s20] =	ssyncset.done $0x0  }
0xb9: {  	[sflag:s20] =	ssyncadd.s32 $0xFFFFEC00  }
0xba: {  	_ =	swait.ge [sflag:s21], $0x1400  }
0xbb: {  	[sflag:s21] =	ssyncset.done $0x0  }
0xbc: {  	s7 =	simm.s32 $0xA0;
	[sflag:s21] =	ssyncadd.s32 $0xFFFFEC00  }
0xbd: {  	[tilespmem:s22], [sflag:$0x3] =	stream.indirect.gather [hbm4b:s0+s16], $0x40, s7, s16, $0xb8;
	[tilespmem:$0x1D4C0] =	vst v63  }
0xbe: {  	s9 =	simm.s32 $0x4E70  }
0xbf: {  	[spmem:s4] =	stream.indirect.scatter.add.f32 [tilespmem:s19], [sflag:$0x7], $0x40, s9, s16, $0xb8;
	[tilespmem:$0x1D4C0] =	vst v63  }
0xc0: {  	_ =	swait.ge [sflag:s20], $0x1400  }
0xc1: {  	[sflag:s20] =	ssyncset.done $0x0  }
0xc2: {  	[sflag:s20] =	ssyncadd.s32 $0xFFFFEC00  }
0xc3: {  	_ =	swait.ge [sflag:s23], $0x1400  }
0xc4: {  	[sflag:s23] =	ssyncset.done $0x0  }
0xc5: {  	s10 =	simm.s32 $0xF0;
	[sflag:s23] =	ssyncadd.s32 $0xFFFFEC00  }
0xc6: {  	[tilespmem:s24], [sflag:$0x4] =	stream.indirect.gather [hbm4b:s0+s16], $0x40, s10, s16, $0xb8;
	[tilespmem:$0x1D4C0] =	vst v63  }
0xc7: {  	s12 =	simm.s32 $0x4EC0  }
0xc8: {  	[spmem:s4] =	stream.indirect.scatter.add.f32 [tilespmem:s22], [sflag:$0x7], $0x40, s12, s16, $0xb8;
	[tilespmem:$0x1D4C0] =	vst v63  }
0xc9: {  	_ =	swait.ge [sflag:s20], $0x1400  }
0xca: {  	[sflag:s20] =	ssyncset.done $0x0  }
0xcb: {  	[sflag:s20] =	ssyncadd.s32 $0xFFFFEC00  }
0xcc: {  	_ =	swait.ge [sflag:s25], $0x1400  }
0xcd: {  	[sflag:s25] =	ssyncset.done $0x0  }
0xce: {  	s3 =	simm.s32 $0x140;
	[sflag:s25] =	ssyncadd.s32 $0xFFFFEC00  }
0xcf: {  	[tilespmem:s26], [sflag:$0x5] =	stream.indirect.gather [hbm4b:s0+s16], $0x40, s3, s16, $0xb8;
	[tilespmem:$0x1D4C0] =	vst v63  }
0xd0: {  	s6 =	simm.s32 $0x4F10  }
0xd1: {  	[spmem:s4] =	stream.indirect.scatter.add.f32 [tilespmem:s24], [sflag:$0x7], $0x40, s6, s16, $0xb8;
	[tilespmem:$0x1D4C0] =	vst v63  }
0xd2: {  	_ =	swait.ge [sflag:s20], $0x1400  }
0xd3: {  	[sflag:s20] =	ssyncset.done $0x0  }
0xd4: {  	[sflag:s20] =	ssyncadd.s32 $0xFFFFEC00  }
0xd5: {  	_ =	swait.ge [sflag:s28], $0x1400  }
0xd6: {  	[sflag:s28] =	ssyncset.done $0x0  }
0xd7: {  	s7 =	simm.s32 $0x190;
	[sflag:s28] =	ssyncadd.s32 $0xFFFFEC00  }
0xd8: {  	[tilespmem:s29], [sflag:$0x6] =	stream.indirect.gather [hbm4b:s0+s16], $0x40, s7, s16, $0xb8;
	[tilespmem:$0x1D4C0] =	vst v63  }
0xd9: {  	s9 =	simm.s32 $0x4F60  }
0xda: {  	[spmem:s4] =	stream.indirect.scatter.add.f32 [tilespmem:s26], [sflag:$0x7], $0x40, s9, s16, $0xb8;
	[tilespmem:$0x1D4C0] =	vst v63  }
0xdb: {  	_ =	swait.ge [sflag:s20], $0x1400  }
0xdc: {  	[sflag:s20] =	ssyncset.done $0x0  }
0xdd: {  	[sflag:s20] =	ssyncadd.s32 $0xFFFFEC00  }
0xde: {  	_ =	swait.ge [sflag:s30], $0x1400  }
0xdf: {  	[sflag:s30] =	ssyncset.done $0x0  }
0xe0: {  	s10 =	simm.s32 $0x1E0;
	[sflag:s30] =	ssyncadd.s32 $0xFFFFEC00  }
0xe1: {  	[tilespmem:s17], [sflag:$0x1] =	stream.indirect.gather [hbm4b:s0+s16], $0x40, s10, s16, $0xb8;
	[tilespmem:$0x1D4C0] =	vst v63  }
0xe2: {  	s12 =	simm.s32 $0x4FB0  }
0xe3: {  	[spmem:s4] =	stream.indirect.scatter.add.f32 [tilespmem:s29], [sflag:$0x7], $0x40, s12, s16, $0xb8;
	[tilespmem:$0x1D4C0] =	vst v63  }
0xe4: {  	_ =	swait.ge [sflag:s20], $0x1400  }
0xe5: {  	s31 =	simm.s32 $0x780;
	[sflag:s20] =	ssyncset.done $0x0  }
.LBB2_7:
0xe6: {  	p1 =	seq.s32 s31, $0x12C00  }
0xe7: {  	[sflag:s20] =	ssyncadd.s32 $0xFFFFEC00;
	s2 =	smov.u32 s31;
	s31 =	sadd.s32 $0x780, s31  }
0xe8: {  	_ = 	snop  }
0xe9: {  	_ =	swait.ge [sflag:s18], $0x1400  }
0xea: {  	s2 =	sshra.s32 s2, $0x2;
	[sflag:s18] =	ssyncset.done $0x0  }
0xeb: {  	s6 =	sadd.s32 $0x50, s2;
	[sflag:s18] =	ssyncadd.s32 $0xFFFFEC00  }
0xec: {  	[tilespmem:s19], [sflag:$0x2] =	stream.indirect.gather [hbm4b:s0+s16], $0x40, s6, s16, $0xb8;
	[tilespmem:$0x1D4C0] =	vst v63  }
0xed: {  	s6 =	sadd.s32 $0x4E20, s2  }
0xee: {  	[spmem:s4] =	stream.indirect.scatter.add.f32 [tilespmem:s17], [sflag:$0x7], $0x40, s6, s16, $0xb8;
	[tilespmem:$0x1D4C0] =	vst v63  }
0xef: {  	_ =	swait.ge [sflag:s20], $0x1400  }
0xf0: {  	[sflag:s20] =	ssyncset.done $0x0  }
0xf1: {  	[sflag:s20] =	ssyncadd.s32 $0xFFFFEC00  }
0xf2: {  	_ =	swait.ge [sflag:s21], $0x1400  }
0xf3: {  	[sflag:s21] =	ssyncset.done $0x0  }
0xf4: {  	s6 =	sadd.s32 $0xA0, s2;
	[sflag:s21] =	ssyncadd.s32 $0xFFFFEC00  }
0xf5: {  	[tilespmem:s22], [sflag:$0x3] =	stream.indirect.gather [hbm4b:s0+s16], $0x40, s6, s16, $0xb8;
	[tilespmem:$0x1D4C0] =	vst v63  }
0xf6: {  	s6 =	sadd.s32 $0x4E70, s2  }
0xf7: {  	[spmem:s4] =	stream.indirect.scatter.add.f32 [tilespmem:s19], [sflag:$0x7], $0x40, s6, s16, $0xb8;
	[tilespmem:$0x1D4C0] =	vst v63  }
0xf8: {  	_ =	swait.ge [sflag:s20], $0x1400  }
0xf9: {  	[sflag:s20] =	ssyncset.done $0x0  }
0xfa: {  	[sflag:s20] =	ssyncadd.s32 $0xFFFFEC00  }
0xfb: {  	_ =	swait.ge [sflag:s23], $0x1400  }
0xfc: {  	[sflag:s23] =	ssyncset.done $0x0  }
0xfd: {  	s6 =	sadd.s32 $0xF0, s2;
	[sflag:s23] =	ssyncadd.s32 $0xFFFFEC00  }
0xfe: {  	[tilespmem:s24], [sflag:$0x4] =	stream.indirect.gather [hbm4b:s0+s16], $0x40, s6, s16, $0xb8;
	[tilespmem:$0x1D4C0] =	vst v63  }
0xff: {  	s6 =	sadd.s32 $0x4EC0, s2  }
0x100: {  	[spmem:s4] =	stream.indirect.scatter.add.f32 [tilespmem:s22], [sflag:$0x7], $0x40, s6, s16, $0xb8;
	[tilespmem:$0x1D4C0] =	vst v63  }
0x101: {  	_ =	swait.ge [sflag:s20], $0x1400  }
0x102: {  	[sflag:s20] =	ssyncset.done $0x0  }
0x103: {  	[sflag:s20] =	ssyncadd.s32 $0xFFFFEC00  }
0x104: {  	_ =	swait.ge [sflag:s25], $0x1400  }
0x105: {  	[sflag:s25] =	ssyncset.done $0x0  }
0x106: {  	s6 =	sadd.s32 $0x140, s2;
	[sflag:s25] =	ssyncadd.s32 $0xFFFFEC00  }
0x107: {  	[tilespmem:s26], [sflag:$0x5] =	stream.indirect.gather [hbm4b:s0+s16], $0x40, s6, s16, $0xb8;
	[tilespmem:$0x1D4C0] =	vst v63  }
0x108: {  	s6 =	sadd.s32 $0x4F10, s2  }
0x109: {  	[spmem:s4] =	stream.indirect.scatter.add.f32 [tilespmem:s24], [sflag:$0x7], $0x40, s6, s16, $0xb8;
	[tilespmem:$0x1D4C0] =	vst v63  }
0x10a: {  	_ =	swait.ge [sflag:s20], $0x1400  }
0x10b: {  	[sflag:s20] =	ssyncset.done $0x0  }
0x10c: {  	[sflag:s20] =	ssyncadd.s32 $0xFFFFEC00  }
0x10d: {  	_ =	swait.ge [sflag:s28], $0x1400  }
0x10e: {  	[sflag:s28] =	ssyncset.done $0x0  }
0x10f: {  	s6 =	sadd.s32 $0x190, s2;
	[sflag:s28] =	ssyncadd.s32 $0xFFFFEC00  }
0x110: {  	[tilespmem:s29], [sflag:$0x6] =	stream.indirect.gather [hbm4b:s0+s16], $0x40, s6, s16, $0xb8;
	[tilespmem:$0x1D4C0] =	vst v63  }
0x111: {  	s6 =	sadd.s32 $0x4F60, s2  }
0x112: {  	[spmem:s4] =	stream.indirect.scatter.add.f32 [tilespmem:s26], [sflag:$0x7], $0x40, s6, s16, $0xb8;
	[tilespmem:$0x1D4C0] =	vst v63  }
0x113: {  	_ =	swait.ge [sflag:s20], $0x1400  }
0x114: {  	[sflag:s20] =	ssyncset.done $0x0  }
0x115: {  	[sflag:s20] =	ssyncadd.s32 $0xFFFFEC00  }
0x116: {  	_ =	swait.ge [sflag:s30], $0x1400  }
0x117: {  	[sflag:s30] =	ssyncset.done $0x0  }
0x118: {  	s6 =	sadd.s32 $0x1E0, s2;
	[sflag:s30] =	ssyncadd.s32 $0xFFFFEC00  }
0x119: {  	[tilespmem:s17], [sflag:$0x1] =	stream.indirect.gather [hbm4b:s0+s16], $0x40, s6, s16, $0xb8;
	[tilespmem:$0x1D4C0] =	vst v63  }
.Ltmp5:
0x11a: {  	_ = 	snop;
	(pc) =	sbr.rel @!p1 .LBB2_7-.Ltmp5, $4  }
0x11b: {  	s2 =	sadd.s32 $0x4FB0, s2  }
0x11c: {  	[spmem:s4] =	stream.indirect.scatter.add.f32 [tilespmem:s29], [sflag:$0x7], $0x40, s2, s16, $0xb8;
	[tilespmem:$0x1D4C0] =	vst v63  }
0x11d: {  	_ =	swait.ge [sflag:s20], $0x1400  }
0x11e: {  	[sflag:s20] =	ssyncset.done $0x0  }
0x11f: {  	[sflag:s20] =	ssyncadd.s32 $0xFFFFEC00;
	s2 =	smov.u32 s0  }
.LBB2_12:
0x120: {  	_ =	swait.ge [sflag:s18], $0x1400  }
0x121: {  	[sflag:s18] =	ssyncset.done $0x0  }
0x122: {  	s3 =	simm.s32 $0x4D30;
	[sflag:s18] =	ssyncadd.s32 $0xFFFFEC00  }
0x123: {  	[tilespmem:s19], [sflag:$0x2] =	stream.indirect.gather [hbm4b:s2+s16], $0x40, s3, s16, $0xb8;
	[tilespmem:$0x1D4C0] =	vst v63  }
0x124: {  	s12 =	simm.s32 $0x9B00  }
0x125: {  	[spmem:s4] =	stream.indirect.scatter.add.f32 [tilespmem:s17], [sflag:$0x7], $0x40, s12, s16, $0xb8;
	[tilespmem:$0x1D4C0] =	vst v63  }
0x126: {  	_ =	swait.ge [sflag:s20], $0x1400  }
0x127: {  	[sflag:s20] =	ssyncset.done $0x0  }
0x128: {  	[sflag:s20] =	ssyncadd.s32 $0xFFFFEC00  }
0x129: {  	_ =	swait.ge [sflag:s21], $0x1400  }
0x12a: {  	[sflag:s21] =	ssyncset.done $0x0  }
0x12b: {  	s6 =	simm.s32 $0x4D80;
	[sflag:s21] =	ssyncadd.s32 $0xFFFFEC00  }
0x12c: {  	[tilespmem:s22], [sflag:$0x3] =	stream.indirect.gather [hbm4b:s2+s16], $0x40, s6, s16, $0xb8;
	[tilespmem:$0x1D4C0] =	vst v63  }
0x12d: {  	s7 =	simm.s32 $0x9B50  }
0x12e: {  	[spmem:s4] =	stream.indirect.scatter.add.f32 [tilespmem:s19], [sflag:$0x7], $0x40, s7, s16, $0xb8;
	[tilespmem:$0x1D4C0] =	vst v63  }
0x12f: {  	_ =	swait.ge [sflag:s20], $0x1400  }
0x130: {  	[sflag:s20] =	ssyncset.done $0x0  }
0x131: {  	[sflag:s20] =	ssyncadd.s32 $0xFFFFEC00  }
0x132: {  	_ =	swait.ge [sflag:s23], $0x1400  }
0x133: {  	[sflag:s23] =	ssyncset.done $0x0  }
0x134: {  	s9 =	simm.s32 $0x4DD0;
	[sflag:s23] =	ssyncadd.s32 $0xFFFFEC00  }
0x135: {  	[tilespmem:s24], [sflag:$0x4] =	stream.indirect.gather [hbm4b:s2+s16], $0x40, s9, s16, $0xb8;
	[tilespmem:$0x1D4C0] =	vst v63  }
0x136: {  	s10 =	simm.s32 $0x9BA0  }
0x137: {  	[spmem:s4] =	stream.indirect.scatter.add.f32 [tilespmem:s22], [sflag:$0x7], $0x40, s10, s16, $0xb8;
	[tilespmem:$0x1D4C0] =	vst v63  }
0x138: {  	_ =	swait.ge [sflag:s20], $0x1400  }
0x139: {  	[sflag:s20] =	ssyncset.done $0x0  }
0x13a: {  	[sflag:s20] =	ssyncadd.s32 $0xFFFFEC00  }
0x13b: {  	_ =	swait.ge [sflag:s25], $0x1400  }
0x13c: {  	[sflag:s25] =	ssyncset.done $0x0  }
0x13d: {  	s12 =	simm.s32 $0x9BF0;
	[sflag:s25] =	ssyncadd.s32 $0xFFFFEC00  }
0x13e: {  	[spmem:s4] =	stream.indirect.scatter.add.f32 [tilespmem:s24], [sflag:$0x7], $0x40, s12, s16, $0xb8;
	[tilespmem:$0x1D4C0] =	vst v63  }
0x13f: {  	_ =	swait.ge [sflag:s20], $0x1400  }
0x140: {  	[sflag:s20] =	ssyncset.done $0x0  }
0x141: {  	s2 =	sadd.s32 $0x0, s8;
	[sflag:s20] =	ssyncadd.s32 $0xFFFFEC00  }
0x142: {  	v2 =	vor.u32 s2, v1;
	s10 =	sadd.s32 $0x20, s2;
	[bflag:$0x0] =	sbarrier.arrive $0xFFFF  }
0x143: {  	s6 =	sadd.s32 $0x10, s2;
	v3 =	vor.u32 s10, v1;
	[tilespmem:$0x13440] =	vst v2  }
0x144: {  	s9 =	sadd.s32 $0x40, s2;
	v2 =	vor.u32 s6, v1;
	[tilespmem:$0x13460] =	vst v3  }
0x145: {  	s3 =	sadd.s32 $0x70, s2;
	v3 =	vor.u32 s9, v1;
	[tilespmem:$0x13450] =	vst v2  }
0x146: {  	s7 =	sadd.s32 $0x50, s2;
	s12 =	sadd.s32 $0x60, s2;
	s2 =	sadd.s32 $0x30, s2;
	v2 =	vor.u32 s3, v1;
	[tilespmem:$0x13480] =	vst v3  }
0x147: {  	v3 =	vor.u32 s2, v1;
	[tilespmem:$0x134B0] =	vst v2  }
0x148: {  	v2 =	vor.u32 s7, v1;
	[tilespmem:$0x13470] =	vst v3  }
0x149: {  	s31 =	rddreg [dreg:$0x8];
	[tilespmem:$0x13490] =	vst v2;
	v2 =	vor.u32 s12, v1  }
0x14a: {  	s2 =	simm.s32 $0x80;
	s10 =	smov.u32 s31;
	[tilespmem:$0x134A0] =	vst v2  }
0x14b: {  	[tilespmem:s15], [sflag:$0x1] =	stream.indirect.gather [spmem:s4], $0x40, s14, s13, $0xb8;
	[tilespmem:$0x1D4C0] =	vst v63  }
.LBB2_13:
0x14c: {  	p1 =	sne.s32 s2, $0x200;
	_ =	swait.ge [sflag:s18], $0x2000;
	s10 =	sadd.s32 $0x400, s10  }
0x14d: {  	s6 =	smov.u32 s2;
	s2 =	sadd.s32 $0x80, s2;
	[sflag:s18] =	ssyncset.done $0x0  }
0x14e: {  	[sflag:s18] =	ssyncadd.s32 $0xFFFFE000  }
0x14f: {  	[hbm4b:s31+s5] =	stream.linear.scatter [tilespmem:s15], [sflag:$0x8], $0x2000, $0x38;
	[tilespmem:$0x1D4C0] =	vst v63  }
0x150: {  	s31 =	smov.u32 s10;
	_ =	swait.ge [sflag:s11], $0x2000  }
0x151: {  	s6 =	sadd.s32 s6, s8;
	[sflag:s11] =	ssyncset.done $0x0  }
0x152: {  	v2 =	vor.u32 s6, v1;
	s7 =	sadd.s32 $0x10, s6;
	s9 =	sadd.s32 $0x20, s6;
	[sflag:s11] =	ssyncadd.s32 $0xFFFFE000  }
0x153: {  	s3 =	sadd.s32 $0x70, s6;
	v3 =	vor.u32 s9, v1;
	s9 =	sadd.s32 $0x50, s6;
	[tilespmem:$0x13440] =	vst v2;
	v2 =	vor.u32 s7, v1;
	s7 =	sadd.s32 $0x40, s6  }
0x154: {  	s12 =	sadd.s32 $0x30, s6;
	v5 =	vor.u32 s3, v1;
	v4 =	vor.u32 s9, v1;
	s6 =	sadd.s32 $0x60, s6;
	[tilespmem:$0x13450] =	vst v2;
	v2 =	vor.u32 s7, v1  }
0x155: {  	v6 =	vor.u32 s12, v1;
	v7 =	vor.u32 s6, v1;
	[tilespmem:$0x134B0] =	vst v5  }
0x156: {  	[tilespmem:$0x13460] =	vst v3  }
.Ltmp6:
0x157: {  	[tilespmem:$0x13490] =	vst v4;
	(pc) =	sbr.rel @p1 .LBB2_13-.Ltmp6, $4  }
0x158: {  	[tilespmem:$0x13480] =	vst v2  }
0x159: {  	[tilespmem:$0x134A0] =	vst v7  }
0x15a: {  	[tilespmem:$0x13470] =	vst v6  }
0x15b: {  	[tilespmem:s15], [sflag:$0x1] =	stream.indirect.gather [spmem:s4], $0x40, s14, s13, $0xb8;
	[tilespmem:$0x1D4C0] =	vst v63  }
0x15c: {  	_ =	swait.ge [sflag:s18], $0x2000  }
0x15d: {  	[sflag:s18] =	ssyncset.done $0x0  }
0x15e: {  	[sflag:s18] =	ssyncadd.s32 $0xFFFFE000  }
0x15f: {  	[hbm4b:s31+s5] =	stream.linear.scatter [tilespmem:s15], [sflag:$0x8], $0x2000, $0x38;
	[tilespmem:$0x1D4C0] =	vst v63  }
0x160: {  	_ =	swait.ge [sflag:s11], $0x2000  }
0x161: {  	s3 =	rddreg [dreg:$0x9]  }
0x162: {  	s2 =	rddreg [dreg:$0x7];
	s3 =	sadd.s32 $0x1, s3  }
0x163: {  	p1 =	sne.s32 s3, s2  }
.Ltmp7:
0x164: {  	_ = 	snop;
	(pc) =	sbr.rel @p1 .LBB2_1-.Ltmp7, $3  }
0x165: {  	_ =	sdelay $0x1  }
0x166: {  	[sflag:s11] =	ssyncset.done $0x0  }
0x167: {  	[sflag:s11] =	ssyncadd.s32 $0xFFFFE000  }
0x168: {  	_ =	sfence.sel $0x180000  }
0x169: {  	[bflag:$0x0] =	sbarrier.arrive $0xFFFF  }
0x16a: {  	_ =	strace $0x9000004A  }
0x16b: {  	s0 =	stileid.u32;
	[bflag:$0x2] =	sbarrier.arrive $0xFFFF  }
0x16c: {  	p0 =	sne.s32 s0, $0x0;
	s0 =	rddreg [dreg:$0x4]  }
0x16d: {  	s0 =	sadd.s32 @!p0 $0x100000, s0  }
0x16e: {  	[sflag:s0] =	ssyncadd.tile.s32 @!p0 $0x1;
	_ =	shalt  }
.Lfunc_end2:
_tile_overlayer_lowered:
.L_overlay_start_2:
0x16f: {  	(tag) =	ssettag $0x2  }
0x170: {  	s0 =	rddreg [dreg:$0x0];
	s2 =	stileid.u32  }
0x171: {  	s1 =	rddreg [dreg:$0x1];
	p0 =	sne.s32 s2, $0x0  }
0x172: {  	s3 =	rddreg [dreg:$0x2];
	[bflag:$0x3] =	sbarrier.arrive $0xFFFF;
	s2 =	simm.s32 @!p0 $0x1C08  }
0x173: {  	[timem:s3], [sflag:s2] =	dma.local @!p0 [hbm:s0], s1  }
0x174: {  	s0 =	simm.s32 @!p0 $0x8  }
0x175: {  	_ =	swait.ge @!p0 [sflag:s0], s1  }
0x176: {  	s1 =	ssub.s32 @!p0 $0x0, s1;
	[sflag:s0] =	ssyncset.done @!p0 $0x0  }
0x177: {  	[sflag:s0] =	ssyncadd.s32 @!p0 s1  }
0x178: {  	[bflag:$0x3] =	sbarrier.arrive $0xFFFF  }
0x179: {  	_ =	shalt  }

// kernel: kernel.14.cloned.1.call-start
scs
__scs_entry_jumppad:
0x0: {  	(pc) =	sbr.rel $0x88, $3  }
0x1: {  	(tag) =	ssettag $0x0;
	lr =	simm.s32 $0x1  }
0x2: {  	[smem:$0x3F99] =	sst lr;
	_ =	strace $0xD0000000  }
0x3: {  	_ = 	snop  }
0x4: {  	_ = 	snop  }
0x5: {  	_ = 	snop  }
0x6: {  	_ = 	snop  }
0x7: {  	_ = 	snop  }
__scs_overlays_trampoline_lowered:
0x8: {  	[smem:$0x3FA8] =	sst s0  }
0x9: {  	[smem:$0x3FA9] =	sst s1  }
0xa: {  	[smem:$0x3FAA] =	sst s2  }
0xb: {  	[smem:$0x3FAB] =	sst s3  }
0xc: {  	[smem:$0x3FAC] =	sst s4  }
0xd: {  	[smem:$0x3FAD] =	sst s5  }
0xe: {  	[smem:$0x3FAE] =	sst s6  }
0xf: {  	[smem:$0x3FAF] =	sst s7  }
0x10: {  	[smem:$0x3FB0] =	sst s8  }
0x11: {  	[smem:$0x3FB1] =	sst s9;
	s0 =	simm.s32 @!p0 $0x0  }
0x12: {  	s1 =	sld [smem:$0x3F97];
	s0 =	simm.s32 @p0 $0x1  }
0x13: {  	[smem:$0x3FB2] =	sst s0;
	s0 =	simm.s32 @!p1 $0x0  }
0x14: {  	s2 =	sld [smem:$0x3F96];
	s0 =	simm.s32 @p1 $0x1  }
0x15: {  	[smem:$0x3FB3] =	sst s0;
	s0 =	simm.s32 @!p2 $0x0  }
0x16: {  	s3 =	sld [smem:$0x3FDB];
	s0 =	simm.s32 @p2 $0x1  }
0x17: {  	s4 =	simm.s32 $0x1BF5;
	[smem:$0x3FB5] =	sst s0  }
0x18: {  	s0 =	sld [smem:$0x3F98];
	_ =	swait.ge [sflag:s4], $0x0  }
0x19: {  	s7 =	sld [smem:$0x3F99]  }
0x1a: {  	s8 =	sadd.s32 $0xFFFFE003, lr  }
0x1b: {  	s9 =	sadd.s32 $0xFFFFFEF7, lr;
	s5 =	simm.s32 $0xFFFFFFFF;
	p2 =	slt.u32 s8, $0xFFFFF086  }
0x1c: {  	p1 =	slt.u32 s9, $0xF7A;
	s5 =	simm.s32 @!p2 $0x0  }
0x1d: {  	s5 =	simm.s32 @p1 $0x1;
	p0 =	seq.s32 s7, s2  }
0x1e: {  	s7 =	smul.u32 @!p0 $0xF7A, s2;
	p2 =	seq.s32 @!p0 s5, $0x0  }
0x1f: {  	s9 =	smul.u32 $0xF7A, s1;
	s8 =	simm.s32 @!p0 $0x1BF5;
	p2 =	por !p2, p0  }
0x20: {  	[sflag:s8] =	ssyncset.s32 @!p0 $0xFFFFF086;
	s6 =	sadd.s32 @!p0 s3, s7;
	s7 =	simm.s32 @!p0 $0x108  }
0x21: {  	s3 =	sadd.s32 s3, s9;
	s6 =	sadd.s32 @!p0 $0x88, s6;
	s7 =	simm.s32 @p2 $0x1082  }
0x22: {  	[simem:s7], [sflag:s8] =	dma.local @!p0 [hbm:s6], $0xF7A  }
0x23: {  	s9 =	sor.u32 $0xD0000000, s2;
	s6 =	simm.s32 $0x108;
	_ =	swait.ge @!p0 [sflag:s8], $0x0  }
0x24: {  	s3 =	sadd.s32 $0x88, s3;
	s6 =	simm.s32 @!p1 $0x1082;
	[sflag:s4] =	ssyncset.s32 $0xFFFFF086  }
0x25: {  	[simem:s6], [sflag:s4] =	dma.local [hbm:s3], $0xF7A  }
0x26: {  	[smem:$0x3F99] =	sst s1;
	(tag) =	ssettag s2;
	_ =	strace s9  }
0x27: {  	s1 =	sld [smem:$0x3FA9]  }
0x28: {  	s2 =	sld [smem:$0x3FAA]  }
0x29: {  	s4 =	sld [smem:$0x3FAC]  }
0x2a: {  	p0 =	seq.s32 s5, $0x0;
	s5 =	sld [smem:$0x3FAD]  }
0x2b: {  	s6 =	sld [smem:$0x3FAE]  }
0x2c: {  	s7 =	sld [smem:$0x3FAF]  }
0x2d: {  	s3 =	simm.s32 $0x108;
	s8 =	sld [smem:$0x3FB0]  }
0x2e: {  	s3 =	simm.s32 @!p0 $0x1082;
	s9 =	sld [smem:$0x3FB1]  }
0x2f: {  	lr =	sadd.s32 s0, s3;
	s0 =	sld [smem:$0x3FA8]  }
0x30: {  	s3 =	sld [smem:$0x3FAB]  }
0x31: {  	[smem:$0x3FB4] =	sst s10  }
0x32: {  	s10 =	sld [smem:$0x3FB2];
	_ =	sdelay $0x3  }
0x33: {  	p0 =	seq.s32 s10, $0x1;
	s10 =	sld [smem:$0x3FB4];
	_ =	sdelay $0x3  }
0x34: {  	[smem:$0x3FB4] =	sst s10  }
0x35: {  	s10 =	sld [smem:$0x3FB3];
	_ =	sdelay $0x3  }
0x36: {  	p1 =	seq.s32 s10, $0x1;
	s10 =	sld [smem:$0x3FB4];
	_ =	sdelay $0x3  }
0x37: {  	[smem:$0x3FB4] =	sst s10  }
0x38: {  	s10 =	sld [smem:$0x3FB5]  }
0x39: {  	_ = 	snop;
	(pc) =	sbr.ind lr, $3  }
0x3a: {  	_ = 	snop  }
0x3b: {  	_ = 	snop  }
0x3c: {  	p2 =	seq.s32 s10, $0x1;
	s10 =	sld [smem:$0x3FB4]  }
0x3d: {  	_ =	shalt  }
0x3e: {  	_ =	shalt  }
0x3f: {  	_ =	shalt  }
0x40: {  	_ =	shalt  }
0x41: {  	_ =	shalt  }
0x42: {  	_ =	shalt  }
0x43: {  	_ =	shalt  }
0x44: {  	_ =	shalt  }
0x45: {  	_ =	shalt  }
0x46: {  	_ =	shalt  }
0x47: {  	_ =	shalt  }
0x48: {  	_ =	shalt  }
0x49: {  	_ =	shalt  }
0x4a: {  	_ =	shalt  }
0x4b: {  	_ =	shalt  }
0x4c: {  	_ =	shalt  }
0x4d: {  	_ =	shalt  }
0x4e: {  	_ =	shalt  }
0x4f: {  	_ =	shalt  }
0x50: {  	_ =	shalt  }
0x51: {  	_ =	shalt  }
0x52: {  	_ =	shalt  }
0x53: {  	_ =	shalt  }
0x54: {  	_ =	shalt  }
0x55: {  	_ =	shalt  }
0x56: {  	_ =	shalt  }
0x57: {  	_ =	shalt  }
0x58: {  	_ =	shalt  }
0x59: {  	_ =	shalt  }
0x5a: {  	_ =	shalt  }
0x5b: {  	_ =	shalt  }
0x5c: {  	_ =	shalt  }
0x5d: {  	_ =	shalt  }
0x5e: {  	_ =	shalt  }
0x5f: {  	_ =	shalt  }
0x60: {  	_ =	shalt  }
0x61: {  	_ =	shalt  }
0x62: {  	_ =	shalt  }
0x63: {  	_ =	shalt  }
0x64: {  	_ =	shalt  }
0x65: {  	_ =	shalt  }
0x66: {  	_ =	shalt  }
0x67: {  	_ =	shalt  }
0x68: {  	_ =	shalt  }
0x69: {  	_ =	shalt  }
0x6a: {  	_ =	shalt  }
0x6b: {  	_ =	shalt  }
0x6c: {  	_ =	shalt  }
0x6d: {  	_ =	shalt  }
0x6e: {  	_ =	shalt  }
0x6f: {  	_ =	shalt  }
0x70: {  	_ =	shalt  }
0x71: {  	_ =	shalt  }
0x72: {  	_ =	shalt  }
0x73: {  	_ =	shalt  }
0x74: {  	_ =	shalt  }
0x75: {  	_ =	shalt  }
0x76: {  	_ =	shalt  }
0x77: {  	_ =	shalt  }
0x78: {  	_ =	shalt  }
0x79: {  	_ =	shalt  }
0x7a: {  	_ =	shalt  }
0x7b: {  	_ =	shalt  }
0x7c: {  	_ =	shalt  }
0x7d: {  	_ =	shalt  }
0x7e: {  	_ =	shalt  }
0x7f: {  	_ =	shalt  }
0x80: {  	_ =	shalt  }
0x81: {  	_ =	shalt  }
0x82: {  	_ =	shalt  }
0x83: {  	_ =	shalt  }
0x84: {  	_ =	shalt  }
0x85: {  	_ =	shalt  }
0x86: {  	_ =	shalt  }
0x87: {  	_ =	shalt  }
.Lfunc_end0:
.L_simem_size_0:
called_computation.2_lowered:
.L_overlay_start_0:
0x88: {  	s2 =	sld [smem:$0x3FD9]  }
0x89: {  	s3 =	sld [smem:$0x3FFE];
	_ =	sdelay $0x1  }
0x8a: {  	s1 =	srdreg.scid  }
0x8b: {  	s0 =	sand.u32 $0x1, s1  }
0x8c: {  	s14 =	sshll.u32 s0, $0xA;
	s2 =	sadd.s32 s3, s2  }
0x8d: {  	s2 =	sadd.s32 s2, s14  }
0x8e: {  	[smem:$0x3FC0] =	sst s2  }
0x8f: {  	_ = 	snop  }
0x90: {  	s2 =	sld [smem:$0x3FD0];
	_ =	sdelay $0x2  }
0x91: {  	s15 =	simm.s32 $0xA;
	s4 =	simm.s32 $0x10  }
0x92: {  	[smem:s4], [sflag:s15] =	dma.local [hbm:s2], $0x1  }
0x93: {  	_ =	swait.eq [sflag:s15], $0x1  }
0x94: {  	[sflag:s15] =	ssyncset.done $0x0  }
0x95: {  	s16 =	sld [smem:$0x10];
	[sflag:s15] =	ssyncadd.s32 $0xFFFFFFFF  }
0x96: {  	s17 =	sld [smem:$0x11];
	(tm) =	ssettm $0x1  }
0x97: {  	s18 =	sld [smem:$0x3FFB];
	_ =	sdelay $0x3  }
0x98: {  	_ =	strace s18  }
0x99: {  	s4 =	sld [smem:$0x3FFC];
	_ =	sdelay $0x3  }
0x9a: {  	_ =	strace s4  }
0x9b: {  	s4 =	sld [smem:$0x3FFD];
	_ =	sdelay $0x3  }
0x9c: {  	_ =	strace s4  }
0x9d: {  	_ =	strace $0x8FFFFFFF  }
0x9e: {  	s19 =	sld [smem:$0x3FDB];
	_ =	sdelay $0x1  }
0x9f: {  	s5 =	simm.s32 $_scs_section_size  }
0xa0: {  	s6 =	simm.s32 $_size__tile_overlayer_lowered;
	s7 =	simm.s32 $_tile_overlayer_lowered  }
0xa1: {  	s22 =	simm.s32 $0x1BFF;
	s21 =	sshll.u32 s7, $0x1;
	s4 =	sadd.s32 s5, s19  }
0xa2: {  	s8 =	simm.s32 $0x0;
	s20 =	sshll.u32 s6, $0x1;
	s6 =	sadd.s32 s21, s4  }
0xa3: {  	[timem:s8], [sflag:s22] =	dma.local [hbm:s6], s20  }
0xa4: {  	_ =	swait.ge [sflag:s22], s20  }
0xa5: {  	s5 =	ssub.s32 $0x0, s20;
	[sflag:s22] =	ssyncset.done $0x0  }
0xa6: {  	[sflag:s22] =	ssyncadd.s32 s5;
	_ =	sdelay $0x1  }
0xa7: {  	s23 =	simm.s32 $0x1B8B  }
0xa8: {  	_ =	swait.ge [sflag:s23], $0x1  }
0xa9: {  	[sflag:s23] =	ssyncset.done $0x0  }
0xaa: {  	s25 =	simm.s32 $0x1B8E;
	s24 =	sld [smem:$0x3FFE];
	[sflag:s23] =	ssyncadd.s32 $0xFFFFFFFF  }
0xab: {  	s26 =	simm.s32 $execute0_lowered;
	[smem:$0x3FD2] =	sst s25  }
0xac: {  	s6 =	sshll.u32 s26, $0x1;
	_ =	strace $0x8000004C;
	[dreg:$0x1] =	wrdreg $0xFFFFFFFF  }
0xad: {  	s28 =	simm.s32 $_size_execute0_lowered;
	s4 =	sadd.s32 s4, s6;
	[dreg:$0x0] =	wrdreg $0x0  }
0xae: {  	s6 =	sshll.u32 s28, $0x1;
	[dreg:$0x2] =	wrdreg s4  }
0xaf: {  	[dreg:$0x3] =	wrdreg s6  }
0xb0: {  	[dreg:$0x4] =	wrdreg $0xC0  }
0xb1: {  	_ =	task [dreg:s8], $0x5FFFF  }
0xb2: {  	[dreg:$0x1] =	wrdreg $0xFFFFFFFF  }
0xb3: {  	[dreg:$0x0] =	wrdreg $0x60  }
0xb4: {  	[dreg:$0x2] =	wrdreg s17  }
0xb5: {  	[dreg:$0x3] =	wrdreg s16  }
0xb6: {  	[dreg:$0x4] =	wrdreg s24  }
0xb7: {  	[dreg:$0x5] =	wrdreg $0x134C00  }
0xb8: {  	[dreg:$0x6] =	wrdreg $0x9  }
0xb9: {  	_ =	task.clear_ibuf [dreg:s8], $0x7FFFF;
	_ =	strace $0x9000004C  }
0xba: {  	s29 =	simm.s32 $0x9;
	_ =	strace $0x8000004E  }
0xbb: {  	_ =	swait.ge [sflag:s29], $0x1  }
0xbc: {  	[sflag:s29] =	ssyncadd.s32 $0xFFFFFFFF  }
0xbd: {  	_ =	strace $0x9000004E  }
0xbe: {  	_ =	sfence  }
0xbf: {  	s30 =	sld [smem:$0x0];
	_ =	sdelay $0x2  }
0xc0: {  	s31 =	sshll.u32 s1, $0xD;
	s1 =	sshrl.u32 s1, $0x2  }
0xc1: {  	s3 =	sand.u32 $0x4000, s31;
	s1 =	sadd.s32 s1, s30  }
0xc2: {  	s0 =	sor.u32 s3, s0;
	s1 =	sshll.u32 s1, $0x11  }
0xc3: {  	s0 =	sor.u32 s1, s0  }
0xc4: {  	s0 =	sadd.s32 $0x8F2B, s0  }
0xc5: {  	[sflag:s0] =	ssyncadd.remote.s32 $0x1  }
0xc6: {  	_ =	sfence.sel $0xFFFF  }
0xc7: {  	[dreg:$0x0] =	wrdreg $0xFFFFFFFF;
	(pc) =	sbr.abs _section_cstart, $3  }
0xc8: {  	[dreg:$0x1] =	wrdreg $0xFFFFFFFF  }
0xc9: {  	_ =	task.clear_ibuf [dreg:s8], $0x2FFFF;
	_ =	strace $0x9FFFFFFF  }
0xca: {  	(tm) =	ssettm $0x7FFFFFFF  }
0xcb: {  	_ =	shalt  }
tec
execute0_lowered:
.L_overlay_start_1:
0x0: {  	(tag) =	ssettag $0x1  }
0x1: {  	s0 =	rddreg [dreg:$0x0]  }
0x2: {  	s1 =	rddreg [dreg:$0x1]  }
0x3: {  	s2 =	rddreg [dreg:$0x2];
	s3 =	srdreg.scid  }
0x4: {  	s4 =	rddreg [dreg:$0x3];
	s10 =	stileid.u32;
	s5 =	simm.s32 $0x0  }
0x5: {  	s11 =	simm.s32 $0x8;
	s13 =	simm.s32 $0x80;
	s14 =	simm.s32 $0x13440  }
0x6: {  	s15 =	simm.s32 $0x11440;
	s16 =	simm.s32 $0x50;
	s17 =	simm.s32 $0x9C40  }
0x7: {  	s18 =	simm.s32 $0x1;
	s19 =	simm.s32 $0xB040;
	s20 =	simm.s32 $0x7  }
0x8: {  	s21 =	simm.s32 $0x2;
	s22 =	simm.s32 $0xC440;
	s23 =	simm.s32 $0x3  }
0x9: {  	s28 =	simm.s32 $0x5;
	s29 =	simm.s32 $0x10040;
	s7 =	smul.u32 $0xA000, s10  }
0xa: {  	s30 =	simm.s32 $0x6;
	s3 =	sand.u32 $0x1, s3;
	s8 =	smul.u32 $0x9C4, s10  }
0xb: {  	[smem:$0x7FF] =	sst s5;
	s6 =	smul.u32 $0xA0000, s3;
	s24 =	ssub.s32 $0x2, s3  }
0xc: {  	_ =	strace $0x8000004D;
	p0 =	seq.s32 s3, $0x1;
	s3 =	simm.s32 $0x0  }
0xd: {  	s9 =	sshrl.u32 s24, $0x1;
	s8 =	sadd.s32 s8, s2;
	s6 =	sadd.s32 s7, s6  }
0xe: {  	s9 =	ssub.s32 s24, s9;
	s25 =	sadd.s32 $0x2200, s8;
	s26 =	sadd.s32 $0xC000, s8  }
0xf: {  	s8 =	smul.u32 $0x280, s10;
	s6 =	sshrl.u32 s6, $0x3;
	[dreg:$0x5] =	wrdreg s25  }
0x10: {  	[dreg:$0x6] =	wrdreg s26;
	s31 =	smax.u32 s9, $0x1;
	s2 =	sadd.s32 s6, s2  }
0x11: {  	s24 =	simm.s32 $0xD840;
	[dreg:$0x7] =	wrdreg s31;
	s2 =	sadd.s32 $0x15E00, s2  }
0x12: {  	v0 =	vimm.f32 $0.0e+00;
	v1 =	vlaneseq.u32;
	s25 =	simm.s32 $0x4;
	s26 =	simm.s32 $0xEC40;
	[dreg:$0x8] =	wrdreg s2  }
.LBB2_1:
0x13: {  	[dreg:$0x9] =	wrdreg s3  }
0x14: {  	s2 =	rddreg [dreg:$0x5]  }
0x15: {  	[tilespmem:s5], [sflag:$0x8] =	stream.linear.gather [hbm4b:s2+s5], $0x4E20, $0x38;
	[tilespmem:$0x1D4C0] =	vst v63  }
0x16: {  	_ =	swait.ge [sflag:s11], $0x4E20  }
0x17: {  	[sflag:s11] =	ssyncset.done $0x0  }
0x18: {  	s31 =	simm.s32 $0x4E20;
	s12 =	rddreg [dreg:$0x6];
	[sflag:s11] =	ssyncadd.s32 $0xFFFFB1E0  }
0x19: {  	[tilespmem:s31], [sflag:$0x8] =	stream.linear.gather [hbm4b:s12+s5], $0x4E20, $0x38;
	[tilespmem:$0x1D4C0] =	vst v63  }
0x1a: {  	_ =	swait.ge [sflag:s11], $0x4E20  }
0x1b: {  	[sflag:s11] =	ssyncset.done $0x0  }
0x1c: {  	s2 =	simm.s32 $0x0;
	[sflag:s11] =	ssyncadd.s32 $0xFFFFB1E0  }
.LBB2_2:
0x1d: {  	p1 =	sne.s32 s2, $0x7F00  }
.Ltmp0:
0x1e: {  	s10 =	sshra.s32 s2, $0x2;
	(pc) =	sbr.rel @p1 .LBB2_2-.Ltmp0, $4  }
0x1f: {  	[tilespmem:s10+$0x11440] =	vst v0  }
0x20: {  	[tilespmem:s10+$0x11450] =	vst v0  }
0x21: {  	[tilespmem:s10+$0x11460] =	vst v0  }
0x22: {  	s2 =	sadd.s32 $0x100, s2;
	[tilespmem:s10+$0x11470] =	vst v0  }
0x23: {  	s2 =	sadd.s32 $0x0, s8  }
0x24: {  	v2 =	vor.u32 s2, v1;
	s10 =	sadd.s32 $0x70, s2  }
0x25: {  	s31 =	sadd.s32 $0x60, s2;
	[tilespmem:$0x13440] =	vst v2;
	v2 =	vor.u32 s10, v1  }
0x26: {  	s9 =	sadd.s32 $0x30, s2;
	v3 =	vor.u32 s31, v1;
	[tilespmem:$0x134B0] =	vst v2  }
0x27: {  	s6 =	sadd.s32 $0x50, s2;
	v4 =	vor.u32 s9, v1;
	[tilespmem:$0x134A0] =	vst v3  }
0x28: {  	s7 =	sadd.s32 $0x40, s2;
	v2 =	vor.u32 s6, v1;
	[tilespmem:$0x13470] =	vst v4  }
0x29: {  	s12 =	sadd.s32 $0x20, s2;
	v3 =	vor.u32 s7, v1;
	[tilespmem:$0x13490] =	vst v2  }
0x2a: {  	s10 =	sadd.s32 $0x10, s2;
	s2 =	simm.s32 $0x80;
	[tilespmem:$0x13480] =	vst v3;
	v2 =	vor.u32 s12, v1  }
.LBB2_4:
0x2b: {  	p1 =	sne.s32 s2, $0x200;
	v3 =	vor.u32 s10, v1;
	[tilespmem:$0x13460] =	vst v2  }
0x2c: {  	[tilespmem:$0x13450] =	vst v3;
	[spmem:s4] =	stream.indirect.scatter [tilespmem:s15], [sflag:$0x8], $0x40, s14, s13, $0xb8  }
0x2d: {  	_ =	swait.ge [sflag:s11], $0x2000  }
0x2e: {  	s10 =	sadd.s32 s2, s8;
	[sflag:s11] =	ssyncset.done $0x0  }
0x2f: {  	v2 =	vor.u32 s10, v1;
	s31 =	sadd.s32 $0x70, s10;
	[sflag:s11] =	ssyncadd.s32 $0xFFFFE000  }
0x30: {  	s6 =	sadd.s32 $0x60, s10;
	[tilespmem:$0x13440] =	vst v2;
	v2 =	vor.u32 s31, v1  }
.Ltmp1:
0x31: {  	v3 =	vor.u32 s6, v1;
	s31 =	sadd.s32 $0x50, s10;
	[tilespmem:$0x134B0] =	vst v2;
	(pc) =	sbr.rel @p1 .LBB2_4-.Ltmp1, $4  }
0x32: {  	s6 =	sadd.s32 $0x40, s10;
	v2 =	vor.u32 s31, v1;
	[tilespmem:$0x134A0] =	vst v3  }
0x33: {  	s31 =	sadd.s32 $0x30, s10;
	v3 =	vor.u32 s6, v1;
	[tilespmem:$0x13490] =	vst v2  }
0x34: {  	s6 =	sadd.s32 $0x20, s10;
	v4 =	vor.u32 s31, v1;
	[tilespmem:$0x13480] =	vst v3  }
0x35: {  	s2 =	sadd.s32 $0x80, s2;
	s10 =	sadd.s32 $0x10, s10;
	v2 =	vor.u32 s6, v1;
	[tilespmem:$0x13470] =	vst v4  }
0x36: {  	v3 =	vor.u32 s10, v1;
	[tilespmem:$0x13460] =	vst v2  }
0x37: {  	[tilespmem:$0x13450] =	vst v3  }
0x38: {  	[spmem:s4] =	stream.indirect.scatter [tilespmem:s15], [sflag:$0x8], $0x40, s14, s13, $0xb8;
	[tilespmem:$0x1D4C0] =	vst v63  }
.Ltmp2:
0x39: {  	_ =	swait.ge [sflag:s11], $0x2000;
	(pc) =	sbr.rel @!p0 .LBB2_6-.Ltmp2, $4  }
0x3a: {  	[sflag:s11] =	ssyncset.done $0x0  }
0x3b: {  	[sflag:s11] =	ssyncadd.s32 $0xFFFFE000  }
0x3c: {  	[bflag:$0x0] =	sbarrier.arrive $0xFFFF  }
0x3d: {  	s2 =	simm.s32 $0x0  }
0x3e: {  	[tilespmem:s17], [sflag:$0x1] =	stream.indirect.gather [hbm4b:s1+s16], $0x40, s2, s16, $0xb8;
	[tilespmem:$0x1D4C0] =	vst v63  }
0x3f: {  	_ =	swait.ge [sflag:s18], $0x1400  }
0x40: {  	[sflag:s18] =	ssyncset.done $0x0  }
0x41: {  	s3 =	simm.s32 $0x50;
	[sflag:s18] =	ssyncadd.s32 $0xFFFFEC00  }
0x42: {  	[tilespmem:s19], [sflag:$0x2] =	stream.indirect.gather [hbm4b:s1+s16], $0x40, s3, s16, $0xb8;
	[tilespmem:$0x1D4C0] =	vst v63  }
0x43: {  	s6 =	simm.s32 $0x4E20  }
0x44: {  	[spmem:s4] =	stream.indirect.scatter.add.f32 [tilespmem:s17], [sflag:$0x7], $0x40, s6, s16, $0xb8;
	[tilespmem:$0x1D4C0] =	vst v63  }
0x45: {  	_ =	swait.ge [sflag:s20], $0x1400  }
0x46: {  	[sflag:s20] =	ssyncset.done $0x0  }
0x47: {  	[sflag:s20] =	ssyncadd.s32 $0xFFFFEC00  }
0x48: {  	_ =	swait.ge [sflag:s21], $0x1400  }
0x49: {  	[sflag:s21] =	ssyncset.done $0x0  }
0x4a: {  	s7 =	simm.s32 $0xA0;
	[sflag:s21] =	ssyncadd.s32 $0xFFFFEC00  }
0x4b: {  	[tilespmem:s22], [sflag:$0x3] =	stream.indirect.gather [hbm4b:s1+s16], $0x40, s7, s16, $0xb8;
	[tilespmem:$0x1D4C0] =	vst v63  }
0x4c: {  	s9 =	simm.s32 $0x4E70  }
0x4d: {  	[spmem:s4] =	stream.indirect.scatter.add.f32 [tilespmem:s19], [sflag:$0x7], $0x40, s9, s16, $0xb8;
	[tilespmem:$0x1D4C0] =	vst v63  }
0x4e: {  	_ =	swait.ge [sflag:s20], $0x1400  }
0x4f: {  	[sflag:s20] =	ssyncset.done $0x0  }
0x50: {  	[sflag:s20] =	ssyncadd.s32 $0xFFFFEC00  }
0x51: {  	_ =	swait.ge [sflag:s23], $0x1400  }
0x52: {  	[sflag:s23] =	ssyncset.done $0x0  }
0x53: {  	s10 =	simm.s32 $0xF0;
	[sflag:s23] =	ssyncadd.s32 $0xFFFFEC00  }
0x54: {  	[tilespmem:s24], [sflag:$0x4] =	stream.indirect.gather [hbm4b:s1+s16], $0x40, s10, s16, $0xb8;
	[tilespmem:$0x1D4C0] =	vst v63  }
0x55: {  	s12 =	simm.s32 $0x4EC0  }
0x56: {  	[spmem:s4] =	stream.indirect.scatter.add.f32 [tilespmem:s22], [sflag:$0x7], $0x40, s12, s16, $0xb8;
	[tilespmem:$0x1D4C0] =	vst v63  }
0x57: {  	_ =	swait.ge [sflag:s20], $0x1400  }
0x58: {  	[sflag:s20] =	ssyncset.done $0x0  }
0x59: {  	[sflag:s20] =	ssyncadd.s32 $0xFFFFEC00  }
0x5a: {  	_ =	swait.ge [sflag:s25], $0x1400  }
0x5b: {  	[sflag:s25] =	ssyncset.done $0x0  }
0x5c: {  	s3 =	simm.s32 $0x140;
	[sflag:s25] =	ssyncadd.s32 $0xFFFFEC00  }
0x5d: {  	[tilespmem:s26], [sflag:$0x5] =	stream.indirect.gather [hbm4b:s1+s16], $0x40, s3, s16, $0xb8;
	[tilespmem:$0x1D4C0] =	vst v63  }
0x5e: {  	s6 =	simm.s32 $0x4F10  }
0x5f: {  	[spmem:s4] =	stream.indirect.scatter.add.f32 [tilespmem:s24], [sflag:$0x7], $0x40, s6, s16, $0xb8;
	[tilespmem:$0x1D4C0] =	vst v63  }
0x60: {  	_ =	swait.ge [sflag:s20], $0x1400  }
0x61: {  	[sflag:s20] =	ssyncset.done $0x0  }
0x62: {  	[sflag:s20] =	ssyncadd.s32 $0xFFFFEC00  }
0x63: {  	_ =	swait.ge [sflag:s28], $0x1400  }
0x64: {  	[sflag:s28] =	ssyncset.done $0x0  }
0x65: {  	s7 =	simm.s32 $0x190;
	[sflag:s28] =	ssyncadd.s32 $0xFFFFEC00  }
0x66: {  	[tilespmem:s29], [sflag:$0x6] =	stream.indirect.gather [hbm4b:s1+s16], $0x40, s7, s16, $0xb8;
	[tilespmem:$0x1D4C0] =	vst v63  }
0x67: {  	s9 =	simm.s32 $0x4F60  }
0x68: {  	[spmem:s4] =	stream.indirect.scatter.add.f32 [tilespmem:s26], [sflag:$0x7], $0x40, s9, s16, $0xb8;
	[tilespmem:$0x1D4C0] =	vst v63  }
0x69: {  	_ =	swait.ge [sflag:s20], $0x1400  }
0x6a: {  	[sflag:s20] =	ssyncset.done $0x0  }
0x6b: {  	[sflag:s20] =	ssyncadd.s32 $0xFFFFEC00  }
0x6c: {  	_ =	swait.ge [sflag:s30], $0x1400  }
0x6d: {  	[sflag:s30] =	ssyncset.done $0x0  }
0x6e: {  	s10 =	simm.s32 $0x1E0;
	[sflag:s30] =	ssyncadd.s32 $0xFFFFEC00  }
0x6f: {  	[tilespmem:s17], [sflag:$0x1] =	stream.indirect.gather [hbm4b:s1+s16], $0x40, s10, s16, $0xb8;
	[tilespmem:$0x1D4C0] =	vst v63  }
0x70: {  	s12 =	simm.s32 $0x4FB0  }
0x71: {  	[spmem:s4] =	stream.indirect.scatter.add.f32 [tilespmem:s29], [sflag:$0x7], $0x40, s12, s16, $0xb8;
	[tilespmem:$0x1D4C0] =	vst v63  }
0x72: {  	_ =	swait.ge [sflag:s20], $0x1400  }
0x73: {  	s31 =	simm.s32 $0x780;
	[sflag:s20] =	ssyncset.done $0x0  }
.LBB2_10:
0x74: {  	p1 =	sne.s32 s31, $0x12C00  }
0x75: {  	[sflag:s20] =	ssyncadd.s32 $0xFFFFEC00;
	s2 =	smov.u32 s31;
	s31 =	sadd.s32 $0x780, s31  }
0x76: {  	_ = 	snop  }
0x77: {  	_ =	swait.ge [sflag:s18], $0x1400  }
0x78: {  	s2 =	sshra.s32 s2, $0x2;
	[sflag:s18] =	ssyncset.done $0x0  }
0x79: {  	s6 =	sadd.s32 $0x50, s2;
	[sflag:s18] =	ssyncadd.s32 $0xFFFFEC00  }
0x7a: {  	[tilespmem:s19], [sflag:$0x2] =	stream.indirect.gather [hbm4b:s1+s16], $0x40, s6, s16, $0xb8;
	[tilespmem:$0x1D4C0] =	vst v63  }
0x7b: {  	s6 =	sadd.s32 $0x4E20, s2  }
0x7c: {  	[spmem:s4] =	stream.indirect.scatter.add.f32 [tilespmem:s17], [sflag:$0x7], $0x40, s6, s16, $0xb8;
	[tilespmem:$0x1D4C0] =	vst v63  }
0x7d: {  	_ =	swait.ge [sflag:s20], $0x1400  }
0x7e: {  	[sflag:s20] =	ssyncset.done $0x0  }
0x7f: {  	[sflag:s20] =	ssyncadd.s32 $0xFFFFEC00  }
0x80: {  	_ =	swait.ge [sflag:s21], $0x1400  }
0x81: {  	[sflag:s21] =	ssyncset.done $0x0  }
0x82: {  	s6 =	sadd.s32 $0xA0, s2;
	[sflag:s21] =	ssyncadd.s32 $0xFFFFEC00  }
0x83: {  	[tilespmem:s22], [sflag:$0x3] =	stream.indirect.gather [hbm4b:s1+s16], $0x40, s6, s16, $0xb8;
	[tilespmem:$0x1D4C0] =	vst v63  }
0x84: {  	s6 =	sadd.s32 $0x4E70, s2  }
0x85: {  	[spmem:s4] =	stream.indirect.scatter.add.f32 [tilespmem:s19], [sflag:$0x7], $0x40, s6, s16, $0xb8;
	[tilespmem:$0x1D4C0] =	vst v63  }
0x86: {  	_ =	swait.ge [sflag:s20], $0x1400  }
0x87: {  	[sflag:s20] =	ssyncset.done $0x0  }
0x88: {  	[sflag:s20] =	ssyncadd.s32 $0xFFFFEC00  }
0x89: {  	_ =	swait.ge [sflag:s23], $0x1400  }
0x8a: {  	[sflag:s23] =	ssyncset.done $0x0  }
0x8b: {  	s6 =	sadd.s32 $0xF0, s2;
	[sflag:s23] =	ssyncadd.s32 $0xFFFFEC00  }
0x8c: {  	[tilespmem:s24], [sflag:$0x4] =	stream.indirect.gather [hbm4b:s1+s16], $0x40, s6, s16, $0xb8;
	[tilespmem:$0x1D4C0] =	vst v63  }
0x8d: {  	s6 =	sadd.s32 $0x4EC0, s2  }
0x8e: {  	[spmem:s4] =	stream.indirect.scatter.add.f32 [tilespmem:s22], [sflag:$0x7], $0x40, s6, s16, $0xb8;
	[tilespmem:$0x1D4C0] =	vst v63  }
0x8f: {  	_ =	swait.ge [sflag:s20], $0x1400  }
0x90: {  	[sflag:s20] =	ssyncset.done $0x0  }
0x91: {  	[sflag:s20] =	ssyncadd.s32 $0xFFFFEC00  }
0x92: {  	_ =	swait.ge [sflag:s25], $0x1400  }
0x93: {  	[sflag:s25] =	ssyncset.done $0x0  }
0x94: {  	s6 =	sadd.s32 $0x140, s2;
	[sflag:s25] =	ssyncadd.s32 $0xFFFFEC00  }
0x95: {  	[tilespmem:s26], [sflag:$0x5] =	stream.indirect.gather [hbm4b:s1+s16], $0x40, s6, s16, $0xb8;
	[tilespmem:$0x1D4C0] =	vst v63  }
0x96: {  	s6 =	sadd.s32 $0x4F10, s2  }
0x97: {  	[spmem:s4] =	stream.indirect.scatter.add.f32 [tilespmem:s24], [sflag:$0x7], $0x40, s6, s16, $0xb8;
	[tilespmem:$0x1D4C0] =	vst v63  }
0x98: {  	_ =	swait.ge [sflag:s20], $0x1400  }
0x99: {  	[sflag:s20] =	ssyncset.done $0x0  }
0x9a: {  	[sflag:s20] =	ssyncadd.s32 $0xFFFFEC00  }
0x9b: {  	_ =	swait.ge [sflag:s28], $0x1400  }
0x9c: {  	[sflag:s28] =	ssyncset.done $0x0  }
0x9d: {  	s6 =	sadd.s32 $0x190, s2;
	[sflag:s28] =	ssyncadd.s32 $0xFFFFEC00  }
0x9e: {  	[tilespmem:s29], [sflag:$0x6] =	stream.indirect.gather [hbm4b:s1+s16], $0x40, s6, s16, $0xb8;
	[tilespmem:$0x1D4C0] =	vst v63  }
0x9f: {  	s6 =	sadd.s32 $0x4F60, s2  }
0xa0: {  	[spmem:s4] =	stream.indirect.scatter.add.f32 [tilespmem:s26], [sflag:$0x7], $0x40, s6, s16, $0xb8;
	[tilespmem:$0x1D4C0] =	vst v63  }
0xa1: {  	_ =	swait.ge [sflag:s20], $0x1400  }
0xa2: {  	[sflag:s20] =	ssyncset.done $0x0  }
0xa3: {  	[sflag:s20] =	ssyncadd.s32 $0xFFFFEC00  }
0xa4: {  	_ =	swait.ge [sflag:s30], $0x1400  }
0xa5: {  	[sflag:s30] =	ssyncset.done $0x0  }
0xa6: {  	s6 =	sadd.s32 $0x1E0, s2;
	[sflag:s30] =	ssyncadd.s32 $0xFFFFEC00  }
0xa7: {  	[tilespmem:s17], [sflag:$0x1] =	stream.indirect.gather [hbm4b:s1+s16], $0x40, s6, s16, $0xb8;
	[tilespmem:$0x1D4C0] =	vst v63  }
.Ltmp3:
0xa8: {  	_ = 	snop;
	(pc) =	sbr.rel @p1 .LBB2_10-.Ltmp3, $4  }
0xa9: {  	s2 =	sadd.s32 $0x4FB0, s2  }
0xaa: {  	[spmem:s4] =	stream.indirect.scatter.add.f32 [tilespmem:s29], [sflag:$0x7], $0x40, s2, s16, $0xb8;
	[tilespmem:$0x1D4C0] =	vst v63  }
0xab: {  	_ =	swait.ge [sflag:s20], $0x1400  }
0xac: {  	[sflag:s20] =	ssyncset.done $0x0  }
.Ltmp4:
0xad: {  	(pc) =	sbr.rel .LBB2_12-.Ltmp4, $2  }
0xae: {  	_ =	sdelay $0x2  }
0xaf: {  	[sflag:s20] =	ssyncadd.s32 $0xFFFFEC00;
	s2 =	smov.u32 s1  }
.LBB2_6:
0xb0: {  	[tilespmem:s17], [sflag:$0x1] =	stream.indirect.gather [hbm4b:s0+s16], $0x40, s2, s16, $0xb8;
	[tilespmem:$0x1D4C0] =	vst v63  }
0xb1: {  	_ =	swait.ge [sflag:s18], $0x1400  }
0xb2: {  	[sflag:s18] =	ssyncset.done $0x0  }
0xb3: {  	s3 =	simm.s32 $0x50;
	[sflag:s18] =	ssyncadd.s32 $0xFFFFEC00  }
0xb4: {  	[tilespmem:s19], [sflag:$0x2] =	stream.indirect.gather [hbm4b:s0+s16], $0x40, s3, s16, $0xb8;
	[tilespmem:$0x1D4C0] =	vst v63  }
0xb5: {  	s6 =	simm.s32 $0x4E20  }
0xb6: {  	[spmem:s4] =	stream.indirect.scatter.add.f32 [tilespmem:s17], [sflag:$0x7], $0x40, s6, s16, $0xb8;
	[tilespmem:$0x1D4C0] =	vst v63  }
0xb7: {  	_ =	swait.ge [sflag:s20], $0x1400  }
0xb8: {  	[sflag:s20] =	ssyncset.done $0x0  }
0xb9: {  	[sflag:s20] =	ssyncadd.s32 $0xFFFFEC00  }
0xba: {  	_ =	swait.ge [sflag:s21], $0x1400  }
0xbb: {  	[sflag:s21] =	ssyncset.done $0x0  }
0xbc: {  	s7 =	simm.s32 $0xA0;
	[sflag:s21] =	ssyncadd.s32 $0xFFFFEC00  }
0xbd: {  	[tilespmem:s22], [sflag:$0x3] =	stream.indirect.gather [hbm4b:s0+s16], $0x40, s7, s16, $0xb8;
	[tilespmem:$0x1D4C0] =	vst v63  }
0xbe: {  	s9 =	simm.s32 $0x4E70  }
0xbf: {  	[spmem:s4] =	stream.indirect.scatter.add.f32 [tilespmem:s19], [sflag:$0x7], $0x40, s9, s16, $0xb8;
	[tilespmem:$0x1D4C0] =	vst v63  }
0xc0: {  	_ =	swait.ge [sflag:s20], $0x1400  }
0xc1: {  	[sflag:s20] =	ssyncset.done $0x0  }
0xc2: {  	[sflag:s20] =	ssyncadd.s32 $0xFFFFEC00  }
0xc3: {  	_ =	swait.ge [sflag:s23], $0x1400  }
0xc4: {  	[sflag:s23] =	ssyncset.done $0x0  }
0xc5: {  	s10 =	simm.s32 $0xF0;
	[sflag:s23] =	ssyncadd.s32 $0xFFFFEC00  }
0xc6: {  	[tilespmem:s24], [sflag:$0x4] =	stream.indirect.gather [hbm4b:s0+s16], $0x40, s10, s16, $0xb8;
	[tilespmem:$0x1D4C0] =	vst v63  }
0xc7: {  	s12 =	simm.s32 $0x4EC0  }
0xc8: {  	[spmem:s4] =	stream.indirect.scatter.add.f32 [tilespmem:s22], [sflag:$0x7], $0x40, s12, s16, $0xb8;
	[tilespmem:$0x1D4C0] =	vst v63  }
0xc9: {  	_ =	swait.ge [sflag:s20], $0x1400  }
0xca: {  	[sflag:s20] =	ssyncset.done $0x0  }
0xcb: {  	[sflag:s20] =	ssyncadd.s32 $0xFFFFEC00  }
0xcc: {  	_ =	swait.ge [sflag:s25], $0x1400  }
0xcd: {  	[sflag:s25] =	ssyncset.done $0x0  }
0xce: {  	s3 =	simm.s32 $0x140;
	[sflag:s25] =	ssyncadd.s32 $0xFFFFEC00  }
0xcf: {  	[tilespmem:s26], [sflag:$0x5] =	stream.indirect.gather [hbm4b:s0+s16], $0x40, s3, s16, $0xb8;
	[tilespmem:$0x1D4C0] =	vst v63  }
0xd0: {  	s6 =	simm.s32 $0x4F10  }
0xd1: {  	[spmem:s4] =	stream.indirect.scatter.add.f32 [tilespmem:s24], [sflag:$0x7], $0x40, s6, s16, $0xb8;
	[tilespmem:$0x1D4C0] =	vst v63  }
0xd2: {  	_ =	swait.ge [sflag:s20], $0x1400  }
0xd3: {  	[sflag:s20] =	ssyncset.done $0x0  }
0xd4: {  	[sflag:s20] =	ssyncadd.s32 $0xFFFFEC00  }
0xd5: {  	_ =	swait.ge [sflag:s28], $0x1400  }
0xd6: {  	[sflag:s28] =	ssyncset.done $0x0  }
0xd7: {  	s7 =	simm.s32 $0x190;
	[sflag:s28] =	ssyncadd.s32 $0xFFFFEC00  }
0xd8: {  	[tilespmem:s29], [sflag:$0x6] =	stream.indirect.gather [hbm4b:s0+s16], $0x40, s7, s16, $0xb8;
	[tilespmem:$0x1D4C0] =	vst v63  }
0xd9: {  	s9 =	simm.s32 $0x4F60  }
0xda: {  	[spmem:s4] =	stream.indirect.scatter.add.f32 [tilespmem:s26], [sflag:$0x7], $0x40, s9, s16, $0xb8;
	[tilespmem:$0x1D4C0] =	vst v63  }
0xdb: {  	_ =	swait.ge [sflag:s20], $0x1400  }
0xdc: {  	[sflag:s20] =	ssyncset.done $0x0  }
0xdd: {  	[sflag:s20] =	ssyncadd.s32 $0xFFFFEC00  }
0xde: {  	_ =	swait.ge [sflag:s30], $0x1400  }
0xdf: {  	[sflag:s30] =	ssyncset.done $0x0  }
0xe0: {  	s10 =	simm.s32 $0x1E0;
	[sflag:s30] =	ssyncadd.s32 $0xFFFFEC00  }
0xe1: {  	[tilespmem:s17], [sflag:$0x1] =	stream.indirect.gather [hbm4b:s0+s16], $0x40, s10, s16, $0xb8;
	[tilespmem:$0x1D4C0] =	vst v63  }
0xe2: {  	s12 =	simm.s32 $0x4FB0  }
0xe3: {  	[spmem:s4] =	stream.indirect.scatter.add.f32 [tilespmem:s29], [sflag:$0x7], $0x40, s12, s16, $0xb8;
	[tilespmem:$0x1D4C0] =	vst v63  }
0xe4: {  	_ =	swait.ge [sflag:s20], $0x1400  }
0xe5: {  	s31 =	simm.s32 $0x780;
	[sflag:s20] =	ssyncset.done $0x0  }
.LBB2_7:
0xe6: {  	p1 =	seq.s32 s31, $0x12C00  }
0xe7: {  	[sflag:s20] =	ssyncadd.s32 $0xFFFFEC00;
	s2 =	smov.u32 s31;
	s31 =	sadd.s32 $0x780, s31  }
0xe8: {  	_ = 	snop  }
0xe9: {  	_ =	swait.ge [sflag:s18], $0x1400  }
0xea: {  	s2 =	sshra.s32 s2, $0x2;
	[sflag:s18] =	ssyncset.done $0x0  }
0xeb: {  	s6 =	sadd.s32 $0x50, s2;
	[sflag:s18] =	ssyncadd.s32 $0xFFFFEC00  }
0xec: {  	[tilespmem:s19], [sflag:$0x2] =	stream.indirect.gather [hbm4b:s0+s16], $0x40, s6, s16, $0xb8;
	[tilespmem:$0x1D4C0] =	vst v63  }
0xed: {  	s6 =	sadd.s32 $0x4E20, s2  }
0xee: {  	[spmem:s4] =	stream.indirect.scatter.add.f32 [tilespmem:s17], [sflag:$0x7], $0x40, s6, s16, $0xb8;
	[tilespmem:$0x1D4C0] =	vst v63  }
0xef: {  	_ =	swait.ge [sflag:s20], $0x1400  }
0xf0: {  	[sflag:s20] =	ssyncset.done $0x0  }
0xf1: {  	[sflag:s20] =	ssyncadd.s32 $0xFFFFEC00  }
0xf2: {  	_ =	swait.ge [sflag:s21], $0x1400  }
0xf3: {  	[sflag:s21] =	ssyncset.done $0x0  }
0xf4: {  	s6 =	sadd.s32 $0xA0, s2;
	[sflag:s21] =	ssyncadd.s32 $0xFFFFEC00  }
0xf5: {  	[tilespmem:s22], [sflag:$0x3] =	stream.indirect.gather [hbm4b:s0+s16], $0x40, s6, s16, $0xb8;
	[tilespmem:$0x1D4C0] =	vst v63  }
0xf6: {  	s6 =	sadd.s32 $0x4E70, s2  }
0xf7: {  	[spmem:s4] =	stream.indirect.scatter.add.f32 [tilespmem:s19], [sflag:$0x7], $0x40, s6, s16, $0xb8;
	[tilespmem:$0x1D4C0] =	vst v63  }
0xf8: {  	_ =	swait.ge [sflag:s20], $0x1400  }
0xf9: {  	[sflag:s20] =	ssyncset.done $0x0  }
0xfa: {  	[sflag:s20] =	ssyncadd.s32 $0xFFFFEC00  }
0xfb: {  	_ =	swait.ge [sflag:s23], $0x1400  }
0xfc: {  	[sflag:s23] =	ssyncset.done $0x0  }
0xfd: {  	s6 =	sadd.s32 $0xF0, s2;
	[sflag:s23] =	ssyncadd.s32 $0xFFFFEC00  }
0xfe: {  	[tilespmem:s24], [sflag:$0x4] =	stream.indirect.gather [hbm4b:s0+s16], $0x40, s6, s16, $0xb8;
	[tilespmem:$0x1D4C0] =	vst v63  }
0xff: {  	s6 =	sadd.s32 $0x4EC0, s2  }
0x100: {  	[spmem:s4] =	stream.indirect.scatter.add.f32 [tilespmem:s22], [sflag:$0x7], $0x40, s6, s16, $0xb8;
	[tilespmem:$0x1D4C0] =	vst v63  }
0x101: {  	_ =	swait.ge [sflag:s20], $0x1400  }
0x102: {  	[sflag:s20] =	ssyncset.done $0x0  }
0x103: {  	[sflag:s20] =	ssyncadd.s32 $0xFFFFEC00  }
0x104: {  	_ =	swait.ge [sflag:s25], $0x1400  }
0x105: {  	[sflag:s25] =	ssyncset.done $0x0  }
0x106: {  	s6 =	sadd.s32 $0x140, s2;
	[sflag:s25] =	ssyncadd.s32 $0xFFFFEC00  }
0x107: {  	[tilespmem:s26], [sflag:$0x5] =	stream.indirect.gather [hbm4b:s0+s16], $0x40, s6, s16, $0xb8;
	[tilespmem:$0x1D4C0] =	vst v63  }
0x108: {  	s6 =	sadd.s32 $0x4F10, s2  }
0x109: {  	[spmem:s4] =	stream.indirect.scatter.add.f32 [tilespmem:s24], [sflag:$0x7], $0x40, s6, s16, $0xb8;
	[tilespmem:$0x1D4C0] =	vst v63  }
0x10a: {  	_ =	swait.ge [sflag:s20], $0x1400  }
0x10b: {  	[sflag:s20] =	ssyncset.done $0x0  }
0x10c: {  	[sflag:s20] =	ssyncadd.s32 $0xFFFFEC00  }
0x10d: {  	_ =	swait.ge [sflag:s28], $0x1400  }
0x10e: {  	[sflag:s28] =	ssyncset.done $0x0  }
0x10f: {  	s6 =	sadd.s32 $0x190, s2;
	[sflag:s28] =	ssyncadd.s32 $0xFFFFEC00  }
0x110: {  	[tilespmem:s29], [sflag:$0x6] =	stream.indirect.gather [hbm4b:s0+s16], $0x40, s6, s16, $0xb8;
	[tilespmem:$0x1D4C0] =	vst v63  }
0x111: {  	s6 =	sadd.s32 $0x4F60, s2  }
0x112: {  	[spmem:s4] =	stream.indirect.scatter.add.f32 [tilespmem:s26], [sflag:$0x7], $0x40, s6, s16, $0xb8;
	[tilespmem:$0x1D4C0] =	vst v63  }
0x113: {  	_ =	swait.ge [sflag:s20], $0x1400  }
0x114: {  	[sflag:s20] =	ssyncset.done $0x0  }
0x115: {  	[sflag:s20] =	ssyncadd.s32 $0xFFFFEC00  }
0x116: {  	_ =	swait.ge [sflag:s30], $0x1400  }
0x117: {  	[sflag:s30] =	ssyncset.done $0x0  }
0x118: {  	s6 =	sadd.s32 $0x1E0, s2;
	[sflag:s30] =	ssyncadd.s32 $0xFFFFEC00  }
0x119: {  	[tilespmem:s17], [sflag:$0x1] =	stream.indirect.gather [hbm4b:s0+s16], $0x40, s6, s16, $0xb8;
	[tilespmem:$0x1D4C0] =	vst v63  }
.Ltmp5:
0x11a: {  	_ = 	snop;
	(pc) =	sbr.rel @!p1 .LBB2_7-.Ltmp5, $4  }
0x11b: {  	s2 =	sadd.s32 $0x4FB0, s2  }
0x11c: {  	[spmem:s4] =	stream.indirect.scatter.add.f32 [tilespmem:s29], [sflag:$0x7], $0x40, s2, s16, $0xb8;
	[tilespmem:$0x1D4C0] =	vst v63  }
0x11d: {  	_ =	swait.ge [sflag:s20], $0x1400  }
0x11e: {  	[sflag:s20] =	ssyncset.done $0x0  }
0x11f: {  	[sflag:s20] =	ssyncadd.s32 $0xFFFFEC00;
	s2 =	smov.u32 s0  }
.LBB2_12:
0x120: {  	_ =	swait.ge [sflag:s18], $0x1400  }
0x121: {  	[sflag:s18] =	ssyncset.done $0x0  }
0x122: {  	s3 =	simm.s32 $0x4D30;
	[sflag:s18] =	ssyncadd.s32 $0xFFFFEC00  }
0x123: {  	[tilespmem:s19], [sflag:$0x2] =	stream.indirect.gather [hbm4b:s2+s16], $0x40, s3, s16, $0xb8;
	[tilespmem:$0x1D4C0] =	vst v63  }
0x124: {  	s12 =	simm.s32 $0x9B00  }
0x125: {  	[spmem:s4] =	stream.indirect.scatter.add.f32 [tilespmem:s17], [sflag:$0x7], $0x40, s12, s16, $0xb8;
	[tilespmem:$0x1D4C0] =	vst v63  }
0x126: {  	_ =	swait.ge [sflag:s20], $0x1400  }
0x127: {  	[sflag:s20] =	ssyncset.done $0x0  }
0x128: {  	[sflag:s20] =	ssyncadd.s32 $0xFFFFEC00  }
0x129: {  	_ =	swait.ge [sflag:s21], $0x1400  }
0x12a: {  	[sflag:s21] =	ssyncset.done $0x0  }
0x12b: {  	s6 =	simm.s32 $0x4D80;
	[sflag:s21] =	ssyncadd.s32 $0xFFFFEC00  }
0x12c: {  	[tilespmem:s22], [sflag:$0x3] =	stream.indirect.gather [hbm4b:s2+s16], $0x40, s6, s16, $0xb8;
	[tilespmem:$0x1D4C0] =	vst v63  }
0x12d: {  	s7 =	simm.s32 $0x9B50  }
0x12e: {  	[spmem:s4] =	stream.indirect.scatter.add.f32 [tilespmem:s19], [sflag:$0x7], $0x40, s7, s16, $0xb8;
	[tilespmem:$0x1D4C0] =	vst v63  }
0x12f: {  	_ =	swait.ge [sflag:s20], $0x1400  }
0x130: {  	[sflag:s20] =	ssyncset.done $0x0  }
0x131: {  	[sflag:s20] =	ssyncadd.s32 $0xFFFFEC00  }
0x132: {  	_ =	swait.ge [sflag:s23], $0x1400  }
0x133: {  	[sflag:s23] =	ssyncset.done $0x0  }
0x134: {  	s9 =	simm.s32 $0x4DD0;
	[sflag:s23] =	ssyncadd.s32 $0xFFFFEC00  }
0x135: {  	[tilespmem:s24], [sflag:$0x4] =	stream.indirect.gather [hbm4b:s2+s16], $0x40, s9, s16, $0xb8;
	[tilespmem:$0x1D4C0] =	vst v63  }
0x136: {  	s10 =	simm.s32 $0x9BA0  }
0x137: {  	[spmem:s4] =	stream.indirect.scatter.add.f32 [tilespmem:s22], [sflag:$0x7], $0x40, s10, s16, $0xb8;
	[tilespmem:$0x1D4C0] =	vst v63  }
0x138: {  	_ =	swait.ge [sflag:s20], $0x1400  }
0x139: {  	[sflag:s20] =	ssyncset.done $0x0  }
0x13a: {  	[sflag:s20] =	ssyncadd.s32 $0xFFFFEC00  }
0x13b: {  	_ =	swait.ge [sflag:s25], $0x1400  }
0x13c: {  	[sflag:s25] =	ssyncset.done $0x0  }
0x13d: {  	s12 =	simm.s32 $0x9BF0;
	[sflag:s25] =	ssyncadd.s32 $0xFFFFEC00  }
0x13e: {  	[spmem:s4] =	stream.indirect.scatter.add.f32 [tilespmem:s24], [sflag:$0x7], $0x40, s12, s16, $0xb8;
	[tilespmem:$0x1D4C0] =	vst v63  }
0x13f: {  	_ =	swait.ge [sflag:s20], $0x1400  }
0x140: {  	[sflag:s20] =	ssyncset.done $0x0  }
0x141: {  	s2 =	sadd.s32 $0x0, s8;
	[sflag:s20] =	ssyncadd.s32 $0xFFFFEC00  }
0x142: {  	v2 =	vor.u32 s2, v1;
	s10 =	sadd.s32 $0x20, s2;
	[bflag:$0x0] =	sbarrier.arrive $0xFFFF  }
0x143: {  	s6 =	sadd.s32 $0x10, s2;
	v3 =	vor.u32 s10, v1;
	[tilespmem:$0x13440] =	vst v2  }
0x144: {  	s9 =	sadd.s32 $0x40, s2;
	v2 =	vor.u32 s6, v1;
	[tilespmem:$0x13460] =	vst v3  }
0x145: {  	s3 =	sadd.s32 $0x70, s2;
	v3 =	vor.u32 s9, v1;
	[tilespmem:$0x13450] =	vst v2  }
0x146: {  	s7 =	sadd.s32 $0x50, s2;
	s12 =	sadd.s32 $0x60, s2;
	s2 =	sadd.s32 $0x30, s2;
	v2 =	vor.u32 s3, v1;
	[tilespmem:$0x13480] =	vst v3  }
0x147: {  	v3 =	vor.u32 s2, v1;
	[tilespmem:$0x134B0] =	vst v2  }
0x148: {  	v2 =	vor.u32 s7, v1;
	[tilespmem:$0x13470] =	vst v3  }
0x149: {  	s31 =	rddreg [dreg:$0x8];
	[tilespmem:$0x13490] =	vst v2;
	v2 =	vor.u32 s12, v1  }
0x14a: {  	s2 =	simm.s32 $0x80;
	s10 =	smov.u32 s31;
	[tilespmem:$0x134A0] =	vst v2  }
0x14b: {  	[tilespmem:s15], [sflag:$0x1] =	stream.indirect.gather [spmem:s4], $0x40, s14, s13, $0xb8;
	[tilespmem:$0x1D4C0] =	vst v63  }
.LBB2_13:
0x14c: {  	p1 =	sne.s32 s2, $0x200;
	_ =	swait.ge [sflag:s18], $0x2000;
	s10 =	sadd.s32 $0x400, s10  }
0x14d: {  	s6 =	smov.u32 s2;
	s2 =	sadd.s32 $0x80, s2;
	[sflag:s18] =	ssyncset.done $0x0  }
0x14e: {  	[sflag:s18] =	ssyncadd.s32 $0xFFFFE000  }
0x14f: {  	[hbm4b:s31+s5] =	stream.linear.scatter [tilespmem:s15], [sflag:$0x8], $0x2000, $0x38;
	[tilespmem:$0x1D4C0] =	vst v63  }
0x150: {  	s31 =	smov.u32 s10;
	_ =	swait.ge [sflag:s11], $0x2000  }
0x151: {  	s6 =	sadd.s32 s6, s8;
	[sflag:s11] =	ssyncset.done $0x0  }
0x152: {  	v2 =	vor.u32 s6, v1;
	s7 =	sadd.s32 $0x10, s6;
	s9 =	sadd.s32 $0x20, s6;
	[sflag:s11] =	ssyncadd.s32 $0xFFFFE000  }
0x153: {  	s3 =	sadd.s32 $0x70, s6;
	v3 =	vor.u32 s9, v1;
	s9 =	sadd.s32 $0x50, s6;
	[tilespmem:$0x13440] =	vst v2;
	v2 =	vor.u32 s7, v1;
	s7 =	sadd.s32 $0x40, s6  }
0x154: {  	s12 =	sadd.s32 $0x30, s6;
	v5 =	vor.u32 s3, v1;
	v4 =	vor.u32 s9, v1;
	s6 =	sadd.s32 $0x60, s6;
	[tilespmem:$0x13450] =	vst v2;
	v2 =	vor.u32 s7, v1  }
0x155: {  	v6 =	vor.u32 s12, v1;
	v7 =	vor.u32 s6, v1;
	[tilespmem:$0x134B0] =	vst v5  }
0x156: {  	[tilespmem:$0x13460] =	vst v3  }
.Ltmp6:
0x157: {  	[tilespmem:$0x13490] =	vst v4;
	(pc) =	sbr.rel @p1 .LBB2_13-.Ltmp6, $4  }
0x158: {  	[tilespmem:$0x13480] =	vst v2  }
0x159: {  	[tilespmem:$0x134A0] =	vst v7  }
0x15a: {  	[tilespmem:$0x13470] =	vst v6  }
0x15b: {  	[tilespmem:s15], [sflag:$0x1] =	stream.indirect.gather [spmem:s4], $0x40, s14, s13, $0xb8;
	[tilespmem:$0x1D4C0] =	vst v63  }
0x15c: {  	_ =	swait.ge [sflag:s18], $0x2000  }
0x15d: {  	[sflag:s18] =	ssyncset.done $0x0  }
0x15e: {  	[sflag:s18] =	ssyncadd.s32 $0xFFFFE000  }
0x15f: {  	[hbm4b:s31+s5] =	stream.linear.scatter [tilespmem:s15], [sflag:$0x8], $0x2000, $0x38;
	[tilespmem:$0x1D4C0] =	vst v63  }
0x160: {  	_ =	swait.ge [sflag:s11], $0x2000  }
0x161: {  	s3 =	rddreg [dreg:$0x9]  }
0x162: {  	s2 =	rddreg [dreg:$0x7];
	s3 =	sadd.s32 $0x1, s3  }
0x163: {  	p1 =	sne.s32 s3, s2  }
.Ltmp7:
0x164: {  	_ = 	snop;
	(pc) =	sbr.rel @p1 .LBB2_1-.Ltmp7, $3  }
0x165: {  	_ =	sdelay $0x1  }
0x166: {  	[sflag:s11] =	ssyncset.done $0x0  }
0x167: {  	[sflag:s11] =	ssyncadd.s32 $0xFFFFE000  }
0x168: {  	_ =	sfence.sel $0x180000  }
0x169: {  	[bflag:$0x0] =	sbarrier.arrive $0xFFFF  }
0x16a: {  	_ =	strace $0x9000004D  }
0x16b: {  	s0 =	stileid.u32;
	[bflag:$0x2] =	sbarrier.arrive $0xFFFF  }
0x16c: {  	p0 =	sne.s32 s0, $0x0;
	s0 =	rddreg [dreg:$0x4]  }
0x16d: {  	s0 =	sadd.s32 @!p0 $0x100000, s0  }
0x16e: {  	[sflag:s0] =	ssyncadd.tile.s32 @!p0 $0x1;
	_ =	shalt  }
.Lfunc_end2:
_tile_overlayer_lowered:
.L_overlay_start_2:
0x16f: {  	(tag) =	ssettag $0x2  }
0x170: {  	s0 =	rddreg [dreg:$0x0];
	s2 =	stileid.u32  }
0x171: {  	s1 =	rddreg [dreg:$0x1];
	p0 =	sne.s32 s2, $0x0  }
0x172: {  	s3 =	rddreg [dreg:$0x2];
	[bflag:$0x3] =	sbarrier.arrive $0xFFFF;
	s2 =	simm.s32 @!p0 $0x1C08  }
0x173: {  	[timem:s3], [sflag:s2] =	dma.local @!p0 [hbm:s0], s1  }
0x174: {  	s0 =	simm.s32 @!p0 $0x8  }
0x175: {  	_ =	swait.ge @!p0 [sflag:s0], s1  }
0x176: {  	s1 =	ssub.s32 @!p0 $0x0, s1;
	[sflag:s0] =	ssyncset.done @!p0 $0x0  }
0x177: {  	[sflag:s0] =	ssyncadd.s32 @!p0 s1  }
0x178: {  	[bflag:$0x3] =	sbarrier.arrive $0xFFFF  }
0x179: {  	_ =	shalt  }

// kernel: kernel.8.cloned.1.call-start
scs
__scs_entry_jumppad:
0x0: {  	(pc) =	sbr.rel $0x88, $3  }
0x1: {  	(tag) =	ssettag $0x0;
	lr =	simm.s32 $0x1  }
0x2: {  	[smem:$0x3F99] =	sst lr;
	_ =	strace $0xD0000000  }
0x3: {  	_ = 	snop  }
0x4: {  	_ = 	snop  }
0x5: {  	_ = 	snop  }
0x6: {  	_ = 	snop  }
0x7: {  	_ = 	snop  }
__scs_overlays_trampoline_lowered:
0x8: {  	[smem:$0x3FA8] =	sst s0  }
0x9: {  	[smem:$0x3FA9] =	sst s1  }
0xa: {  	[smem:$0x3FAA] =	sst s2  }
0xb: {  	[smem:$0x3FAB] =	sst s3  }
0xc: {  	[smem:$0x3FAC] =	sst s4  }
0xd: {  	[smem:$0x3FAD] =	sst s5  }
0xe: {  	[smem:$0x3FAE] =	sst s6  }
0xf: {  	[smem:$0x3FAF] =	sst s7  }
0x10: {  	[smem:$0x3FB0] =	sst s8  }
0x11: {  	[smem:$0x3FB1] =	sst s9;
	s0 =	simm.s32 @!p0 $0x0  }
0x12: {  	s1 =	sld [smem:$0x3F97];
	s0 =	simm.s32 @p0 $0x1  }
0x13: {  	[smem:$0x3FB2] =	sst s0;
	s0 =	simm.s32 @!p1 $0x0  }
0x14: {  	s2 =	sld [smem:$0x3F96];
	s0 =	simm.s32 @p1 $0x1  }
0x15: {  	[smem:$0x3FB3] =	sst s0;
	s0 =	simm.s32 @!p2 $0x0  }
0x16: {  	s3 =	sld [smem:$0x3FDB];
	s0 =	simm.s32 @p2 $0x1  }
0x17: {  	s4 =	simm.s32 $0x1BF5;
	[smem:$0x3FB5] =	sst s0  }
0x18: {  	s0 =	sld [smem:$0x3F98];
	_ =	swait.ge [sflag:s4], $0x0  }
0x19: {  	s7 =	sld [smem:$0x3F99]  }
0x1a: {  	s8 =	sadd.s32 $0xFFFFE003, lr  }
0x1b: {  	s9 =	sadd.s32 $0xFFFFFEF7, lr;
	s5 =	simm.s32 $0xFFFFFFFF;
	p2 =	slt.u32 s8, $0xFFFFF086  }
0x1c: {  	p1 =	slt.u32 s9, $0xF7A;
	s5 =	simm.s32 @!p2 $0x0  }
0x1d: {  	s5 =	simm.s32 @p1 $0x1;
	p0 =	seq.s32 s7, s2  }
0x1e: {  	s7 =	smul.u32 @!p0 $0xF7A, s2;
	p2 =	seq.s32 @!p0 s5, $0x0  }
0x1f: {  	s9 =	smul.u32 $0xF7A, s1;
	s8 =	simm.s32 @!p0 $0x1BF5;
	p2 =	por !p2, p0  }
0x20: {  	[sflag:s8] =	ssyncset.s32 @!p0 $0xFFFFF086;
	s6 =	sadd.s32 @!p0 s3, s7;
	s7 =	simm.s32 @!p0 $0x108  }
0x21: {  	s3 =	sadd.s32 s3, s9;
	s6 =	sadd.s32 @!p0 $0x88, s6;
	s7 =	simm.s32 @p2 $0x1082  }
0x22: {  	[simem:s7], [sflag:s8] =	dma.local @!p0 [hbm:s6], $0xF7A  }
0x23: {  	s9 =	sor.u32 $0xD0000000, s2;
	s6 =	simm.s32 $0x108;
	_ =	swait.ge @!p0 [sflag:s8], $0x0  }
0x24: {  	s3 =	sadd.s32 $0x88, s3;
	s6 =	simm.s32 @!p1 $0x1082;
	[sflag:s4] =	ssyncset.s32 $0xFFFFF086  }
0x25: {  	[simem:s6], [sflag:s4] =	dma.local [hbm:s3], $0xF7A  }
0x26: {  	[smem:$0x3F99] =	sst s1;
	(tag) =	ssettag s2;
	_ =	strace s9  }
0x27: {  	s1 =	sld [smem:$0x3FA9]  }
0x28: {  	s2 =	sld [smem:$0x3FAA]  }
0x29: {  	s4 =	sld [smem:$0x3FAC]  }
0x2a: {  	p0 =	seq.s32 s5, $0x0;
	s5 =	sld [smem:$0x3FAD]  }
0x2b: {  	s6 =	sld [smem:$0x3FAE]  }
0x2c: {  	s7 =	sld [smem:$0x3FAF]  }
0x2d: {  	s3 =	simm.s32 $0x108;
	s8 =	sld [smem:$0x3FB0]  }
0x2e: {  	s3 =	simm.s32 @!p0 $0x1082;
	s9 =	sld [smem:$0x3FB1]  }
0x2f: {  	lr =	sadd.s32 s0, s3;
	s0 =	sld [smem:$0x3FA8]  }
0x30: {  	s3 =	sld [smem:$0x3FAB]  }
0x31: {  	[smem:$0x3FB4] =	sst s10  }
0x32: {  	s10 =	sld [smem:$0x3FB2];
	_ =	sdelay $0x3  }
0x33: {  	p0 =	seq.s32 s10, $0x1;
	s10 =	sld [smem:$0x3FB4];
	_ =	sdelay $0x3  }
0x34: {  	[smem:$0x3FB4] =	sst s10  }
0x35: {  	s10 =	sld [smem:$0x3FB3];
	_ =	sdelay $0x3  }
0x36: {  	p1 =	seq.s32 s10, $0x1;
	s10 =	sld [smem:$0x3FB4];
	_ =	sdelay $0x3  }
0x37: {  	[smem:$0x3FB4] =	sst s10  }
0x38: {  	s10 =	sld [smem:$0x3FB5]  }
0x39: {  	_ = 	snop;
	(pc) =	sbr.ind lr, $3  }
0x3a: {  	_ = 	snop  }
0x3b: {  	_ = 	snop  }
0x3c: {  	p2 =	seq.s32 s10, $0x1;
	s10 =	sld [smem:$0x3FB4]  }
0x3d: {  	_ =	shalt  }
0x3e: {  	_ =	shalt  }
0x3f: {  	_ =	shalt  }
0x40: {  	_ =	shalt  }
0x41: {  	_ =	shalt  }
0x42: {  	_ =	shalt  }
0x43: {  	_ =	shalt  }
0x44: {  	_ =	shalt  }
0x45: {  	_ =	shalt  }
0x46: {  	_ =	shalt  }
0x47: {  	_ =	shalt  }
0x48: {  	_ =	shalt  }
0x49: {  	_ =	shalt  }
0x4a: {  	_ =	shalt  }
0x4b: {  	_ =	shalt  }
0x4c: {  	_ =	shalt  }
0x4d: {  	_ =	shalt  }
0x4e: {  	_ =	shalt  }
0x4f: {  	_ =	shalt  }
0x50: {  	_ =	shalt  }
0x51: {  	_ =	shalt  }
0x52: {  	_ =	shalt  }
0x53: {  	_ =	shalt  }
0x54: {  	_ =	shalt  }
0x55: {  	_ =	shalt  }
0x56: {  	_ =	shalt  }
0x57: {  	_ =	shalt  }
0x58: {  	_ =	shalt  }
0x59: {  	_ =	shalt  }
0x5a: {  	_ =	shalt  }
0x5b: {  	_ =	shalt  }
0x5c: {  	_ =	shalt  }
0x5d: {  	_ =	shalt  }
0x5e: {  	_ =	shalt  }
0x5f: {  	_ =	shalt  }
0x60: {  	_ =	shalt  }
0x61: {  	_ =	shalt  }
0x62: {  	_ =	shalt  }
0x63: {  	_ =	shalt  }
0x64: {  	_ =	shalt  }
0x65: {  	_ =	shalt  }
0x66: {  	_ =	shalt  }
0x67: {  	_ =	shalt  }
0x68: {  	_ =	shalt  }
0x69: {  	_ =	shalt  }
0x6a: {  	_ =	shalt  }
0x6b: {  	_ =	shalt  }
0x6c: {  	_ =	shalt  }
0x6d: {  	_ =	shalt  }
0x6e: {  	_ =	shalt  }
0x6f: {  	_ =	shalt  }
0x70: {  	_ =	shalt  }
0x71: {  	_ =	shalt  }
0x72: {  	_ =	shalt  }
0x73: {  	_ =	shalt  }
0x74: {  	_ =	shalt  }
0x75: {  	_ =	shalt  }
0x76: {  	_ =	shalt  }
0x77: {  	_ =	shalt  }
0x78: {  	_ =	shalt  }
0x79: {  	_ =	shalt  }
0x7a: {  	_ =	shalt  }
0x7b: {  	_ =	shalt  }
0x7c: {  	_ =	shalt  }
0x7d: {  	_ =	shalt  }
0x7e: {  	_ =	shalt  }
0x7f: {  	_ =	shalt  }
0x80: {  	_ =	shalt  }
0x81: {  	_ =	shalt  }
0x82: {  	_ =	shalt  }
0x83: {  	_ =	shalt  }
0x84: {  	_ =	shalt  }
0x85: {  	_ =	shalt  }
0x86: {  	_ =	shalt  }
0x87: {  	_ =	shalt  }
.Lfunc_end0:
.L_simem_size_0:
called_computation_lowered:
.L_overlay_start_0:
0x88: {  	s2 =	sld [smem:$0x3FD9]  }
0x89: {  	s3 =	sld [smem:$0x3FFE];
	_ =	sdelay $0x1  }
0x8a: {  	s1 =	srdreg.scid  }
0x8b: {  	s0 =	sand.u32 $0x1, s1  }
0x8c: {  	s14 =	sshll.u32 s0, $0xA;
	s2 =	sadd.s32 s3, s2  }
0x8d: {  	s2 =	sadd.s32 s2, s14  }
0x8e: {  	[smem:$0x3FC0] =	sst s2  }
0x8f: {  	_ = 	snop  }
0x90: {  	s2 =	sld [smem:$0x3FD0];
	_ =	sdelay $0x2  }
0x91: {  	s15 =	simm.s32 $0xA;
	s4 =	simm.s32 $0x10  }
0x92: {  	[smem:s4], [sflag:s15] =	dma.local [hbm:s2], $0x1  }
0x93: {  	_ =	swait.eq [sflag:s15], $0x1  }
0x94: {  	[sflag:s15] =	ssyncset.done $0x0  }
0x95: {  	[sflag:s15] =	ssyncadd.s32 $0xFFFFFFFF  }
0x96: {  	s16 =	sld [smem:$0x11];
	(tm) =	ssettm $0x1  }
0x97: {  	s17 =	sld [smem:$0x3FFB];
	_ =	sdelay $0x3  }
0x98: {  	_ =	strace s17  }
0x99: {  	s3 =	sld [smem:$0x3FFC];
	_ =	sdelay $0x3  }
0x9a: {  	_ =	strace s3  }
0x9b: {  	s3 =	sld [smem:$0x3FFD];
	_ =	sdelay $0x3  }
0x9c: {  	_ =	strace s3  }
0x9d: {  	_ =	strace $0x8FFFFFFF  }
0x9e: {  	s18 =	sld [smem:$0x3FDB];
	_ =	sdelay $0x1  }
0x9f: {  	s19 =	simm.s32 $_scs_section_size  }
0xa0: {  	s5 =	simm.s32 $_size__tile_overlayer_lowered;
	s6 =	simm.s32 $_tile_overlayer_lowered  }
0xa1: {  	s22 =	simm.s32 $0x1BFF;
	s21 =	sshll.u32 s6, $0x1;
	s3 =	sadd.s32 s19, s18  }
0xa2: {  	s7 =	simm.s32 $0x0;
	s20 =	sshll.u32 s5, $0x1;
	s5 =	sadd.s32 s21, s3  }
0xa3: {  	[timem:s7], [sflag:s22] =	dma.local [hbm:s5], s20  }
0xa4: {  	_ =	swait.ge [sflag:s22], s20  }
0xa5: {  	s4 =	ssub.s32 $0x0, s20;
	[sflag:s22] =	ssyncset.done $0x0  }
0xa6: {  	[sflag:s22] =	ssyncadd.s32 s4;
	_ =	sdelay $0x1  }
0xa7: {  	s23 =	simm.s32 $0x1B8B  }
0xa8: {  	_ =	swait.ge [sflag:s23], $0x1  }
0xa9: {  	[sflag:s23] =	ssyncset.done $0x0  }
0xaa: {  	s25 =	simm.s32 $0x1B8E;
	s24 =	sld [smem:$0x3FFE];
	[sflag:s23] =	ssyncadd.s32 $0xFFFFFFFF  }
0xab: {  	s26 =	simm.s32 $execute0_lowered;
	[smem:$0x3FD2] =	sst s25  }
0xac: {  	s5 =	sshll.u32 s26, $0x1;
	_ =	strace $0x80000046;
	[dreg:$0x1] =	wrdreg $0xFFFFFFFF  }
0xad: {  	s28 =	simm.s32 $_size_execute0_lowered;
	s3 =	sadd.s32 s3, s5;
	[dreg:$0x0] =	wrdreg $0x0  }
0xae: {  	s5 =	sshll.u32 s28, $0x1;
	[dreg:$0x2] =	wrdreg s3  }
0xaf: {  	[dreg:$0x3] =	wrdreg s5  }
0xb0: {  	[dreg:$0x4] =	wrdreg $0xC0  }
0xb1: {  	_ =	task [dreg:s7], $0x5FFFF  }
0xb2: {  	[dreg:$0x1] =	wrdreg $0xFFFFFFFF  }
0xb3: {  	[dreg:$0x0] =	wrdreg $0x60  }
0xb4: {  	[dreg:$0x2] =	wrdreg s16  }
0xb5: {  	[dreg:$0x3] =	wrdreg s24  }
0xb6: {  	[dreg:$0x4] =	wrdreg $0xE8800  }
0xb7: {  	[dreg:$0x5] =	wrdreg $0x9  }
0xb8: {  	_ =	task.clear_ibuf [dreg:s7], $0x6FFFF;
	_ =	strace $0x90000046  }
0xb9: {  	s29 =	simm.s32 $0x9;
	_ =	strace $0x80000048  }
0xba: {  	_ =	swait.ge [sflag:s29], $0x1  }
0xbb: {  	[sflag:s29] =	ssyncadd.s32 $0xFFFFFFFF  }
0xbc: {  	_ =	strace $0x90000048  }
0xbd: {  	_ =	sfence  }
0xbe: {  	s30 =	sld [smem:$0x0];
	_ =	sdelay $0x2  }
0xbf: {  	s31 =	sshll.u32 s1, $0xD;
	s1 =	sshrl.u32 s1, $0x2  }
0xc0: {  	s3 =	sand.u32 $0x4000, s31;
	s1 =	sadd.s32 s1, s30  }
0xc1: {  	s0 =	sor.u32 s3, s0;
	s1 =	sshll.u32 s1, $0x11  }
0xc2: {  	s0 =	sor.u32 s1, s0  }
0xc3: {  	s0 =	sadd.s32 $0x8F2B, s0  }
0xc4: {  	[sflag:s0] =	ssyncadd.remote.s32 $0x1  }
0xc5: {  	_ =	sfence.sel $0xFFFF  }
0xc6: {  	[dreg:$0x0] =	wrdreg $0xFFFFFFFF;
	(pc) =	sbr.abs _section_cstart, $3  }
0xc7: {  	[dreg:$0x1] =	wrdreg $0xFFFFFFFF  }
0xc8: {  	_ =	task.clear_ibuf [dreg:s7], $0x2FFFF;
	_ =	strace $0x9FFFFFFF  }
0xc9: {  	(tm) =	ssettm $0x7FFFFFFF  }
tec
execute0_lowered:
.L_overlay_start_1:
0x0: {  	(tag) =	ssettag $0x1  }
0x1: {  	s4 =	rddreg [dreg:$0x0]  }
0x2: {  	s5 =	rddreg [dreg:$0x1]  }
0x3: {  	s0 =	srdreg.scid;
	s2 =	rddreg [dreg:$0x2]  }
0x4: {  	s1 =	stileid.u32;
	s3 =	simm.s32 $0x0;
	s10 =	simm.s32 $0x2  }
0x5: {  	s11 =	simm.s32 $0x80;
	s12 =	simm.s32 $0x6800;
	s13 =	simm.s32 $0x2800  }
0x6: {  	s14 =	simm.s32 $0x50;
	s15 =	simm.s32 $0x1;
	s16 =	simm.s32 $0x0  }
0x7: {  	s6 =	sand.u32 $0x1, s0;
	s0 =	rddreg [dreg:$0x3];
	s8 =	smul.u32 $0x14000, s1  }
0x8: {  	[smem:$0x7FF] =	sst s3;
	s30 =	sshll.u32 s1, $0xC;
	s7 =	smul.u32 $0x140000, s6  }
0x9: {  	_ =	strace $0x80000047;
	s28 =	ssub.s32 $0x2, s6;
	s6 =	smul.u32 $0xFA00, s6  }
0xa: {  	s4 =	sadd.s32 s4, s30;
	s29 =	sshrl.u32 s28, $0x1;
	s7 =	sadd.s32 s8, s7  }
0xb: {  	s8 =	ssub.s32 s28, s29;
	s31 =	sshrl.u32 s6, $0x2;
	s7 =	sshrl.u32 s7, $0x3  }
0xc: {  	s6 =	smax.u32 s8, $0x1;
	s9 =	sadd.s32 s7, s5;
	s5 =	smul.u32 $0x280, s1  }
0xd: {  	v0 =	vimm.f32 $1.000000000e+00;
	v1 =	vimm.f32 $0.0e+00;
	v2 =	vlaneseq.u32;
	s7 =	sadd.s32 $0x6880, s31;
	s8 =	sadd.s32 $0x15E00, s9;
	s9 =	simm.s32 $0x6880  }
.LBB2_1:
0xe: {  	[tilespmem:s9], [sflag:$0x2] =	stream.linear.gather [hbm4b:s4+s3], $0x7D00, $0x38;
	[tilespmem:$0x11080] =	vst v63  }
0xf: {  	_ =	swait.ge [sflag:s10], $0x7D00  }
0x10: {  	[sflag:s10] =	ssyncset.done $0x0  }
0x11: {  	s17 =	simm.s32 $0x200;
	s18 =	simm.s32 $0x0;
	[sflag:s10] =	ssyncadd.s32 $0xFFFF8300  }
.LBB2_2:
0x12: {  	p0 =	sne.s32 s17, $0x9E00;
	[tilespmem:s18+$0x0] =	vst v0;
	s18 =	smov.u32 s17;
	s17 =	sadd.s32 $0x200, s17  }
.Ltmp0:
0x13: {  	(pc) =	sbr.rel @p0 .LBB2_2-.Ltmp0, $2  }
0x14: {  	_ =	sdelay $0x2  }
0x15: {  	s18 =	sshra.s32 s18, $0x2  }
0x16: {  	[tilespmem:s18+$0x0] =	vst v0;
	s17 =	simm.s32 $0x200;
	s18 =	simm.s32 $0x0  }
.LBB2_4:
0x17: {  	p0 =	sne.s32 s17, $0xFE00;
	[tilespmem:s18+$0x2800] =	vst v1;
	s18 =	smov.u32 s17;
	s17 =	sadd.s32 $0x200, s17  }
.Ltmp1:
0x18: {  	(pc) =	sbr.rel @p0 .LBB2_4-.Ltmp1, $2  }
0x19: {  	_ =	sdelay $0x2  }
0x1a: {  	s18 =	sshra.s32 s18, $0x2  }
0x1b: {  	s17 =	sadd.s32 $0x0, s5  }
0x1c: {  	[tilespmem:s18+$0x2800] =	vst v1;
	v3 =	vor.u32 s17, v2;
	s26 =	sadd.s32 $0x70, s17  }
0x1d: {  	s19 =	sadd.s32 $0x60, s17;
	[tilespmem:$0x6800] =	vst v3;
	v3 =	vor.u32 s26, v2  }
0x1e: {  	s30 =	sadd.s32 $0x30, s17;
	v4 =	vor.u32 s19, v2;
	[tilespmem:$0x6870] =	vst v3  }
0x1f: {  	s28 =	sadd.s32 $0x50, s17;
	v5 =	vor.u32 s30, v2;
	[tilespmem:$0x6860] =	vst v4  }
0x20: {  	s29 =	sadd.s32 $0x40, s17;
	v3 =	vor.u32 s28, v2;
	[tilespmem:$0x6830] =	vst v5  }
0x21: {  	s31 =	sadd.s32 $0x20, s17;
	v4 =	vor.u32 s29, v2;
	[tilespmem:$0x6850] =	vst v3  }
0x22: {  	s18 =	sadd.s32 $0x10, s17;
	s17 =	simm.s32 $0x80;
	[tilespmem:$0x6840] =	vst v4;
	v3 =	vor.u32 s31, v2  }
.LBB2_6:
0x23: {  	p0 =	sne.s32 s17, $0x200;
	v4 =	vor.u32 s18, v2;
	[tilespmem:$0x6820] =	vst v3  }
0x24: {  	[tilespmem:$0x6810] =	vst v4;
	[spmem:s2] =	stream.indirect.scatter [tilespmem:s13], [sflag:$0x2], $0x10, s12, s11, $0xb8  }
0x25: {  	_ =	swait.ge [sflag:s10], $0x800  }
0x26: {  	s18 =	sadd.s32 s17, s5;
	[sflag:s10] =	ssyncset.done $0x0  }
0x27: {  	v3 =	vor.u32 s18, v2;
	s19 =	sadd.s32 $0x70, s18;
	[sflag:s10] =	ssyncadd.s32 $0xFFFFF800  }
0x28: {  	s20 =	sadd.s32 $0x60, s18;
	[tilespmem:$0x6800] =	vst v3;
	v3 =	vor.u32 s19, v2  }
.Ltmp2:
0x29: {  	v4 =	vor.u32 s20, v2;
	s19 =	sadd.s32 $0x50, s18;
	[tilespmem:$0x6870] =	vst v3;
	(pc) =	sbr.rel @p0 .LBB2_6-.Ltmp2, $4  }
0x2a: {  	s20 =	sadd.s32 $0x40, s18;
	v3 =	vor.u32 s19, v2;
	[tilespmem:$0x6860] =	vst v4  }
0x2b: {  	s19 =	sadd.s32 $0x30, s18;
	v4 =	vor.u32 s20, v2;
	[tilespmem:$0x6850] =	vst v3  }
0x2c: {  	s20 =	sadd.s32 $0x20, s18;
	v5 =	vor.u32 s19, v2;
	[tilespmem:$0x6840] =	vst v4  }
0x2d: {  	s17 =	sadd.s32 $0x80, s17;
	s18 =	sadd.s32 $0x10, s18;
	v3 =	vor.u32 s20, v2;
	[tilespmem:$0x6830] =	vst v5  }
0x2e: {  	v4 =	vor.u32 s18, v2;
	[tilespmem:$0x6820] =	vst v3  }
0x2f: {  	[tilespmem:$0x6810] =	vst v4  }
0x30: {  	[spmem:s2] =	stream.indirect.scatter [tilespmem:s13], [sflag:$0x2], $0x10, s12, s11, $0xb8;
	[tilespmem:$0x11080] =	vst v63  }
0x31: {  	_ =	swait.ge [sflag:s10], $0x800  }
0x32: {  	[sflag:s10] =	ssyncset.done $0x0  }
0x33: {  	[sflag:s10] =	ssyncadd.s32 $0xFFFFF800  }
0x34: {  	s17 =	sadd.s32 $0x0, s7;
	[bflag:$0x0] =	sbarrier.arrive $0xFFFF  }
0x35: {  	[spmem:s2] =	stream.indirect.scatter.add.f32 [tilespmem:s3], [sflag:$0x2], $0x10, s17, s14, $0xb8;
	[tilespmem:$0x11080] =	vst v63  }
0x36: {  	s17 =	simm.s32 $0x200;
	_ =	swait.ge [sflag:s10], $0x500  }
.LBB2_8:
0x37: {  	s18 =	sshra.s32 s17, $0x2;
	[sflag:s10] =	ssyncset.done $0x0;
	p0 =	sne.s32 s17, $0xF800  }
.Ltmp3:
0x38: {  	s18 =	sadd.s32 s18, s7;
	[sflag:s10] =	ssyncadd.s32 $0xFFFFFB00;
	(pc) =	sbr.rel @p0 .LBB2_8-.Ltmp3, $3  }
0x39: {  	[spmem:s2] =	stream.indirect.scatter.add.f32 [tilespmem:s3], [sflag:$0x2], $0x10, s18, s14, $0xb8;
	[tilespmem:$0x11080] =	vst v63  }
0x3a: {  	s17 =	sadd.s32 $0x200, s17;
	_ =	sdelay $0x1  }
0x3b: {  	_ =	swait.ge [sflag:s10], $0x500  }
0x3c: {  	[sflag:s10] =	ssyncset.done $0x0  }
0x3d: {  	s17 =	sadd.s32 $0x0, s5;
	[sflag:s10] =	ssyncadd.s32 $0xFFFFFB00  }
0x3e: {  	v3 =	vor.u32 s17, v2;
	s19 =	sadd.s32 $0x20, s17;
	[bflag:$0x0] =	sbarrier.arrive $0xFFFF  }
0x3f: {  	s18 =	sadd.s32 $0x10, s17;
	s28 =	sadd.s32 $0x70, s17;
	s30 =	sadd.s32 $0x40, s17;
	v4 =	vor.u32 s19, v2;
	[tilespmem:$0x6800] =	vst v3  }
0x40: {  	s29 =	sadd.s32 $0x50, s17;
	s31 =	sadd.s32 $0x60, s17;
	s17 =	sadd.s32 $0x30, s17;
	v62 =	vor.u32 s30, v2;
	[tilespmem:$0x6820] =	vst v4  }
0x41: {  	v63 =	vor.u32 s17, v2;
	[tilespmem:$0x6840] =	vst v62  }
0x42: {  	v3 =	vor.u32 s18, v2;
	[tilespmem:$0x6830] =	vst v63  }
0x43: {  	[tilespmem:$0x6810] =	vst v3;
	v3 =	vor.u32 s28, v2  }
0x44: {  	[tilespmem:$0x6870] =	vst v3;
	v3 =	vor.u32 s29, v2  }
0x45: {  	[tilespmem:$0x6850] =	vst v3;
	v3 =	vor.u32 s31, v2  }
0x46: {  	s17 =	simm.s32 $0x80;
	s19 =	smov.u32 s8;
	s18 =	smov.u32 s8;
	[tilespmem:$0x6860] =	vst v3  }
0x47: {  	[tilespmem:s13], [sflag:$0x1] =	stream.indirect.gather [spmem:s2], $0x10, s12, s11, $0xb8;
	[tilespmem:$0x11080] =	vst v63  }
.LBB2_10:
0x48: {  	p0 =	sne.s32 s17, $0x200;
	_ =	swait.ge [sflag:s15], $0x800;
	s19 =	sadd.s32 $0x800, s19  }
0x49: {  	s20 =	smov.u32 s17;
	s17 =	sadd.s32 $0x80, s17;
	[sflag:s15] =	ssyncset.done $0x0  }
0x4a: {  	[sflag:s15] =	ssyncadd.s32 $0xFFFFF800  }
0x4b: {  	[hbm4b:s18+s3] =	stream.linear.scatter [tilespmem:s13], [sflag:$0x2], $0x4000, $0x38;
	[tilespmem:$0x11080] =	vst v63  }
0x4c: {  	s18 =	smov.u32 s19;
	_ =	swait.ge [sflag:s10], $0x4000  }
0x4d: {  	s20 =	sadd.s32 s20, s5;
	[sflag:s10] =	ssyncset.done $0x0  }
0x4e: {  	v3 =	vor.u32 s20, v2;
	s21 =	sadd.s32 $0x10, s20;
	s22 =	sadd.s32 $0x20, s20;
	[sflag:s10] =	ssyncadd.s32 $0xFFFFC000  }
0x4f: {  	s23 =	sadd.s32 $0x70, s20;
	v4 =	vor.u32 s22, v2;
	s22 =	sadd.s32 $0x50, s20;
	[tilespmem:$0x6800] =	vst v3;
	v3 =	vor.u32 s21, v2;
	s21 =	sadd.s32 $0x40, s20  }
0x50: {  	s24 =	sadd.s32 $0x30, s20;
	v6 =	vor.u32 s23, v2;
	v5 =	vor.u32 s22, v2;
	s20 =	sadd.s32 $0x60, s20;
	[tilespmem:$0x6810] =	vst v3;
	v3 =	vor.u32 s21, v2  }
0x51: {  	v7 =	vor.u32 s24, v2;
	v8 =	vor.u32 s20, v2;
	[tilespmem:$0x6870] =	vst v6  }
0x52: {  	[tilespmem:$0x6820] =	vst v4  }
.Ltmp4:
0x53: {  	[tilespmem:$0x6850] =	vst v5;
	(pc) =	sbr.rel @p0 .LBB2_10-.Ltmp4, $4  }
0x54: {  	[tilespmem:$0x6840] =	vst v3  }
0x55: {  	[tilespmem:$0x6860] =	vst v8  }
0x56: {  	[tilespmem:$0x6830] =	vst v7  }
0x57: {  	[tilespmem:s13], [sflag:$0x1] =	stream.indirect.gather [spmem:s2], $0x10, s12, s11, $0xb8;
	[tilespmem:$0x11080] =	vst v63  }
0x58: {  	_ =	swait.ge [sflag:s15], $0x800;
	s16 =	sadd.s32 $0x1, s16  }
0x59: {  	[sflag:s15] =	ssyncset.done $0x0;
	p0 =	sne.s32 s16, s6  }
.Ltmp5:
0x5a: {  	[sflag:s15] =	ssyncadd.s32 $0xFFFFF800;
	(pc) =	sbr.rel @p0 .LBB2_1-.Ltmp5, $4  }
0x5b: {  	[hbm4b:s18+s3] =	stream.linear.scatter [tilespmem:s13], [sflag:$0x2], $0x4000, $0x38;
	[tilespmem:$0x11080] =	vst v63  }
0x5c: {  	_ =	swait.ge [sflag:s10], $0x4000  }
0x5d: {  	[sflag:s10] =	ssyncset.done $0x0  }
0x5e: {  	[sflag:s10] =	ssyncadd.s32 $0xFFFFC000  }
0x5f: {  	_ =	sfence.sel $0x180000  }
0x60: {  	[bflag:$0x0] =	sbarrier.arrive $0xFFFF  }
0x61: {  	p0 =	sne.s32 s1, $0x0;
	_ =	strace $0x90000047  }
0x62: {  	s0 =	sadd.s32 @!p0 $0x100000, s0;
	[bflag:$0x2] =	sbarrier.arrive $0xFFFF  }
0x63: {  	[sflag:s0] =	ssyncadd.tile.s32 @!p0 $0x1;
	_ =	shalt  }
.Lfunc_end2:
_tile_overlayer_lowered:
.L_overlay_start_2:
0x64: {  	(tag) =	ssettag $0x2  }
0x65: {  	s0 =	rddreg [dreg:$0x0];
	s2 =	stileid.u32  }
0x66: {  	s1 =	rddreg [dreg:$0x1];
	p0 =	sne.s32 s2, $0x0  }
0x67: {  	s3 =	rddreg [dreg:$0x2];
	[bflag:$0x3] =	sbarrier.arrive $0xFFFF;
	s2 =	simm.s32 @!p0 $0x1C02  }
0x68: {  	[timem:s3], [sflag:s2] =	dma.local @!p0 [hbm:s0], s1  }
0x69: {  	s0 =	simm.s32 @!p0 $0x2  }
0x6a: {  	_ =	swait.ge @!p0 [sflag:s0], s1  }
0x6b: {  	s1 =	ssub.s32 @!p0 $0x0, s1;
	[sflag:s0] =	ssyncset.done @!p0 $0x0  }
0x6c: {  	[sflag:s0] =	ssyncadd.s32 @!p0 s1  }
0x6d: {  	[bflag:$0x3] =	sbarrier.arrive $0xFFFF  }
0x6e: {  	_ =	shalt  }

</sc_bundles>
